<compile_context>
chip_gen: v7x
topology: tpu7x:2x2x1
jax: 0.10.2.dev20260603
libtpu: 0.0.44.dev20260713+nightly
codegen_flags: <defaults>
</compile_context>

<pallas_src>
import functools

import jax
import jax.numpy as jnp
from jax import lax
from jax.experimental import pallas as pl
from jax.experimental.pallas import tpu as pltpu
from jax.experimental.pallas import tpu_sc as plsc

B = 16384
DENSE = 13
FIELDS = 26
VOCAB = 100000
K = 16
H1, H2 = 256, 128

R = B * FIELDS
NC, NS = 2, 16
NW = NC * NS
CHUNK = 128
CH_W = R // NW // CHUNK
GRP = 8
NGRP = CH_W // GRP

BLK = 1024


def _gather_sc(idx2d, table):
  mesh = plsc.VectorSubcoreMesh(core_axis_name="c", subcore_axis_name="s")

  @functools.partial(
      pl.kernel,
      mesh=mesh,
      out_type=jax.ShapeDtypeStruct((R, K), jnp.float32),
      scratch_types=[
          pltpu.VMEM((CH_W, CHUNK), jnp.int32),
          pltpu.VMEM((GRP, CHUNK, K), jnp.float32),
          pltpu.SemaphoreType.DMA,
          pltpu.SemaphoreType.DMA,
      ],
      compiler_params=pltpu.CompilerParams(use_tc_tiling_on_sc=False),
  )
  def gather_kernel(idx_hbm, tab_hbm, out_hbm, idx_v, rows_v, sem_g, sem_o):
    wid = lax.axis_index("s") * NC + lax.axis_index("c")
    c0 = wid * CH_W
    pltpu.sync_copy(idx_hbm.at[pl.ds(c0, CH_W)], idx_v)

    @pl.loop(0, NGRP)
    def _group(g):
      j0 = g * GRP
      g_cps = [
          pltpu.async_copy(tab_hbm.at[idx_v.at[j0 + b]], rows_v.at[b], sem_g)
          for b in range(GRP)
      ]
      o_cps = []
      for b in range(GRP):
        g_cps[b].wait()
        o_cps.append(
            pltpu.async_copy(rows_v.at[b],
                             out_hbm.at[pl.ds((c0 + j0 + b) * CHUNK, CHUNK)],
                             sem_o))
      for cp in o_cps:
        cp.wait()

  return gather_kernel(idx2d, table)


GPF = 12504
VOCAB_PAD = GPF * 8
DCH = 4096


def _detile_body(x_ref, e_ref, o_ref):
  col = 0
  while col < VOCAB:
    w = min(DCH, VOCAB - col)
    xt = lax.dot_general(
        x_ref[:, pl.ds(col, w)], jnp.eye(K, dtype=jnp.float32),
        (((0,), (0,)), ((), ())), preferred_element_type=jnp.float32)
    x3 = xt.reshape(w // 8, 8, K)
    acc = jnp.dot(x3[:, 0, :], e_ref[0], preferred_element_type=jnp.float32)
    for j in range(1, 8):
      acc += jnp.dot(x3[:, j, :], e_ref[j],
                     preferred_element_type=jnp.float32)
    o_ref[0, pl.ds(col // 8, w // 8), :] = acc
    col += w


def _detile_tc(tableT, esel):
  return pl.pallas_call(
      _detile_body,
      grid=(FIELDS,),
      in_specs=[
          pl.BlockSpec((K, VOCAB), lambda f: (f, 0)),
          pl.BlockSpec((8, K, 128), lambda f: (0, 0, 0)),
      ],
      out_specs=pl.BlockSpec((1, GPF, 128), lambda f: (f, 0, 0)),
      out_shape=jax.ShapeDtypeStruct((FIELDS, GPF, 128), jnp.float32),
      compiler_params=pltpu.CompilerParams(
          dimension_semantics=("arbitrary",)),
  )(tableT, esel)


def _mlp_body(xw_ref, sp_ref, w1a, w1b, b1r, w2, b2r, ww, bwr, w3w, w3d, b3r,
              out_ref):
  xw = xw_ref[...]
  sp = sp_ref[...]
  h = jnp.dot(sp, w1b[...], preferred_element_type=jnp.float32)
  h = h + jnp.dot(xw, w1a[...], preferred_element_type=jnp.float32) + b1r[...]
  h = jnp.where(h >= 0, h, 0.01 * h)
  d = jnp.dot(h, w2[...], preferred_element_type=jnp.float32) + b2r[...]
  d = jnp.where(d >= 0, d, 0.01 * d)
  wide = jnp.dot(xw, ww[...], preferred_element_type=jnp.float32) + bwr[...]
  z = wide * w3w[...] + jnp.dot(d, w3d[...],
                                preferred_element_type=jnp.float32) + b3r[...]
  out_ref[...] = 1.0 / (1.0 + jnp.exp(-z))


def _mlp_tc(xw_p, sp, w1a, w1b, b1r, w2, b2r, ww, bwr, w3w, w3d, b3r):
  n = B // BLK
  full = lambda shape: pl.BlockSpec(shape, lambda i: (0, 0))
  return pl.pallas_call(
      _mlp_body,
      grid=(n,),
      in_specs=[
          pl.BlockSpec((BLK, 16), lambda i: (i, 0)),
          pl.BlockSpec((BLK, FIELDS * K), lambda i: (i, 0)),
          full((16, H1)),
          full((FIELDS * K, H1)),
          full((1, H1)),
          full((H1, H2)),
          full((1, H2)),
          full((16, 1)),
          full((1, 1)),
          full((1, 1)),
          full((H2, 1)),
          full((1, 1)),
      ],
      out_specs=pl.BlockSpec((BLK, 1), lambda i: (i, 0)),
      out_shape=jax.ShapeDtypeStruct((B, 1), jnp.float32),
      compiler_params=pltpu.CompilerParams(
          dimension_semantics=("parallel",)),
  )(xw_p, sp, w1a, w1b, b1r, w2, b2r, ww, bwr, w3w, w3d, b3r)


def kernel(x_wide, x_deep, emb, W_wide, b_wide, W1, b1, W2, b2, W3, b3):
  offs = (jnp.arange(FIELDS, dtype=jnp.int32) * VOCAB_PAD)[None, :]
  idx2d = (x_deep.astype(jnp.int32) + offs).reshape(R // CHUNK, CHUNK)
  esel = jnp.stack(
      [jnp.eye(K, 128, k=j * K, dtype=jnp.float32) for j in range(8)])
  embT = jnp.transpose(emb, (0, 2, 1)).reshape(FIELDS * K, VOCAB)
  table = _detile_tc(embT, esel).reshape(FIELDS * VOCAB_PAD, K)
  rows = _gather_sc(idx2d, table)
  sp = rows.reshape(B, FIELDS * K)

  zeros3 = jnp.zeros((3,) + W1.shape[1:], jnp.float32)
  xw_p = jnp.concatenate([x_wide, jnp.zeros((B, 3), jnp.float32)], axis=1)
  w1a = jnp.concatenate([W1[:DENSE], zeros3], axis=0)
  w1b = W1[DENSE:]
  ww = jnp.concatenate([W_wide, jnp.zeros((3, 1), jnp.float32)], axis=0)
  return _mlp_tc(
      xw_p, sp, w1a, w1b, b1.reshape(1, H1), W2, b2.reshape(1, H2),
      ww, b_wide.reshape(1, 1), W3[:1], W3[1:], b3.reshape(1, 1))

# --- scband reference (transcript-rebuilt; emitter-appended) ---
"""Pipeline reference for scband-wide-deep-83700322664704 (READ-ONLY COPY).

The authoritative reference and input builder live on the scoring server;
editing this copy changes nothing except your own understanding.
"""

import jax, jax.numpy as jnp
import numpy as np

B = 16384
DENSE = 13
FIELDS = 26
VOCAB = 100000
K = 16
H1, H2 = 256, 128
DEEP_IN = FIELDS * K + DENSE  # 429


def setup_inputs(seed: int = 0) -> dict:
    key = jax.random.key(seed)
    ks = jax.random.split(key, 12)
    x_wide = jax.random.normal(ks[0], (B, DENSE), dtype=jnp.float32)
    x_deep = jax.random.randint(ks[1], (B, FIELDS), 0, VOCAB, dtype=jnp.int64)
    emb = jax.random.normal(ks[2], (FIELDS, VOCAB, K), dtype=jnp.float32) * 0.05
    W_wide = jax.random.normal(ks[3], (DENSE, 1), dtype=jnp.float32) * 0.1
    b_wide = jnp.zeros((1,), dtype=jnp.float32)
    W1 = jax.random.normal(ks[4], (DEEP_IN, H1), dtype=jnp.float32) * (1.0 / np.sqrt(DEEP_IN))
    b1 = jnp.zeros((H1,), dtype=jnp.float32)
    W2 = jax.random.normal(ks[5], (H1, H2), dtype=jnp.float32) * (1.0 / np.sqrt(H1))
    b2 = jnp.zeros((H2,), dtype=jnp.float32)
    W3 = jax.random.normal(ks[6], (1 + H2, 1), dtype=jnp.float32) * (1.0 / np.sqrt(1 + H2))
    b3 = jnp.zeros((1,), dtype=jnp.float32)
    return {"x_wide": x_wide, "x_deep": x_deep, "emb": emb, "W_wide": W_wide,
            "b_wide": b_wide, "W1": W1, "b1": b1, "W2": W2, "b2": b2,
            "W3": W3, "b3": b3}


def _leaky_relu(x):
    return jnp.where(x >= 0, x, 0.01 * x)


def reference(x_wide, x_deep, emb, W_wide, b_wide, W1, b1, W2, b2, W3, b3):
    # per-field embedding lookup (gather): emb[i][x_deep[:, i]] for each field
    feats = jax.vmap(lambda t, idx: jnp.take(t, idx, axis=0), in_axes=(0, 1))(emb, x_deep)
    # feats: [FIELDS, B, K] -> [B, FIELDS*K] matching torch.cat(field embeddings, dim=-1)
    sparse_embeds = jnp.transpose(feats, (1, 0, 2)).reshape(B, FIELDS * K)
    deep_input = jnp.concatenate([x_wide, sparse_embeds], axis=-1)
    # wide part
    wide_part = x_wide @ W_wide + b_wide
    # deep part: MLP with LeakyReLU after every layer
    h = _leaky_relu(deep_input @ W1 + b1)
    deep_part = _leaky_relu(h @ W2 + b2)
    # combine
    together_in = jnp.concatenate([wide_part, deep_part], axis=-1)
    pred = jax.nn.sigmoid(together_in @ W3 + b3)
    return pred

if __name__ == "__main__":
    import jax
    _d = setup_inputs()
    print(jax.jit(kernel)(*tuple(_d.values())))

</pallas_src>

<mosaic_0001>
#map = affine_map<(d0, d1) -> (0, 0)>
module attributes {stable_mosaic.version = 14 : i64} {
  func.func @gather_kernel(%arg0: i32, %arg1: i32, %arg2: memref<3328x128xi32, #tpu.memory_space<hbm>>, %arg3: memref<2600832x16xf32, #tpu.memory_space<hbm>>, %arg4: memref<425984x16xf32, #tpu.memory_space<hbm>>, %arg5: memref<104x128xi32, #tpu.memory_space<vmem>>, %arg6: memref<8x128x16xf32, #tpu.memory_space<vmem>>, %arg7: memref<!tpu.dma_semaphore, #tpu.memory_space<semaphore_mem>>, %arg8: memref<!tpu.dma_semaphore, #tpu.memory_space<semaphore_mem>>) attributes {dimension_semantics = [#tpu.dimension_semantics<core_parallel>, #tpu.dimension_semantics<subcore_parallel>], iteration_bounds = array<i64: 2, 16>, scalar_prefetch = 0 : i64, scratch_operands = 4 : i64, tpu.core_type = #tpu.core_type<sc_vector_subcore>, window_params = [{transform_indices = #map}, {transform_indices = #map}, {transform_indices = #map}]} {
    %mul3A = arith.constant 2 : i32
    %mul3A_0 = arith.muli %arg1, %mul3A : i32
    %add3A = arith.addi %mul3A_0, %arg0 : i32
    %mul3A_1 = arith.constant 104 : i32
    %mul3A_2 = arith.muli %add3A, %mul3A_1 : i32
    "tpu.region"() ({
      %run_scoped3A = tpu.sem_alloc : memref<!tpu.dma_semaphore, #tpu.memory_space<semaphore_mem>>
      %dma_start3A = arith.constant 0 : i32
      %dma_start3A_7 = tpu.memref_slice %arg2[%mul3A_2, %dma_start3A] : memref<3328x128xi32, #tpu.memory_space<hbm>> -> memref<104x128xi32, #tpu.memory_space<hbm>>
      %dma_start3A_8 = arith.constant 0 : i32
      %dma_start3A_9 = tpu.memref_slice %arg2[%mul3A_2, %dma_start3A_8] : memref<3328x128xi32, #tpu.memory_space<hbm>> -> memref<104x128xi32, #tpu.memory_space<hbm>>
      tpu.enqueue_dma source(%dma_start3A_9 : memref<104x128xi32, #tpu.memory_space<hbm>>) target(%arg5 : memref<104x128xi32, #tpu.memory_space<vmem>>) target_semaphore(%run_scoped3A : memref<!tpu.dma_semaphore, #tpu.memory_space<semaphore_mem>>)
      %dma_wait3A = arith.constant 0 : i32
      %dma_wait3A_10 = tpu.memref_slice %arg2[%mul3A_2, %dma_wait3A] : memref<3328x128xi32, #tpu.memory_space<hbm>> -> memref<104x128xi32, #tpu.memory_space<hbm>>
      %dma_wait3A_11 = arith.constant 0 : i32
      %dma_wait3A_12 = tpu.memref_slice %arg2[%mul3A_2, %dma_wait3A_11] : memref<3328x128xi32, #tpu.memory_space<hbm>> -> memref<104x128xi32, #tpu.memory_space<hbm>>
      tpu.wait_dma2 semaphore(%run_scoped3A : memref<!tpu.dma_semaphore, #tpu.memory_space<semaphore_mem>>) src(%dma_wait3A_12 : memref<104x128xi32, #tpu.memory_space<hbm>>) dst(%arg5 : memref<104x128xi32, #tpu.memory_space<vmem>>)
      tpu.yield
    }) : () -> ()
    %scan3A = arith.constant 0 : i32
    %scan3A_3 = arith.constant 13 : i32
    %scan3A_4 = arith.addi %scan3A, %scan3A_3 : i32
    %scan3A_5 = arith.constant 1 : i32
    scf.for %scan3A_7 = %scan3A to %scan3A_4 step %scan3A_5  : i32 {
      %mul3A_8 = arith.constant 1 : i32
      %mul3A_9 = arith.muli %scan3A_7, %mul3A_8 : i32
      %add3A_10 = arith.constant 0 : i32
      %add3A_11 = arith.addi %add3A_10, %mul3A_9 : i32
      %mul3A_12 = arith.constant 8 : i32
      %mul3A_13 = arith.muli %add3A_11, %mul3A_12 : i32
      %add3A_14 = arith.constant 0 : i32
      %add3A_15 = arith.addi %mul3A_13, %add3A_14 : i32
      %dma_start3A = arith.constant 0 : i32
      %dma_start3A_16 = arith.constant 0 : i32
      %dma_start3A_17 = arith.constant 0 : i32
      %dma_start3A_18 = tpu.memref_slice %arg6[%dma_start3A, %dma_start3A_16, %dma_start3A_17] : memref<8x128x16xf32, #tpu.memory_space<vmem>> -> memref<1x128x16xf32, #tpu.memory_space<vmem>>
      %dma_start3A_19 = tpu.memref_squeeze %dma_start3A_18 : memref<1x128x16xf32, #tpu.memory_space<vmem>> -> memref<128x16xf32, #tpu.memory_space<vmem>>
      %dma_start3A_20 = arith.constant 0 : i32
      %dma_start3A_21 = tpu.memref_slice %arg5[%add3A_15, %dma_start3A_20] : memref<104x128xi32, #tpu.memory_space<vmem>> -> memref<1x128xi32, #tpu.memory_space<vmem>>
      %dma_start3A_22 = tpu.memref_squeeze %dma_start3A_21 : memref<1x128xi32, #tpu.memory_space<vmem>> -> memref<128xi32, #tpu.memory_space<vmem>>
      %dma_start3A_23 = arith.constant 0 : i32
      %dma_start3A_24 = arith.constant 0 : i32
      %dma_start3A_25 = tpu.memref_slice %arg3[%dma_start3A_23, %dma_start3A_24] : memref<2600832x16xf32, #tpu.memory_space<hbm>> -> memref<2600832x16xf32, #tpu.memory_space<hbm>>
      tpu.enqueue_indirect_dma source(%dma_start3A_25 : memref<2600832x16xf32, #tpu.memory_space<hbm>>) target(%dma_start3A_19 : memref<128x16xf32, #tpu.memory_space<vmem>>) offsets(%dma_start3A_22 : memref<128xi32, #tpu.memory_space<vmem>>) semaphore(%arg7 : memref<!tpu.dma_semaphore, #tpu.memory_space<semaphore_mem>>)
      %add3A_26 = arith.constant 1 : i32
      %add3A_27 = arith.addi %mul3A_13, %add3A_26 : i32
      %dma_start3A_28 = arith.constant 1 : i32
      %dma_start3A_29 = arith.constant 0 : i32
      %dma_start3A_30 = arith.constant 0 : i32
      %dma_start3A_31 = tpu.memref_slice %arg6[%dma_start3A_28, %dma_start3A_29, %dma_start3A_30] : memref<8x128x16xf32, #tpu.memory_space<vmem>> -> memref<1x128x16xf32, #tpu.memory_space<vmem>>
      %dma_start3A_32 = tpu.memref_squeeze %dma_start3A_31 : memref<1x128x16xf32, #tpu.memory_space<vmem>> -> memref<128x16xf32, #tpu.memory_space<vmem>>
      %dma_start3A_33 = arith.constant 0 : i32
      %dma_start3A_34 = tpu.memref_slice %arg5[%add3A_27, %dma_start3A_33] : memref<104x128xi32, #tpu.memory_space<vmem>> -> memref<1x128xi32, #tpu.memory_space<vmem>>
      %dma_start3A_35 = tpu.memref_squeeze %dma_start3A_34 : memref<1x128xi32, #tpu.memory_space<vmem>> -> memref<128xi32, #tpu.memory_space<vmem>>
      %dma_start3A_36 = arith.constant 0 : i32
      %dma_start3A_37 = arith.constant 0 : i32
      %dma_start3A_38 = tpu.memref_slice %arg3[%dma_start3A_36, %dma_start3A_37] : memref<2600832x16xf32, #tpu.memory_space<hbm>> -> memref<2600832x16xf32, #tpu.memory_space<hbm>>
      tpu.enqueue_indirect_dma source(%dma_start3A_38 : memref<2600832x16xf32, #tpu.memory_space<hbm>>) target(%dma_start3A_32 : memref<128x16xf32, #tpu.memory_space<vmem>>) offsets(%dma_start3A_35 : memref<128xi32, #tpu.memory_space<vmem>>) semaphore(%arg7 : memref<!tpu.dma_semaphore, #tpu.memory_space<semaphore_mem>>)
      %add3A_39 = arith.constant 2 : i32
      %add3A_40 = arith.addi %mul3A_13, %add3A_39 : i32
      %dma_start3A_41 = arith.constant 2 : i32
      %dma_start3A_42 = arith.constant 0 : i32
      %dma_start3A_43 = arith.constant 0 : i32
      %dma_start3A_44 = tpu.memref_slice %arg6[%dma_start3A_41, %dma_start3A_42, %dma_start3A_43] : memref<8x128x16xf32, #tpu.memory_space<vmem>> -> memref<1x128x16xf32, #tpu.memory_space<vmem>>
      %dma_start3A_45 = tpu.memref_squeeze %dma_start3A_44 : memref<1x128x16xf32, #tpu.memory_space<vmem>> -> memref<128x16xf32, #tpu.memory_space<vmem>>
      %dma_start3A_46 = arith.constant 0 : i32
      %dma_start3A_47 = tpu.memref_slice %arg5[%add3A_40, %dma_start3A_46] : memref<104x128xi32, #tpu.memory_space<vmem>> -> memref<1x128xi32, #tpu.memory_space<vmem>>
      %dma_start3A_48 = tpu.memref_squeeze %dma_start3A_47 : memref<1x128xi32, #tpu.memory_space<vmem>> -> memref<128xi32, #tpu.memory_space<vmem>>
      %dma_start3A_49 = arith.constant 0 : i32
      %dma_start3A_50 = arith.constant 0 : i32
      %dma_start3A_51 = tpu.memref_slice %arg3[%dma_start3A_49, %dma_start3A_50] : memref<2600832x16xf32, #tpu.memory_space<hbm>> -> memref<2600832x16xf32, #tpu.memory_space<hbm>>
      tpu.enqueue_indirect_dma source(%dma_start3A_51 : memref<2600832x16xf32, #tpu.memory_space<hbm>>) target(%dma_start3A_45 : memref<128x16xf32, #tpu.memory_space<vmem>>) offsets(%dma_start3A_48 : memref<128xi32, #tpu.memory_space<vmem>>) semaphore(%arg7 : memref<!tpu.dma_semaphore, #tpu.memory_space<semaphore_mem>>)
      %add3A_52 = arith.constant 3 : i32
      %add3A_53 = arith.addi %mul3A_13, %add3A_52 : i32
      %dma_start3A_54 = arith.constant 3 : i32
      %dma_start3A_55 = arith.constant 0 : i32
      %dma_start3A_56 = arith.constant 0 : i32
      %dma_start3A_57 = tpu.memref_slice %arg6[%dma_start3A_54, %dma_start3A_55, %dma_start3A_56] : memref<8x128x16xf32, #tpu.memory_space<vmem>> -> memref<1x128x16xf32, #tpu.memory_space<vmem>>
      %dma_start3A_58 = tpu.memref_squeeze %dma_start3A_57 : memref<1x128x16xf32, #tpu.memory_space<vmem>> -> memref<128x16xf32, #tpu.memory_space<vmem>>
      %dma_start3A_59 = arith.constant 0 : i32
      %dma_start3A_60 = tpu.memref_slice %arg5[%add3A_53, %dma_start3A_59] : memref<104x128xi32, #tpu.memory_space<vmem>> -> memref<1x128xi32, #tpu.memory_space<vmem>>
      %dma_start3A_61 = tpu.memref_squeeze %dma_start3A_60 : memref<1x128xi32, #tpu.memory_space<vmem>> -> memref<128xi32, #tpu.memory_space<vmem>>
      %dma_start3A_62 = arith.constant 0 : i32
      %dma_start3A_63 = arith.constant 0 : i32
      %dma_start3A_64 = tpu.memref_slice %arg3[%dma_start3A_62, %dma_start3A_63] : memref<2600832x16xf32, #tpu.memory_space<hbm>> -> memref<2600832x16xf32, #tpu.memory_space<hbm>>
      tpu.enqueue_indirect_dma source(%dma_start3A_64 : memref<2600832x16xf32, #tpu.memory_space<hbm>>) target(%dma_start3A_58 : memref<128x16xf32, #tpu.memory_space<vmem>>) offsets(%dma_start3A_61 : memref<128xi32, #tpu.memory_space<vmem>>) semaphore(%arg7 : memref<!tpu.dma_semaphore, #tpu.memory_space<semaphore_mem>>)
      %add3A_65 = arith.constant 4 : i32
      %add3A_66 = arith.addi %mul3A_13, %add3A_65 : i32
      %dma_start3A_67 = arith.constant 4 : i32
      %dma_start3A_68 = arith.constant 0 : i32
      %dma_start3A_69 = arith.constant 0 : i32
      %dma_start3A_70 = tpu.memref_slice %arg6[%dma_start3A_67, %dma_start3A_68, %dma_start3A_69] : memref<8x128x16xf32, #tpu.memory_space<vmem>> -> memref<1x128x16xf32, #tpu.memory_space<vmem>>
      %dma_start3A_71 = tpu.memref_squeeze %dma_start3A_70 : memref<1x128x16xf32, #tpu.memory_space<vmem>> -> memref<128x16xf32, #tpu.memory_space<vmem>>
      %dma_start3A_72 = arith.constant 0 : i32
      %dma_start3A_73 = tpu.memref_slice %arg5[%add3A_66, %dma_start3A_72] : memref<104x128xi32, #tpu.memory_space<vmem>> -> memref<1x128xi32, #tpu.memory_space<vmem>>
      %dma_start3A_74 = tpu.memref_squeeze %dma_start3A_73 : memref<1x128xi32, #tpu.memory_space<vmem>> -> memref<128xi32, #tpu.memory_space<vmem>>
      %dma_start3A_75 = arith.constant 0 : i32
      %dma_start3A_76 = arith.constant 0 : i32
      %dma_start3A_77 = tpu.memref_slice %arg3[%dma_start3A_75, %dma_start3A_76] : memref<2600832x16xf32, #tpu.memory_space<hbm>> -> memref<2600832x16xf32, #tpu.memory_space<hbm>>
      tpu.enqueue_indirect_dma source(%dma_start3A_77 : memref<2600832x16xf32, #tpu.memory_space<hbm>>) target(%dma_start3A_71 : memref<128x16xf32, #tpu.memory_space<vmem>>) offsets(%dma_start3A_74 : memref<128xi32, #tpu.memory_space<vmem>>) semaphore(%arg7 : memref<!tpu.dma_semaphore, #tpu.memory_space<semaphore_mem>>)
      %add3A_78 = arith.constant 5 : i32
      %add3A_79 = arith.addi %mul3A_13, %add3A_78 : i32
      %dma_start3A_80 = arith.constant 5 : i32
      %dma_start3A_81 = arith.constant 0 : i32
      %dma_start3A_82 = arith.constant 0 : i32
      %dma_start3A_83 = tpu.memref_slice %arg6[%dma_start3A_80, %dma_start3A_81, %dma_start3A_82] : memref<8x128x16xf32, #tpu.memory_space<vmem>> -> memref<1x128x16xf32, #tpu.memory_space<vmem>>
      %dma_start3A_84 = tpu.memref_squeeze %dma_start3A_83 : memref<1x128x16xf32, #tpu.memory_space<vmem>> -> memref<128x16xf32, #tpu.memory_space<vmem>>
      %dma_start3A_85 = arith.constant 0 : i32
      %dma_start3A_86 = tpu.memref_slice %arg5[%add3A_79, %dma_start3A_85] : memref<104x128xi32, #tpu.memory_space<vmem>> -> memref<1x128xi32, #tpu.memory_space<vmem>>
      %dma_start3A_87 = tpu.memref_squeeze %dma_start3A_86 : memref<1x128xi32, #tpu.memory_space<vmem>> -> memref<128xi32, #tpu.memory_space<vmem>>
      %dma_start3A_88 = arith.constant 0 : i32
      %dma_start3A_89 = arith.constant 0 : i32
      %dma_start3A_90 = tpu.memref_slice %arg3[%dma_start3A_88, %dma_start3A_89] : memref<2600832x16xf32, #tpu.memory_space<hbm>> -> memref<2600832x16xf32, #tpu.memory_space<hbm>>
      tpu.enqueue_indirect_dma source(%dma_start3A_90 : memref<2600832x16xf32, #tpu.memory_space<hbm>>) target(%dma_start3A_84 : memref<128x16xf32, #tpu.memory_space<vmem>>) offsets(%dma_start3A_87 : memref<128xi32, #tpu.memory_space<vmem>>) semaphore(%arg7 : memref<!tpu.dma_semaphore, #tpu.memory_space<semaphore_mem>>)
      %add3A_91 = arith.constant 6 : i32
      %add3A_92 = arith.addi %mul3A_13, %add3A_91 : i32
      %dma_start3A_93 = arith.constant 6 : i32
      %dma_start3A_94 = arith.constant 0 : i32
      %dma_start3A_95 = arith.constant 0 : i32
      %dma_start3A_96 = tpu.memref_slice %arg6[%dma_start3A_93, %dma_start3A_94, %dma_start3A_95] : memref<8x128x16xf32, #tpu.memory_space<vmem>> -> memref<1x128x16xf32, #tpu.memory_space<vmem>>
      %dma_start3A_97 = tpu.memref_squeeze %dma_start3A_96 : memref<1x128x16xf32, #tpu.memory_space<vmem>> -> memref<128x16xf32, #tpu.memory_space<vmem>>
      %dma_start3A_98 = arith.constant 0 : i32
      %dma_start3A_99 = tpu.memref_slice %arg5[%add3A_92, %dma_start3A_98] : memref<104x128xi32, #tpu.memory_space<vmem>> -> memref<1x128xi32, #tpu.memory_space<vmem>>
      %dma_start3A_100 = tpu.memref_squeeze %dma_start3A_99 : memref<1x128xi32, #tpu.memory_space<vmem>> -> memref<128xi32, #tpu.memory_space<vmem>>
      %dma_start3A_101 = arith.constant 0 : i32
      %dma_start3A_102 = arith.constant 0 : i32
      %dma_start3A_103 = tpu.memref_slice %arg3[%dma_start3A_101, %dma_start3A_102] : memref<2600832x16xf32, #tpu.memory_space<hbm>> -> memref<2600832x16xf32, #tpu.memory_space<hbm>>
      tpu.enqueue_indirect_dma source(%dma_start3A_103 : memref<2600832x16xf32, #tpu.memory_space<hbm>>) target(%dma_start3A_97 : memref<128x16xf32, #tpu.memory_space<vmem>>) offsets(%dma_start3A_100 : memref<128xi32, #tpu.memory_space<vmem>>) semaphore(%arg7 : memref<!tpu.dma_semaphore, #tpu.memory_space<semaphore_mem>>)
      %add3A_104 = arith.constant 7 : i32
      %add3A_105 = arith.addi %mul3A_13, %add3A_104 : i32
      %dma_start3A_106 = arith.constant 7 : i32
      %dma_start3A_107 = arith.constant 0 : i32
      %dma_start3A_108 = arith.constant 0 : i32
      %dma_start3A_109 = tpu.memref_slice %arg6[%dma_start3A_106, %dma_start3A_107, %dma_start3A_108] : memref<8x128x16xf32, #tpu.memory_space<vmem>> -> memref<1x128x16xf32, #tpu.memory_space<vmem>>
      %dma_start3A_110 = tpu.memref_squeeze %dma_start3A_109 : memref<1x128x16xf32, #tpu.memory_space<vmem>> -> memref<128x16xf32, #tpu.memory_space<vmem>>
      %dma_start3A_111 = arith.constant 0 : i32
      %dma_start3A_112 = tpu.memref_slice %arg5[%add3A_105, %dma_start3A_111] : memref<104x128xi32, #tpu.memory_space<vmem>> -> memref<1x128xi32, #tpu.memory_space<vmem>>
      %dma_start3A_113 = tpu.memref_squeeze %dma_start3A_112 : memref<1x128xi32, #tpu.memory_space<vmem>> -> memref<128xi32, #tpu.memory_space<vmem>>
      %dma_start3A_114 = arith.constant 0 : i32
      %dma_start3A_115 = arith.constant 0 : i32
      %dma_start3A_116 = tpu.memref_slice %arg3[%dma_start3A_114, %dma_start3A_115] : memref<2600832x16xf32, #tpu.memory_space<hbm>> -> memref<2600832x16xf32, #tpu.memory_space<hbm>>
      tpu.enqueue_indirect_dma source(%dma_start3A_116 : memref<2600832x16xf32, #tpu.memory_space<hbm>>) target(%dma_start3A_110 : memref<128x16xf32, #tpu.memory_space<vmem>>) offsets(%dma_start3A_113 : memref<128xi32, #tpu.memory_space<vmem>>) semaphore(%arg7 : memref<!tpu.dma_semaphore, #tpu.memory_space<semaphore_mem>>)
      %dma_wait3A = arith.constant 0 : i32
      %dma_wait3A_117 = arith.constant 0 : i32
      %dma_wait3A_118 = arith.constant 0 : i32
      %dma_wait3A_119 = tpu.memref_slice %arg6[%dma_wait3A, %dma_wait3A_117, %dma_wait3A_118] : memref<8x128x16xf32, #tpu.memory_space<vmem>> -> memref<1x128x16xf32, #tpu.memory_space<vmem>>
      %dma_wait3A_120 = tpu.memref_squeeze %dma_wait3A_119 : memref<1x128x16xf32, #tpu.memory_space<vmem>> -> memref<128x16xf32, #tpu.memory_space<vmem>>
      %dma_wait3A_121 = arith.constant 0 : i32
      %dma_wait3A_122 = tpu.memref_slice %arg5[%add3A_15, %dma_wait3A_121] : memref<104x128xi32, #tpu.memory_space<vmem>> -> memref<1x128xi32, #tpu.memory_space<vmem>>
      %dma_wait3A_123 = tpu.memref_squeeze %dma_wait3A_122 : memref<1x128xi32, #tpu.memory_space<vmem>> -> memref<128xi32, #tpu.memory_space<vmem>>
      %dma_wait3A_124 = arith.constant 0 : i32
      %dma_wait3A_125 = arith.constant 0 : i32
      %dma_wait3A_126 = tpu.memref_slice %arg3[%dma_wait3A_124, %dma_wait3A_125] : memref<2600832x16xf32, #tpu.memory_space<hbm>> -> memref<2600832x16xf32, #tpu.memory_space<hbm>>
      tpu.wait_indirect_dma semaphore(%arg7 : memref<!tpu.dma_semaphore, #tpu.memory_space<semaphore_mem>>) src(%dma_wait3A_126 : memref<2600832x16xf32, #tpu.memory_space<hbm>>) dst(%dma_wait3A_120 : memref<128x16xf32, #tpu.memory_space<vmem>>)
      %add3A_127 = arith.addi %mul3A_2, %mul3A_13 : i32
      %add3A_128 = arith.constant 0 : i32
      %add3A_129 = arith.addi %add3A_127, %add3A_128 : i32
      %mul3A_130 = arith.constant 128 : i32
      %mul3A_131 = arith.muli %add3A_129, %mul3A_130 : i32
      %dma_start3A_132 = arith.constant 0 : i32
      %dma_start3A_133 = arith.constant 0 : i32
      %dma_start3A_134 = arith.constant 0 : i32
      %dma_start3A_135 = tpu.memref_slice %arg6[%dma_start3A_132, %dma_start3A_133, %dma_start3A_134] : memref<8x128x16xf32, #tpu.memory_space<vmem>> -> memref<1x128x16xf32, #tpu.memory_space<vmem>>
      %dma_start3A_136 = tpu.memref_squeeze %dma_start3A_135 : memref<1x128x16xf32, #tpu.memory_space<vmem>> -> memref<128x16xf32, #tpu.memory_space<vmem>>
      %dma_start3A_137 = arith.constant 0 : i32
      %dma_start3A_138 = tpu.memref_slice %arg4[%mul3A_131, %dma_start3A_137] : memref<425984x16xf32, #tpu.memory_space<hbm>> -> memref<128x16xf32, #tpu.memory_space<hbm>>
      %dma_start3A_139 = arith.constant 0 : i32
      %dma_start3A_140 = tpu.memref_slice %arg4[%mul3A_131, %dma_start3A_139] : memref<425984x16xf32, #tpu.memory_space<hbm>> -> memref<128x16xf32, #tpu.memory_space<hbm>>
      %dma_start3A_141 = arith.constant 0 : i32
      %dma_start3A_142 = arith.constant 0 : i32
      %dma_start3A_143 = tpu.memref_slice %arg6[%dma_start3A_132, %dma_start3A_141, %dma_start3A_142] : memref<8x128x16xf32, #tpu.memory_space<vmem>> -> memref<1x128x16xf32, #tpu.memory_space<vmem>>
      %dma_start3A_144 = tpu.memref_squeeze %dma_start3A_143 : memref<1x128x16xf32, #tpu.memory_space<vmem>> -> memref<128x16xf32, #tpu.memory_space<vmem>>
      tpu.enqueue_dma source(%dma_start3A_144 : memref<128x16xf32, #tpu.memory_space<vmem>>) target(%dma_start3A_140 : memref<128x16xf32, #tpu.memory_space<hbm>>) target_semaphore(%arg8 : memref<!tpu.dma_semaphore, #tpu.memory_space<semaphore_mem>>)
      %dma_wait3A_145 = arith.constant 1 : i32
      %dma_wait3A_146 = arith.constant 0 : i32
      %dma_wait3A_147 = arith.constant 0 : i32
      %dma_wait3A_148 = tpu.memref_slice %arg6[%dma_wait3A_145, %dma_wait3A_146, %dma_wait3A_147] : memref<8x128x16xf32, #tpu.memory_space<vmem>> -> memref<1x128x16xf32, #tpu.memory_space<vmem>>
      %dma_wait3A_149 = tpu.memref_squeeze %dma_wait3A_148 : memref<1x128x16xf32, #tpu.memory_space<vmem>> -> memref<128x16xf32, #tpu.memory_space<vmem>>
      %dma_wait3A_150 = arith.constant 0 : i32
      %dma_wait3A_151 = tpu.memref_slice %arg5[%add3A_27, %dma_wait3A_150] : memref<104x128xi32, #tpu.memory_space<vmem>> -> memref<1x128xi32, #tpu.memory_space<vmem>>
      %dma_wait3A_152 = tpu.memref_squeeze %dma_wait3A_151 : memref<1x128xi32, #tpu.memory_space<vmem>> -> memref<128xi32, #tpu.memory_space<vmem>>
      %dma_wait3A_153 = arith.constant 0 : i32
      %dma_wait3A_154 = arith.constant 0 : i32
      %dma_wait3A_155 = tpu.memref_slice %arg3[%dma_wait3A_153, %dma_wait3A_154] : memref<2600832x16xf32, #tpu.memory_space<hbm>> -> memref<2600832x16xf32, #tpu.memory_space<hbm>>
      tpu.wait_indirect_dma semaphore(%arg7 : memref<!tpu.dma_semaphore, #tpu.memory_space<semaphore_mem>>) src(%dma_wait3A_155 : memref<2600832x16xf32, #tpu.memory_space<hbm>>) dst(%dma_wait3A_149 : memref<128x16xf32, #tpu.memory_space<vmem>>)
      %add3A_156 = arith.addi %mul3A_2, %mul3A_13 : i32
      %add3A_157 = arith.constant 1 : i32
      %add3A_158 = arith.addi %add3A_156, %add3A_157 : i32
      %mul3A_159 = arith.constant 128 : i32
      %mul3A_160 = arith.muli %add3A_158, %mul3A_159 : i32
      %dma_start3A_161 = arith.constant 1 : i32
      %dma_start3A_162 = arith.constant 0 : i32
      %dma_start3A_163 = arith.constant 0 : i32
      %dma_start3A_164 = tpu.memref_slice %arg6[%dma_start3A_161, %dma_start3A_162, %dma_start3A_163] : memref<8x128x16xf32, #tpu.memory_space<vmem>> -> memref<1x128x16xf32, #tpu.memory_space<vmem>>
      %dma_start3A_165 = tpu.memref_squeeze %dma_start3A_164 : memref<1x128x16xf32, #tpu.memory_space<vmem>> -> memref<128x16xf32, #tpu.memory_space<vmem>>
      %dma_start3A_166 = arith.constant 0 : i32
      %dma_start3A_167 = tpu.memref_slice %arg4[%mul3A_160, %dma_start3A_166] : memref<425984x16xf32, #tpu.memory_space<hbm>> -> memref<128x16xf32, #tpu.memory_space<hbm>>
      %dma_start3A_168 = arith.constant 0 : i32
      %dma_start3A_169 = tpu.memref_slice %arg4[%mul3A_160, %dma_start3A_168] : memref<425984x16xf32, #tpu.memory_space<hbm>> -> memref<128x16xf32, #tpu.memory_space<hbm>>
      %dma_start3A_170 = arith.constant 0 : i32
      %dma_start3A_171 = arith.constant 0 : i32
      %dma_start3A_172 = tpu.memref_slice %arg6[%dma_start3A_161, %dma_start3A_170, %dma_start3A_171] : memref<8x128x16xf32, #tpu.memory_space<vmem>> -> memref<1x128x16xf32, #tpu.memory_space<vmem>>
      %dma_start3A_173 = tpu.memref_squeeze %dma_start3A_172 : memref<1x128x16xf32, #tpu.memory_space<vmem>> -> memref<128x16xf32, #tpu.memory_space<vmem>>
      tpu.enqueue_dma source(%dma_start3A_173 : memref<128x16xf32, #tpu.memory_space<vmem>>) target(%dma_start3A_169 : memref<128x16xf32, #tpu.memory_space<hbm>>) target_semaphore(%arg8 : memref<!tpu.dma_semaphore, #tpu.memory_space<semaphore_mem>>)
      %dma_wait3A_174 = arith.constant 2 : i32
      %dma_wait3A_175 = arith.constant 0 : i32
      %dma_wait3A_176 = arith.constant 0 : i32
      %dma_wait3A_177 = tpu.memref_slice %arg6[%dma_wait3A_174, %dma_wait3A_175, %dma_wait3A_176] : memref<8x128x16xf32, #tpu.memory_space<vmem>> -> memref<1x128x16xf32, #tpu.memory_space<vmem>>
      %dma_wait3A_178 = tpu.memref_squeeze %dma_wait3A_177 : memref<1x128x16xf32, #tpu.memory_space<vmem>> -> memref<128x16xf32, #tpu.memory_space<vmem>>
      %dma_wait3A_179 = arith.constant 0 : i32
      %dma_wait3A_180 = tpu.memref_slice %arg5[%add3A_40, %dma_wait3A_179] : memref<104x128xi32, #tpu.memory_space<vmem>> -> memref<1x128xi32, #tpu.memory_space<vmem>>
      %dma_wait3A_181 = tpu.memref_squeeze %dma_wait3A_180 : memref<1x128xi32, #tpu.memory_space<vmem>> -> memref<128xi32, #tpu.memory_space<vmem>>
      %dma_wait3A_182 = arith.constant 0 : i32
      %dma_wait3A_183 = arith.constant 0 : i32
      %dma_wait3A_184 = tpu.memref_slice %arg3[%dma_wait3A_182, %dma_wait3A_183] : memref<2600832x16xf32, #tpu.memory_space<hbm>> -> memref<2600832x16xf32, #tpu.memory_space<hbm>>
      tpu.wait_indirect_dma semaphore(%arg7 : memref<!tpu.dma_semaphore, #tpu.memory_space<semaphore_mem>>) src(%dma_wait3A_184 : memref<2600832x16xf32, #tpu.memory_space<hbm>>) dst(%dma_wait3A_178 : memref<128x16xf32, #tpu.memory_space<vmem>>)
      %add3A_185 = arith.addi %mul3A_2, %mul3A_13 : i32
      %add3A_186 = arith.constant 2 : i32
      %add3A_187 = arith.addi %add3A_185, %add3A_186 : i32
      %mul3A_188 = arith.constant 128 : i32
      %mul3A_189 = arith.muli %add3A_187, %mul3A_188 : i32
      %dma_start3A_190 = arith.constant 2 : i32
      %dma_start3A_191 = arith.constant 0 : i32
      %dma_start3A_192 = arith.constant 0 : i32
      %dma_start3A_193 = tpu.memref_slice %arg6[%dma_start3A_190, %dma_start3A_191, %dma_start3A_192] : memref<8x128x16xf32, #tpu.memory_space<vmem>> -> memref<1x128x16xf32, #tpu.memory_space<vmem>>
      %dma_start3A_194 = tpu.memref_squeeze %dma_start3A_193 : memref<1x128x16xf32, #tpu.memory_space<vmem>> -> memref<128x16xf32, #tpu.memory_space<vmem>>
      %dma_start3A_195 = arith.constant 0 : i32
      %dma_start3A_196 = tpu.memref_slice %arg4[%mul3A_189, %dma_start3A_195] : memref<425984x16xf32, #tpu.memory_space<hbm>> -> memref<128x16xf32, #tpu.memory_space<hbm>>
      %dma_start3A_197 = arith.constant 0 : i32
      %dma_start3A_198 = tpu.memref_slice %arg4[%mul3A_189, %dma_start3A_197] : memref<425984x16xf32, #tpu.memory_space<hbm>> -> memref<128x16xf32, #tpu.memory_space<hbm>>
      %dma_start3A_199 = arith.constant 0 : i32
      %dma_start3A_200 = arith.constant 0 : i32
      %dma_start3A_201 = tpu.memref_slice %arg6[%dma_start3A_190, %dma_start3A_199, %dma_start3A_200] : memref<8x128x16xf32, #tpu.memory_space<vmem>> -> memref<1x128x16xf32, #tpu.memory_space<vmem>>
      %dma_start3A_202 = tpu.memref_squeeze %dma_start3A_201 : memref<1x128x16xf32, #tpu.memory_space<vmem>> -> memref<128x16xf32, #tpu.memory_space<vmem>>
      tpu.enqueue_dma source(%dma_start3A_202 : memref<128x16xf32, #tpu.memory_space<vmem>>) target(%dma_start3A_198 : memref<128x16xf32, #tpu.memory_space<hbm>>) target_semaphore(%arg8 : memref<!tpu.dma_semaphore, #tpu.memory_space<semaphore_mem>>)
      %dma_wait3A_203 = arith.constant 3 : i32
      %dma_wait3A_204 = arith.constant 0 : i32
      %dma_wait3A_205 = arith.constant 0 : i32
      %dma_wait3A_206 = tpu.memref_slice %arg6[%dma_wait3A_203, %dma_wait3A_204, %dma_wait3A_205] : memref<8x128x16xf32, #tpu.memory_space<vmem>> -> memref<1x128x16xf32, #tpu.memory_space<vmem>>
      %dma_wait3A_207 = tpu.memref_squeeze %dma_wait3A_206 : memref<1x128x16xf32, #tpu.memory_space<vmem>> -> memref<128x16xf32, #tpu.memory_space<vmem>>
      %dma_wait3A_208 = arith.constant 0 : i32
      %dma_wait3A_209 = tpu.memref_slice %arg5[%add3A_53, %dma_wait3A_208] : memref<104x128xi32, #tpu.memory_space<vmem>> -> memref<1x128xi32, #tpu.memory_space<vmem>>
      %dma_wait3A_210 = tpu.memref_squeeze %dma_wait3A_209 : memref<1x128xi32, #tpu.memory_space<vmem>> -> memref<128xi32, #tpu.memory_space<vmem>>
      %dma_wait3A_211 = arith.constant 0 : i32
      %dma_wait3A_212 = arith.constant 0 : i32
      %dma_wait3A_213 = tpu.memref_slice %arg3[%dma_wait3A_211, %dma_wait3A_212] : memref<2600832x16xf32, #tpu.memory_space<hbm>> -> memref<2600832x16xf32, #tpu.memory_space<hbm>>
      tpu.wait_indirect_dma semaphore(%arg7 : memref<!tpu.dma_semaphore, #tpu.memory_space<semaphore_mem>>) src(%dma_wait3A_213 : memref<2600832x16xf32, #tpu.memory_space<hbm>>) dst(%dma_wait3A_207 : memref<128x16xf32, #tpu.memory_space<vmem>>)
      %add3A_214 = arith.addi %mul3A_2, %mul3A_13 : i32
      %add3A_215 = arith.constant 3 : i32
      %add3A_216 = arith.addi %add3A_214, %add3A_215 : i32
      %mul3A_217 = arith.constant 128 : i32
      %mul3A_218 = arith.muli %add3A_216, %mul3A_217 : i32
      %dma_start3A_219 = arith.constant 3 : i32
      %dma_start3A_220 = arith.constant 0 : i32
      %dma_start3A_221 = arith.constant 0 : i32
      %dma_start3A_222 = tpu.memref_slice %arg6[%dma_start3A_219, %dma_start3A_220, %dma_start3A_221] : memref<8x128x16xf32, #tpu.memory_space<vmem>> -> memref<1x128x16xf32, #tpu.memory_space<vmem>>
      %dma_start3A_223 = tpu.memref_squeeze %dma_start3A_222 : memref<1x128x16xf32, #tpu.memory_space<vmem>> -> memref<128x16xf32, #tpu.memory_space<vmem>>
      %dma_start3A_224 = arith.constant 0 : i32
      %dma_start3A_225 = tpu.memref_slice %arg4[%mul3A_218, %dma_start3A_224] : memref<425984x16xf32, #tpu.memory_space<hbm>> -> memref<128x16xf32, #tpu.memory_space<hbm>>
      %dma_start3A_226 = arith.constant 0 : i32
      %dma_start3A_227 = tpu.memref_slice %arg4[%mul3A_218, %dma_start3A_226] : memref<425984x16xf32, #tpu.memory_space<hbm>> -> memref<128x16xf32, #tpu.memory_space<hbm>>
      %dma_start3A_228 = arith.constant 0 : i32
      %dma_start3A_229 = arith.constant 0 : i32
      %dma_start3A_230 = tpu.memref_slice %arg6[%dma_start3A_219, %dma_start3A_228, %dma_start3A_229] : memref<8x128x16xf32, #tpu.memory_space<vmem>> -> memref<1x128x16xf32, #tpu.memory_space<vmem>>
      %dma_start3A_231 = tpu.memref_squeeze %dma_start3A_230 : memref<1x128x16xf32, #tpu.memory_space<vmem>> -> memref<128x16xf32, #tpu.memory_space<vmem>>
      tpu.enqueue_dma source(%dma_start3A_231 : memref<128x16xf32, #tpu.memory_space<vmem>>) target(%dma_start3A_227 : memref<128x16xf32, #tpu.memory_space<hbm>>) target_semaphore(%arg8 : memref<!tpu.dma_semaphore, #tpu.memory_space<semaphore_mem>>)
      %dma_wait3A_232 = arith.constant 4 : i32
      %dma_wait3A_233 = arith.constant 0 : i32
      %dma_wait3A_234 = arith.constant 0 : i32
      %dma_wait3A_235 = tpu.memref_slice %arg6[%dma_wait3A_232, %dma_wait3A_233, %dma_wait3A_234] : memref<8x128x16xf32, #tpu.memory_space<vmem>> -> memref<1x128x16xf32, #tpu.memory_space<vmem>>
      %dma_wait3A_236 = tpu.memref_squeeze %dma_wait3A_235 : memref<1x128x16xf32, #tpu.memory_space<vmem>> -> memref<128x16xf32, #tpu.memory_space<vmem>>
      %dma_wait3A_237 = arith.constant 0 : i32
      %dma_wait3A_238 = tpu.memref_slice %arg5[%add3A_66, %dma_wait3A_237] : memref<104x128xi32, #tpu.memory_space<vmem>> -> memref<1x128xi32, #tpu.memory_space<vmem>>
      %dma_wait3A_239 = tpu.memref_squeeze %dma_wait3A_238 : memref<1x128xi32, #tpu.memory_space<vmem>> -> memref<128xi32, #tpu.memory_space<vmem>>
      %dma_wait3A_240 = arith.constant 0 : i32
      %dma_wait3A_241 = arith.constant 0 : i32
      %dma_wait3A_242 = tpu.memref_slice %arg3[%dma_wait3A_240, %dma_wait3A_241] : memref<2600832x16xf32, #tpu.memory_space<hbm>> -> memref<2600832x16xf32, #tpu.memory_space<hbm>>
      tpu.wait_indirect_dma semaphore(%arg7 : memref<!tpu.dma_semaphore, #tpu.memory_space<semaphore_mem>>) src(%dma_wait3A_242 : memref<2600832x16xf32, #tpu.memory_space<hbm>>) dst(%dma_wait3A_236 : memref<128x16xf32, #tpu.memory_space<vmem>>)
      %add3A_243 = arith.addi %mul3A_2, %mul3A_13 : i32
      %add3A_244 = arith.constant 4 : i32
      %add3A_245 = arith.addi %add3A_243, %add3A_244 : i32
      %mul3A_246 = arith.constant 128 : i32
      %mul3A_247 = arith.muli %add3A_245, %mul3A_246 : i32
      %dma_start3A_248 = arith.constant 4 : i32
      %dma_start3A_249 = arith.constant 0 : i32
      %dma_start3A_250 = arith.constant 0 : i32
      %dma_start3A_251 = tpu.memref_slice %arg6[%dma_start3A_248, %dma_start3A_249, %dma_start3A_250] : memref<8x128x16xf32, #tpu.memory_space<vmem>> -> memref<1x128x16xf32, #tpu.memory_space<vmem>>
      %dma_start3A_252 = tpu.memref_squeeze %dma_start3A_251 : memref<1x128x16xf32, #tpu.memory_space<vmem>> -> memref<128x16xf32, #tpu.memory_space<vmem>>
      %dma_start3A_253 = arith.constant 0 : i32
      %dma_start3A_254 = tpu.memref_slice %arg4[%mul3A_247, %dma_start3A_253] : memref<425984x16xf32, #tpu.memory_space<hbm>> -> memref<128x16xf32, #tpu.memory_space<hbm>>
      %dma_start3A_255 = arith.constant 0 : i32
      %dma_start3A_256 = tpu.memref_slice %arg4[%mul3A_247, %dma_start3A_255] : memref<425984x16xf32, #tpu.memory_space<hbm>> -> memref<128x16xf32, #tpu.memory_space<hbm>>
      %dma_start3A_257 = arith.constant 0 : i32
      %dma_start3A_258 = arith.constant 0 : i32
      %dma_start3A_259 = tpu.memref_slice %arg6[%dma_start3A_248, %dma_start3A_257, %dma_start3A_258] : memref<8x128x16xf32, #tpu.memory_space<vmem>> -> memref<1x128x16xf32, #tpu.memory_space<vmem>>
      %dma_start3A_260 = tpu.memref_squeeze %dma_start3A_259 : memref<1x128x16xf32, #tpu.memory_space<vmem>> -> memref<128x16xf32, #tpu.memory_space<vmem>>
      tpu.enqueue_dma source(%dma_start3A_260 : memref<128x16xf32, #tpu.memory_space<vmem>>) target(%dma_start3A_256 : memref<128x16xf32, #tpu.memory_space<hbm>>) target_semaphore(%arg8 : memref<!tpu.dma_semaphore, #tpu.memory_space<semaphore_mem>>)
      %dma_wait3A_261 = arith.constant 5 : i32
      %dma_wait3A_262 = arith.constant 0 : i32
      %dma_wait3A_263 = arith.constant 0 : i32
      %dma_wait3A_264 = tpu.memref_slice %arg6[%dma_wait3A_261, %dma_wait3A_262, %dma_wait3A_263] : memref<8x128x16xf32, #tpu.memory_space<vmem>> -> memref<1x128x16xf32, #tpu.memory_space<vmem>>
      %dma_wait3A_265 = tpu.memref_squeeze %dma_wait3A_264 : memref<1x128x16xf32, #tpu.memory_space<vmem>> -> memref<128x16xf32, #tpu.memory_space<vmem>>
      %dma_wait3A_266 = arith.constant 0 : i32
      %dma_wait3A_267 = tpu.memref_slice %arg5[%add3A_79, %dma_wait3A_266] : memref<104x128xi32, #tpu.memory_space<vmem>> -> memref<1x128xi32, #tpu.memory_space<vmem>>
      %dma_wait3A_268 = tpu.memref_squeeze %dma_wait3A_267 : memref<1x128xi32, #tpu.memory_space<vmem>> -> memref<128xi32, #tpu.memory_space<vmem>>
      %dma_wait3A_269 = arith.constant 0 : i32
      %dma_wait3A_270 = arith.constant 0 : i32
      %dma_wait3A_271 = tpu.memref_slice %arg3[%dma_wait3A_269, %dma_wait3A_270] : memref<2600832x16xf32, #tpu.memory_space<hbm>> -> memref<2600832x16xf32, #tpu.memory_space<hbm>>
      tpu.wait_indirect_dma semaphore(%arg7 : memref<!tpu.dma_semaphore, #tpu.memory_space<semaphore_mem>>) src(%dma_wait3A_271 : memref<2600832x16xf32, #tpu.memory_space<hbm>>) dst(%dma_wait3A_265 : memref<128x16xf32, #tpu.memory_space<vmem>>)
      %add3A_272 = arith.addi %mul3A_2, %mul3A_13 : i32
      %add3A_273 = arith.constant 5 : i32
      %add3A_274 = arith.addi %add3A_272, %add3A_273 : i32
      %mul3A_275 = arith.constant 128 : i32
      %mul3A_276 = arith.muli %add3A_274, %mul3A_275 : i32
      %dma_start3A_277 = arith.constant 5 : i32
      %dma_start3A_278 = arith.constant 0 : i32
      %dma_start3A_279 = arith.constant 0 : i32
      %dma_start3A_280 = tpu.memref_slice %arg6[%dma_start3A_277, %dma_start3A_278, %dma_start3A_279] : memref<8x128x16xf32, #tpu.memory_space<vmem>> -> memref<1x128x16xf32, #tpu.memory_space<vmem>>
      %dma_start3A_281 = tpu.memref_squeeze %dma_start3A_280 : memref<1x128x16xf32, #tpu.memory_space<vmem>> -> memref<128x16xf32, #tpu.memory_space<vmem>>
      %dma_start3A_282 = arith.constant 0 : i32
      %dma_start3A_283 = tpu.memref_slice %arg4[%mul3A_276, %dma_start3A_282] : memref<425984x16xf32, #tpu.memory_space<hbm>> -> memref<128x16xf32, #tpu.memory_space<hbm>>
      %dma_start3A_284 = arith.constant 0 : i32
      %dma_start3A_285 = tpu.memref_slice %arg4[%mul3A_276, %dma_start3A_284] : memref<425984x16xf32, #tpu.memory_space<hbm>> -> memref<128x16xf32, #tpu.memory_space<hbm>>
      %dma_start3A_286 = arith.constant 0 : i32
      %dma_start3A_287 = arith.constant 0 : i32
      %dma_start3A_288 = tpu.memref_slice %arg6[%dma_start3A_277, %dma_start3A_286, %dma_start3A_287] : memref<8x128x16xf32, #tpu.memory_space<vmem>> -> memref<1x128x16xf32, #tpu.memory_space<vmem>>
      %dma_start3A_289 = tpu.memref_squeeze %dma_start3A_288 : memref<1x128x16xf32, #tpu.memory_space<vmem>> -> memref<128x16xf32, #tpu.memory_space<vmem>>
      tpu.enqueue_dma source(%dma_start3A_289 : memref<128x16xf32, #tpu.memory_space<vmem>>) target(%dma_start3A_285 : memref<128x16xf32, #tpu.memory_space<hbm>>) target_semaphore(%arg8 : memref<!tpu.dma_semaphore, #tpu.memory_space<semaphore_mem>>)
      %dma_wait3A_290 = arith.constant 6 : i32
      %dma_wait3A_291 = arith.constant 0 : i32
      %dma_wait3A_292 = arith.constant 0 : i32
      %dma_wait3A_293 = tpu.memref_slice %arg6[%dma_wait3A_290, %dma_wait3A_291, %dma_wait3A_292] : memref<8x128x16xf32, #tpu.memory_space<vmem>> -> memref<1x128x16xf32, #tpu.memory_space<vmem>>
      %dma_wait3A_294 = tpu.memref_squeeze %dma_wait3A_293 : memref<1x128x16xf32, #tpu.memory_space<vmem>> -> memref<128x16xf32, #tpu.memory_space<vmem>>
      %dma_wait3A_295 = arith.constant 0 : i32
      %dma_wait3A_296 = tpu.memref_slice %arg5[%add3A_92, %dma_wait3A_295] : memref<104x128xi32, #tpu.memory_space<vmem>> -> memref<1x128xi32, #tpu.memory_space<vmem>>
      %dma_wait3A_297 = tpu.memref_squeeze %dma_wait3A_296 : memref<1x128xi32, #tpu.memory_space<vmem>> -> memref<128xi32, #tpu.memory_space<vmem>>
      %dma_wait3A_298 = arith.constant 0 : i32
      %dma_wait3A_299 = arith.constant 0 : i32
      %dma_wait3A_300 = tpu.memref_slice %arg3[%dma_wait3A_298, %dma_wait3A_299] : memref<2600832x16xf32, #tpu.memory_space<hbm>> -> memref<2600832x16xf32, #tpu.memory_space<hbm>>
      tpu.wait_indirect_dma semaphore(%arg7 : memref<!tpu.dma_semaphore, #tpu.memory_space<semaphore_mem>>) src(%dma_wait3A_300 : memref<2600832x16xf32, #tpu.memory_space<hbm>>) dst(%dma_wait3A_294 : memref<128x16xf32, #tpu.memory_space<vmem>>)
      %add3A_301 = arith.addi %mul3A_2, %mul3A_13 : i32
      %add3A_302 = arith.constant 6 : i32
      %add3A_303 = arith.addi %add3A_301, %add3A_302 : i32
      %mul3A_304 = arith.constant 128 : i32
      %mul3A_305 = arith.muli %add3A_303, %mul3A_304 : i32
      %dma_start3A_306 = arith.constant 6 : i32
      %dma_start3A_307 = arith.constant 0 : i32
      %dma_start3A_308 = arith.constant 0 : i32
      %dma_start3A_309 = tpu.memref_slice %arg6[%dma_start3A_306, %dma_start3A_307, %dma_start3A_308] : memref<8x128x16xf32, #tpu.memory_space<vmem>> -> memref<1x128x16xf32, #tpu.memory_space<vmem>>
      %dma_start3A_310 = tpu.memref_squeeze %dma_start3A_309 : memref<1x128x16xf32, #tpu.memory_space<vmem>> -> memref<128x16xf32, #tpu.memory_space<vmem>>
      %dma_start3A_311 = arith.constant 0 : i32
      %dma_start3A_312 = tpu.memref_slice %arg4[%mul3A_305, %dma_start3A_311] : memref<425984x16xf32, #tpu.memory_space<hbm>> -> memref<128x16xf32, #tpu.memory_space<hbm>>
      %dma_start3A_313 = arith.constant 0 : i32
      %dma_start3A_314 = tpu.memref_slice %arg4[%mul3A_305, %dma_start3A_313] : memref<425984x16xf32, #tpu.memory_space<hbm>> -> memref<128x16xf32, #tpu.memory_space<hbm>>
      %dma_start3A_315 = arith.constant 0 : i32
      %dma_start3A_316 = arith.constant 0 : i32
      %dma_start3A_317 = tpu.memref_slice %arg6[%dma_start3A_306, %dma_start3A_315, %dma_start3A_316] : memref<8x128x16xf32, #tpu.memory_space<vmem>> -> memref<1x128x16xf32, #tpu.memory_space<vmem>>
      %dma_start3A_318 = tpu.memref_squeeze %dma_start3A_317 : memref<1x128x16xf32, #tpu.memory_space<vmem>> -> memref<128x16xf32, #tpu.memory_space<vmem>>
      tpu.enqueue_dma source(%dma_start3A_318 : memref<128x16xf32, #tpu.memory_space<vmem>>) target(%dma_start3A_314 : memref<128x16xf32, #tpu.memory_space<hbm>>) target_semaphore(%arg8 : memref<!tpu.dma_semaphore, #tpu.memory_space<semaphore_mem>>)
      %dma_wait3A_319 = arith.constant 7 : i32
      %dma_wait3A_320 = arith.constant 0 : i32
      %dma_wait3A_321 = arith.constant 0 : i32
      %dma_wait3A_322 = tpu.memref_slice %arg6[%dma_wait3A_319, %dma_wait3A_320, %dma_wait3A_321] : memref<8x128x16xf32, #tpu.memory_space<vmem>> -> memref<1x128x16xf32, #tpu.memory_space<vmem>>
      %dma_wait3A_323 = tpu.memref_squeeze %dma_wait3A_322 : memref<1x128x16xf32, #tpu.memory_space<vmem>> -> memref<128x16xf32, #tpu.memory_space<vmem>>
      %dma_wait3A_324 = arith.constant 0 : i32
      %dma_wait3A_325 = tpu.memref_slice %arg5[%add3A_105, %dma_wait3A_324] : memref<104x128xi32, #tpu.memory_space<vmem>> -> memref<1x128xi32, #tpu.memory_space<vmem>>
      %dma_wait3A_326 = tpu.memref_squeeze %dma_wait3A_325 : memref<1x128xi32, #tpu.memory_space<vmem>> -> memref<128xi32, #tpu.memory_space<vmem>>
      %dma_wait3A_327 = arith.constant 0 : i32
      %dma_wait3A_328 = arith.constant 0 : i32
      %dma_wait3A_329 = tpu.memref_slice %arg3[%dma_wait3A_327, %dma_wait3A_328] : memref<2600832x16xf32, #tpu.memory_space<hbm>> -> memref<2600832x16xf32, #tpu.memory_space<hbm>>
      tpu.wait_indirect_dma semaphore(%arg7 : memref<!tpu.dma_semaphore, #tpu.memory_space<semaphore_mem>>) src(%dma_wait3A_329 : memref<2600832x16xf32, #tpu.memory_space<hbm>>) dst(%dma_wait3A_323 : memref<128x16xf32, #tpu.memory_space<vmem>>)
      %add3A_330 = arith.addi %mul3A_2, %mul3A_13 : i32
      %add3A_331 = arith.constant 7 : i32
      %add3A_332 = arith.addi %add3A_330, %add3A_331 : i32
      %mul3A_333 = arith.constant 128 : i32
      %mul3A_334 = arith.muli %add3A_332, %mul3A_333 : i32
      %dma_start3A_335 = arith.constant 7 : i32
      %dma_start3A_336 = arith.constant 0 : i32
      %dma_start3A_337 = arith.constant 0 : i32
      %dma_start3A_338 = tpu.memref_slice %arg6[%dma_start3A_335, %dma_start3A_336, %dma_start3A_337] : memref<8x128x16xf32, #tpu.memory_space<vmem>> -> memref<1x128x16xf32, #tpu.memory_space<vmem>>
      %dma_start3A_339 = tpu.memref_squeeze %dma_start3A_338 : memref<1x128x16xf32, #tpu.memory_space<vmem>> -> memref<128x16xf32, #tpu.memory_space<vmem>>
      %dma_start3A_340 = arith.constant 0 : i32
      %dma_start3A_341 = tpu.memref_slice %arg4[%mul3A_334, %dma_start3A_340] : memref<425984x16xf32, #tpu.memory_space<hbm>> -> memref<128x16xf32, #tpu.memory_space<hbm>>
      %dma_start3A_342 = arith.constant 0 : i32
      %dma_start3A_343 = tpu.memref_slice %arg4[%mul3A_334, %dma_start3A_342] : memref<425984x16xf32, #tpu.memory_space<hbm>> -> memref<128x16xf32, #tpu.memory_space<hbm>>
      %dma_start3A_344 = arith.constant 0 : i32
      %dma_start3A_345 = arith.constant 0 : i32
      %dma_start3A_346 = tpu.memref_slice %arg6[%dma_start3A_335, %dma_start3A_344, %dma_start3A_345] : memref<8x128x16xf32, #tpu.memory_space<vmem>> -> memref<1x128x16xf32, #tpu.memory_space<vmem>>
      %dma_start3A_347 = tpu.memref_squeeze %dma_start3A_346 : memref<1x128x16xf32, #tpu.memory_space<vmem>> -> memref<128x16xf32, #tpu.memory_space<vmem>>
      tpu.enqueue_dma source(%dma_start3A_347 : memref<128x16xf32, #tpu.memory_space<vmem>>) target(%dma_start3A_343 : memref<128x16xf32, #tpu.memory_space<hbm>>) target_semaphore(%arg8 : memref<!tpu.dma_semaphore, #tpu.memory_space<semaphore_mem>>)
      %dma_wait3A_348 = arith.constant 0 : i32
      %dma_wait3A_349 = arith.constant 0 : i32
      %dma_wait3A_350 = arith.constant 0 : i32
      %dma_wait3A_351 = tpu.memref_slice %arg6[%dma_wait3A_348, %dma_wait3A_349, %dma_wait3A_350] : memref<8x128x16xf32, #tpu.memory_space<vmem>> -> memref<1x128x16xf32, #tpu.memory_space<vmem>>
      %dma_wait3A_352 = tpu.memref_squeeze %dma_wait3A_351 : memref<1x128x16xf32, #tpu.memory_space<vmem>> -> memref<128x16xf32, #tpu.memory_space<vmem>>
      %dma_wait3A_353 = arith.constant 0 : i32
      %dma_wait3A_354 = tpu.memref_slice %arg4[%mul3A_131, %dma_wait3A_353] : memref<425984x16xf32, #tpu.memory_space<hbm>> -> memref<128x16xf32, #tpu.memory_space<hbm>>
      %dma_wait3A_355 = arith.constant 0 : i32
      %dma_wait3A_356 = tpu.memref_slice %arg4[%mul3A_131, %dma_wait3A_355] : memref<425984x16xf32, #tpu.memory_space<hbm>> -> memref<128x16xf32, #tpu.memory_space<hbm>>
      %dma_wait3A_357 = arith.constant 0 : i32
      %dma_wait3A_358 = arith.constant 0 : i32
      %dma_wait3A_359 = tpu.memref_slice %arg6[%dma_wait3A_348, %dma_wait3A_357, %dma_wait3A_358] : memref<8x128x16xf32, #tpu.memory_space<vmem>> -> memref<1x128x16xf32, #tpu.memory_space<vmem>>
      %dma_wait3A_360 = tpu.memref_squeeze %dma_wait3A_359 : memref<1x128x16xf32, #tpu.memory_space<vmem>> -> memref<128x16xf32, #tpu.memory_space<vmem>>
      tpu.wait_dma2 semaphore(%arg8 : memref<!tpu.dma_semaphore, #tpu.memory_space<semaphore_mem>>) src(%dma_wait3A_360 : memref<128x16xf32, #tpu.memory_space<vmem>>) dst(%dma_wait3A_356 : memref<128x16xf32, #tpu.memory_space<hbm>>)
      %dma_wait3A_361 = arith.constant 1 : i32
      %dma_wait3A_362 = arith.constant 0 : i32
      %dma_wait3A_363 = arith.constant 0 : i32
      %dma_wait3A_364 = tpu.memref_slice %arg6[%dma_wait3A_361, %dma_wait3A_362, %dma_wait3A_363] : memref<8x128x16xf32, #tpu.memory_space<vmem>> -> memref<1x128x16xf32, #tpu.memory_space<vmem>>
      %dma_wait3A_365 = tpu.memref_squeeze %dma_wait3A_364 : memref<1x128x16xf32, #tpu.memory_space<vmem>> -> memref<128x16xf32, #tpu.memory_space<vmem>>
      %dma_wait3A_366 = arith.constant 0 : i32
      %dma_wait3A_367 = tpu.memref_slice %arg4[%mul3A_160, %dma_wait3A_366] : memref<425984x16xf32, #tpu.memory_space<hbm>> -> memref<128x16xf32, #tpu.memory_space<hbm>>
      %dma_wait3A_368 = arith.constant 0 : i32
      %dma_wait3A_369 = tpu.memref_slice %arg4[%mul3A_160, %dma_wait3A_368] : memref<425984x16xf32, #tpu.memory_space<hbm>> -> memref<128x16xf32, #tpu.memory_space<hbm>>
      %dma_wait3A_370 = arith.constant 0 : i32
      %dma_wait3A_371 = arith.constant 0 : i32
      %dma_wait3A_372 = tpu.memref_slice %arg6[%dma_wait3A_361, %dma_wait3A_370, %dma_wait3A_371] : memref<8x128x16xf32, #tpu.memory_space<vmem>> -> memref<1x128x16xf32, #tpu.memory_space<vmem>>
      %dma_wait3A_373 = tpu.memref_squeeze %dma_wait3A_372 : memref<1x128x16xf32, #tpu.memory_space<vmem>> -> memref<128x16xf32, #tpu.memory_space<vmem>>
      tpu.wait_dma2 semaphore(%arg8 : memref<!tpu.dma_semaphore, #tpu.memory_space<semaphore_mem>>) src(%dma_wait3A_373 : memref<128x16xf32, #tpu.memory_space<vmem>>) dst(%dma_wait3A_369 : memref<128x16xf32, #tpu.memory_space<hbm>>)
      %dma_wait3A_374 = arith.constant 2 : i32
      %dma_wait3A_375 = arith.constant 0 : i32
      %dma_wait3A_376 = arith.constant 0 : i32
      %dma_wait3A_377 = tpu.memref_slice %arg6[%dma_wait3A_374, %dma_wait3A_375, %dma_wait3A_376] : memref<8x128x16xf32, #tpu.memory_space<vmem>> -> memref<1x128x16xf32, #tpu.memory_space<vmem>>
      %dma_wait3A_378 = tpu.memref_squeeze %dma_wait3A_377 : memref<1x128x16xf32, #tpu.memory_space<vmem>> -> memref<128x16xf32, #tpu.memory_space<vmem>>
      %dma_wait3A_379 = arith.constant 0 : i32
      %dma_wait3A_380 = tpu.memref_slice %arg4[%mul3A_189, %dma_wait3A_379] : memref<425984x16xf32, #tpu.memory_space<hbm>> -> memref<128x16xf32, #tpu.memory_space<hbm>>
      %dma_wait3A_381 = arith.constant 0 : i32
      %dma_wait3A_382 = tpu.memref_slice %arg4[%mul3A_189, %dma_wait3A_381] : memref<425984x16xf32, #tpu.memory_space<hbm>> -> memref<128x16xf32, #tpu.memory_space<hbm>>
      %dma_wait3A_383 = arith.constant 0 : i32
      %dma_wait3A_384 = arith.constant 0 : i32
      %dma_wait3A_385 = tpu.memref_slice %arg6[%dma_wait3A_374, %dma_wait3A_383, %dma_wait3A_384] : memref<8x128x16xf32, #tpu.memory_space<vmem>> -> memref<1x128x16xf32, #tpu.memory_space<vmem>>
      %dma_wait3A_386 = tpu.memref_squeeze %dma_wait3A_385 : memref<1x128x16xf32, #tpu.memory_space<vmem>> -> memref<128x16xf32, #tpu.memory_space<vmem>>
      tpu.wait_dma2 semaphore(%arg8 : memref<!tpu.dma_semaphore, #tpu.memory_space<semaphore_mem>>) src(%dma_wait3A_386 : memref<128x16xf32, #tpu.memory_space<vmem>>) dst(%dma_wait3A_382 : memref<128x16xf32, #tpu.memory_space<hbm>>)
      %dma_wait3A_387 = arith.constant 3 : i32
      %dma_wait3A_388 = arith.constant 0 : i32
      %dma_wait3A_389 = arith.constant 0 : i32
      %dma_wait3A_390 = tpu.memref_slice %arg6[%dma_wait3A_387, %dma_wait3A_388, %dma_wait3A_389] : memref<8x128x16xf32, #tpu.memory_space<vmem>> -> memref<1x128x16xf32, #tpu.memory_space<vmem>>
      %dma_wait3A_391 = tpu.memref_squeeze %dma_wait3A_390 : memref<1x128x16xf32, #tpu.memory_space<vmem>> -> memref<128x16xf32, #tpu.memory_space<vmem>>
      %dma_wait3A_392 = arith.constant 0 : i32
      %dma_wait3A_393 = tpu.memref_slice %arg4[%mul3A_218, %dma_wait3A_392] : memref<425984x16xf32, #tpu.memory_space<hbm>> -> memref<128x16xf32, #tpu.memory_space<hbm>>
      %dma_wait3A_394 = arith.constant 0 : i32
      %dma_wait3A_395 = tpu.memref_slice %arg4[%mul3A_218, %dma_wait3A_394] : memref<425984x16xf32, #tpu.memory_space<hbm>> -> memref<128x16xf32, #tpu.memory_space<hbm>>
      %dma_wait3A_396 = arith.constant 0 : i32
      %dma_wait3A_397 = arith.constant 0 : i32
      %dma_wait3A_398 = tpu.memref_slice %arg6[%dma_wait3A_387, %dma_wait3A_396, %dma_wait3A_397] : memref<8x128x16xf32, #tpu.memory_space<vmem>> -> memref<1x128x16xf32, #tpu.memory_space<vmem>>
      %dma_wait3A_399 = tpu.memref_squeeze %dma_wait3A_398 : memref<1x128x16xf32, #tpu.memory_space<vmem>> -> memref<128x16xf32, #tpu.memory_space<vmem>>
      tpu.wait_dma2 semaphore(%arg8 : memref<!tpu.dma_semaphore, #tpu.memory_space<semaphore_mem>>) src(%dma_wait3A_399 : memref<128x16xf32, #tpu.memory_space<vmem>>) dst(%dma_wait3A_395 : memref<128x16xf32, #tpu.memory_space<hbm>>)
      %dma_wait3A_400 = arith.constant 4 : i32
      %dma_wait3A_401 = arith.constant 0 : i32
      %dma_wait3A_402 = arith.constant 0 : i32
      %dma_wait3A_403 = tpu.memref_slice %arg6[%dma_wait3A_400, %dma_wait3A_401, %dma_wait3A_402] : memref<8x128x16xf32, #tpu.memory_space<vmem>> -> memref<1x128x16xf32, #tpu.memory_space<vmem>>
      %dma_wait3A_404 = tpu.memref_squeeze %dma_wait3A_403 : memref<1x128x16xf32, #tpu.memory_space<vmem>> -> memref<128x16xf32, #tpu.memory_space<vmem>>
      %dma_wait3A_405 = arith.constant 0 : i32
      %dma_wait3A_406 = tpu.memref_slice %arg4[%mul3A_247, %dma_wait3A_405] : memref<425984x16xf32, #tpu.memory_space<hbm>> -> memref<128x16xf32, #tpu.memory_space<hbm>>
      %dma_wait3A_407 = arith.constant 0 : i32
      %dma_wait3A_408 = tpu.memref_slice %arg4[%mul3A_247, %dma_wait3A_407] : memref<425984x16xf32, #tpu.memory_space<hbm>> -> memref<128x16xf32, #tpu.memory_space<hbm>>
      %dma_wait3A_409 = arith.constant 0 : i32
      %dma_wait3A_410 = arith.constant 0 : i32
      %dma_wait3A_411 = tpu.memref_slice %arg6[%dma_wait3A_400, %dma_wait3A_409, %dma_wait3A_410] : memref<8x128x16xf32, #tpu.memory_space<vmem>> -> memref<1x128x16xf32, #tpu.memory_space<vmem>>
      %dma_wait3A_412 = tpu.memref_squeeze %dma_wait3A_411 : memref<1x128x16xf32, #tpu.memory_space<vmem>> -> memref<128x16xf32, #tpu.memory_space<vmem>>
      tpu.wait_dma2 semaphore(%arg8 : memref<!tpu.dma_semaphore, #tpu.memory_space<semaphore_mem>>) src(%dma_wait3A_412 : memref<128x16xf32, #tpu.memory_space<vmem>>) dst(%dma_wait3A_408 : memref<128x16xf32, #tpu.memory_space<hbm>>)
      %dma_wait3A_413 = arith.constant 5 : i32
      %dma_wait3A_414 = arith.constant 0 : i32
      %dma_wait3A_415 = arith.constant 0 : i32
      %dma_wait3A_416 = tpu.memref_slice %arg6[%dma_wait3A_413, %dma_wait3A_414, %dma_wait3A_415] : memref<8x128x16xf32, #tpu.memory_space<vmem>> -> memref<1x128x16xf32, #tpu.memory_space<vmem>>
      %dma_wait3A_417 = tpu.memref_squeeze %dma_wait3A_416 : memref<1x128x16xf32, #tpu.memory_space<vmem>> -> memref<128x16xf32, #tpu.memory_space<vmem>>
      %dma_wait3A_418 = arith.constant 0 : i32
      %dma_wait3A_419 = tpu.memref_slice %arg4[%mul3A_276, %dma_wait3A_418] : memref<425984x16xf32, #tpu.memory_space<hbm>> -> memref<128x16xf32, #tpu.memory_space<hbm>>
      %dma_wait3A_420 = arith.constant 0 : i32
      %dma_wait3A_421 = tpu.memref_slice %arg4[%mul3A_276, %dma_wait3A_420] : memref<425984x16xf32, #tpu.memory_space<hbm>> -> memref<128x16xf32, #tpu.memory_space<hbm>>
      %dma_wait3A_422 = arith.constant 0 : i32
      %dma_wait3A_423 = arith.constant 0 : i32
      %dma_wait3A_424 = tpu.memref_slice %arg6[%dma_wait3A_413, %dma_wait3A_422, %dma_wait3A_423] : memref<8x128x16xf32, #tpu.memory_space<vmem>> -> memref<1x128x16xf32, #tpu.memory_space<vmem>>
      %dma_wait3A_425 = tpu.memref_squeeze %dma_wait3A_424 : memref<1x128x16xf32, #tpu.memory_space<vmem>> -> memref<128x16xf32, #tpu.memory_space<vmem>>
      tpu.wait_dma2 semaphore(%arg8 : memref<!tpu.dma_semaphore, #tpu.memory_space<semaphore_mem>>) src(%dma_wait3A_425 : memref<128x16xf32, #tpu.memory_space<vmem>>) dst(%dma_wait3A_421 : memref<128x16xf32, #tpu.memory_space<hbm>>)
      %dma_wait3A_426 = arith.constant 6 : i32
      %dma_wait3A_427 = arith.constant 0 : i32
      %dma_wait3A_428 = arith.constant 0 : i32
      %dma_wait3A_429 = tpu.memref_slice %arg6[%dma_wait3A_426, %dma_wait3A_427, %dma_wait3A_428] : memref<8x128x16xf32, #tpu.memory_space<vmem>> -> memref<1x128x16xf32, #tpu.memory_space<vmem>>
      %dma_wait3A_430 = tpu.memref_squeeze %dma_wait3A_429 : memref<1x128x16xf32, #tpu.memory_space<vmem>> -> memref<128x16xf32, #tpu.memory_space<vmem>>
      %dma_wait3A_431 = arith.constant 0 : i32
      %dma_wait3A_432 = tpu.memref_slice %arg4[%mul3A_305, %dma_wait3A_431] : memref<425984x16xf32, #tpu.memory_space<hbm>> -> memref<128x16xf32, #tpu.memory_space<hbm>>
      %dma_wait3A_433 = arith.constant 0 : i32
      %dma_wait3A_434 = tpu.memref_slice %arg4[%mul3A_305, %dma_wait3A_433] : memref<425984x16xf32, #tpu.memory_space<hbm>> -> memref<128x16xf32, #tpu.memory_space<hbm>>
      %dma_wait3A_435 = arith.constant 0 : i32
      %dma_wait3A_436 = arith.constant 0 : i32
      %dma_wait3A_437 = tpu.memref_slice %arg6[%dma_wait3A_426, %dma_wait3A_435, %dma_wait3A_436] : memref<8x128x16xf32, #tpu.memory_space<vmem>> -> memref<1x128x16xf32, #tpu.memory_space<vmem>>
      %dma_wait3A_438 = tpu.memref_squeeze %dma_wait3A_437 : memref<1x128x16xf32, #tpu.memory_space<vmem>> -> memref<128x16xf32, #tpu.memory_space<vmem>>
      tpu.wait_dma2 semaphore(%arg8 : memref<!tpu.dma_semaphore, #tpu.memory_space<semaphore_mem>>) src(%dma_wait3A_438 : memref<128x16xf32, #tpu.memory_space<vmem>>) dst(%dma_wait3A_434 : memref<128x16xf32, #tpu.memory_space<hbm>>)
      %dma_wait3A_439 = arith.constant 7 : i32
      %dma_wait3A_440 = arith.constant 0 : i32
      %dma_wait3A_441 = arith.constant 0 : i32
      %dma_wait3A_442 = tpu.memref_slice %arg6[%dma_wait3A_439, %dma_wait3A_440, %dma_wait3A_441] : memref<8x128x16xf32, #tpu.memory_space<vmem>> -> memref<1x128x16xf32, #tpu.memory_space<vmem>>
      %dma_wait3A_443 = tpu.memref_squeeze %dma_wait3A_442 : memref<1x128x16xf32, #tpu.memory_space<vmem>> -> memref<128x16xf32, #tpu.memory_space<vmem>>
      %dma_wait3A_444 = arith.constant 0 : i32
      %dma_wait3A_445 = tpu.memref_slice %arg4[%mul3A_334, %dma_wait3A_444] : memref<425984x16xf32, #tpu.memory_space<hbm>> -> memref<128x16xf32, #tpu.memory_space<hbm>>
      %dma_wait3A_446 = arith.constant 0 : i32
      %dma_wait3A_447 = tpu.memref_slice %arg4[%mul3A_334, %dma_wait3A_446] : memref<425984x16xf32, #tpu.memory_space<hbm>> -> memref<128x16xf32, #tpu.memory_space<hbm>>
      %dma_wait3A_448 = arith.constant 0 : i32
      %dma_wait3A_449 = arith.constant 0 : i32
      %dma_wait3A_450 = tpu.memref_slice %arg6[%dma_wait3A_439, %dma_wait3A_448, %dma_wait3A_449] : memref<8x128x16xf32, #tpu.memory_space<vmem>> -> memref<1x128x16xf32, #tpu.memory_space<vmem>>
      %dma_wait3A_451 = tpu.memref_squeeze %dma_wait3A_450 : memref<1x128x16xf32, #tpu.memory_space<vmem>> -> memref<128x16xf32, #tpu.memory_space<vmem>>
      tpu.wait_dma2 semaphore(%arg8 : memref<!tpu.dma_semaphore, #tpu.memory_space<semaphore_mem>>) src(%dma_wait3A_451 : memref<128x16xf32, #tpu.memory_space<vmem>>) dst(%dma_wait3A_447 : memref<128x16xf32, #tpu.memory_space<hbm>>)
    }
    %scan3A_6 = arith.constant 13 : i32
    return
  }
}

module attributes {stable_mosaic.version = 14 : i64} {
  func.func @_detile_body(%arg0: i32, %arg1: memref<16x100000xf32, #tpu.memory_space<vmem>>, %arg2: memref<8x16x128xf32, #tpu.memory_space<vmem>>, %arg3: memref<1x12504x128xf32, #tpu.memory_space<vmem>>) attributes {dimension_semantics = [#tpu.dimension_semantics<arbitrary>], iteration_bounds = array<i64: 26>, scalar_prefetch = 0 : i64, scratch_operands = 0 : i64, tpu.core_type = #tpu.core_type<tc>, window_params = [{transform_indices = @transform_0, window_bounds = array<i64: 16, 100000>}, {pipeline_mode = #tpu.pipeline_mode<synchronous>, transform_indices = @transform_1, window_bounds = array<i64: 8, 16, 128>}, {transform_indices = @transform_2, window_bounds = array<i64: 1, 12504, 128>}]} {
    %get3A = arith.constant 0 : index
    %get3A_0 = arith.constant 0 : index
    %get3A_1 = vector.load %arg1[%get3A, %get3A_0] : memref<16x100000xf32, #tpu.memory_space<vmem>>, vector<16x4096xf32>
    %iota3A = tpu.iota {dimensions = array<i32: 0>} : vector<16x16xi32>
    %iota3A_2 = tpu.iota {dimensions = array<i32: 1>} : vector<16x16xi32>
    %add3A = arith.constant 0 : i32
    %add3A_3 = vector.broadcast %add3A : i32 to vector<16x16xi32>
    %add3A_4 = arith.addi %iota3A, %add3A_3 : vector<16x16xi32>
    %eq3A = arith.cmpi eq, %add3A_4, %iota3A_2 : vector<16x16xi32>
    %convert_element_type3A = arith.extui %eq3A : vector<16x16xi1> to vector<16x16xi32>
    %convert_element_type3A_5 = arith.sitofp %convert_element_type3A : vector<16x16xi32> to vector<16x16xf32>
    %dot_general3A = arith.constant dense<0.000000e+00> : vector<4096x16xf32>
    %dot_general3A_6 = tpu.matmul %get3A_1, %convert_element_type3A_5, %dot_general3A {dimension_numbers = #tpu.dot_dimension_numbers<[0], [0], [1], [1], [0, 1, 1, 1], [], []>, transpose_lhs_hint = false} : vector<16x4096xf32>, vector<16x16xf32>, vector<4096x16xf32> -> vector<4096x16xf32>
    %reshape3A = vector.shape_cast %dot_general3A_6 : vector<4096x16xf32> to vector<512x8x16xf32>
    %slice3A = vector.extract_strided_slice %reshape3A {offsets = [0, 0, 0], sizes = [512, 1, 16], strides = [1, 1, 1]} : vector<512x8x16xf32> to vector<512x1x16xf32>
    %squeeze3A = vector.shape_cast %slice3A : vector<512x1x16xf32> to vector<512x16xf32>
    %get3A_7 = arith.constant 0 : index
    %get3A_8 = arith.constant 0 : index
    %get3A_9 = arith.constant 0 : index
    %get3A_10 = vector.load %arg2[%get3A_7, %get3A_8, %get3A_9] : memref<8x16x128xf32, #tpu.memory_space<vmem>>, vector<1x16x128xf32>
    %get3A_11 = vector.shape_cast %get3A_10 : vector<1x16x128xf32> to vector<16x128xf32>
    %dot_general3A_12 = arith.constant dense<0.000000e+00> : vector<512x128xf32>
    %dot_general3A_13 = tpu.matmul %squeeze3A, %get3A_11, %dot_general3A_12 {dimension_numbers = #tpu.dot_dimension_numbers<[1], [0], [0], [1], [0, 0, 1, 1], [], []>, transpose_lhs_hint = false} : vector<512x16xf32>, vector<16x128xf32>, vector<512x128xf32> -> vector<512x128xf32>
    %slice3A_14 = vector.extract_strided_slice %reshape3A {offsets = [0, 1, 0], sizes = [512, 1, 16], strides = [1, 1, 1]} : vector<512x8x16xf32> to vector<512x1x16xf32>
    %squeeze3A_15 = vector.shape_cast %slice3A_14 : vector<512x1x16xf32> to vector<512x16xf32>
    %get3A_16 = arith.constant 1 : index
    %get3A_17 = arith.constant 0 : index
    %get3A_18 = arith.constant 0 : index
    %get3A_19 = vector.load %arg2[%get3A_16, %get3A_17, %get3A_18] : memref<8x16x128xf32, #tpu.memory_space<vmem>>, vector<1x16x128xf32>
    %get3A_20 = vector.shape_cast %get3A_19 : vector<1x16x128xf32> to vector<16x128xf32>
    %dot_general3A_21 = arith.constant dense<0.000000e+00> : vector<512x128xf32>
    %dot_general3A_22 = tpu.matmul %squeeze3A_15, %get3A_20, %dot_general3A_21 {dimension_numbers = #tpu.dot_dimension_numbers<[1], [0], [0], [1], [0, 0, 1, 1], [], []>, transpose_lhs_hint = false} : vector<512x16xf32>, vector<16x128xf32>, vector<512x128xf32> -> vector<512x128xf32>
    %add3A_23 = arith.addf %dot_general3A_13, %dot_general3A_22 : vector<512x128xf32>
    %slice3A_24 = vector.extract_strided_slice %reshape3A {offsets = [0, 2, 0], sizes = [512, 1, 16], strides = [1, 1, 1]} : vector<512x8x16xf32> to vector<512x1x16xf32>
    %squeeze3A_25 = vector.shape_cast %slice3A_24 : vector<512x1x16xf32> to vector<512x16xf32>
    %get3A_26 = arith.constant 2 : index
    %get3A_27 = arith.constant 0 : index
    %get3A_28 = arith.constant 0 : index
    %get3A_29 = vector.load %arg2[%get3A_26, %get3A_27, %get3A_28] : memref<8x16x128xf32, #tpu.memory_space<vmem>>, vector<1x16x128xf32>
    %get3A_30 = vector.shape_cast %get3A_29 : vector<1x16x128xf32> to vector<16x128xf32>
    %dot_general3A_31 = arith.constant dense<0.000000e+00> : vector<512x128xf32>
    %dot_general3A_32 = tpu.matmul %squeeze3A_25, %get3A_30, %dot_general3A_31 {dimension_numbers = #tpu.dot_dimension_numbers<[1], [0], [0], [1], [0, 0, 1, 1], [], []>, transpose_lhs_hint = false} : vector<512x16xf32>, vector<16x128xf32>, vector<512x128xf32> -> vector<512x128xf32>
    %add3A_33 = arith.addf %add3A_23, %dot_general3A_32 : vector<512x128xf32>
    %slice3A_34 = vector.extract_strided_slice %reshape3A {offsets = [0, 3, 0], sizes = [512, 1, 16], strides = [1, 1, 1]} : vector<512x8x16xf32> to vector<512x1x16xf32>
    %squeeze3A_35 = vector.shape_cast %slice3A_34 : vector<512x1x16xf32> to vector<512x16xf32>
    %get3A_36 = arith.constant 3 : index
    %get3A_37 = arith.constant 0 : index
    %get3A_38 = arith.constant 0 : index
    %get3A_39 = vector.load %arg2[%get3A_36, %get3A_37, %get3A_38] : memref<8x16x128xf32, #tpu.memory_space<vmem>>, vector<1x16x128xf32>
    %get3A_40 = vector.shape_cast %get3A_39 : vector<1x16x128xf32> to vector<16x128xf32>
    %dot_general3A_41 = arith.constant dense<0.000000e+00> : vector<512x128xf32>
    %dot_general3A_42 = tpu.matmul %squeeze3A_35, %get3A_40, %dot_general3A_41 {dimension_numbers = #tpu.dot_dimension_numbers<[1], [0], [0], [1], [0, 0, 1, 1], [], []>, transpose_lhs_hint = false} : vector<512x16xf32>, vector<16x128xf32>, vector<512x128xf32> -> vector<512x128xf32>
    %add3A_43 = arith.addf %add3A_33, %dot_general3A_42 : vector<512x128xf32>
    %slice3A_44 = vector.extract_strided_slice %reshape3A {offsets = [0, 4, 0], sizes = [512, 1, 16], strides = [1, 1, 1]} : vector<512x8x16xf32> to vector<512x1x16xf32>
    %squeeze3A_45 = vector.shape_cast %slice3A_44 : vector<512x1x16xf32> to vector<512x16xf32>
    %get3A_46 = arith.constant 4 : index
    %get3A_47 = arith.constant 0 : index
    %get3A_48 = arith.constant 0 : index
    %get3A_49 = vector.load %arg2[%get3A_46, %get3A_47, %get3A_48] : memref<8x16x128xf32, #tpu.memory_space<vmem>>, vector<1x16x128xf32>
    %get3A_50 = vector.shape_cast %get3A_49 : vector<1x16x128xf32> to vector<16x128xf32>
    %dot_general3A_51 = arith.constant dense<0.000000e+00> : vector<512x128xf32>
    %dot_general3A_52 = tpu.matmul %squeeze3A_45, %get3A_50, %dot_general3A_51 {dimension_numbers = #tpu.dot_dimension_numbers<[1], [0], [0], [1], [0, 0, 1, 1], [], []>, transpose_lhs_hint = false} : vector<512x16xf32>, vector<16x128xf32>, vector<512x128xf32> -> vector<512x128xf32>
    %add3A_53 = arith.addf %add3A_43, %dot_general3A_52 : vector<512x128xf32>
    %slice3A_54 = vector.extract_strided_slice %reshape3A {offsets = [0, 5, 0], sizes = [512, 1, 16], strides = [1, 1, 1]} : vector<512x8x16xf32> to vector<512x1x16xf32>
    %squeeze3A_55 = vector.shape_cast %slice3A_54 : vector<512x1x16xf32> to vector<512x16xf32>
    %get3A_56 = arith.constant 5 : index
    %get3A_57 = arith.constant 0 : index
    %get3A_58 = arith.constant 0 : index
    %get3A_59 = vector.load %arg2[%get3A_56, %get3A_57, %get3A_58] : memref<8x16x128xf32, #tpu.memory_space<vmem>>, vector<1x16x128xf32>
    %get3A_60 = vector.shape_cast %get3A_59 : vector<1x16x128xf32> to vector<16x128xf32>
    %dot_general3A_61 = arith.constant dense<0.000000e+00> : vector<512x128xf32>
    %dot_general3A_62 = tpu.matmul %squeeze3A_55, %get3A_60, %dot_general3A_61 {dimension_numbers = #tpu.dot_dimension_numbers<[1], [0], [0], [1], [0, 0, 1, 1], [], []>, transpose_lhs_hint = false} : vector<512x16xf32>, vector<16x128xf32>, vector<512x128xf32> -> vector<512x128xf32>
    %add3A_63 = arith.addf %add3A_53, %dot_general3A_62 : vector<512x128xf32>
    %slice3A_64 = vector.extract_strided_slice %reshape3A {offsets = [0, 6, 0], sizes = [512, 1, 16], strides = [1, 1, 1]} : vector<512x8x16xf32> to vector<512x1x16xf32>
    %squeeze3A_65 = vector.shape_cast %slice3A_64 : vector<512x1x16xf32> to vector<512x16xf32>
    %get3A_66 = arith.constant 6 : index
    %get3A_67 = arith.constant 0 : index
    %get3A_68 = arith.constant 0 : index
    %get3A_69 = vector.load %arg2[%get3A_66, %get3A_67, %get3A_68] : memref<8x16x128xf32, #tpu.memory_space<vmem>>, vector<1x16x128xf32>
    %get3A_70 = vector.shape_cast %get3A_69 : vector<1x16x128xf32> to vector<16x128xf32>
    %dot_general3A_71 = arith.constant dense<0.000000e+00> : vector<512x128xf32>
    %dot_general3A_72 = tpu.matmul %squeeze3A_65, %get3A_70, %dot_general3A_71 {dimension_numbers = #tpu.dot_dimension_numbers<[1], [0], [0], [1], [0, 0, 1, 1], [], []>, transpose_lhs_hint = false} : vector<512x16xf32>, vector<16x128xf32>, vector<512x128xf32> -> vector<512x128xf32>
    %add3A_73 = arith.addf %add3A_63, %dot_general3A_72 : vector<512x128xf32>
    %slice3A_74 = vector.extract_strided_slice %reshape3A {offsets = [0, 7, 0], sizes = [512, 1, 16], strides = [1, 1, 1]} : vector<512x8x16xf32> to vector<512x1x16xf32>
    %squeeze3A_75 = vector.shape_cast %slice3A_74 : vector<512x1x16xf32> to vector<512x16xf32>
    %get3A_76 = arith.constant 7 : index
    %get3A_77 = arith.constant 0 : index
    %get3A_78 = arith.constant 0 : index
    %get3A_79 = vector.load %arg2[%get3A_76, %get3A_77, %get3A_78] : memref<8x16x128xf32, #tpu.memory_space<vmem>>, vector<1x16x128xf32>
    %get3A_80 = vector.shape_cast %get3A_79 : vector<1x16x128xf32> to vector<16x128xf32>
    %dot_general3A_81 = arith.constant dense<0.000000e+00> : vector<512x128xf32>
    %dot_general3A_82 = tpu.matmul %squeeze3A_75, %get3A_80, %dot_general3A_81 {dimension_numbers = #tpu.dot_dimension_numbers<[1], [0], [0], [1], [0, 0, 1, 1], [], []>, transpose_lhs_hint = false} : vector<512x16xf32>, vector<16x128xf32>, vector<512x128xf32> -> vector<512x128xf32>
    %add3A_83 = arith.addf %add3A_73, %dot_general3A_82 : vector<512x128xf32>
    %swap3A = arith.constant 0 : index
    %swap3A_84 = arith.constant 0 : index
    %swap3A_85 = arith.constant 0 : index
    %swap3A_86 = vector.load %arg3[%swap3A, %swap3A_84, %swap3A_85] : memref<1x12504x128xf32, #tpu.memory_space<vmem>>, vector<1x512x128xf32>
    %swap3A_87 = vector.shape_cast %swap3A_86 : vector<1x512x128xf32> to vector<512x128xf32>
    %swap3A_88 = vector.shape_cast %add3A_83 : vector<512x128xf32> to vector<1x512x128xf32>
    tpu.vector_store %arg3[%swap3A, %swap3A_84, %swap3A_85], %swap3A_88 {strides = array<i32>} : memref<1x12504x128xf32, #tpu.memory_space<vmem>>, vector<1x512x128xf32>,
    %get3A_89 = arith.constant 0 : index
    %get3A_90 = arith.constant 4096 : index
    %get3A_91 = vector.load %arg1[%get3A_89, %get3A_90] : memref<16x100000xf32, #tpu.memory_space<vmem>>, vector<16x4096xf32>
    %iota3A_92 = tpu.iota {dimensions = array<i32: 0>} : vector<16x16xi32>
    %iota3A_93 = tpu.iota {dimensions = array<i32: 1>} : vector<16x16xi32>
    %add3A_94 = arith.constant 0 : i32
    %add3A_95 = vector.broadcast %add3A_94 : i32 to vector<16x16xi32>
    %add3A_96 = arith.addi %iota3A_92, %add3A_95 : vector<16x16xi32>
    %eq3A_97 = arith.cmpi eq, %add3A_96, %iota3A_93 : vector<16x16xi32>
    %convert_element_type3A_98 = arith.extui %eq3A_97 : vector<16x16xi1> to vector<16x16xi32>
    %convert_element_type3A_99 = arith.sitofp %convert_element_type3A_98 : vector<16x16xi32> to vector<16x16xf32>
    %dot_general3A_100 = arith.constant dense<0.000000e+00> : vector<4096x16xf32>
    %dot_general3A_101 = tpu.matmul %get3A_91, %convert_element_type3A_99, %dot_general3A_100 {dimension_numbers = #tpu.dot_dimension_numbers<[0], [0], [1], [1], [0, 1, 1, 1], [], []>, transpose_lhs_hint = false} : vector<16x4096xf32>, vector<16x16xf32>, vector<4096x16xf32> -> vector<4096x16xf32>
    %reshape3A_102 = vector.shape_cast %dot_general3A_101 : vector<4096x16xf32> to vector<512x8x16xf32>
    %slice3A_103 = vector.extract_strided_slice %reshape3A_102 {offsets = [0, 0, 0], sizes = [512, 1, 16], strides = [1, 1, 1]} : vector<512x8x16xf32> to vector<512x1x16xf32>
    %squeeze3A_104 = vector.shape_cast %slice3A_103 : vector<512x1x16xf32> to vector<512x16xf32>
    %get3A_105 = arith.constant 0 : index
    %get3A_106 = arith.constant 0 : index
    %get3A_107 = arith.constant 0 : index
    %get3A_108 = vector.load %arg2[%get3A_105, %get3A_106, %get3A_107] : memref<8x16x128xf32, #tpu.memory_space<vmem>>, vector<1x16x128xf32>
    %get3A_109 = vector.shape_cast %get3A_108 : vector<1x16x128xf32> to vector<16x128xf32>
    %dot_general3A_110 = arith.constant dense<0.000000e+00> : vector<512x128xf32>
    %dot_general3A_111 = tpu.matmul %squeeze3A_104, %get3A_109, %dot_general3A_110 {dimension_numbers = #tpu.dot_dimension_numbers<[1], [0], [0], [1], [0, 0, 1, 1], [], []>, transpose_lhs_hint = false} : vector<512x16xf32>, vector<16x128xf32>, vector<512x128xf32> -> vector<512x128xf32>
    %slice3A_112 = vector.extract_strided_slice %reshape3A_102 {offsets = [0, 1, 0], sizes = [512, 1, 16], strides = [1, 1, 1]} : vector<512x8x16xf32> to vector<512x1x16xf32>
    %squeeze3A_113 = vector.shape_cast %slice3A_112 : vector<512x1x16xf32> to vector<512x16xf32>
    %get3A_114 = arith.constant 1 : index
    %get3A_115 = arith.constant 0 : index
    %get3A_116 = arith.constant 0 : index
    %get3A_117 = vector.load %arg2[%get3A_114, %get3A_115, %get3A_116] : memref<8x16x128xf32, #tpu.memory_space<vmem>>, vector<1x16x128xf32>
    %get3A_118 = vector.shape_cast %get3A_117 : vector<1x16x128xf32> to vector<16x128xf32>
    %dot_general3A_119 = arith.constant dense<0.000000e+00> : vector<512x128xf32>
    %dot_general3A_120 = tpu.matmul %squeeze3A_113, %get3A_118, %dot_general3A_119 {dimension_numbers = #tpu.dot_dimension_numbers<[1], [0], [0], [1], [0, 0, 1, 1], [], []>, transpose_lhs_hint = false} : vector<512x16xf32>, vector<16x128xf32>, vector<512x128xf32> -> vector<512x128xf32>
    %add3A_121 = arith.addf %dot_general3A_111, %dot_general3A_120 : vector<512x128xf32>
    %slice3A_122 = vector.extract_strided_slice %reshape3A_102 {offsets = [0, 2, 0], sizes = [512, 1, 16], strides = [1, 1, 1]} : vector<512x8x16xf32> to vector<512x1x16xf32>
    %squeeze3A_123 = vector.shape_cast %slice3A_122 : vector<512x1x16xf32> to vector<512x16xf32>
    %get3A_124 = arith.constant 2 : index
    %get3A_125 = arith.constant 0 : index
    %get3A_126 = arith.constant 0 : index
    %get3A_127 = vector.load %arg2[%get3A_124, %get3A_125, %get3A_126] : memref<8x16x128xf32, #tpu.memory_space<vmem>>, vector<1x16x128xf32>
    %get3A_128 = vector.shape_cast %get3A_127 : vector<1x16x128xf32> to vector<16x128xf32>
    %dot_general3A_129 = arith.constant dense<0.000000e+00> : vector<512x128xf32>
    %dot_general3A_130 = tpu.matmul %squeeze3A_123, %get3A_128, %dot_general3A_129 {dimension_numbers = #tpu.dot_dimension_numbers<[1], [0], [0], [1], [0, 0, 1, 1], [], []>, transpose_lhs_hint = false} : vector<512x16xf32>, vector<16x128xf32>, vector<512x128xf32> -> vector<512x128xf32>
    %add3A_131 = arith.addf %add3A_121, %dot_general3A_130 : vector<512x128xf32>
    %slice3A_132 = vector.extract_strided_slice %reshape3A_102 {offsets = [0, 3, 0], sizes = [512, 1, 16], strides = [1, 1, 1]} : vector<512x8x16xf32> to vector<512x1x16xf32>
    %squeeze3A_133 = vector.shape_cast %slice3A_132 : vector<512x1x16xf32> to vector<512x16xf32>
    %get3A_134 = arith.constant 3 : index
    %get3A_135 = arith.constant 0 : index
    %get3A_136 = arith.constant 0 : index
    %get3A_137 = vector.load %arg2[%get3A_134, %get3A_135, %get3A_136] : memref<8x16x128xf32, #tpu.memory_space<vmem>>, vector<1x16x128xf32>
    %get3A_138 = vector.shape_cast %get3A_137 : vector<1x16x128xf32> to vector<16x128xf32>
    %dot_general3A_139 = arith.constant dense<0.000000e+00> : vector<512x128xf32>
    %dot_general3A_140 = tpu.matmul %squeeze3A_133, %get3A_138, %dot_general3A_139 {dimension_numbers = #tpu.dot_dimension_numbers<[1], [0], [0], [1], [0, 0, 1, 1], [], []>, transpose_lhs_hint = false} : vector<512x16xf32>, vector<16x128xf32>, vector<512x128xf32> -> vector<512x128xf32>
    %add3A_141 = arith.addf %add3A_131, %dot_general3A_140 : vector<512x128xf32>
    %slice3A_142 = vector.extract_strided_slice %reshape3A_102 {offsets = [0, 4, 0], sizes = [512, 1, 16], strides = [1, 1, 1]} : vector<512x8x16xf32> to vector<512x1x16xf32>
    %squeeze3A_143 = vector.shape_cast %slice3A_142 : vector<512x1x16xf32> to vector<512x16xf32>
    %get3A_144 = arith.constant 4 : index
    %get3A_145 = arith.constant 0 : index
    %get3A_146 = arith.constant 0 : index
    %get3A_147 = vector.load %arg2[%get3A_144, %get3A_145, %get3A_146] : memref<8x16x128xf32, #tpu.memory_space<vmem>>, vector<1x16x128xf32>
    %get3A_148 = vector.shape_cast %get3A_147 : vector<1x16x128xf32> to vector<16x128xf32>
    %dot_general3A_149 = arith.constant dense<0.000000e+00> : vector<512x128xf32>
    %dot_general3A_150 = tpu.matmul %squeeze3A_143, %get3A_148, %dot_general3A_149 {dimension_numbers = #tpu.dot_dimension_numbers<[1], [0], [0], [1], [0, 0, 1, 1], [], []>, transpose_lhs_hint = false} : vector<512x16xf32>, vector<16x128xf32>, vector<512x128xf32> -> vector<512x128xf32>
    %add3A_151 = arith.addf %add3A_141, %dot_general3A_150 : vector<512x128xf32>
    %slice3A_152 = vector.extract_strided_slice %reshape3A_102 {offsets = [0, 5, 0], sizes = [512, 1, 16], strides = [1, 1, 1]} : vector<512x8x16xf32> to vector<512x1x16xf32>
    %squeeze3A_153 = vector.shape_cast %slice3A_152 : vector<512x1x16xf32> to vector<512x16xf32>
    %get3A_154 = arith.constant 5 : index
    %get3A_155 = arith.constant 0 : index
    %get3A_156 = arith.constant 0 : index
    %get3A_157 = vector.load %arg2[%get3A_154, %get3A_155, %get3A_156] : memref<8x16x128xf32, #tpu.memory_space<vmem>>, vector<1x16x128xf32>
    %get3A_158 = vector.shape_cast %get3A_157 : vector<1x16x128xf32> to vector<16x128xf32>
    %dot_general3A_159 = arith.constant dense<0.000000e+00> : vector<512x128xf32>
    %dot_general3A_160 = tpu.matmul %squeeze3A_153, %get3A_158, %dot_general3A_159 {dimension_numbers = #tpu.dot_dimension_numbers<[1], [0], [0], [1], [0, 0, 1, 1], [], []>, transpose_lhs_hint = false} : vector<512x16xf32>, vector<16x128xf32>, vector<512x128xf32> -> vector<512x128xf32>
    %add3A_161 = arith.addf %add3A_151, %dot_general3A_160 : vector<512x128xf32>
    %slice3A_162 = vector.extract_strided_slice %reshape3A_102 {offsets = [0, 6, 0], sizes = [512, 1, 16], strides = [1, 1, 1]} : vector<512x8x16xf32> to vector<512x1x16xf32>
    %squeeze3A_163 = vector.shape_cast %slice3A_162 : vector<512x1x16xf32> to vector<512x16xf32>
    %get3A_164 = arith.constant 6 : index
    %get3A_165 = arith.constant 0 : index
    %get3A_166 = arith.constant 0 : index
    %get3A_167 = vector.load %arg2[%get3A_164, %get3A_165, %get3A_166] : memref<8x16x128xf32, #tpu.memory_space<vmem>>, vector<1x16x128xf32>
    %get3A_168 = vector.shape_cast %get3A_167 : vector<1x16x128xf32> to vector<16x128xf32>
    %dot_general3A_169 = arith.constant dense<0.000000e+00> : vector<512x128xf32>
    %dot_general3A_170 = tpu.matmul %squeeze3A_163, %get3A_168, %dot_general3A_169 {dimension_numbers = #tpu.dot_dimension_numbers<[1], [0], [0], [1], [0, 0, 1, 1], [], []>, transpose_lhs_hint = false} : vector<512x16xf32>, vector<16x128xf32>, vector<512x128xf32> -> vector<512x128xf32>
    %add3A_171 = arith.addf %add3A_161, %dot_general3A_170 : vector<512x128xf32>
    %slice3A_172 = vector.extract_strided_slice %reshape3A_102 {offsets = [0, 7, 0], sizes = [512, 1, 16], strides = [1, 1, 1]} : vector<512x8x16xf32> to vector<512x1x16xf32>
    %squeeze3A_173 = vector.shape_cast %slice3A_172 : vector<512x1x16xf32> to vector<512x16xf32>
    %get3A_174 = arith.constant 7 : index
    %get3A_175 = arith.constant 0 : index
    %get3A_176 = arith.constant 0 : index
    %get3A_177 = vector.load %arg2[%get3A_174, %get3A_175, %get3A_176] : memref<8x16x128xf32, #tpu.memory_space<vmem>>, vector<1x16x128xf32>
    %get3A_178 = vector.shape_cast %get3A_177 : vector<1x16x128xf32> to vector<16x128xf32>
    %dot_general3A_179 = arith.constant dense<0.000000e+00> : vector<512x128xf32>
    %dot_general3A_180 = tpu.matmul %squeeze3A_173, %get3A_178, %dot_general3A_179 {dimension_numbers = #tpu.dot_dimension_numbers<[1], [0], [0], [1], [0, 0, 1, 1], [], []>, transpose_lhs_hint = false} : vector<512x16xf32>, vector<16x128xf32>, vector<512x128xf32> -> vector<512x128xf32>
    %add3A_181 = arith.addf %add3A_171, %dot_general3A_180 : vector<512x128xf32>
    %swap3A_182 = arith.constant 0 : index
    %swap3A_183 = arith.constant 512 : index
    %swap3A_184 = arith.constant 0 : index
    %swap3A_185 = vector.load %arg3[%swap3A_182, %swap3A_183, %swap3A_184] : memref<1x12504x128xf32, #tpu.memory_space<vmem>>, vector<1x512x128xf32>
    %swap3A_186 = vector.shape_cast %swap3A_185 : vector<1x512x128xf32> to vector<512x128xf32>
    %swap3A_187 = vector.shape_cast %add3A_181 : vector<512x128xf32> to vector<1x512x128xf32>
    tpu.vector_store %arg3[%swap3A_182, %swap3A_183, %swap3A_184], %swap3A_187 {strides = array<i32>} : memref<1x12504x128xf32, #tpu.memory_space<vmem>>, vector<1x512x128xf32>,
    %get3A_188 = arith.constant 0 : index
    %get3A_189 = arith.constant 8192 : index
    %get3A_190 = vector.load %arg1[%get3A_188, %get3A_189] : memref<16x100000xf32, #tpu.memory_space<vmem>>, vector<16x4096xf32>
    %iota3A_191 = tpu.iota {dimensions = array<i32: 0>} : vector<16x16xi32>
    %iota3A_192 = tpu.iota {dimensions = array<i32: 1>} : vector<16x16xi32>
    %add3A_193 = arith.constant 0 : i32
    %add3A_194 = vector.broadcast %add3A_193 : i32 to vector<16x16xi32>
    %add3A_195 = arith.addi %iota3A_191, %add3A_194 : vector<16x16xi32>
    %eq3A_196 = arith.cmpi eq, %add3A_195, %iota3A_192 : vector<16x16xi32>
    %convert_element_type3A_197 = arith.extui %eq3A_196 : vector<16x16xi1> to vector<16x16xi32>
    %convert_element_type3A_198 = arith.sitofp %convert_element_type3A_197 : vector<16x16xi32> to vector<16x16xf32>
    %dot_general3A_199 = arith.constant dense<0.000000e+00> : vector<4096x16xf32>
    %dot_general3A_200 = tpu.matmul %get3A_190, %convert_element_type3A_198, %dot_general3A_199 {dimension_numbers = #tpu.dot_dimension_numbers<[0], [0], [1], [1], [0, 1, 1, 1], [], []>, transpose_lhs_hint = false} : vector<16x4096xf32>, vector<16x16xf32>, vector<4096x16xf32> -> vector<4096x16xf32>
    %reshape3A_201 = vector.shape_cast %dot_general3A_200 : vector<4096x16xf32> to vector<512x8x16xf32>
    %slice3A_202 = vector.extract_strided_slice %reshape3A_201 {offsets = [0, 0, 0], sizes = [512, 1, 16], strides = [1, 1, 1]} : vector<512x8x16xf32> to vector<512x1x16xf32>
    %squeeze3A_203 = vector.shape_cast %slice3A_202 : vector<512x1x16xf32> to vector<512x16xf32>
    %get3A_204 = arith.constant 0 : index
    %get3A_205 = arith.constant 0 : index
    %get3A_206 = arith.constant 0 : index
    %get3A_207 = vector.load %arg2[%get3A_204, %get3A_205, %get3A_206] : memref<8x16x128xf32, #tpu.memory_space<vmem>>, vector<1x16x128xf32>
    %get3A_208 = vector.shape_cast %get3A_207 : vector<1x16x128xf32> to vector<16x128xf32>
    %dot_general3A_209 = arith.constant dense<0.000000e+00> : vector<512x128xf32>
    %dot_general3A_210 = tpu.matmul %squeeze3A_203, %get3A_208, %dot_general3A_209 {dimension_numbers = #tpu.dot_dimension_numbers<[1], [0], [0], [1], [0, 0, 1, 1], [], []>, transpose_lhs_hint = false} : vector<512x16xf32>, vector<16x128xf32>, vector<512x128xf32> -> vector<512x128xf32>
    %slice3A_211 = vector.extract_strided_slice %reshape3A_201 {offsets = [0, 1, 0], sizes = [512, 1, 16], strides = [1, 1, 1]} : vector<512x8x16xf32> to vector<512x1x16xf32>
    %squeeze3A_212 = vector.shape_cast %slice3A_211 : vector<512x1x16xf32> to vector<512x16xf32>
    %get3A_213 = arith.constant 1 : index
    %get3A_214 = arith.constant 0 : index
    %get3A_215 = arith.constant 0 : index
    %get3A_216 = vector.load %arg2[%get3A_213, %get3A_214, %get3A_215] : memref<8x16x128xf32, #tpu.memory_space<vmem>>, vector<1x16x128xf32>
    %get3A_217 = vector.shape_cast %get3A_216 : vector<1x16x128xf32> to vector<16x128xf32>
    %dot_general3A_218 = arith.constant dense<0.000000e+00> : vector<512x128xf32>
    %dot_general3A_219 = tpu.matmul %squeeze3A_212, %get3A_217, %dot_general3A_218 {dimension_numbers = #tpu.dot_dimension_numbers<[1], [0], [0], [1], [0, 0, 1, 1], [], []>, transpose_lhs_hint = false} : vector<512x16xf32>, vector<16x128xf32>, vector<512x128xf32> -> vector<512x128xf32>
    %add3A_220 = arith.addf %dot_general3A_210, %dot_general3A_219 : vector<512x128xf32>
    %slice3A_221 = vector.extract_strided_slice %reshape3A_201 {offsets = [0, 2, 0], sizes = [512, 1, 16], strides = [1, 1, 1]} : vector<512x8x16xf32> to vector<512x1x16xf32>
    %squeeze3A_222 = vector.shape_cast %slice3A_221 : vector<512x1x16xf32> to vector<512x16xf32>
    %get3A_223 = arith.constant 2 : index
    %get3A_224 = arith.constant 0 : index
    %get3A_225 = arith.constant 0 : index
    %get3A_226 = vector.load %arg2[%get3A_223, %get3A_224, %get3A_225] : memref<8x16x128xf32, #tpu.memory_space<vmem>>, vector<1x16x128xf32>
    %get3A_227 = vector.shape_cast %get3A_226 : vector<1x16x128xf32> to vector<16x128xf32>
    %dot_general3A_228 = arith.constant dense<0.000000e+00> : vector<512x128xf32>
    %dot_general3A_229 = tpu.matmul %squeeze3A_222, %get3A_227, %dot_general3A_228 {dimension_numbers = #tpu.dot_dimension_numbers<[1], [0], [0], [1], [0, 0, 1, 1], [], []>, transpose_lhs_hint = false} : vector<512x16xf32>, vector<16x128xf32>, vector<512x128xf32> -> vector<512x128xf32>
    %add3A_230 = arith.addf %add3A_220, %dot_general3A_229 : vector<512x128xf32>
    %slice3A_231 = vector.extract_strided_slice %reshape3A_201 {offsets = [0, 3, 0], sizes = [512, 1, 16], strides = [1, 1, 1]} : vector<512x8x16xf32> to vector<512x1x16xf32>
    %squeeze3A_232 = vector.shape_cast %slice3A_231 : vector<512x1x16xf32> to vector<512x16xf32>
    %get3A_233 = arith.constant 3 : index
    %get3A_234 = arith.constant 0 : index
    %get3A_235 = arith.constant 0 : index
    %get3A_236 = vector.load %arg2[%get3A_233, %get3A_234, %get3A_235] : memref<8x16x128xf32, #tpu.memory_space<vmem>>, vector<1x16x128xf32>
    %get3A_237 = vector.shape_cast %get3A_236 : vector<1x16x128xf32> to vector<16x128xf32>
    %dot_general3A_238 = arith.constant dense<0.000000e+00> : vector<512x128xf32>
    %dot_general3A_239 = tpu.matmul %squeeze3A_232, %get3A_237, %dot_general3A_238 {dimension_numbers = #tpu.dot_dimension_numbers<[1], [0], [0], [1], [0, 0, 1, 1], [], []>, transpose_lhs_hint = false} : vector<512x16xf32>, vector<16x128xf32>, vector<512x128xf32> -> vector<512x128xf32>
    %add3A_240 = arith.addf %add3A_230, %dot_general3A_239 : vector<512x128xf32>
    %slice3A_241 = vector.extract_strided_slice %reshape3A_201 {offsets = [0, 4, 0], sizes = [512, 1, 16], strides = [1, 1, 1]} : vector<512x8x16xf32> to vector<512x1x16xf32>
    %squeeze3A_242 = vector.shape_cast %slice3A_241 : vector<512x1x16xf32> to vector<512x16xf32>
    %get3A_243 = arith.constant 4 : index
    %get3A_244 = arith.constant 0 : index
    %get3A_245 = arith.constant 0 : index
    %get3A_246 = vector.load %arg2[%get3A_243, %get3A_244, %get3A_245] : memref<8x16x128xf32, #tpu.memory_space<vmem>>, vector<1x16x128xf32>
    %get3A_247 = vector.shape_cast %get3A_246 : vector<1x16x128xf32> to vector<16x128xf32>
    %dot_general3A_248 = arith.constant dense<0.000000e+00> : vector<512x128xf32>
    %dot_general3A_249 = tpu.matmul %squeeze3A_242, %get3A_247, %dot_general3A_248 {dimension_numbers = #tpu.dot_dimension_numbers<[1], [0], [0], [1], [0, 0, 1, 1], [], []>, transpose_lhs_hint = false} : vector<512x16xf32>, vector<16x128xf32>, vector<512x128xf32> -> vector<512x128xf32>
    %add3A_250 = arith.addf %add3A_240, %dot_general3A_249 : vector<512x128xf32>
    %slice3A_251 = vector.extract_strided_slice %reshape3A_201 {offsets = [0, 5, 0], sizes = [512, 1, 16], strides = [1, 1, 1]} : vector<512x8x16xf32> to vector<512x1x16xf32>
    %squeeze3A_252 = vector.shape_cast %slice3A_251 : vector<512x1x16xf32> to vector<512x16xf32>
    %get3A_253 = arith.constant 5 : index
    %get3A_254 = arith.constant 0 : index
    %get3A_255 = arith.constant 0 : index
    %get3A_256 = vector.load %arg2[%get3A_253, %get3A_254, %get3A_255] : memref<8x16x128xf32, #tpu.memory_space<vmem>>, vector<1x16x128xf32>
    %get3A_257 = vector.shape_cast %get3A_256 : vector<1x16x128xf32> to vector<16x128xf32>
    %dot_general3A_258 = arith.constant dense<0.000000e+00> : vector<512x128xf32>
    %dot_general3A_259 = tpu.matmul %squeeze3A_252, %get3A_257, %dot_general3A_258 {dimension_numbers = #tpu.dot_dimension_numbers<[1], [0], [0], [1], [0, 0, 1, 1], [], []>, transpose_lhs_hint = false} : vector<512x16xf32>, vector<16x128xf32>, vector<512x128xf32> -> vector<512x128xf32>
    %add3A_260 = arith.addf %add3A_250, %dot_general3A_259 : vector<512x128xf32>
    %slice3A_261 = vector.extract_strided_slice %reshape3A_201 {offsets = [0, 6, 0], sizes = [512, 1, 16], strides = [1, 1, 1]} : vector<512x8x16xf32> to vector<512x1x16xf32>
    %squeeze3A_262 = vector.shape_cast %slice3A_261 : vector<512x1x16xf32> to vector<512x16xf32>
    %get3A_263 = arith.constant 6 : index
    %get3A_264 = arith.constant 0 : index
    %get3A_265 = arith.constant 0 : index
    %get3A_266 = vector.load %arg2[%get3A_263, %get3A_264, %get3A_265] : memref<8x16x128xf32, #tpu.memory_space<vmem>>, vector<1x16x128xf32>
    %get3A_267 = vector.shape_cast %get3A_266 : vector<1x16x128xf32> to vector<16x128xf32>
    %dot_general3A_268 = arith.constant dense<0.000000e+00> : vector<512x128xf32>
    %dot_general3A_269 = tpu.matmul %squeeze3A_262, %get3A_267, %dot_general3A_268 {dimension_numbers = #tpu.dot_dimension_numbers<[1], [0], [0], [1], [0, 0, 1, 1], [], []>, transpose_lhs_hint = false} : vector<512x16xf32>, vector<16x128xf32>, vector<512x128xf32> -> vector<512x128xf32>
    %add3A_270 = arith.addf %add3A_260, %dot_general3A_269 : vector<512x128xf32>
    %slice3A_271 = vector.extract_strided_slice %reshape3A_201 {offsets = [0, 7, 0], sizes = [512, 1, 16], strides = [1, 1, 1]} : vector<512x8x16xf32> to vector<512x1x16xf32>
    %squeeze3A_272 = vector.shape_cast %slice3A_271 : vector<512x1x16xf32> to vector<512x16xf32>
    %get3A_273 = arith.constant 7 : index
    %get3A_274 = arith.constant 0 : index
    %get3A_275 = arith.constant 0 : index
    %get3A_276 = vector.load %arg2[%get3A_273, %get3A_274, %get3A_275] : memref<8x16x128xf32, #tpu.memory_space<vmem>>, vector<1x16x128xf32>
    %get3A_277 = vector.shape_cast %get3A_276 : vector<1x16x128xf32> to vector<16x128xf32>
    %dot_general3A_278 = arith.constant dense<0.000000e+00> : vector<512x128xf32>
    %dot_general3A_279 = tpu.matmul %squeeze3A_272, %get3A_277, %dot_general3A_278 {dimension_numbers = #tpu.dot_dimension_numbers<[1], [0], [0], [1], [0, 0, 1, 1], [], []>, transpose_lhs_hint = false} : vector<512x16xf32>, vector<16x128xf32>, vector<512x128xf32> -> vector<512x128xf32>
    %add3A_280 = arith.addf %add3A_270, %dot_general3A_279 : vector<512x128xf32>
    %swap3A_281 = arith.constant 0 : index
    %swap3A_282 = arith.constant 1024 : index
    %swap3A_283 = arith.constant 0 : index
    %swap3A_284 = vector.load %arg3[%swap3A_281, %swap3A_282, %swap3A_283] : memref<1x12504x128xf32, #tpu.memory_space<vmem>>, vector<1x512x128xf32>
    %swap3A_285 = vector.shape_cast %swap3A_284 : vector<1x512x128xf32> to vector<512x128xf32>
    %swap3A_286 = vector.shape_cast %add3A_280 : vector<512x128xf32> to vector<1x512x128xf32>
    tpu.vector_store %arg3[%swap3A_281, %swap3A_282, %swap3A_283], %swap3A_286 {strides = array<i32>} : memref<1x12504x128xf32, #tpu.memory_space<vmem>>, vector<1x512x128xf32>,
    %get3A_287 = arith.constant 0 : index
    %get3A_288 = arith.constant 12288 : index
    %get3A_289 = vector.load %arg1[%get3A_287, %get3A_288] : memref<16x100000xf32, #tpu.memory_space<vmem>>, vector<16x4096xf32>
    %iota3A_290 = tpu.iota {dimensions = array<i32: 0>} : vector<16x16xi32>
    %iota3A_291 = tpu.iota {dimensions = array<i32: 1>} : vector<16x16xi32>
    %add3A_292 = arith.constant 0 : i32
    %add3A_293 = vector.broadcast %add3A_292 : i32 to vector<16x16xi32>
    %add3A_294 = arith.addi %iota3A_290, %add3A_293 : vector<16x16xi32>
    %eq3A_295 = arith.cmpi eq, %add3A_294, %iota3A_291 : vector<16x16xi32>
    %convert_element_type3A_296 = arith.extui %eq3A_295 : vector<16x16xi1> to vector<16x16xi32>
    %convert_element_type3A_297 = arith.sitofp %convert_element_type3A_296 : vector<16x16xi32> to vector<16x16xf32>
    %dot_general3A_298 = arith.constant dense<0.000000e+00> : vector<4096x16xf32>
    %dot_general3A_299 = tpu.matmul %get3A_289, %convert_element_type3A_297, %dot_general3A_298 {dimension_numbers = #tpu.dot_dimension_numbers<[0], [0], [1], [1], [0, 1, 1, 1], [], []>, transpose_lhs_hint = false} : vector<16x4096xf32>, vector<16x16xf32>, vector<4096x16xf32> -> vector<4096x16xf32>
    %reshape3A_300 = vector.shape_cast %dot_general3A_299 : vector<4096x16xf32> to vector<512x8x16xf32>
    %slice3A_301 = vector.extract_strided_slice %reshape3A_300 {offsets = [0, 0, 0], sizes = [512, 1, 16], strides = [1, 1, 1]} : vector<512x8x16xf32> to vector<512x1x16xf32>
    %squeeze3A_302 = vector.shape_cast %slice3A_301 : vector<512x1x16xf32> to vector<512x16xf32>
    %get3A_303 = arith.constant 0 : index
    %get3A_304 = arith.constant 0 : index
    %get3A_305 = arith.constant 0 : index
    %get3A_306 = vector.load %arg2[%get3A_303, %get3A_304, %get3A_305] : memref<8x16x128xf32, #tpu.memory_space<vmem>>, vector<1x16x128xf32>
    %get3A_307 = vector.shape_cast %get3A_306 : vector<1x16x128xf32> to vector<16x128xf32>
    %dot_general3A_308 = arith.constant dense<0.000000e+00> : vector<512x128xf32>
    %dot_general3A_309 = tpu.matmul %squeeze3A_302, %get3A_307, %dot_general3A_308 {dimension_numbers = #tpu.dot_dimension_numbers<[1], [0], [0], [1], [0, 0, 1, 1], [], []>, transpose_lhs_hint = false} : vector<512x16xf32>, vector<16x128xf32>, vector<512x128xf32> -> vector<512x128xf32>
    %slice3A_310 = vector.extract_strided_slice %reshape3A_300 {offsets = [0, 1, 0], sizes = [512, 1, 16], strides = [1, 1, 1]} : vector<512x8x16xf32> to vector<512x1x16xf32>
    %squeeze3A_311 = vector.shape_cast %slice3A_310 : vector<512x1x16xf32> to vector<512x16xf32>
    %get3A_312 = arith.constant 1 : index
    %get3A_313 = arith.constant 0 : index
    %get3A_314 = arith.constant 0 : index
    %get3A_315 = vector.load %arg2[%get3A_312, %get3A_313, %get3A_314] : memref<8x16x128xf32, #tpu.memory_space<vmem>>, vector<1x16x128xf32>
    %get3A_316 = vector.shape_cast %get3A_315 : vector<1x16x128xf32> to vector<16x128xf32>
    %dot_general3A_317 = arith.constant dense<0.000000e+00> : vector<512x128xf32>
    %dot_general3A_318 = tpu.matmul %squeeze3A_311, %get3A_316, %dot_general3A_317 {dimension_numbers = #tpu.dot_dimension_numbers<[1], [0], [0], [1], [0, 0, 1, 1], [], []>, transpose_lhs_hint = false} : vector<512x16xf32>, vector<16x128xf32>, vector<512x128xf32> -> vector<512x128xf32>
    %add3A_319 = arith.addf %dot_general3A_309, %dot_general3A_318 : vector<512x128xf32>
    %slice3A_320 = vector.extract_strided_slice %reshape3A_300 {offsets = [0, 2, 0], sizes = [512, 1, 16], strides = [1, 1, 1]} : vector<512x8x16xf32> to vector<512x1x16xf32>
    %squeeze3A_321 = vector.shape_cast %slice3A_320 : vector<512x1x16xf32> to vector<512x16xf32>
    %get3A_322 = arith.constant 2 : index
    %get3A_323 = arith.constant 0 : index
    %get3A_324 = arith.constant 0 : index
    %get3A_325 = vector.load %arg2[%get3A_322, %get3A_323, %get3A_324] : memref<8x16x128xf32, #tpu.memory_space<vmem>>, vector<1x16x128xf32>
    %get3A_326 = vector.shape_cast %get3A_325 : vector<1x16x128xf32> to vector<16x128xf32>
    %dot_general3A_327 = arith.constant dense<0.000000e+00> : vector<512x128xf32>
    %dot_general3A_328 = tpu.matmul %squeeze3A_321, %get3A_326, %dot_general3A_327 {dimension_numbers = #tpu.dot_dimension_numbers<[1], [0], [0], [1], [0, 0, 1, 1], [], []>, transpose_lhs_hint = false} : vector<512x16xf32>, vector<16x128xf32>, vector<512x128xf32> -> vector<512x128xf32>
    %add3A_329 = arith.addf %add3A_319, %dot_general3A_328 : vector<512x128xf32>
    %slice3A_330 = vector.extract_strided_slice %reshape3A_300 {offsets = [0, 3, 0], sizes = [512, 1, 16], strides = [1, 1, 1]} : vector<512x8x16xf32> to vector<512x1x16xf32>
    %squeeze3A_331 = vector.shape_cast %slice3A_330 : vector<512x1x16xf32> to vector<512x16xf32>
    %get3A_332 = arith.constant 3 : index
    %get3A_333 = arith.constant 0 : index
    %get3A_334 = arith.constant 0 : index
    %get3A_335 = vector.load %arg2[%get3A_332, %get3A_333, %get3A_334] : memref<8x16x128xf32, #tpu.memory_space<vmem>>, vector<1x16x128xf32>
    %get3A_336 = vector.shape_cast %get3A_335 : vector<1x16x128xf32> to vector<16x128xf32>
    %dot_general3A_337 = arith.constant dense<0.000000e+00> : vector<512x128xf32>
    %dot_general3A_338 = tpu.matmul %squeeze3A_331, %get3A_336, %dot_general3A_337 {dimension_numbers = #tpu.dot_dimension_numbers<[1], [0], [0], [1], [0, 0, 1, 1], [], []>, transpose_lhs_hint = false} : vector<512x16xf32>, vector<16x128xf32>, vector<512x128xf32> -> vector<512x128xf32>
    %add3A_339 = arith.addf %add3A_329, %dot_general3A_338 : vector<512x128xf32>
    %slice3A_340 = vector.extract_strided_slice %reshape3A_300 {offsets = [0, 4, 0], sizes = [512, 1, 16], strides = [1, 1, 1]} : vector<512x8x16xf32> to vector<512x1x16xf32>
    %squeeze3A_341 = vector.shape_cast %slice3A_340 : vector<512x1x16xf32> to vector<512x16xf32>
    %get3A_342 = arith.constant 4 : index
    %get3A_343 = arith.constant 0 : index
    %get3A_344 = arith.constant 0 : index
    %get3A_345 = vector.load %arg2[%get3A_342, %get3A_343, %get3A_344] : memref<8x16x128xf32, #tpu.memory_space<vmem>>, vector<1x16x128xf32>
    %get3A_346 = vector.shape_cast %get3A_345 : vector<1x16x128xf32> to vector<16x128xf32>
    %dot_general3A_347 = arith.constant dense<0.000000e+00> : vector<512x128xf32>
    %dot_general3A_348 = tpu.matmul %squeeze3A_341, %get3A_346, %dot_general3A_347 {dimension_numbers = #tpu.dot_dimension_numbers<[1], [0], [0], [1], [0, 0, 1, 1], [], []>, transpose_lhs_hint = false} : vector<512x16xf32>, vector<16x128xf32>, vector<512x128xf32> -> vector<512x128xf32>
    %add3A_349 = arith.addf %add3A_339, %dot_general3A_348 : vector<512x128xf32>
    %slice3A_350 = vector.extract_strided_slice %reshape3A_300 {offsets = [0, 5, 0], sizes = [512, 1, 16], strides = [1, 1, 1]} : vector<512x8x16xf32> to vector<512x1x16xf32>
    %squeeze3A_351 = vector.shape_cast %slice3A_350 : vector<512x1x16xf32> to vector<512x16xf32>
    %get3A_352 = arith.constant 5 : index
    %get3A_353 = arith.constant 0 : index
    %get3A_354 = arith.constant 0 : index
    %get3A_355 = vector.load %arg2[%get3A_352, %get3A_353, %get3A_354] : memref<8x16x128xf32, #tpu.memory_space<vmem>>, vector<1x16x128xf32>
    %get3A_356 = vector.shape_cast %get3A_355 : vector<1x16x128xf32> to vector<16x128xf32>
    %dot_general3A_357 = arith.constant dense<0.000000e+00> : vector<512x128xf32>
    %dot_general3A_358 = tpu.matmul %squeeze3A_351, %get3A_356, %dot_general3A_357 {dimension_numbers = #tpu.dot_dimension_numbers<[1], [0], [0], [1], [0, 0, 1, 1], [], []>, transpose_lhs_hint = false} : vector<512x16xf32>, vector<16x128xf32>, vector<512x128xf32> -> vector<512x128xf32>
    %add3A_359 = arith.addf %add3A_349, %dot_general3A_358 : vector<512x128xf32>
    %slice3A_360 = vector.extract_strided_slice %reshape3A_300 {offsets = [0, 6, 0], sizes = [512, 1, 16], strides = [1, 1, 1]} : vector<512x8x16xf32> to vector<512x1x16xf32>
    %squeeze3A_361 = vector.shape_cast %slice3A_360 : vector<512x1x16xf32> to vector<512x16xf32>
    %get3A_362 = arith.constant 6 : index
    %get3A_363 = arith.constant 0 : index
    %get3A_364 = arith.constant 0 : index
    %get3A_365 = vector.load %arg2[%get3A_362, %get3A_363, %get3A_364] : memref<8x16x128xf32, #tpu.memory_space<vmem>>, vector<1x16x128xf32>
    %get3A_366 = vector.shape_cast %get3A_365 : vector<1x16x128xf32> to vector<16x128xf32>
    %dot_general3A_367 = arith.constant dense<0.000000e+00> : vector<512x128xf32>
    %dot_general3A_368 = tpu.matmul %squeeze3A_361, %get3A_366, %dot_general3A_367 {dimension_numbers = #tpu.dot_dimension_numbers<[1], [0], [0], [1], [0, 0, 1, 1], [], []>, transpose_lhs_hint = false} : vector<512x16xf32>, vector<16x128xf32>, vector<512x128xf32> -> vector<512x128xf32>
    %add3A_369 = arith.addf %add3A_359, %dot_general3A_368 : vector<512x128xf32>
    %slice3A_370 = vector.extract_strided_slice %reshape3A_300 {offsets = [0, 7, 0], sizes = [512, 1, 16], strides = [1, 1, 1]} : vector<512x8x16xf32> to vector<512x1x16xf32>
    %squeeze3A_371 = vector.shape_cast %slice3A_370 : vector<512x1x16xf32> to vector<512x16xf32>
    %get3A_372 = arith.constant 7 : index
    %get3A_373 = arith.constant 0 : index
    %get3A_374 = arith.constant 0 : index
    %get3A_375 = vector.load %arg2[%get3A_372, %get3A_373, %get3A_374] : memref<8x16x128xf32, #tpu.memory_space<vmem>>, vector<1x16x128xf32>
    %get3A_376 = vector.shape_cast %get3A_375 : vector<1x16x128xf32> to vector<16x128xf32>
    %dot_general3A_377 = arith.constant dense<0.000000e+00> : vector<512x128xf32>
    %dot_general3A_378 = tpu.matmul %squeeze3A_371, %get3A_376, %dot_general3A_377 {dimension_numbers = #tpu.dot_dimension_numbers<[1], [0], [0], [1], [0, 0, 1, 1], [], []>, transpose_lhs_hint = false} : vector<512x16xf32>, vector<16x128xf32>, vector<512x128xf32> -> vector<512x128xf32>
    %add3A_379 = arith.addf %add3A_369, %dot_general3A_378 : vector<512x128xf32>
    %swap3A_380 = arith.constant 0 : index
    %swap3A_381 = arith.constant 1536 : index
    %swap3A_382 = arith.constant 0 : index
    %swap3A_383 = vector.load %arg3[%swap3A_380, %swap3A_381, %swap3A_382] : memref<1x12504x128xf32, #tpu.memory_space<vmem>>, vector<1x512x128xf32>
    %swap3A_384 = vector.shape_cast %swap3A_383 : vector<1x512x128xf32> to vector<512x128xf32>
    %swap3A_385 = vector.shape_cast %add3A_379 : vector<512x128xf32> to vector<1x512x128xf32>
    tpu.vector_store %arg3[%swap3A_380, %swap3A_381, %swap3A_382], %swap3A_385 {strides = array<i32>} : memref<1x12504x128xf32, #tpu.memory_space<vmem>>, vector<1x512x128xf32>,
    %get3A_386 = arith.constant 0 : index
    %get3A_387 = arith.constant 16384 : index
    %get3A_388 = vector.load %arg1[%get3A_386, %get3A_387] : memref<16x100000xf32, #tpu.memory_space<vmem>>, vector<16x4096xf32>
    %iota3A_389 = tpu.iota {dimensions = array<i32: 0>} : vector<16x16xi32>
    %iota3A_390 = tpu.iota {dimensions = array<i32: 1>} : vector<16x16xi32>
    %add3A_391 = arith.constant 0 : i32
    %add3A_392 = vector.broadcast %add3A_391 : i32 to vector<16x16xi32>
    %add3A_393 = arith.addi %iota3A_389, %add3A_392 : vector<16x16xi32>
    %eq3A_394 = arith.cmpi eq, %add3A_393, %iota3A_390 : vector<16x16xi32>
    %convert_element_type3A_395 = arith.extui %eq3A_394 : vector<16x16xi1> to vector<16x16xi32>
    %convert_element_type3A_396 = arith.sitofp %convert_element_type3A_395 : vector<16x16xi32> to vector<16x16xf32>
    %dot_general3A_397 = arith.constant dense<0.000000e+00> : vector<4096x16xf32>
    %dot_general3A_398 = tpu.matmul %get3A_388, %convert_element_type3A_396, %dot_general3A_397 {dimension_numbers = #tpu.dot_dimension_numbers<[0], [0], [1], [1], [0, 1, 1, 1], [], []>, transpose_lhs_hint = false} : vector<16x4096xf32>, vector<16x16xf32>, vector<4096x16xf32> -> vector<4096x16xf32>
    %reshape3A_399 = vector.shape_cast %dot_general3A_398 : vector<4096x16xf32> to vector<512x8x16xf32>
    %slice3A_400 = vector.extract_strided_slice %reshape3A_399 {offsets = [0, 0, 0], sizes = [512, 1, 16], strides = [1, 1, 1]} : vector<512x8x16xf32> to vector<512x1x16xf32>
    %squeeze3A_401 = vector.shape_cast %slice3A_400 : vector<512x1x16xf32> to vector<512x16xf32>
    %get3A_402 = arith.constant 0 : index
    %get3A_403 = arith.constant 0 : index
    %get3A_404 = arith.constant 0 : index
    %get3A_405 = vector.load %arg2[%get3A_402, %get3A_403, %get3A_404] : memref<8x16x128xf32, #tpu.memory_space<vmem>>, vector<1x16x128xf32>
    %get3A_406 = vector.shape_cast %get3A_405 : vector<1x16x128xf32> to vector<16x128xf32>
    %dot_general3A_407 = arith.constant dense<0.000000e+00> : vector<512x128xf32>
    %dot_general3A_408 = tpu.matmul %squeeze3A_401, %get3A_406, %dot_general3A_407 {dimension_numbers = #tpu.dot_dimension_numbers<[1], [0], [0], [1], [0, 0, 1, 1], [], []>, transpose_lhs_hint = false} : vector<512x16xf32>, vector<16x128xf32>, vector<512x128xf32> -> vector<512x128xf32>
    %slice3A_409 = vector.extract_strided_slice %reshape3A_399 {offsets = [0, 1, 0], sizes = [512, 1, 16], strides = [1, 1, 1]} : vector<512x8x16xf32> to vector<512x1x16xf32>
    %squeeze3A_410 = vector.shape_cast %slice3A_409 : vector<512x1x16xf32> to vector<512x16xf32>
    %get3A_411 = arith.constant 1 : index
    %get3A_412 = arith.constant 0 : index
    %get3A_413 = arith.constant 0 : index
    %get3A_414 = vector.load %arg2[%get3A_411, %get3A_412, %get3A_413] : memref<8x16x128xf32, #tpu.memory_space<vmem>>, vector<1x16x128xf32>
    %get3A_415 = vector.shape_cast %get3A_414 : vector<1x16x128xf32> to vector<16x128xf32>
    %dot_general3A_416 = arith.constant dense<0.000000e+00> : vector<512x128xf32>
    %dot_general3A_417 = tpu.matmul %squeeze3A_410, %get3A_415, %dot_general3A_416 {dimension_numbers = #tpu.dot_dimension_numbers<[1], [0], [0], [1], [0, 0, 1, 1], [], []>, transpose_lhs_hint = false} : vector<512x16xf32>, vector<16x128xf32>, vector<512x128xf32> -> vector<512x128xf32>
    %add3A_418 = arith.addf %dot_general3A_408, %dot_general3A_417 : vector<512x128xf32>
    %slice3A_419 = vector.extract_strided_slice %reshape3A_399 {offsets = [0, 2, 0], sizes = [512, 1, 16], strides = [1, 1, 1]} : vector<512x8x16xf32> to vector<512x1x16xf32>
    %squeeze3A_420 = vector.shape_cast %slice3A_419 : vector<512x1x16xf32> to vector<512x16xf32>
    %get3A_421 = arith.constant 2 : index
    %get3A_422 = arith.constant 0 : index
    %get3A_423 = arith.constant 0 : index
    %get3A_424 = vector.load %arg2[%get3A_421, %get3A_422, %get3A_423] : memref<8x16x128xf32, #tpu.memory_space<vmem>>, vector<1x16x128xf32>
    %get3A_425 = vector.shape_cast %get3A_424 : vector<1x16x128xf32> to vector<16x128xf32>
    %dot_general3A_426 = arith.constant dense<0.000000e+00> : vector<512x128xf32>
    %dot_general3A_427 = tpu.matmul %squeeze3A_420, %get3A_425, %dot_general3A_426 {dimension_numbers = #tpu.dot_dimension_numbers<[1], [0], [0], [1], [0, 0, 1, 1], [], []>, transpose_lhs_hint = false} : vector<512x16xf32>, vector<16x128xf32>, vector<512x128xf32> -> vector<512x128xf32>
    %add3A_428 = arith.addf %add3A_418, %dot_general3A_427 : vector<512x128xf32>
    %slice3A_429 = vector.extract_strided_slice %reshape3A_399 {offsets = [0, 3, 0], sizes = [512, 1, 16], strides = [1, 1, 1]} : vector<512x8x16xf32> to vector<512x1x16xf32>
    %squeeze3A_430 = vector.shape_cast %slice3A_429 : vector<512x1x16xf32> to vector<512x16xf32>
    %get3A_431 = arith.constant 3 : index
    %get3A_432 = arith.constant 0 : index
    %get3A_433 = arith.constant 0 : index
    %get3A_434 = vector.load %arg2[%get3A_431, %get3A_432, %get3A_433] : memref<8x16x128xf32, #tpu.memory_space<vmem>>, vector<1x16x128xf32>
    %get3A_435 = vector.shape_cast %get3A_434 : vector<1x16x128xf32> to vector<16x128xf32>
    %dot_general3A_436 = arith.constant dense<0.000000e+00> : vector<512x128xf32>
    %dot_general3A_437 = tpu.matmul %squeeze3A_430, %get3A_435, %dot_general3A_436 {dimension_numbers = #tpu.dot_dimension_numbers<[1], [0], [0], [1], [0, 0, 1, 1], [], []>, transpose_lhs_hint = false} : vector<512x16xf32>, vector<16x128xf32>, vector<512x128xf32> -> vector<512x128xf32>
    %add3A_438 = arith.addf %add3A_428, %dot_general3A_437 : vector<512x128xf32>
    %slice3A_439 = vector.extract_strided_slice %reshape3A_399 {offsets = [0, 4, 0], sizes = [512, 1, 16], strides = [1, 1, 1]} : vector<512x8x16xf32> to vector<512x1x16xf32>
    %squeeze3A_440 = vector.shape_cast %slice3A_439 : vector<512x1x16xf32> to vector<512x16xf32>
    %get3A_441 = arith.constant 4 : index
    %get3A_442 = arith.constant 0 : index
    %get3A_443 = arith.constant 0 : index
    %get3A_444 = vector.load %arg2[%get3A_441, %get3A_442, %get3A_443] : memref<8x16x128xf32, #tpu.memory_space<vmem>>, vector<1x16x128xf32>
    %get3A_445 = vector.shape_cast %get3A_444 : vector<1x16x128xf32> to vector<16x128xf32>
    %dot_general3A_446 = arith.constant dense<0.000000e+00> : vector<512x128xf32>
    %dot_general3A_447 = tpu.matmul %squeeze3A_440, %get3A_445, %dot_general3A_446 {dimension_numbers = #tpu.dot_dimension_numbers<[1], [0], [0], [1], [0, 0, 1, 1], [], []>, transpose_lhs_hint = false} : vector<512x16xf32>, vector<16x128xf32>, vector<512x128xf32> -> vector<512x128xf32>
    %add3A_448 = arith.addf %add3A_438, %dot_general3A_447 : vector<512x128xf32>
    %slice3A_449 = vector.extract_strided_slice %reshape3A_399 {offsets = [0, 5, 0], sizes = [512, 1, 16], strides = [1, 1, 1]} : vector<512x8x16xf32> to vector<512x1x16xf32>
    %squeeze3A_450 = vector.shape_cast %slice3A_449 : vector<512x1x16xf32> to vector<512x16xf32>
    %get3A_451 = arith.constant 5 : index
    %get3A_452 = arith.constant 0 : index
    %get3A_453 = arith.constant 0 : index
    %get3A_454 = vector.load %arg2[%get3A_451, %get3A_452, %get3A_453] : memref<8x16x128xf32, #tpu.memory_space<vmem>>, vector<1x16x128xf32>
    %get3A_455 = vector.shape_cast %get3A_454 : vector<1x16x128xf32> to vector<16x128xf32>
    %dot_general3A_456 = arith.constant dense<0.000000e+00> : vector<512x128xf32>
    %dot_general3A_457 = tpu.matmul %squeeze3A_450, %get3A_455, %dot_general3A_456 {dimension_numbers = #tpu.dot_dimension_numbers<[1], [0], [0], [1], [0, 0, 1, 1], [], []>, transpose_lhs_hint = false} : vector<512x16xf32>, vector<16x128xf32>, vector<512x128xf32> -> vector<512x128xf32>
    %add3A_458 = arith.addf %add3A_448, %dot_general3A_457 : vector<512x128xf32>
    %slice3A_459 = vector.extract_strided_slice %reshape3A_399 {offsets = [0, 6, 0], sizes = [512, 1, 16], strides = [1, 1, 1]} : vector<512x8x16xf32> to vector<512x1x16xf32>
    %squeeze3A_460 = vector.shape_cast %slice3A_459 : vector<512x1x16xf32> to vector<512x16xf32>
    %get3A_461 = arith.constant 6 : index
    %get3A_462 = arith.constant 0 : index
    %get3A_463 = arith.constant 0 : index
    %get3A_464 = vector.load %arg2[%get3A_461, %get3A_462, %get3A_463] : memref<8x16x128xf32, #tpu.memory_space<vmem>>, vector<1x16x128xf32>
    %get3A_465 = vector.shape_cast %get3A_464 : vector<1x16x128xf32> to vector<16x128xf32>
    %dot_general3A_466 = arith.constant dense<0.000000e+00> : vector<512x128xf32>
    %dot_general3A_467 = tpu.matmul %squeeze3A_460, %get3A_465, %dot_general3A_466 {dimension_numbers = #tpu.dot_dimension_numbers<[1], [0], [0], [1], [0, 0, 1, 1], [], []>, transpose_lhs_hint = false} : vector<512x16xf32>, vector<16x128xf32>, vector<512x128xf32> -> vector<512x128xf32>
    %add3A_468 = arith.addf %add3A_458, %dot_general3A_467 : vector<512x128xf32>
    %slice3A_469 = vector.extract_strided_slice %reshape3A_399 {offsets = [0, 7, 0], sizes = [512, 1, 16], strides = [1, 1, 1]} : vector<512x8x16xf32> to vector<512x1x16xf32>
    %squeeze3A_470 = vector.shape_cast %slice3A_469 : vector<512x1x16xf32> to vector<512x16xf32>
    %get3A_471 = arith.constant 7 : index
    %get3A_472 = arith.constant 0 : index
    %get3A_473 = arith.constant 0 : index
    %get3A_474 = vector.load %arg2[%get3A_471, %get3A_472, %get3A_473] : memref<8x16x128xf32, #tpu.memory_space<vmem>>, vector<1x16x128xf32>
    %get3A_475 = vector.shape_cast %get3A_474 : vector<1x16x128xf32> to vector<16x128xf32>
    %dot_general3A_476 = arith.constant dense<0.000000e+00> : vector<512x128xf32>
    %dot_general3A_477 = tpu.matmul %squeeze3A_470, %get3A_475, %dot_general3A_476 {dimension_numbers = #tpu.dot_dimension_numbers<[1], [0], [0], [1], [0, 0, 1, 1], [], []>, transpose_lhs_hint = false} : vector<512x16xf32>, vector<16x128xf32>, vector<512x128xf32> -> vector<512x128xf32>
    %add3A_478 = arith.addf %add3A_468, %dot_general3A_477 : vector<512x128xf32>
    %swap3A_479 = arith.constant 0 : index
    %swap3A_480 = arith.constant 2048 : index
    %swap3A_481 = arith.constant 0 : index
    %swap3A_482 = vector.load %arg3[%swap3A_479, %swap3A_480, %swap3A_481] : memref<1x12504x128xf32, #tpu.memory_space<vmem>>, vector<1x512x128xf32>
    %swap3A_483 = vector.shape_cast %swap3A_482 : vector<1x512x128xf32> to vector<512x128xf32>
    %swap3A_484 = vector.shape_cast %add3A_478 : vector<512x128xf32> to vector<1x512x128xf32>
    tpu.vector_store %arg3[%swap3A_479, %swap3A_480, %swap3A_481], %swap3A_484 {strides = array<i32>} : memref<1x12504x128xf32, #tpu.memory_space<vmem>>, vector<1x512x128xf32>,
    %get3A_485 = arith.constant 0 : index
    %get3A_486 = arith.constant 20480 : index
    %get3A_487 = vector.load %arg1[%get3A_485, %get3A_486] : memref<16x100000xf32, #tpu.memory_space<vmem>>, vector<16x4096xf32>
    %iota3A_488 = tpu.iota {dimensions = array<i32: 0>} : vector<16x16xi32>
    %iota3A_489 = tpu.iota {dimensions = array<i32: 1>} : vector<16x16xi32>
    %add3A_490 = arith.constant 0 : i32
    %add3A_491 = vector.broadcast %add3A_490 : i32 to vector<16x16xi32>
    %add3A_492 = arith.addi %iota3A_488, %add3A_491 : vector<16x16xi32>
    %eq3A_493 = arith.cmpi eq, %add3A_492, %iota3A_489 : vector<16x16xi32>
    %convert_element_type3A_494 = arith.extui %eq3A_493 : vector<16x16xi1> to vector<16x16xi32>
    %convert_element_type3A_495 = arith.sitofp %convert_element_type3A_494 : vector<16x16xi32> to vector<16x16xf32>
    %dot_general3A_496 = arith.constant dense<0.000000e+00> : vector<4096x16xf32>
    %dot_general3A_497 = tpu.matmul %get3A_487, %convert_element_type3A_495, %dot_general3A_496 {dimension_numbers = #tpu.dot_dimension_numbers<[0], [0], [1], [1], [0, 1, 1, 1], [], []>, transpose_lhs_hint = false} : vector<16x4096xf32>, vector<16x16xf32>, vector<4096x16xf32> -> vector<4096x16xf32>
    %reshape3A_498 = vector.shape_cast %dot_general3A_497 : vector<4096x16xf32> to vector<512x8x16xf32>
    %slice3A_499 = vector.extract_strided_slice %reshape3A_498 {offsets = [0, 0, 0], sizes = [512, 1, 16], strides = [1, 1, 1]} : vector<512x8x16xf32> to vector<512x1x16xf32>
    %squeeze3A_500 = vector.shape_cast %slice3A_499 : vector<512x1x16xf32> to vector<512x16xf32>
    %get3A_501 = arith.constant 0 : index
    %get3A_502 = arith.constant 0 : index
    %get3A_503 = arith.constant 0 : index
    %get3A_504 = vector.load %arg2[%get3A_501, %get3A_502, %get3A_503] : memref<8x16x128xf32, #tpu.memory_space<vmem>>, vector<1x16x128xf32>
    %get3A_505 = vector.shape_cast %get3A_504 : vector<1x16x128xf32> to vector<16x128xf32>
    %dot_general3A_506 = arith.constant dense<0.000000e+00> : vector<512x128xf32>
    %dot_general3A_507 = tpu.matmul %squeeze3A_500, %get3A_505, %dot_general3A_506 {dimension_numbers = #tpu.dot_dimension_numbers<[1], [0], [0], [1], [0, 0, 1, 1], [], []>, transpose_lhs_hint = false} : vector<512x16xf32>, vector<16x128xf32>, vector<512x128xf32> -> vector<512x128xf32>
    %slice3A_508 = vector.extract_strided_slice %reshape3A_498 {offsets = [0, 1, 0], sizes = [512, 1, 16], strides = [1, 1, 1]} : vector<512x8x16xf32> to vector<512x1x16xf32>
    %squeeze3A_509 = vector.shape_cast %slice3A_508 : vector<512x1x16xf32> to vector<512x16xf32>
    %get3A_510 = arith.constant 1 : index
    %get3A_511 = arith.constant 0 : index
    %get3A_512 = arith.constant 0 : index
    %get3A_513 = vector.load %arg2[%get3A_510, %get3A_511, %get3A_512] : memref<8x16x128xf32, #tpu.memory_space<vmem>>, vector<1x16x128xf32>
    %get3A_514 = vector.shape_cast %get3A_513 : vector<1x16x128xf32> to vector<16x128xf32>
    %dot_general3A_515 = arith.constant dense<0.000000e+00> : vector<512x128xf32>
    %dot_general3A_516 = tpu.matmul %squeeze3A_509, %get3A_514, %dot_general3A_515 {dimension_numbers = #tpu.dot_dimension_numbers<[1], [0], [0], [1], [0, 0, 1, 1], [], []>, transpose_lhs_hint = false} : vector<512x16xf32>, vector<16x128xf32>, vector<512x128xf32> -> vector<512x128xf32>
    %add3A_517 = arith.addf %dot_general3A_507, %dot_general3A_516 : vector<512x128xf32>
    %slice3A_518 = vector.extract_strided_slice %reshape3A_498 {offsets = [0, 2, 0], sizes = [512, 1, 16], strides = [1, 1, 1]} : vector<512x8x16xf32> to vector<512x1x16xf32>
    %squeeze3A_519 = vector.shape_cast %slice3A_518 : vector<512x1x16xf32> to vector<512x16xf32>
    %get3A_520 = arith.constant 2 : index
    %get3A_521 = arith.constant 0 : index
    %get3A_522 = arith.constant 0 : index
    %get3A_523 = vector.load %arg2[%get3A_520, %get3A_521, %get3A_522] : memref<8x16x128xf32, #tpu.memory_space<vmem>>, vector<1x16x128xf32>
    %get3A_524 = vector.shape_cast %get3A_523 : vector<1x16x128xf32> to vector<16x128xf32>
    %dot_general3A_525 = arith.constant dense<0.000000e+00> : vector<512x128xf32>
    %dot_general3A_526 = tpu.matmul %squeeze3A_519, %get3A_524, %dot_general3A_525 {dimension_numbers = #tpu.dot_dimension_numbers<[1], [0], [0], [1], [0, 0, 1, 1], [], []>, transpose_lhs_hint = false} : vector<512x16xf32>, vector<16x128xf32>, vector<512x128xf32> -> vector<512x128xf32>
    %add3A_527 = arith.addf %add3A_517, %dot_general3A_526 : vector<512x128xf32>
    %slice3A_528 = vector.extract_strided_slice %reshape3A_498 {offsets = [0, 3, 0], sizes = [512, 1, 16], strides = [1, 1, 1]} : vector<512x8x16xf32> to vector<512x1x16xf32>
    %squeeze3A_529 = vector.shape_cast %slice3A_528 : vector<512x1x16xf32> to vector<512x16xf32>
    %get3A_530 = arith.constant 3 : index
    %get3A_531 = arith.constant 0 : index
    %get3A_532 = arith.constant 0 : index
    %get3A_533 = vector.load %arg2[%get3A_530, %get3A_531, %get3A_532] : memref<8x16x128xf32, #tpu.memory_space<vmem>>, vector<1x16x128xf32>
    %get3A_534 = vector.shape_cast %get3A_533 : vector<1x16x128xf32> to vector<16x128xf32>
    %dot_general3A_535 = arith.constant dense<0.000000e+00> : vector<512x128xf32>
    %dot_general3A_536 = tpu.matmul %squeeze3A_529, %get3A_534, %dot_general3A_535 {dimension_numbers = #tpu.dot_dimension_numbers<[1], [0], [0], [1], [0, 0, 1, 1], [], []>, transpose_lhs_hint = false} : vector<512x16xf32>, vector<16x128xf32>, vector<512x128xf32> -> vector<512x128xf32>
    %add3A_537 = arith.addf %add3A_527, %dot_general3A_536 : vector<512x128xf32>
    %slice3A_538 = vector.extract_strided_slice %reshape3A_498 {offsets = [0, 4, 0], sizes = [512, 1, 16], strides = [1, 1, 1]} : vector<512x8x16xf32> to vector<512x1x16xf32>
    %squeeze3A_539 = vector.shape_cast %slice3A_538 : vector<512x1x16xf32> to vector<512x16xf32>
    %get3A_540 = arith.constant 4 : index
    %get3A_541 = arith.constant 0 : index
    %get3A_542 = arith.constant 0 : index
    %get3A_543 = vector.load %arg2[%get3A_540, %get3A_541, %get3A_542] : memref<8x16x128xf32, #tpu.memory_space<vmem>>, vector<1x16x128xf32>
    %get3A_544 = vector.shape_cast %get3A_543 : vector<1x16x128xf32> to vector<16x128xf32>
    %dot_general3A_545 = arith.constant dense<0.000000e+00> : vector<512x128xf32>
    %dot_general3A_546 = tpu.matmul %squeeze3A_539, %get3A_544, %dot_general3A_545 {dimension_numbers = #tpu.dot_dimension_numbers<[1], [0], [0], [1], [0, 0, 1, 1], [], []>, transpose_lhs_hint = false} : vector<512x16xf32>, vector<16x128xf32>, vector<512x128xf32> -> vector<512x128xf32>
    %add3A_547 = arith.addf %add3A_537, %dot_general3A_546 : vector<512x128xf32>
    %slice3A_548 = vector.extract_strided_slice %reshape3A_498 {offsets = [0, 5, 0], sizes = [512, 1, 16], strides = [1, 1, 1]} : vector<512x8x16xf32> to vector<512x1x16xf32>
    %squeeze3A_549 = vector.shape_cast %slice3A_548 : vector<512x1x16xf32> to vector<512x16xf32>
    %get3A_550 = arith.constant 5 : index
    %get3A_551 = arith.constant 0 : index
    %get3A_552 = arith.constant 0 : index
    %get3A_553 = vector.load %arg2[%get3A_550, %get3A_551, %get3A_552] : memref<8x16x128xf32, #tpu.memory_space<vmem>>, vector<1x16x128xf32>
    %get3A_554 = vector.shape_cast %get3A_553 : vector<1x16x128xf32> to vector<16x128xf32>
    %dot_general3A_555 = arith.constant dense<0.000000e+00> : vector<512x128xf32>
    %dot_general3A_556 = tpu.matmul %squeeze3A_549, %get3A_554, %dot_general3A_555 {dimension_numbers = #tpu.dot_dimension_numbers<[1], [0], [0], [1], [0, 0, 1, 1], [], []>, transpose_lhs_hint = false} : vector<512x16xf32>, vector<16x128xf32>, vector<512x128xf32> -> vector<512x128xf32>
    %add3A_557 = arith.addf %add3A_547, %dot_general3A_556 : vector<512x128xf32>
    %slice3A_558 = vector.extract_strided_slice %reshape3A_498 {offsets = [0, 6, 0], sizes = [512, 1, 16], strides = [1, 1, 1]} : vector<512x8x16xf32> to vector<512x1x16xf32>
    %squeeze3A_559 = vector.shape_cast %slice3A_558 : vector<512x1x16xf32> to vector<512x16xf32>
    %get3A_560 = arith.constant 6 : index
    %get3A_561 = arith.constant 0 : index
    %get3A_562 = arith.constant 0 : index
    %get3A_563 = vector.load %arg2[%get3A_560, %get3A_561, %get3A_562] : memref<8x16x128xf32, #tpu.memory_space<vmem>>, vector<1x16x128xf32>
    %get3A_564 = vector.shape_cast %get3A_563 : vector<1x16x128xf32> to vector<16x128xf32>
    %dot_general3A_565 = arith.constant dense<0.000000e+00> : vector<512x128xf32>
    %dot_general3A_566 = tpu.matmul %squeeze3A_559, %get3A_564, %dot_general3A_565 {dimension_numbers = #tpu.dot_dimension_numbers<[1], [0], [0], [1], [0, 0, 1, 1], [], []>, transpose_lhs_hint = false} : vector<512x16xf32>, vector<16x128xf32>, vector<512x128xf32> -> vector<512x128xf32>
    %add3A_567 = arith.addf %add3A_557, %dot_general3A_566 : vector<512x128xf32>
    %slice3A_568 = vector.extract_strided_slice %reshape3A_498 {offsets = [0, 7, 0], sizes = [512, 1, 16], strides = [1, 1, 1]} : vector<512x8x16xf32> to vector<512x1x16xf32>
    %squeeze3A_569 = vector.shape_cast %slice3A_568 : vector<512x1x16xf32> to vector<512x16xf32>
    %get3A_570 = arith.constant 7 : index
    %get3A_571 = arith.constant 0 : index
    %get3A_572 = arith.constant 0 : index
    %get3A_573 = vector.load %arg2[%get3A_570, %get3A_571, %get3A_572] : memref<8x16x128xf32, #tpu.memory_space<vmem>>, vector<1x16x128xf32>
    %get3A_574 = vector.shape_cast %get3A_573 : vector<1x16x128xf32> to vector<16x128xf32>
    %dot_general3A_575 = arith.constant dense<0.000000e+00> : vector<512x128xf32>
    %dot_general3A_576 = tpu.matmul %squeeze3A_569, %get3A_574, %dot_general3A_575 {dimension_numbers = #tpu.dot_dimension_numbers<[1], [0], [0], [1], [0, 0, 1, 1], [], []>, transpose_lhs_hint = false} : vector<512x16xf32>, vector<16x128xf32>, vector<512x128xf32> -> vector<512x128xf32>
    %add3A_577 = arith.addf %add3A_567, %dot_general3A_576 : vector<512x128xf32>
    %swap3A_578 = arith.constant 0 : index
    %swap3A_579 = arith.constant 2560 : index
    %swap3A_580 = arith.constant 0 : index
    %swap3A_581 = vector.load %arg3[%swap3A_578, %swap3A_579, %swap3A_580] : memref<1x12504x128xf32, #tpu.memory_space<vmem>>, vector<1x512x128xf32>
    %swap3A_582 = vector.shape_cast %swap3A_581 : vector<1x512x128xf32> to vector<512x128xf32>
    %swap3A_583 = vector.shape_cast %add3A_577 : vector<512x128xf32> to vector<1x512x128xf32>
    tpu.vector_store %arg3[%swap3A_578, %swap3A_579, %swap3A_580], %swap3A_583 {strides = array<i32>} : memref<1x12504x128xf32, #tpu.memory_space<vmem>>, vector<1x512x128xf32>,
    %get3A_584 = arith.constant 0 : index
    %get3A_585 = arith.constant 24576 : index
    %get3A_586 = vector.load %arg1[%get3A_584, %get3A_585] : memref<16x100000xf32, #tpu.memory_space<vmem>>, vector<16x4096xf32>
    %iota3A_587 = tpu.iota {dimensions = array<i32: 0>} : vector<16x16xi32>
    %iota3A_588 = tpu.iota {dimensions = array<i32: 1>} : vector<16x16xi32>
    %add3A_589 = arith.constant 0 : i32
    %add3A_590 = vector.broadcast %add3A_589 : i32 to vector<16x16xi32>
    %add3A_591 = arith.addi %iota3A_587, %add3A_590 : vector<16x16xi32>
    %eq3A_592 = arith.cmpi eq, %add3A_591, %iota3A_588 : vector<16x16xi32>
    %convert_element_type3A_593 = arith.extui %eq3A_592 : vector<16x16xi1> to vector<16x16xi32>
    %convert_element_type3A_594 = arith.sitofp %convert_element_type3A_593 : vector<16x16xi32> to vector<16x16xf32>
    %dot_general3A_595 = arith.constant dense<0.000000e+00> : vector<4096x16xf32>
    %dot_general3A_596 = tpu.matmul %get3A_586, %convert_element_type3A_594, %dot_general3A_595 {dimension_numbers = #tpu.dot_dimension_numbers<[0], [0], [1], [1], [0, 1, 1, 1], [], []>, transpose_lhs_hint = false} : vector<16x4096xf32>, vector<16x16xf32>, vector<4096x16xf32> -> vector<4096x16xf32>
    %reshape3A_597 = vector.shape_cast %dot_general3A_596 : vector<4096x16xf32> to vector<512x8x16xf32>
    %slice3A_598 = vector.extract_strided_slice %reshape3A_597 {offsets = [0, 0, 0], sizes = [512, 1, 16], strides = [1, 1, 1]} : vector<512x8x16xf32> to vector<512x1x16xf32>
    %squeeze3A_599 = vector.shape_cast %slice3A_598 : vector<512x1x16xf32> to vector<512x16xf32>
    %get3A_600 = arith.constant 0 : index
    %get3A_601 = arith.constant 0 : index
    %get3A_602 = arith.constant 0 : index
    %get3A_603 = vector.load %arg2[%get3A_600, %get3A_601, %get3A_602] : memref<8x16x128xf32, #tpu.memory_space<vmem>>, vector<1x16x128xf32>
    %get3A_604 = vector.shape_cast %get3A_603 : vector<1x16x128xf32> to vector<16x128xf32>
    %dot_general3A_605 = arith.constant dense<0.000000e+00> : vector<512x128xf32>
    %dot_general3A_606 = tpu.matmul %squeeze3A_599, %get3A_604, %dot_general3A_605 {dimension_numbers = #tpu.dot_dimension_numbers<[1], [0], [0], [1], [0, 0, 1, 1], [], []>, transpose_lhs_hint = false} : vector<512x16xf32>, vector<16x128xf32>, vector<512x128xf32> -> vector<512x128xf32>
    %slice3A_607 = vector.extract_strided_slice %reshape3A_597 {offsets = [0, 1, 0], sizes = [512, 1, 16], strides = [1, 1, 1]} : vector<512x8x16xf32> to vector<512x1x16xf32>
    %squeeze3A_608 = vector.shape_cast %slice3A_607 : vector<512x1x16xf32> to vector<512x16xf32>
    %get3A_609 = arith.constant 1 : index
    %get3A_610 = arith.constant 0 : index
    %get3A_611 = arith.constant 0 : index
    %get3A_612 = vector.load %arg2[%get3A_609, %get3A_610, %get3A_611] : memref<8x16x128xf32, #tpu.memory_space<vmem>>, vector<1x16x128xf32>
    %get3A_613 = vector.shape_cast %get3A_612 : vector<1x16x128xf32> to vector<16x128xf32>
    %dot_general3A_614 = arith.constant dense<0.000000e+00> : vector<512x128xf32>
    %dot_general3A_615 = tpu.matmul %squeeze3A_608, %get3A_613, %dot_general3A_614 {dimension_numbers = #tpu.dot_dimension_numbers<[1], [0], [0], [1], [0, 0, 1, 1], [], []>, transpose_lhs_hint = false} : vector<512x16xf32>, vector<16x128xf32>, vector<512x128xf32> -> vector<512x128xf32>
    %add3A_616 = arith.addf %dot_general3A_606, %dot_general3A_615 : vector<512x128xf32>
    %slice3A_617 = vector.extract_strided_slice %reshape3A_597 {offsets = [0, 2, 0], sizes = [512, 1, 16], strides = [1, 1, 1]} : vector<512x8x16xf32> to vector<512x1x16xf32>
    %squeeze3A_618 = vector.shape_cast %slice3A_617 : vector<512x1x16xf32> to vector<512x16xf32>
    %get3A_619 = arith.constant 2 : index
    %get3A_620 = arith.constant 0 : index
    %get3A_621 = arith.constant 0 : index
    %get3A_622 = vector.load %arg2[%get3A_619, %get3A_620, %get3A_621] : memref<8x16x128xf32, #tpu.memory_space<vmem>>, vector<1x16x128xf32>
    %get3A_623 = vector.shape_cast %get3A_622 : vector<1x16x128xf32> to vector<16x128xf32>
    %dot_general3A_624 = arith.constant dense<0.000000e+00> : vector<512x128xf32>
    %dot_general3A_625 = tpu.matmul %squeeze3A_618, %get3A_623, %dot_general3A_624 {dimension_numbers = #tpu.dot_dimension_numbers<[1], [0], [0], [1], [0, 0, 1, 1], [], []>, transpose_lhs_hint = false} : vector<512x16xf32>, vector<16x128xf32>, vector<512x128xf32> -> vector<512x128xf32>
    %add3A_626 = arith.addf %add3A_616, %dot_general3A_625 : vector<512x128xf32>
    %slice3A_627 = vector.extract_strided_slice %reshape3A_597 {offsets = [0, 3, 0], sizes = [512, 1, 16], strides = [1, 1, 1]} : vector<512x8x16xf32> to vector<512x1x16xf32>
    %squeeze3A_628 = vector.shape_cast %slice3A_627 : vector<512x1x16xf32> to vector<512x16xf32>
    %get3A_629 = arith.constant 3 : index
    %get3A_630 = arith.constant 0 : index
    %get3A_631 = arith.constant 0 : index
    %get3A_632 = vector.load %arg2[%get3A_629, %get3A_630, %get3A_631] : memref<8x16x128xf32, #tpu.memory_space<vmem>>, vector<1x16x128xf32>
    %get3A_633 = vector.shape_cast %get3A_632 : vector<1x16x128xf32> to vector<16x128xf32>
    %dot_general3A_634 = arith.constant dense<0.000000e+00> : vector<512x128xf32>
    %dot_general3A_635 = tpu.matmul %squeeze3A_628, %get3A_633, %dot_general3A_634 {dimension_numbers = #tpu.dot_dimension_numbers<[1], [0], [0], [1], [0, 0, 1, 1], [], []>, transpose_lhs_hint = false} : vector<512x16xf32>, vector<16x128xf32>, vector<512x128xf32> -> vector<512x128xf32>
    %add3A_636 = arith.addf %add3A_626, %dot_general3A_635 : vector<512x128xf32>
    %slice3A_637 = vector.extract_strided_slice %reshape3A_597 {offsets = [0, 4, 0], sizes = [512, 1, 16], strides = [1, 1, 1]} : vector<512x8x16xf32> to vector<512x1x16xf32>
    %squeeze3A_638 = vector.shape_cast %slice3A_637 : vector<512x1x16xf32> to vector<512x16xf32>
    %get3A_639 = arith.constant 4 : index
    %get3A_640 = arith.constant 0 : index
    %get3A_641 = arith.constant 0 : index
    %get3A_642 = vector.load %arg2[%get3A_639, %get3A_640, %get3A_641] : memref<8x16x128xf32, #tpu.memory_space<vmem>>, vector<1x16x128xf32>
    %get3A_643 = vector.shape_cast %get3A_642 : vector<1x16x128xf32> to vector<16x128xf32>
    %dot_general3A_644 = arith.constant dense<0.000000e+00> : vector<512x128xf32>
    %dot_general3A_645 = tpu.matmul %squeeze3A_638, %get3A_643, %dot_general3A_644 {dimension_numbers = #tpu.dot_dimension_numbers<[1], [0], [0], [1], [0, 0, 1, 1], [], []>, transpose_lhs_hint = false} : vector<512x16xf32>, vector<16x128xf32>, vector<512x128xf32> -> vector<512x128xf32>
    %add3A_646 = arith.addf %add3A_636, %dot_general3A_645 : vector<512x128xf32>
    %slice3A_647 = vector.extract_strided_slice %reshape3A_597 {offsets = [0, 5, 0], sizes = [512, 1, 16], strides = [1, 1, 1]} : vector<512x8x16xf32> to vector<512x1x16xf32>
    %squeeze3A_648 = vector.shape_cast %slice3A_647 : vector<512x1x16xf32> to vector<512x16xf32>
    %get3A_649 = arith.constant 5 : index
    %get3A_650 = arith.constant 0 : index
    %get3A_651 = arith.constant 0 : index
    %get3A_652 = vector.load %arg2[%get3A_649, %get3A_650, %get3A_651] : memref<8x16x128xf32, #tpu.memory_space<vmem>>, vector<1x16x128xf32>
    %get3A_653 = vector.shape_cast %get3A_652 : vector<1x16x128xf32> to vector<16x128xf32>
    %dot_general3A_654 = arith.constant dense<0.000000e+00> : vector<512x128xf32>
    %dot_general3A_655 = tpu.matmul %squeeze3A_648, %get3A_653, %dot_general3A_654 {dimension_numbers = #tpu.dot_dimension_numbers<[1], [0], [0], [1], [0, 0, 1, 1], [], []>, transpose_lhs_hint = false} : vector<512x16xf32>, vector<16x128xf32>, vector<512x128xf32> -> vector<512x128xf32>
    %add3A_656 = arith.addf %add3A_646, %dot_general3A_655 : vector<512x128xf32>
    %slice3A_657 = vector.extract_strided_slice %reshape3A_597 {offsets = [0, 6, 0], sizes = [512, 1, 16], strides = [1, 1, 1]} : vector<512x8x16xf32> to vector<512x1x16xf32>
    %squeeze3A_658 = vector.shape_cast %slice3A_657 : vector<512x1x16xf32> to vector<512x16xf32>
    %get3A_659 = arith.constant 6 : index
    %get3A_660 = arith.constant 0 : index
    %get3A_661 = arith.constant 0 : index
    %get3A_662 = vector.load %arg2[%get3A_659, %get3A_660, %get3A_661] : memref<8x16x128xf32, #tpu.memory_space<vmem>>, vector<1x16x128xf32>
    %get3A_663 = vector.shape_cast %get3A_662 : vector<1x16x128xf32> to vector<16x128xf32>
    %dot_general3A_664 = arith.constant dense<0.000000e+00> : vector<512x128xf32>
    %dot_general3A_665 = tpu.matmul %squeeze3A_658, %get3A_663, %dot_general3A_664 {dimension_numbers = #tpu.dot_dimension_numbers<[1], [0], [0], [1], [0, 0, 1, 1], [], []>, transpose_lhs_hint = false} : vector<512x16xf32>, vector<16x128xf32>, vector<512x128xf32> -> vector<512x128xf32>
    %add3A_666 = arith.addf %add3A_656, %dot_general3A_665 : vector<512x128xf32>
    %slice3A_667 = vector.extract_strided_slice %reshape3A_597 {offsets = [0, 7, 0], sizes = [512, 1, 16], strides = [1, 1, 1]} : vector<512x8x16xf32> to vector<512x1x16xf32>
    %squeeze3A_668 = vector.shape_cast %slice3A_667 : vector<512x1x16xf32> to vector<512x16xf32>
    %get3A_669 = arith.constant 7 : index
    %get3A_670 = arith.constant 0 : index
    %get3A_671 = arith.constant 0 : index
    %get3A_672 = vector.load %arg2[%get3A_669, %get3A_670, %get3A_671] : memref<8x16x128xf32, #tpu.memory_space<vmem>>, vector<1x16x128xf32>
    %get3A_673 = vector.shape_cast %get3A_672 : vector<1x16x128xf32> to vector<16x128xf32>
    %dot_general3A_674 = arith.constant dense<0.000000e+00> : vector<512x128xf32>
    %dot_general3A_675 = tpu.matmul %squeeze3A_668, %get3A_673, %dot_general3A_674 {dimension_numbers = #tpu.dot_dimension_numbers<[1], [0], [0], [1], [0, 0, 1, 1], [], []>, transpose_lhs_hint = false} : vector<512x16xf32>, vector<16x128xf32>, vector<512x128xf32> -> vector<512x128xf32>
    %add3A_676 = arith.addf %add3A_666, %dot_general3A_675 : vector<512x128xf32>
    %swap3A_677 = arith.constant 0 : index
    %swap3A_678 = arith.constant 3072 : index
    %swap3A_679 = arith.constant 0 : index
    %swap3A_680 = vector.load %arg3[%swap3A_677, %swap3A_678, %swap3A_679] : memref<1x12504x128xf32, #tpu.memory_space<vmem>>, vector<1x512x128xf32>
    %swap3A_681 = vector.shape_cast %swap3A_680 : vector<1x512x128xf32> to vector<512x128xf32>
    %swap3A_682 = vector.shape_cast %add3A_676 : vector<512x128xf32> to vector<1x512x128xf32>
    tpu.vector_store %arg3[%swap3A_677, %swap3A_678, %swap3A_679], %swap3A_682 {strides = array<i32>} : memref<1x12504x128xf32, #tpu.memory_space<vmem>>, vector<1x512x128xf32>,
    %get3A_683 = arith.constant 0 : index
    %get3A_684 = arith.constant 28672 : index
    %get3A_685 = vector.load %arg1[%get3A_683, %get3A_684] : memref<16x100000xf32, #tpu.memory_space<vmem>>, vector<16x4096xf32>
    %iota3A_686 = tpu.iota {dimensions = array<i32: 0>} : vector<16x16xi32>
    %iota3A_687 = tpu.iota {dimensions = array<i32: 1>} : vector<16x16xi32>
    %add3A_688 = arith.constant 0 : i32
    %add3A_689 = vector.broadcast %add3A_688 : i32 to vector<16x16xi32>
    %add3A_690 = arith.addi %iota3A_686, %add3A_689 : vector<16x16xi32>
    %eq3A_691 = arith.cmpi eq, %add3A_690, %iota3A_687 : vector<16x16xi32>
    %convert_element_type3A_692 = arith.extui %eq3A_691 : vector<16x16xi1> to vector<16x16xi32>
    %convert_element_type3A_693 = arith.sitofp %convert_element_type3A_692 : vector<16x16xi32> to vector<16x16xf32>
    %dot_general3A_694 = arith.constant dense<0.000000e+00> : vector<4096x16xf32>
    %dot_general3A_695 = tpu.matmul %get3A_685, %convert_element_type3A_693, %dot_general3A_694 {dimension_numbers = #tpu.dot_dimension_numbers<[0], [0], [1], [1], [0, 1, 1, 1], [], []>, transpose_lhs_hint = false} : vector<16x4096xf32>, vector<16x16xf32>, vector<4096x16xf32> -> vector<4096x16xf32>
    %reshape3A_696 = vector.shape_cast %dot_general3A_695 : vector<4096x16xf32> to vector<512x8x16xf32>
    %slice3A_697 = vector.extract_strided_slice %reshape3A_696 {offsets = [0, 0, 0], sizes = [512, 1, 16], strides = [1, 1, 1]} : vector<512x8x16xf32> to vector<512x1x16xf32>
    %squeeze3A_698 = vector.shape_cast %slice3A_697 : vector<512x1x16xf32> to vector<512x16xf32>
    %get3A_699 = arith.constant 0 : index
    %get3A_700 = arith.constant 0 : index
    %get3A_701 = arith.constant 0 : index
    %get3A_702 = vector.load %arg2[%get3A_699, %get3A_700, %get3A_701] : memref<8x16x128xf32, #tpu.memory_space<vmem>>, vector<1x16x128xf32>
    %get3A_703 = vector.shape_cast %get3A_702 : vector<1x16x128xf32> to vector<16x128xf32>
    %dot_general3A_704 = arith.constant dense<0.000000e+00> : vector<512x128xf32>
    %dot_general3A_705 = tpu.matmul %squeeze3A_698, %get3A_703, %dot_general3A_704 {dimension_numbers = #tpu.dot_dimension_numbers<[1], [0], [0], [1], [0, 0, 1, 1], [], []>, transpose_lhs_hint = false} : vector<512x16xf32>, vector<16x128xf32>, vector<512x128xf32> -> vector<512x128xf32>
    %slice3A_706 = vector.extract_strided_slice %reshape3A_696 {offsets = [0, 1, 0], sizes = [512, 1, 16], strides = [1, 1, 1]} : vector<512x8x16xf32> to vector<512x1x16xf32>
    %squeeze3A_707 = vector.shape_cast %slice3A_706 : vector<512x1x16xf32> to vector<512x16xf32>
    %get3A_708 = arith.constant 1 : index
    %get3A_709 = arith.constant 0 : index
    %get3A_710 = arith.constant 0 : index
    %get3A_711 = vector.load %arg2[%get3A_708, %get3A_709, %get3A_710] : memref<8x16x128xf32, #tpu.memory_space<vmem>>, vector<1x16x128xf32>
    %get3A_712 = vector.shape_cast %get3A_711 : vector<1x16x128xf32> to vector<16x128xf32>
    %dot_general3A_713 = arith.constant dense<0.000000e+00> : vector<512x128xf32>
    %dot_general3A_714 = tpu.matmul %squeeze3A_707, %get3A_712, %dot_general3A_713 {dimension_numbers = #tpu.dot_dimension_numbers<[1], [0], [0], [1], [0, 0, 1, 1], [], []>, transpose_lhs_hint = false} : vector<512x16xf32>, vector<16x128xf32>, vector<512x128xf32> -> vector<512x128xf32>
    %add3A_715 = arith.addf %dot_general3A_705, %dot_general3A_714 : vector<512x128xf32>
    %slice3A_716 = vector.extract_strided_slice %reshape3A_696 {offsets = [0, 2, 0], sizes = [512, 1, 16], strides = [1, 1, 1]} : vector<512x8x16xf32> to vector<512x1x16xf32>
    %squeeze3A_717 = vector.shape_cast %slice3A_716 : vector<512x1x16xf32> to vector<512x16xf32>
    %get3A_718 = arith.constant 2 : index
    %get3A_719 = arith.constant 0 : index
    %get3A_720 = arith.constant 0 : index
    %get3A_721 = vector.load %arg2[%get3A_718, %get3A_719, %get3A_720] : memref<8x16x128xf32, #tpu.memory_space<vmem>>, vector<1x16x128xf32>
    %get3A_722 = vector.shape_cast %get3A_721 : vector<1x16x128xf32> to vector<16x128xf32>
    %dot_general3A_723 = arith.constant dense<0.000000e+00> : vector<512x128xf32>
    %dot_general3A_724 = tpu.matmul %squeeze3A_717, %get3A_722, %dot_general3A_723 {dimension_numbers = #tpu.dot_dimension_numbers<[1], [0], [0], [1], [0, 0, 1, 1], [], []>, transpose_lhs_hint = false} : vector<512x16xf32>, vector<16x128xf32>, vector<512x128xf32> -> vector<512x128xf32>
    %add3A_725 = arith.addf %add3A_715, %dot_general3A_724 : vector<512x128xf32>
    %slice3A_726 = vector.extract_strided_slice %reshape3A_696 {offsets = [0, 3, 0], sizes = [512, 1, 16], strides = [1, 1, 1]} : vector<512x8x16xf32> to vector<512x1x16xf32>
    %squeeze3A_727 = vector.shape_cast %slice3A_726 : vector<512x1x16xf32> to vector<512x16xf32>
    %get3A_728 = arith.constant 3 : index
    %get3A_729 = arith.constant 0 : index
    %get3A_730 = arith.constant 0 : index
    %get3A_731 = vector.load %arg2[%get3A_728, %get3A_729, %get3A_730] : memref<8x16x128xf32, #tpu.memory_space<vmem>>, vector<1x16x128xf32>
    %get3A_732 = vector.shape_cast %get3A_731 : vector<1x16x128xf32> to vector<16x128xf32>
    %dot_general3A_733 = arith.constant dense<0.000000e+00> : vector<512x128xf32>
    %dot_general3A_734 = tpu.matmul %squeeze3A_727, %get3A_732, %dot_general3A_733 {dimension_numbers = #tpu.dot_dimension_numbers<[1], [0], [0], [1], [0, 0, 1, 1], [], []>, transpose_lhs_hint = false} : vector<512x16xf32>, vector<16x128xf32>, vector<512x128xf32> -> vector<512x128xf32>
    %add3A_735 = arith.addf %add3A_725, %dot_general3A_734 : vector<512x128xf32>
    %slice3A_736 = vector.extract_strided_slice %reshape3A_696 {offsets = [0, 4, 0], sizes = [512, 1, 16], strides = [1, 1, 1]} : vector<512x8x16xf32> to vector<512x1x16xf32>
    %squeeze3A_737 = vector.shape_cast %slice3A_736 : vector<512x1x16xf32> to vector<512x16xf32>
    %get3A_738 = arith.constant 4 : index
    %get3A_739 = arith.constant 0 : index
    %get3A_740 = arith.constant 0 : index
    %get3A_741 = vector.load %arg2[%get3A_738, %get3A_739, %get3A_740] : memref<8x16x128xf32, #tpu.memory_space<vmem>>, vector<1x16x128xf32>
    %get3A_742 = vector.shape_cast %get3A_741 : vector<1x16x128xf32> to vector<16x128xf32>
    %dot_general3A_743 = arith.constant dense<0.000000e+00> : vector<512x128xf32>
    %dot_general3A_744 = tpu.matmul %squeeze3A_737, %get3A_742, %dot_general3A_743 {dimension_numbers = #tpu.dot_dimension_numbers<[1], [0], [0], [1], [0, 0, 1, 1], [], []>, transpose_lhs_hint = false} : vector<512x16xf32>, vector<16x128xf32>, vector<512x128xf32> -> vector<512x128xf32>
    %add3A_745 = arith.addf %add3A_735, %dot_general3A_744 : vector<512x128xf32>
    %slice3A_746 = vector.extract_strided_slice %reshape3A_696 {offsets = [0, 5, 0], sizes = [512, 1, 16], strides = [1, 1, 1]} : vector<512x8x16xf32> to vector<512x1x16xf32>
    %squeeze3A_747 = vector.shape_cast %slice3A_746 : vector<512x1x16xf32> to vector<512x16xf32>
    %get3A_748 = arith.constant 5 : index
    %get3A_749 = arith.constant 0 : index
    %get3A_750 = arith.constant 0 : index
    %get3A_751 = vector.load %arg2[%get3A_748, %get3A_749, %get3A_750] : memref<8x16x128xf32, #tpu.memory_space<vmem>>, vector<1x16x128xf32>
    %get3A_752 = vector.shape_cast %get3A_751 : vector<1x16x128xf32> to vector<16x128xf32>
    %dot_general3A_753 = arith.constant dense<0.000000e+00> : vector<512x128xf32>
    %dot_general3A_754 = tpu.matmul %squeeze3A_747, %get3A_752, %dot_general3A_753 {dimension_numbers = #tpu.dot_dimension_numbers<[1], [0], [0], [1], [0, 0, 1, 1], [], []>, transpose_lhs_hint = false} : vector<512x16xf32>, vector<16x128xf32>, vector<512x128xf32> -> vector<512x128xf32>
    %add3A_755 = arith.addf %add3A_745, %dot_general3A_754 : vector<512x128xf32>
    %slice3A_756 = vector.extract_strided_slice %reshape3A_696 {offsets = [0, 6, 0], sizes = [512, 1, 16], strides = [1, 1, 1]} : vector<512x8x16xf32> to vector<512x1x16xf32>
    %squeeze3A_757 = vector.shape_cast %slice3A_756 : vector<512x1x16xf32> to vector<512x16xf32>
    %get3A_758 = arith.constant 6 : index
    %get3A_759 = arith.constant 0 : index
    %get3A_760 = arith.constant 0 : index
    %get3A_761 = vector.load %arg2[%get3A_758, %get3A_759, %get3A_760] : memref<8x16x128xf32, #tpu.memory_space<vmem>>, vector<1x16x128xf32>
    %get3A_762 = vector.shape_cast %get3A_761 : vector<1x16x128xf32> to vector<16x128xf32>
    %dot_general3A_763 = arith.constant dense<0.000000e+00> : vector<512x128xf32>
    %dot_general3A_764 = tpu.matmul %squeeze3A_757, %get3A_762, %dot_general3A_763 {dimension_numbers = #tpu.dot_dimension_numbers<[1], [0], [0], [1], [0, 0, 1, 1], [], []>, transpose_lhs_hint = false} : vector<512x16xf32>, vector<16x128xf32>, vector<512x128xf32> -> vector<512x128xf32>
    %add3A_765 = arith.addf %add3A_755, %dot_general3A_764 : vector<512x128xf32>
    %slice3A_766 = vector.extract_strided_slice %reshape3A_696 {offsets = [0, 7, 0], sizes = [512, 1, 16], strides = [1, 1, 1]} : vector<512x8x16xf32> to vector<512x1x16xf32>
    %squeeze3A_767 = vector.shape_cast %slice3A_766 : vector<512x1x16xf32> to vector<512x16xf32>
    %get3A_768 = arith.constant 7 : index
    %get3A_769 = arith.constant 0 : index
    %get3A_770 = arith.constant 0 : index
    %get3A_771 = vector.load %arg2[%get3A_768, %get3A_769, %get3A_770] : memref<8x16x128xf32, #tpu.memory_space<vmem>>, vector<1x16x128xf32>
    %get3A_772 = vector.shape_cast %get3A_771 : vector<1x16x128xf32> to vector<16x128xf32>
    %dot_general3A_773 = arith.constant dense<0.000000e+00> : vector<512x128xf32>
    %dot_general3A_774 = tpu.matmul %squeeze3A_767, %get3A_772, %dot_general3A_773 {dimension_numbers = #tpu.dot_dimension_numbers<[1], [0], [0], [1], [0, 0, 1, 1], [], []>, transpose_lhs_hint = false} : vector<512x16xf32>, vector<16x128xf32>, vector<512x128xf32> -> vector<512x128xf32>
    %add3A_775 = arith.addf %add3A_765, %dot_general3A_774 : vector<512x128xf32>
    %swap3A_776 = arith.constant 0 : index
    %swap3A_777 = arith.constant 3584 : index
    %swap3A_778 = arith.constant 0 : index
    %swap3A_779 = vector.load %arg3[%swap3A_776, %swap3A_777, %swap3A_778] : memref<1x12504x128xf32, #tpu.memory_space<vmem>>, vector<1x512x128xf32>
    %swap3A_780 = vector.shape_cast %swap3A_779 : vector<1x512x128xf32> to vector<512x128xf32>
    %swap3A_781 = vector.shape_cast %add3A_775 : vector<512x128xf32> to vector<1x512x128xf32>
    tpu.vector_store %arg3[%swap3A_776, %swap3A_777, %swap3A_778], %swap3A_781 {strides = array<i32>} : memref<1x12504x128xf32, #tpu.memory_space<vmem>>, vector<1x512x128xf32>,
    %get3A_782 = arith.constant 0 : index
    %get3A_783 = arith.constant 32768 : index
    %get3A_784 = vector.load %arg1[%get3A_782, %get3A_783] : memref<16x100000xf32, #tpu.memory_space<vmem>>, vector<16x4096xf32>
    %iota3A_785 = tpu.iota {dimensions = array<i32: 0>} : vector<16x16xi32>
    %iota3A_786 = tpu.iota {dimensions = array<i32: 1>} : vector<16x16xi32>
    %add3A_787 = arith.constant 0 : i32
    %add3A_788 = vector.broadcast %add3A_787 : i32 to vector<16x16xi32>
    %add3A_789 = arith.addi %iota3A_785, %add3A_788 : vector<16x16xi32>
    %eq3A_790 = arith.cmpi eq, %add3A_789, %iota3A_786 : vector<16x16xi32>
    %convert_element_type3A_791 = arith.extui %eq3A_790 : vector<16x16xi1> to vector<16x16xi32>
    %convert_element_type3A_792 = arith.sitofp %convert_element_type3A_791 : vector<16x16xi32> to vector<16x16xf32>
    %dot_general3A_793 = arith.constant dense<0.000000e+00> : vector<4096x16xf32>
    %dot_general3A_794 = tpu.matmul %get3A_784, %convert_element_type3A_792, %dot_general3A_793 {dimension_numbers = #tpu.dot_dimension_numbers<[0], [0], [1], [1], [0, 1, 1, 1], [], []>, transpose_lhs_hint = false} : vector<16x4096xf32>, vector<16x16xf32>, vector<4096x16xf32> -> vector<4096x16xf32>
    %reshape3A_795 = vector.shape_cast %dot_general3A_794 : vector<4096x16xf32> to vector<512x8x16xf32>
    %slice3A_796 = vector.extract_strided_slice %reshape3A_795 {offsets = [0, 0, 0], sizes = [512, 1, 16], strides = [1, 1, 1]} : vector<512x8x16xf32> to vector<512x1x16xf32>
    %squeeze3A_797 = vector.shape_cast %slice3A_796 : vector<512x1x16xf32> to vector<512x16xf32>
    %get3A_798 = arith.constant 0 : index
    %get3A_799 = arith.constant 0 : index
    %get3A_800 = arith.constant 0 : index
    %get3A_801 = vector.load %arg2[%get3A_798, %get3A_799, %get3A_800] : memref<8x16x128xf32, #tpu.memory_space<vmem>>, vector<1x16x128xf32>
    %get3A_802 = vector.shape_cast %get3A_801 : vector<1x16x128xf32> to vector<16x128xf32>
    %dot_general3A_803 = arith.constant dense<0.000000e+00> : vector<512x128xf32>
    %dot_general3A_804 = tpu.matmul %squeeze3A_797, %get3A_802, %dot_general3A_803 {dimension_numbers = #tpu.dot_dimension_numbers<[1], [0], [0], [1], [0, 0, 1, 1], [], []>, transpose_lhs_hint = false} : vector<512x16xf32>, vector<16x128xf32>, vector<512x128xf32> -> vector<512x128xf32>
    %slice3A_805 = vector.extract_strided_slice %reshape3A_795 {offsets = [0, 1, 0], sizes = [512, 1, 16], strides = [1, 1, 1]} : vector<512x8x16xf32> to vector<512x1x16xf32>
    %squeeze3A_806 = vector.shape_cast %slice3A_805 : vector<512x1x16xf32> to vector<512x16xf32>
    %get3A_807 = arith.constant 1 : index
    %get3A_808 = arith.constant 0 : index
    %get3A_809 = arith.constant 0 : index
    %get3A_810 = vector.load %arg2[%get3A_807, %get3A_808, %get3A_809] : memref<8x16x128xf32, #tpu.memory_space<vmem>>, vector<1x16x128xf32>
    %get3A_811 = vector.shape_cast %get3A_810 : vector<1x16x128xf32> to vector<16x128xf32>
    %dot_general3A_812 = arith.constant dense<0.000000e+00> : vector<512x128xf32>
    %dot_general3A_813 = tpu.matmul %squeeze3A_806, %get3A_811, %dot_general3A_812 {dimension_numbers = #tpu.dot_dimension_numbers<[1], [0], [0], [1], [0, 0, 1, 1], [], []>, transpose_lhs_hint = false} : vector<512x16xf32>, vector<16x128xf32>, vector<512x128xf32> -> vector<512x128xf32>
    %add3A_814 = arith.addf %dot_general3A_804, %dot_general3A_813 : vector<512x128xf32>
    %slice3A_815 = vector.extract_strided_slice %reshape3A_795 {offsets = [0, 2, 0], sizes = [512, 1, 16], strides = [1, 1, 1]} : vector<512x8x16xf32> to vector<512x1x16xf32>
    %squeeze3A_816 = vector.shape_cast %slice3A_815 : vector<512x1x16xf32> to vector<512x16xf32>
    %get3A_817 = arith.constant 2 : index
    %get3A_818 = arith.constant 0 : index
    %get3A_819 = arith.constant 0 : index
    %get3A_820 = vector.load %arg2[%get3A_817, %get3A_818, %get3A_819] : memref<8x16x128xf32, #tpu.memory_space<vmem>>, vector<1x16x128xf32>
    %get3A_821 = vector.shape_cast %get3A_820 : vector<1x16x128xf32> to vector<16x128xf32>
    %dot_general3A_822 = arith.constant dense<0.000000e+00> : vector<512x128xf32>
    %dot_general3A_823 = tpu.matmul %squeeze3A_816, %get3A_821, %dot_general3A_822 {dimension_numbers = #tpu.dot_dimension_numbers<[1], [0], [0], [1], [0, 0, 1, 1], [], []>, transpose_lhs_hint = false} : vector<512x16xf32>, vector<16x128xf32>, vector<512x128xf32> -> vector<512x128xf32>
    %add3A_824 = arith.addf %add3A_814, %dot_general3A_823 : vector<512x128xf32>
    %slice3A_825 = vector.extract_strided_slice %reshape3A_795 {offsets = [0, 3, 0], sizes = [512, 1, 16], strides = [1, 1, 1]} : vector<512x8x16xf32> to vector<512x1x16xf32>
    %squeeze3A_826 = vector.shape_cast %slice3A_825 : vector<512x1x16xf32> to vector<512x16xf32>
    %get3A_827 = arith.constant 3 : index
    %get3A_828 = arith.constant 0 : index
    %get3A_829 = arith.constant 0 : index
    %get3A_830 = vector.load %arg2[%get3A_827, %get3A_828, %get3A_829] : memref<8x16x128xf32, #tpu.memory_space<vmem>>, vector<1x16x128xf32>
    %get3A_831 = vector.shape_cast %get3A_830 : vector<1x16x128xf32> to vector<16x128xf32>
    %dot_general3A_832 = arith.constant dense<0.000000e+00> : vector<512x128xf32>
    %dot_general3A_833 = tpu.matmul %squeeze3A_826, %get3A_831, %dot_general3A_832 {dimension_numbers = #tpu.dot_dimension_numbers<[1], [0], [0], [1], [0, 0, 1, 1], [], []>, transpose_lhs_hint = false} : vector<512x16xf32>, vector<16x128xf32>, vector<512x128xf32> -> vector<512x128xf32>
    %add3A_834 = arith.addf %add3A_824, %dot_general3A_833 : vector<512x128xf32>
    %slice3A_835 = vector.extract_strided_slice %reshape3A_795 {offsets = [0, 4, 0], sizes = [512, 1, 16], strides = [1, 1, 1]} : vector<512x8x16xf32> to vector<512x1x16xf32>
    %squeeze3A_836 = vector.shape_cast %slice3A_835 : vector<512x1x16xf32> to vector<512x16xf32>
    %get3A_837 = arith.constant 4 : index
    %get3A_838 = arith.constant 0 : index
    %get3A_839 = arith.constant 0 : index
    %get3A_840 = vector.load %arg2[%get3A_837, %get3A_838, %get3A_839] : memref<8x16x128xf32, #tpu.memory_space<vmem>>, vector<1x16x128xf32>
    %get3A_841 = vector.shape_cast %get3A_840 : vector<1x16x128xf32> to vector<16x128xf32>
    %dot_general3A_842 = arith.constant dense<0.000000e+00> : vector<512x128xf32>
    %dot_general3A_843 = tpu.matmul %squeeze3A_836, %get3A_841, %dot_general3A_842 {dimension_numbers = #tpu.dot_dimension_numbers<[1], [0], [0], [1], [0, 0, 1, 1], [], []>, transpose_lhs_hint = false} : vector<512x16xf32>, vector<16x128xf32>, vector<512x128xf32> -> vector<512x128xf32>
    %add3A_844 = arith.addf %add3A_834, %dot_general3A_843 : vector<512x128xf32>
    %slice3A_845 = vector.extract_strided_slice %reshape3A_795 {offsets = [0, 5, 0], sizes = [512, 1, 16], strides = [1, 1, 1]} : vector<512x8x16xf32> to vector<512x1x16xf32>
    %squeeze3A_846 = vector.shape_cast %slice3A_845 : vector<512x1x16xf32> to vector<512x16xf32>
    %get3A_847 = arith.constant 5 : index
    %get3A_848 = arith.constant 0 : index
    %get3A_849 = arith.constant 0 : index
    %get3A_850 = vector.load %arg2[%get3A_847, %get3A_848, %get3A_849] : memref<8x16x128xf32, #tpu.memory_space<vmem>>, vector<1x16x128xf32>
    %get3A_851 = vector.shape_cast %get3A_850 : vector<1x16x128xf32> to vector<16x128xf32>
    %dot_general3A_852 = arith.constant dense<0.000000e+00> : vector<512x128xf32>
    %dot_general3A_853 = tpu.matmul %squeeze3A_846, %get3A_851, %dot_general3A_852 {dimension_numbers = #tpu.dot_dimension_numbers<[1], [0], [0], [1], [0, 0, 1, 1], [], []>, transpose_lhs_hint = false} : vector<512x16xf32>, vector<16x128xf32>, vector<512x128xf32> -> vector<512x128xf32>
    %add3A_854 = arith.addf %add3A_844, %dot_general3A_853 : vector<512x128xf32>
    %slice3A_855 = vector.extract_strided_slice %reshape3A_795 {offsets = [0, 6, 0], sizes = [512, 1, 16], strides = [1, 1, 1]} : vector<512x8x16xf32> to vector<512x1x16xf32>
    %squeeze3A_856 = vector.shape_cast %slice3A_855 : vector<512x1x16xf32> to vector<512x16xf32>
    %get3A_857 = arith.constant 6 : index
    %get3A_858 = arith.constant 0 : index
    %get3A_859 = arith.constant 0 : index
    %get3A_860 = vector.load %arg2[%get3A_857, %get3A_858, %get3A_859] : memref<8x16x128xf32, #tpu.memory_space<vmem>>, vector<1x16x128xf32>
    %get3A_861 = vector.shape_cast %get3A_860 : vector<1x16x128xf32> to vector<16x128xf32>
    %dot_general3A_862 = arith.constant dense<0.000000e+00> : vector<512x128xf32>
    %dot_general3A_863 = tpu.matmul %squeeze3A_856, %get3A_861, %dot_general3A_862 {dimension_numbers = #tpu.dot_dimension_numbers<[1], [0], [0], [1], [0, 0, 1, 1], [], []>, transpose_lhs_hint = false} : vector<512x16xf32>, vector<16x128xf32>, vector<512x128xf32> -> vector<512x128xf32>
    %add3A_864 = arith.addf %add3A_854, %dot_general3A_863 : vector<512x128xf32>
    %slice3A_865 = vector.extract_strided_slice %reshape3A_795 {offsets = [0, 7, 0], sizes = [512, 1, 16], strides = [1, 1, 1]} : vector<512x8x16xf32> to vector<512x1x16xf32>
    %squeeze3A_866 = vector.shape_cast %slice3A_865 : vector<512x1x16xf32> to vector<512x16xf32>
    %get3A_867 = arith.constant 7 : index
    %get3A_868 = arith.constant 0 : index
    %get3A_869 = arith.constant 0 : index
    %get3A_870 = vector.load %arg2[%get3A_867, %get3A_868, %get3A_869] : memref<8x16x128xf32, #tpu.memory_space<vmem>>, vector<1x16x128xf32>
    %get3A_871 = vector.shape_cast %get3A_870 : vector<1x16x128xf32> to vector<16x128xf32>
    %dot_general3A_872 = arith.constant dense<0.000000e+00> : vector<512x128xf32>
    %dot_general3A_873 = tpu.matmul %squeeze3A_866, %get3A_871, %dot_general3A_872 {dimension_numbers = #tpu.dot_dimension_numbers<[1], [0], [0], [1], [0, 0, 1, 1], [], []>, transpose_lhs_hint = false} : vector<512x16xf32>, vector<16x128xf32>, vector<512x128xf32> -> vector<512x128xf32>
    %add3A_874 = arith.addf %add3A_864, %dot_general3A_873 : vector<512x128xf32>
    %swap3A_875 = arith.constant 0 : index
    %swap3A_876 = arith.constant 4096 : index
    %swap3A_877 = arith.constant 0 : index
    %swap3A_878 = vector.load %arg3[%swap3A_875, %swap3A_876, %swap3A_877] : memref<1x12504x128xf32, #tpu.memory_space<vmem>>, vector<1x512x128xf32>
    %swap3A_879 = vector.shape_cast %swap3A_878 : vector<1x512x128xf32> to vector<512x128xf32>
    %swap3A_880 = vector.shape_cast %add3A_874 : vector<512x128xf32> to vector<1x512x128xf32>
    tpu.vector_store %arg3[%swap3A_875, %swap3A_876, %swap3A_877], %swap3A_880 {strides = array<i32>} : memref<1x12504x128xf32, #tpu.memory_space<vmem>>, vector<1x512x128xf32>,
    %get3A_881 = arith.constant 0 : index
    %get3A_882 = arith.constant 36864 : index
    %get3A_883 = vector.load %arg1[%get3A_881, %get3A_882] : memref<16x100000xf32, #tpu.memory_space<vmem>>, vector<16x4096xf32>
    %iota3A_884 = tpu.iota {dimensions = array<i32: 0>} : vector<16x16xi32>
    %iota3A_885 = tpu.iota {dimensions = array<i32: 1>} : vector<16x16xi32>
    %add3A_886 = arith.constant 0 : i32
    %add3A_887 = vector.broadcast %add3A_886 : i32 to vector<16x16xi32>
    %add3A_888 = arith.addi %iota3A_884, %add3A_887 : vector<16x16xi32>
    %eq3A_889 = arith.cmpi eq, %add3A_888, %iota3A_885 : vector<16x16xi32>
    %convert_element_type3A_890 = arith.extui %eq3A_889 : vector<16x16xi1> to vector<16x16xi32>
    %convert_element_type3A_891 = arith.sitofp %convert_element_type3A_890 : vector<16x16xi32> to vector<16x16xf32>
    %dot_general3A_892 = arith.constant dense<0.000000e+00> : vector<4096x16xf32>
    %dot_general3A_893 = tpu.matmul %get3A_883, %convert_element_type3A_891, %dot_general3A_892 {dimension_numbers = #tpu.dot_dimension_numbers<[0], [0], [1], [1], [0, 1, 1, 1], [], []>, transpose_lhs_hint = false} : vector<16x4096xf32>, vector<16x16xf32>, vector<4096x16xf32> -> vector<4096x16xf32>
    %reshape3A_894 = vector.shape_cast %dot_general3A_893 : vector<4096x16xf32> to vector<512x8x16xf32>
    %slice3A_895 = vector.extract_strided_slice %reshape3A_894 {offsets = [0, 0, 0], sizes = [512, 1, 16], strides = [1, 1, 1]} : vector<512x8x16xf32> to vector<512x1x16xf32>
    %squeeze3A_896 = vector.shape_cast %slice3A_895 : vector<512x1x16xf32> to vector<512x16xf32>
    %get3A_897 = arith.constant 0 : index
    %get3A_898 = arith.constant 0 : index
    %get3A_899 = arith.constant 0 : index
    %get3A_900 = vector.load %arg2[%get3A_897, %get3A_898, %get3A_899] : memref<8x16x128xf32, #tpu.memory_space<vmem>>, vector<1x16x128xf32>
    %get3A_901 = vector.shape_cast %get3A_900 : vector<1x16x128xf32> to vector<16x128xf32>
    %dot_general3A_902 = arith.constant dense<0.000000e+00> : vector<512x128xf32>
    %dot_general3A_903 = tpu.matmul %squeeze3A_896, %get3A_901, %dot_general3A_902 {dimension_numbers = #tpu.dot_dimension_numbers<[1], [0], [0], [1], [0, 0, 1, 1], [], []>, transpose_lhs_hint = false} : vector<512x16xf32>, vector<16x128xf32>, vector<512x128xf32> -> vector<512x128xf32>
    %slice3A_904 = vector.extract_strided_slice %reshape3A_894 {offsets = [0, 1, 0], sizes = [512, 1, 16], strides = [1, 1, 1]} : vector<512x8x16xf32> to vector<512x1x16xf32>
    %squeeze3A_905 = vector.shape_cast %slice3A_904 : vector<512x1x16xf32> to vector<512x16xf32>
    %get3A_906 = arith.constant 1 : index
    %get3A_907 = arith.constant 0 : index
    %get3A_908 = arith.constant 0 : index
    %get3A_909 = vector.load %arg2[%get3A_906, %get3A_907, %get3A_908] : memref<8x16x128xf32, #tpu.memory_space<vmem>>, vector<1x16x128xf32>
    %get3A_910 = vector.shape_cast %get3A_909 : vector<1x16x128xf32> to vector<16x128xf32>
    %dot_general3A_911 = arith.constant dense<0.000000e+00> : vector<512x128xf32>
    %dot_general3A_912 = tpu.matmul %squeeze3A_905, %get3A_910, %dot_general3A_911 {dimension_numbers = #tpu.dot_dimension_numbers<[1], [0], [0], [1], [0, 0, 1, 1], [], []>, transpose_lhs_hint = false} : vector<512x16xf32>, vector<16x128xf32>, vector<512x128xf32> -> vector<512x128xf32>
    %add3A_913 = arith.addf %dot_general3A_903, %dot_general3A_912 : vector<512x128xf32>
    %slice3A_914 = vector.extract_strided_slice %reshape3A_894 {offsets = [0, 2, 0], sizes = [512, 1, 16], strides = [1, 1, 1]} : vector<512x8x16xf32> to vector<512x1x16xf32>
    %squeeze3A_915 = vector.shape_cast %slice3A_914 : vector<512x1x16xf32> to vector<512x16xf32>
    %get3A_916 = arith.constant 2 : index
    %get3A_917 = arith.constant 0 : index
    %get3A_918 = arith.constant 0 : index
    %get3A_919 = vector.load %arg2[%get3A_916, %get3A_917, %get3A_918] : memref<8x16x128xf32, #tpu.memory_space<vmem>>, vector<1x16x128xf32>
    %get3A_920 = vector.shape_cast %get3A_919 : vector<1x16x128xf32> to vector<16x128xf32>
    %dot_general3A_921 = arith.constant dense<0.000000e+00> : vector<512x128xf32>
    %dot_general3A_922 = tpu.matmul %squeeze3A_915, %get3A_920, %dot_general3A_921 {dimension_numbers = #tpu.dot_dimension_numbers<[1], [0], [0], [1], [0, 0, 1, 1], [], []>, transpose_lhs_hint = false} : vector<512x16xf32>, vector<16x128xf32>, vector<512x128xf32> -> vector<512x128xf32>
    %add3A_923 = arith.addf %add3A_913, %dot_general3A_922 : vector<512x128xf32>
    %slice3A_924 = vector.extract_strided_slice %reshape3A_894 {offsets = [0, 3, 0], sizes = [512, 1, 16], strides = [1, 1, 1]} : vector<512x8x16xf32> to vector<512x1x16xf32>
    %squeeze3A_925 = vector.shape_cast %slice3A_924 : vector<512x1x16xf32> to vector<512x16xf32>
    %get3A_926 = arith.constant 3 : index
    %get3A_927 = arith.constant 0 : index
    %get3A_928 = arith.constant 0 : index
    %get3A_929 = vector.load %arg2[%get3A_926, %get3A_927, %get3A_928] : memref<8x16x128xf32, #tpu.memory_space<vmem>>, vector<1x16x128xf32>
    %get3A_930 = vector.shape_cast %get3A_929 : vector<1x16x128xf32> to vector<16x128xf32>
    %dot_general3A_931 = arith.constant dense<0.000000e+00> : vector<512x128xf32>
    %dot_general3A_932 = tpu.matmul %squeeze3A_925, %get3A_930, %dot_general3A_931 {dimension_numbers = #tpu.dot_dimension_numbers<[1], [0], [0], [1], [0, 0, 1, 1], [], []>, transpose_lhs_hint = false} : vector<512x16xf32>, vector<16x128xf32>, vector<512x128xf32> -> vector<512x128xf32>
    %add3A_933 = arith.addf %add3A_923, %dot_general3A_932 : vector<512x128xf32>
    %slice3A_934 = vector.extract_strided_slice %reshape3A_894 {offsets = [0, 4, 0], sizes = [512, 1, 16], strides = [1, 1, 1]} : vector<512x8x16xf32> to vector<512x1x16xf32>
    %squeeze3A_935 = vector.shape_cast %slice3A_934 : vector<512x1x16xf32> to vector<512x16xf32>
    %get3A_936 = arith.constant 4 : index
    %get3A_937 = arith.constant 0 : index
    %get3A_938 = arith.constant 0 : index
    %get3A_939 = vector.load %arg2[%get3A_936, %get3A_937, %get3A_938] : memref<8x16x128xf32, #tpu.memory_space<vmem>>, vector<1x16x128xf32>
    %get3A_940 = vector.shape_cast %get3A_939 : vector<1x16x128xf32> to vector<16x128xf32>
    %dot_general3A_941 = arith.constant dense<0.000000e+00> : vector<512x128xf32>
    %dot_general3A_942 = tpu.matmul %squeeze3A_935, %get3A_940, %dot_general3A_941 {dimension_numbers = #tpu.dot_dimension_numbers<[1], [0], [0], [1], [0, 0, 1, 1], [], []>, transpose_lhs_hint = false} : vector<512x16xf32>, vector<16x128xf32>, vector<512x128xf32> -> vector<512x128xf32>
    %add3A_943 = arith.addf %add3A_933, %dot_general3A_942 : vector<512x128xf32>
    %slice3A_944 = vector.extract_strided_slice %reshape3A_894 {offsets = [0, 5, 0], sizes = [512, 1, 16], strides = [1, 1, 1]} : vector<512x8x16xf32> to vector<512x1x16xf32>
    %squeeze3A_945 = vector.shape_cast %slice3A_944 : vector<512x1x16xf32> to vector<512x16xf32>
    %get3A_946 = arith.constant 5 : index
    %get3A_947 = arith.constant 0 : index
    %get3A_948 = arith.constant 0 : index
    %get3A_949 = vector.load %arg2[%get3A_946, %get3A_947, %get3A_948] : memref<8x16x128xf32, #tpu.memory_space<vmem>>, vector<1x16x128xf32>
    %get3A_950 = vector.shape_cast %get3A_949 : vector<1x16x128xf32> to vector<16x128xf32>
    %dot_general3A_951 = arith.constant dense<0.000000e+00> : vector<512x128xf32>
    %dot_general3A_952 = tpu.matmul %squeeze3A_945, %get3A_950, %dot_general3A_951 {dimension_numbers = #tpu.dot_dimension_numbers<[1], [0], [0], [1], [0, 0, 1, 1], [], []>, transpose_lhs_hint = false} : vector<512x16xf32>, vector<16x128xf32>, vector<512x128xf32> -> vector<512x128xf32>
    %add3A_953 = arith.addf %add3A_943, %dot_general3A_952 : vector<512x128xf32>
    %slice3A_954 = vector.extract_strided_slice %reshape3A_894 {offsets = [0, 6, 0], sizes = [512, 1, 16], strides = [1, 1, 1]} : vector<512x8x16xf32> to vector<512x1x16xf32>
    %squeeze3A_955 = vector.shape_cast %slice3A_954 : vector<512x1x16xf32> to vector<512x16xf32>
    %get3A_956 = arith.constant 6 : index
    %get3A_957 = arith.constant 0 : index
    %get3A_958 = arith.constant 0 : index
    %get3A_959 = vector.load %arg2[%get3A_956, %get3A_957, %get3A_958] : memref<8x16x128xf32, #tpu.memory_space<vmem>>, vector<1x16x128xf32>
    %get3A_960 = vector.shape_cast %get3A_959 : vector<1x16x128xf32> to vector<16x128xf32>
    %dot_general3A_961 = arith.constant dense<0.000000e+00> : vector<512x128xf32>
    %dot_general3A_962 = tpu.matmul %squeeze3A_955, %get3A_960, %dot_general3A_961 {dimension_numbers = #tpu.dot_dimension_numbers<[1], [0], [0], [1], [0, 0, 1, 1], [], []>, transpose_lhs_hint = false} : vector<512x16xf32>, vector<16x128xf32>, vector<512x128xf32> -> vector<512x128xf32>
    %add3A_963 = arith.addf %add3A_953, %dot_general3A_962 : vector<512x128xf32>
    %slice3A_964 = vector.extract_strided_slice %reshape3A_894 {offsets = [0, 7, 0], sizes = [512, 1, 16], strides = [1, 1, 1]} : vector<512x8x16xf32> to vector<512x1x16xf32>
    %squeeze3A_965 = vector.shape_cast %slice3A_964 : vector<512x1x16xf32> to vector<512x16xf32>
    %get3A_966 = arith.constant 7 : index
    %get3A_967 = arith.constant 0 : index
    %get3A_968 = arith.constant 0 : index
    %get3A_969 = vector.load %arg2[%get3A_966, %get3A_967, %get3A_968] : memref<8x16x128xf32, #tpu.memory_space<vmem>>, vector<1x16x128xf32>
    %get3A_970 = vector.shape_cast %get3A_969 : vector<1x16x128xf32> to vector<16x128xf32>
    %dot_general3A_971 = arith.constant dense<0.000000e+00> : vector<512x128xf32>
    %dot_general3A_972 = tpu.matmul %squeeze3A_965, %get3A_970, %dot_general3A_971 {dimension_numbers = #tpu.dot_dimension_numbers<[1], [0], [0], [1], [0, 0, 1, 1], [], []>, transpose_lhs_hint = false} : vector<512x16xf32>, vector<16x128xf32>, vector<512x128xf32> -> vector<512x128xf32>
    %add3A_973 = arith.addf %add3A_963, %dot_general3A_972 : vector<512x128xf32>
    %swap3A_974 = arith.constant 0 : index
    %swap3A_975 = arith.constant 4608 : index
    %swap3A_976 = arith.constant 0 : index
    %swap3A_977 = vector.load %arg3[%swap3A_974, %swap3A_975, %swap3A_976] : memref<1x12504x128xf32, #tpu.memory_space<vmem>>, vector<1x512x128xf32>
    %swap3A_978 = vector.shape_cast %swap3A_977 : vector<1x512x128xf32> to vector<512x128xf32>
    %swap3A_979 = vector.shape_cast %add3A_973 : vector<512x128xf32> to vector<1x512x128xf32>
    tpu.vector_store %arg3[%swap3A_974, %swap3A_975, %swap3A_976], %swap3A_979 {strides = array<i32>} : memref<1x12504x128xf32, #tpu.memory_space<vmem>>, vector<1x512x128xf32>,
    %get3A_980 = arith.constant 0 : index
    %get3A_981 = arith.constant 40960 : index
    %get3A_982 = vector.load %arg1[%get3A_980, %get3A_981] : memref<16x100000xf32, #tpu.memory_space<vmem>>, vector<16x4096xf32>
    %iota3A_983 = tpu.iota {dimensions = array<i32: 0>} : vector<16x16xi32>
    %iota3A_984 = tpu.iota {dimensions = array<i32: 1>} : vector<16x16xi32>
    %add3A_985 = arith.constant 0 : i32
    %add3A_986 = vector.broadcast %add3A_985 : i32 to vector<16x16xi32>
    %add3A_987 = arith.addi %iota3A_983, %add3A_986 : vector<16x16xi32>
    %eq3A_988 = arith.cmpi eq, %add3A_987, %iota3A_984 : vector<16x16xi32>
    %convert_element_type3A_989 = arith.extui %eq3A_988 : vector<16x16xi1> to vector<16x16xi32>
    %convert_element_type3A_990 = arith.sitofp %convert_element_type3A_989 : vector<16x16xi32> to vector<16x16xf32>
    %dot_general3A_991 = arith.constant dense<0.000000e+00> : vector<4096x16xf32>
    %dot_general3A_992 = tpu.matmul %get3A_982, %convert_element_type3A_990, %dot_general3A_991 {dimension_numbers = #tpu.dot_dimension_numbers<[0], [0], [1], [1], [0, 1, 1, 1], [], []>, transpose_lhs_hint = false} : vector<16x4096xf32>, vector<16x16xf32>, vector<4096x16xf32> -> vector<4096x16xf32>
    %reshape3A_993 = vector.shape_cast %dot_general3A_992 : vector<4096x16xf32> to vector<512x8x16xf32>
    %slice3A_994 = vector.extract_strided_slice %reshape3A_993 {offsets = [0, 0, 0], sizes = [512, 1, 16], strides = [1, 1, 1]} : vector<512x8x16xf32> to vector<512x1x16xf32>
    %squeeze3A_995 = vector.shape_cast %slice3A_994 : vector<512x1x16xf32> to vector<512x16xf32>
    %get3A_996 = arith.constant 0 : index
    %get3A_997 = arith.constant 0 : index
    %get3A_998 = arith.constant 0 : index
    %get3A_999 = vector.load %arg2[%get3A_996, %get3A_997, %get3A_998] : memref<8x16x128xf32, #tpu.memory_space<vmem>>, vector<1x16x128xf32>
    %get3A_1000 = vector.shape_cast %get3A_999 : vector<1x16x128xf32> to vector<16x128xf32>
    %dot_general3A_1001 = arith.constant dense<0.000000e+00> : vector<512x128xf32>
    %dot_general3A_1002 = tpu.matmul %squeeze3A_995, %get3A_1000, %dot_general3A_1001 {dimension_numbers = #tpu.dot_dimension_numbers<[1], [0], [0], [1], [0, 0, 1, 1], [], []>, transpose_lhs_hint = false} : vector<512x16xf32>, vector<16x128xf32>, vector<512x128xf32> -> vector<512x128xf32>
    %slice3A_1003 = vector.extract_strided_slice %reshape3A_993 {offsets = [0, 1, 0], sizes = [512, 1, 16], strides = [1, 1, 1]} : vector<512x8x16xf32> to vector<512x1x16xf32>
    %squeeze3A_1004 = vector.shape_cast %slice3A_1003 : vector<512x1x16xf32> to vector<512x16xf32>
    %get3A_1005 = arith.constant 1 : index
    %get3A_1006 = arith.constant 0 : index
    %get3A_1007 = arith.constant 0 : index
    %get3A_1008 = vector.load %arg2[%get3A_1005, %get3A_1006, %get3A_1007] : memref<8x16x128xf32, #tpu.memory_space<vmem>>, vector<1x16x128xf32>
    %get3A_1009 = vector.shape_cast %get3A_1008 : vector<1x16x128xf32> to vector<16x128xf32>
    %dot_general3A_1010 = arith.constant dense<0.000000e+00> : vector<512x128xf32>
    %dot_general3A_1011 = tpu.matmul %squeeze3A_1004, %get3A_1009, %dot_general3A_1010 {dimension_numbers = #tpu.dot_dimension_numbers<[1], [0], [0], [1], [0, 0, 1, 1], [], []>, transpose_lhs_hint = false} : vector<512x16xf32>, vector<16x128xf32>, vector<512x128xf32> -> vector<512x128xf32>
    %add3A_1012 = arith.addf %dot_general3A_1002, %dot_general3A_1011 : vector<512x128xf32>
    %slice3A_1013 = vector.extract_strided_slice %reshape3A_993 {offsets = [0, 2, 0], sizes = [512, 1, 16], strides = [1, 1, 1]} : vector<512x8x16xf32> to vector<512x1x16xf32>
    %squeeze3A_1014 = vector.shape_cast %slice3A_1013 : vector<512x1x16xf32> to vector<512x16xf32>
    %get3A_1015 = arith.constant 2 : index
    %get3A_1016 = arith.constant 0 : index
    %get3A_1017 = arith.constant 0 : index
    %get3A_1018 = vector.load %arg2[%get3A_1015, %get3A_1016, %get3A_1017] : memref<8x16x128xf32, #tpu.memory_space<vmem>>, vector<1x16x128xf32>
    %get3A_1019 = vector.shape_cast %get3A_1018 : vector<1x16x128xf32> to vector<16x128xf32>
    %dot_general3A_1020 = arith.constant dense<0.000000e+00> : vector<512x128xf32>
    %dot_general3A_1021 = tpu.matmul %squeeze3A_1014, %get3A_1019, %dot_general3A_1020 {dimension_numbers = #tpu.dot_dimension_numbers<[1], [0], [0], [1], [0, 0, 1, 1], [], []>, transpose_lhs_hint = false} : vector<512x16xf32>, vector<16x128xf32>, vector<512x128xf32> -> vector<512x128xf32>
    %add3A_1022 = arith.addf %add3A_1012, %dot_general3A_1021 : vector<512x128xf32>
    %slice3A_1023 = vector.extract_strided_slice %reshape3A_993 {offsets = [0, 3, 0], sizes = [512, 1, 16], strides = [1, 1, 1]} : vector<512x8x16xf32> to vector<512x1x16xf32>
    %squeeze3A_1024 = vector.shape_cast %slice3A_1023 : vector<512x1x16xf32> to vector<512x16xf32>
    %get3A_1025 = arith.constant 3 : index
    %get3A_1026 = arith.constant 0 : index
    %get3A_1027 = arith.constant 0 : index
    %get3A_1028 = vector.load %arg2[%get3A_1025, %get3A_1026, %get3A_1027] : memref<8x16x128xf32, #tpu.memory_space<vmem>>, vector<1x16x128xf32>
    %get3A_1029 = vector.shape_cast %get3A_1028 : vector<1x16x128xf32> to vector<16x128xf32>
    %dot_general3A_1030 = arith.constant dense<0.000000e+00> : vector<512x128xf32>
    %dot_general3A_1031 = tpu.matmul %squeeze3A_1024, %get3A_1029, %dot_general3A_1030 {dimension_numbers = #tpu.dot_dimension_numbers<[1], [0], [0], [1], [0, 0, 1, 1], [], []>, transpose_lhs_hint = false} : vector<512x16xf32>, vector<16x128xf32>, vector<512x128xf32> -> vector<512x128xf32>
    %add3A_1032 = arith.addf %add3A_1022, %dot_general3A_1031 : vector<512x128xf32>
    %slice3A_1033 = vector.extract_strided_slice %reshape3A_993 {offsets = [0, 4, 0], sizes = [512, 1, 16], strides = [1, 1, 1]} : vector<512x8x16xf32> to vector<512x1x16xf32>
    %squeeze3A_1034 = vector.shape_cast %slice3A_1033 : vector<512x1x16xf32> to vector<512x16xf32>
    %get3A_1035 = arith.constant 4 : index
    %get3A_1036 = arith.constant 0 : index
    %get3A_1037 = arith.constant 0 : index
    %get3A_1038 = vector.load %arg2[%get3A_1035, %get3A_1036, %get3A_1037] : memref<8x16x128xf32, #tpu.memory_space<vmem>>, vector<1x16x128xf32>
    %get3A_1039 = vector.shape_cast %get3A_1038 : vector<1x16x128xf32> to vector<16x128xf32>
    %dot_general3A_1040 = arith.constant dense<0.000000e+00> : vector<512x128xf32>
    %dot_general3A_1041 = tpu.matmul %squeeze3A_1034, %get3A_1039, %dot_general3A_1040 {dimension_numbers = #tpu.dot_dimension_numbers<[1], [0], [0], [1], [0, 0, 1, 1], [], []>, transpose_lhs_hint = false} : vector<512x16xf32>, vector<16x128xf32>, vector<512x128xf32> -> vector<512x128xf32>
    %add3A_1042 = arith.addf %add3A_1032, %dot_general3A_1041 : vector<512x128xf32>
    %slice3A_1043 = vector.extract_strided_slice %reshape3A_993 {offsets = [0, 5, 0], sizes = [512, 1, 16], strides = [1, 1, 1]} : vector<512x8x16xf32> to vector<512x1x16xf32>
    %squeeze3A_1044 = vector.shape_cast %slice3A_1043 : vector<512x1x16xf32> to vector<512x16xf32>
    %get3A_1045 = arith.constant 5 : index
    %get3A_1046 = arith.constant 0 : index
    %get3A_1047 = arith.constant 0 : index
    %get3A_1048 = vector.load %arg2[%get3A_1045, %get3A_1046, %get3A_1047] : memref<8x16x128xf32, #tpu.memory_space<vmem>>, vector<1x16x128xf32>
    %get3A_1049 = vector.shape_cast %get3A_1048 : vector<1x16x128xf32> to vector<16x128xf32>
    %dot_general3A_1050 = arith.constant dense<0.000000e+00> : vector<512x128xf32>
    %dot_general3A_1051 = tpu.matmul %squeeze3A_1044, %get3A_1049, %dot_general3A_1050 {dimension_numbers = #tpu.dot_dimension_numbers<[1], [0], [0], [1], [0, 0, 1, 1], [], []>, transpose_lhs_hint = false} : vector<512x16xf32>, vector<16x128xf32>, vector<512x128xf32> -> vector<512x128xf32>
    %add3A_1052 = arith.addf %add3A_1042, %dot_general3A_1051 : vector<512x128xf32>
    %slice3A_1053 = vector.extract_strided_slice %reshape3A_993 {offsets = [0, 6, 0], sizes = [512, 1, 16], strides = [1, 1, 1]} : vector<512x8x16xf32> to vector<512x1x16xf32>
    %squeeze3A_1054 = vector.shape_cast %slice3A_1053 : vector<512x1x16xf32> to vector<512x16xf32>
    %get3A_1055 = arith.constant 6 : index
    %get3A_1056 = arith.constant 0 : index
    %get3A_1057 = arith.constant 0 : index
    %get3A_1058 = vector.load %arg2[%get3A_1055, %get3A_1056, %get3A_1057] : memref<8x16x128xf32, #tpu.memory_space<vmem>>, vector<1x16x128xf32>
    %get3A_1059 = vector.shape_cast %get3A_1058 : vector<1x16x128xf32> to vector<16x128xf32>
    %dot_general3A_1060 = arith.constant dense<0.000000e+00> : vector<512x128xf32>
    %dot_general3A_1061 = tpu.matmul %squeeze3A_1054, %get3A_1059, %dot_general3A_1060 {dimension_numbers = #tpu.dot_dimension_numbers<[1], [0], [0], [1], [0, 0, 1, 1], [], []>, transpose_lhs_hint = false} : vector<512x16xf32>, vector<16x128xf32>, vector<512x128xf32> -> vector<512x128xf32>
    %add3A_1062 = arith.addf %add3A_1052, %dot_general3A_1061 : vector<512x128xf32>
    %slice3A_1063 = vector.extract_strided_slice %reshape3A_993 {offsets = [0, 7, 0], sizes = [512, 1, 16], strides = [1, 1, 1]} : vector<512x8x16xf32> to vector<512x1x16xf32>
    %squeeze3A_1064 = vector.shape_cast %slice3A_1063 : vector<512x1x16xf32> to vector<512x16xf32>
    %get3A_1065 = arith.constant 7 : index
    %get3A_1066 = arith.constant 0 : index
    %get3A_1067 = arith.constant 0 : index
    %get3A_1068 = vector.load %arg2[%get3A_1065, %get3A_1066, %get3A_1067] : memref<8x16x128xf32, #tpu.memory_space<vmem>>, vector<1x16x128xf32>
    %get3A_1069 = vector.shape_cast %get3A_1068 : vector<1x16x128xf32> to vector<16x128xf32>
    %dot_general3A_1070 = arith.constant dense<0.000000e+00> : vector<512x128xf32>
    %dot_general3A_1071 = tpu.matmul %squeeze3A_1064, %get3A_1069, %dot_general3A_1070 {dimension_numbers = #tpu.dot_dimension_numbers<[1], [0], [0], [1], [0, 0, 1, 1], [], []>, transpose_lhs_hint = false} : vector<512x16xf32>, vector<16x128xf32>, vector<512x128xf32> -> vector<512x128xf32>
    %add3A_1072 = arith.addf %add3A_1062, %dot_general3A_1071 : vector<512x128xf32>
    %swap3A_1073 = arith.constant 0 : index
    %swap3A_1074 = arith.constant 5120 : index
    %swap3A_1075 = arith.constant 0 : index
    %swap3A_1076 = vector.load %arg3[%swap3A_1073, %swap3A_1074, %swap3A_1075] : memref<1x12504x128xf32, #tpu.memory_space<vmem>>, vector<1x512x128xf32>
    %swap3A_1077 = vector.shape_cast %swap3A_1076 : vector<1x512x128xf32> to vector<512x128xf32>
    %swap3A_1078 = vector.shape_cast %add3A_1072 : vector<512x128xf32> to vector<1x512x128xf32>
    tpu.vector_store %arg3[%swap3A_1073, %swap3A_1074, %swap3A_1075], %swap3A_1078 {strides = array<i32>} : memref<1x12504x128xf32, #tpu.memory_space<vmem>>, vector<1x512x128xf32>,
    %get3A_1079 = arith.constant 0 : index
    %get3A_1080 = arith.constant 45056 : index
    %get3A_1081 = vector.load %arg1[%get3A_1079, %get3A_1080] : memref<16x100000xf32, #tpu.memory_space<vmem>>, vector<16x4096xf32>
    %iota3A_1082 = tpu.iota {dimensions = array<i32: 0>} : vector<16x16xi32>
    %iota3A_1083 = tpu.iota {dimensions = array<i32: 1>} : vector<16x16xi32>
    %add3A_1084 = arith.constant 0 : i32
    %add3A_1085 = vector.broadcast %add3A_1084 : i32 to vector<16x16xi32>
    %add3A_1086 = arith.addi %iota3A_1082, %add3A_1085 : vector<16x16xi32>
    %eq3A_1087 = arith.cmpi eq, %add3A_1086, %iota3A_1083 : vector<16x16xi32>
    %convert_element_type3A_1088 = arith.extui %eq3A_1087 : vector<16x16xi1> to vector<16x16xi32>
    %convert_element_type3A_1089 = arith.sitofp %convert_element_type3A_1088 : vector<16x16xi32> to vector<16x16xf32>
    %dot_general3A_1090 = arith.constant dense<0.000000e+00> : vector<4096x16xf32>
    %dot_general3A_1091 = tpu.matmul %get3A_1081, %convert_element_type3A_1089, %dot_general3A_1090 {dimension_numbers = #tpu.dot_dimension_numbers<[0], [0], [1], [1], [0, 1, 1, 1], [], []>, transpose_lhs_hint = false} : vector<16x4096xf32>, vector<16x16xf32>, vector<4096x16xf32> -> vector<4096x16xf32>
    %reshape3A_1092 = vector.shape_cast %dot_general3A_1091 : vector<4096x16xf32> to vector<512x8x16xf32>
    %slice3A_1093 = vector.extract_strided_slice %reshape3A_1092 {offsets = [0, 0, 0], sizes = [512, 1, 16], strides = [1, 1, 1]} : vector<512x8x16xf32> to vector<512x1x16xf32>
    %squeeze3A_1094 = vector.shape_cast %slice3A_1093 : vector<512x1x16xf32> to vector<512x16xf32>
    %get3A_1095 = arith.constant 0 : index
    %get3A_1096 = arith.constant 0 : index
    %get3A_1097 = arith.constant 0 : index
    %get3A_1098 = vector.load %arg2[%get3A_1095, %get3A_1096, %get3A_1097] : memref<8x16x128xf32, #tpu.memory_space<vmem>>, vector<1x16x128xf32>
    %get3A_1099 = vector.shape_cast %get3A_1098 : vector<1x16x128xf32> to vector<16x128xf32>
    %dot_general3A_1100 = arith.constant dense<0.000000e+00> : vector<512x128xf32>
    %dot_general3A_1101 = tpu.matmul %squeeze3A_1094, %get3A_1099, %dot_general3A_1100 {dimension_numbers = #tpu.dot_dimension_numbers<[1], [0], [0], [1], [0, 0, 1, 1], [], []>, transpose_lhs_hint = false} : vector<512x16xf32>, vector<16x128xf32>, vector<512x128xf32> -> vector<512x128xf32>
    %slice3A_1102 = vector.extract_strided_slice %reshape3A_1092 {offsets = [0, 1, 0], sizes = [512, 1, 16], strides = [1, 1, 1]} : vector<512x8x16xf32> to vector<512x1x16xf32>
    %squeeze3A_1103 = vector.shape_cast %slice3A_1102 : vector<512x1x16xf32> to vector<512x16xf32>
    %get3A_1104 = arith.constant 1 : index
    %get3A_1105 = arith.constant 0 : index
    %get3A_1106 = arith.constant 0 : index
    %get3A_1107 = vector.load %arg2[%get3A_1104, %get3A_1105, %get3A_1106] : memref<8x16x128xf32, #tpu.memory_space<vmem>>, vector<1x16x128xf32>
    %get3A_1108 = vector.shape_cast %get3A_1107 : vector<1x16x128xf32> to vector<16x128xf32>
    %dot_general3A_1109 = arith.constant dense<0.000000e+00> : vector<512x128xf32>
    %dot_general3A_1110 = tpu.matmul %squeeze3A_1103, %get3A_1108, %dot_general3A_1109 {dimension_numbers = #tpu.dot_dimension_numbers<[1], [0], [0], [1], [0, 0, 1, 1], [], []>, transpose_lhs_hint = false} : vector<512x16xf32>, vector<16x128xf32>, vector<512x128xf32> -> vector<512x128xf32>
    %add3A_1111 = arith.addf %dot_general3A_1101, %dot_general3A_1110 : vector<512x128xf32>
    %slice3A_1112 = vector.extract_strided_slice %reshape3A_1092 {offsets = [0, 2, 0], sizes = [512, 1, 16], strides = [1, 1, 1]} : vector<512x8x16xf32> to vector<512x1x16xf32>
    %squeeze3A_1113 = vector.shape_cast %slice3A_1112 : vector<512x1x16xf32> to vector<512x16xf32>
    %get3A_1114 = arith.constant 2 : index
    %get3A_1115 = arith.constant 0 : index
    %get3A_1116 = arith.constant 0 : index
    %get3A_1117 = vector.load %arg2[%get3A_1114, %get3A_1115, %get3A_1116] : memref<8x16x128xf32, #tpu.memory_space<vmem>>, vector<1x16x128xf32>
    %get3A_1118 = vector.shape_cast %get3A_1117 : vector<1x16x128xf32> to vector<16x128xf32>
    %dot_general3A_1119 = arith.constant dense<0.000000e+00> : vector<512x128xf32>
    %dot_general3A_1120 = tpu.matmul %squeeze3A_1113, %get3A_1118, %dot_general3A_1119 {dimension_numbers = #tpu.dot_dimension_numbers<[1], [0], [0], [1], [0, 0, 1, 1], [], []>, transpose_lhs_hint = false} : vector<512x16xf32>, vector<16x128xf32>, vector<512x128xf32> -> vector<512x128xf32>
    %add3A_1121 = arith.addf %add3A_1111, %dot_general3A_1120 : vector<512x128xf32>
    %slice3A_1122 = vector.extract_strided_slice %reshape3A_1092 {offsets = [0, 3, 0], sizes = [512, 1, 16], strides = [1, 1, 1]} : vector<512x8x16xf32> to vector<512x1x16xf32>
    %squeeze3A_1123 = vector.shape_cast %slice3A_1122 : vector<512x1x16xf32> to vector<512x16xf32>
    %get3A_1124 = arith.constant 3 : index
    %get3A_1125 = arith.constant 0 : index
    %get3A_1126 = arith.constant 0 : index
    %get3A_1127 = vector.load %arg2[%get3A_1124, %get3A_1125, %get3A_1126] : memref<8x16x128xf32, #tpu.memory_space<vmem>>, vector<1x16x128xf32>
    %get3A_1128 = vector.shape_cast %get3A_1127 : vector<1x16x128xf32> to vector<16x128xf32>
    %dot_general3A_1129 = arith.constant dense<0.000000e+00> : vector<512x128xf32>
    %dot_general3A_1130 = tpu.matmul %squeeze3A_1123, %get3A_1128, %dot_general3A_1129 {dimension_numbers = #tpu.dot_dimension_numbers<[1], [0], [0], [1], [0, 0, 1, 1], [], []>, transpose_lhs_hint = false} : vector<512x16xf32>, vector<16x128xf32>, vector<512x128xf32> -> vector<512x128xf32>
    %add3A_1131 = arith.addf %add3A_1121, %dot_general3A_1130 : vector<512x128xf32>
    %slice3A_1132 = vector.extract_strided_slice %reshape3A_1092 {offsets = [0, 4, 0], sizes = [512, 1, 16], strides = [1, 1, 1]} : vector<512x8x16xf32> to vector<512x1x16xf32>
    %squeeze3A_1133 = vector.shape_cast %slice3A_1132 : vector<512x1x16xf32> to vector<512x16xf32>
    %get3A_1134 = arith.constant 4 : index
    %get3A_1135 = arith.constant 0 : index
    %get3A_1136 = arith.constant 0 : index
    %get3A_1137 = vector.load %arg2[%get3A_1134, %get3A_1135, %get3A_1136] : memref<8x16x128xf32, #tpu.memory_space<vmem>>, vector<1x16x128xf32>
    %get3A_1138 = vector.shape_cast %get3A_1137 : vector<1x16x128xf32> to vector<16x128xf32>
    %dot_general3A_1139 = arith.constant dense<0.000000e+00> : vector<512x128xf32>
    %dot_general3A_1140 = tpu.matmul %squeeze3A_1133, %get3A_1138, %dot_general3A_1139 {dimension_numbers = #tpu.dot_dimension_numbers<[1], [0], [0], [1], [0, 0, 1, 1], [], []>, transpose_lhs_hint = false} : vector<512x16xf32>, vector<16x128xf32>, vector<512x128xf32> -> vector<512x128xf32>
    %add3A_1141 = arith.addf %add3A_1131, %dot_general3A_1140 : vector<512x128xf32>
    %slice3A_1142 = vector.extract_strided_slice %reshape3A_1092 {offsets = [0, 5, 0], sizes = [512, 1, 16], strides = [1, 1, 1]} : vector<512x8x16xf32> to vector<512x1x16xf32>
    %squeeze3A_1143 = vector.shape_cast %slice3A_1142 : vector<512x1x16xf32> to vector<512x16xf32>
    %get3A_1144 = arith.constant 5 : index
    %get3A_1145 = arith.constant 0 : index
    %get3A_1146 = arith.constant 0 : index
    %get3A_1147 = vector.load %arg2[%get3A_1144, %get3A_1145, %get3A_1146] : memref<8x16x128xf32, #tpu.memory_space<vmem>>, vector<1x16x128xf32>
    %get3A_1148 = vector.shape_cast %get3A_1147 : vector<1x16x128xf32> to vector<16x128xf32>
    %dot_general3A_1149 = arith.constant dense<0.000000e+00> : vector<512x128xf32>
    %dot_general3A_1150 = tpu.matmul %squeeze3A_1143, %get3A_1148, %dot_general3A_1149 {dimension_numbers = #tpu.dot_dimension_numbers<[1], [0], [0], [1], [0, 0, 1, 1], [], []>, transpose_lhs_hint = false} : vector<512x16xf32>, vector<16x128xf32>, vector<512x128xf32> -> vector<512x128xf32>
    %add3A_1151 = arith.addf %add3A_1141, %dot_general3A_1150 : vector<512x128xf32>
    %slice3A_1152 = vector.extract_strided_slice %reshape3A_1092 {offsets = [0, 6, 0], sizes = [512, 1, 16], strides = [1, 1, 1]} : vector<512x8x16xf32> to vector<512x1x16xf32>
    %squeeze3A_1153 = vector.shape_cast %slice3A_1152 : vector<512x1x16xf32> to vector<512x16xf32>
    %get3A_1154 = arith.constant 6 : index
    %get3A_1155 = arith.constant 0 : index
    %get3A_1156 = arith.constant 0 : index
    %get3A_1157 = vector.load %arg2[%get3A_1154, %get3A_1155, %get3A_1156] : memref<8x16x128xf32, #tpu.memory_space<vmem>>, vector<1x16x128xf32>
    %get3A_1158 = vector.shape_cast %get3A_1157 : vector<1x16x128xf32> to vector<16x128xf32>
    %dot_general3A_1159 = arith.constant dense<0.000000e+00> : vector<512x128xf32>
    %dot_general3A_1160 = tpu.matmul %squeeze3A_1153, %get3A_1158, %dot_general3A_1159 {dimension_numbers = #tpu.dot_dimension_numbers<[1], [0], [0], [1], [0, 0, 1, 1], [], []>, transpose_lhs_hint = false} : vector<512x16xf32>, vector<16x128xf32>, vector<512x128xf32> -> vector<512x128xf32>
    %add3A_1161 = arith.addf %add3A_1151, %dot_general3A_1160 : vector<512x128xf32>
    %slice3A_1162 = vector.extract_strided_slice %reshape3A_1092 {offsets = [0, 7, 0], sizes = [512, 1, 16], strides = [1, 1, 1]} : vector<512x8x16xf32> to vector<512x1x16xf32>
    %squeeze3A_1163 = vector.shape_cast %slice3A_1162 : vector<512x1x16xf32> to vector<512x16xf32>
    %get3A_1164 = arith.constant 7 : index
    %get3A_1165 = arith.constant 0 : index
    %get3A_1166 = arith.constant 0 : index
    %get3A_1167 = vector.load %arg2[%get3A_1164, %get3A_1165, %get3A_1166] : memref<8x16x128xf32, #tpu.memory_space<vmem>>, vector<1x16x128xf32>
    %get3A_1168 = vector.shape_cast %get3A_1167 : vector<1x16x128xf32> to vector<16x128xf32>
    %dot_general3A_1169 = arith.constant dense<0.000000e+00> : vector<512x128xf32>
    %dot_general3A_1170 = tpu.matmul %squeeze3A_1163, %get3A_1168, %dot_general3A_1169 {dimension_numbers = #tpu.dot_dimension_numbers<[1], [0], [0], [1], [0, 0, 1, 1], [], []>, transpose_lhs_hint = false} : vector<512x16xf32>, vector<16x128xf32>, vector<512x128xf32> -> vector<512x128xf32>
    %add3A_1171 = arith.addf %add3A_1161, %dot_general3A_1170 : vector<512x128xf32>
    %swap3A_1172 = arith.constant 0 : index
    %swap3A_1173 = arith.constant 5632 : index
    %swap3A_1174 = arith.constant 0 : index
    %swap3A_1175 = vector.load %arg3[%swap3A_1172, %swap3A_1173, %swap3A_1174] : memref<1x12504x128xf32, #tpu.memory_space<vmem>>, vector<1x512x128xf32>
    %swap3A_1176 = vector.shape_cast %swap3A_1175 : vector<1x512x128xf32> to vector<512x128xf32>
    %swap3A_1177 = vector.shape_cast %add3A_1171 : vector<512x128xf32> to vector<1x512x128xf32>
    tpu.vector_store %arg3[%swap3A_1172, %swap3A_1173, %swap3A_1174], %swap3A_1177 {strides = array<i32>} : memref<1x12504x128xf32, #tpu.memory_space<vmem>>, vector<1x512x128xf32>,
    %get3A_1178 = arith.constant 0 : index
    %get3A_1179 = arith.constant 49152 : index
    %get3A_1180 = vector.load %arg1[%get3A_1178, %get3A_1179] : memref<16x100000xf32, #tpu.memory_space<vmem>>, vector<16x4096xf32>
    %iota3A_1181 = tpu.iota {dimensions = array<i32: 0>} : vector<16x16xi32>
    %iota3A_1182 = tpu.iota {dimensions = array<i32: 1>} : vector<16x16xi32>
    %add3A_1183 = arith.constant 0 : i32
    %add3A_1184 = vector.broadcast %add3A_1183 : i32 to vector<16x16xi32>
    %add3A_1185 = arith.addi %iota3A_1181, %add3A_1184 : vector<16x16xi32>
    %eq3A_1186 = arith.cmpi eq, %add3A_1185, %iota3A_1182 : vector<16x16xi32>
    %convert_element_type3A_1187 = arith.extui %eq3A_1186 : vector<16x16xi1> to vector<16x16xi32>
    %convert_element_type3A_1188 = arith.sitofp %convert_element_type3A_1187 : vector<16x16xi32> to vector<16x16xf32>
    %dot_general3A_1189 = arith.constant dense<0.000000e+00> : vector<4096x16xf32>
    %dot_general3A_1190 = tpu.matmul %get3A_1180, %convert_element_type3A_1188, %dot_general3A_1189 {dimension_numbers = #tpu.dot_dimension_numbers<[0], [0], [1], [1], [0, 1, 1, 1], [], []>, transpose_lhs_hint = false} : vector<16x4096xf32>, vector<16x16xf32>, vector<4096x16xf32> -> vector<4096x16xf32>
    %reshape3A_1191 = vector.shape_cast %dot_general3A_1190 : vector<4096x16xf32> to vector<512x8x16xf32>
    %slice3A_1192 = vector.extract_strided_slice %reshape3A_1191 {offsets = [0, 0, 0], sizes = [512, 1, 16], strides = [1, 1, 1]} : vector<512x8x16xf32> to vector<512x1x16xf32>
    %squeeze3A_1193 = vector.shape_cast %slice3A_1192 : vector<512x1x16xf32> to vector<512x16xf32>
    %get3A_1194 = arith.constant 0 : index
    %get3A_1195 = arith.constant 0 : index
    %get3A_1196 = arith.constant 0 : index
    %get3A_1197 = vector.load %arg2[%get3A_1194, %get3A_1195, %get3A_1196] : memref<8x16x128xf32, #tpu.memory_space<vmem>>, vector<1x16x128xf32>
    %get3A_1198 = vector.shape_cast %get3A_1197 : vector<1x16x128xf32> to vector<16x128xf32>
    %dot_general3A_1199 = arith.constant dense<0.000000e+00> : vector<512x128xf32>
    %dot_general3A_1200 = tpu.matmul %squeeze3A_1193, %get3A_1198, %dot_general3A_1199 {dimension_numbers = #tpu.dot_dimension_numbers<[1], [0], [0], [1], [0, 0, 1, 1], [], []>, transpose_lhs_hint = false} : vector<512x16xf32>, vector<16x128xf32>, vector<512x128xf32> -> vector<512x128xf32>
    %slice3A_1201 = vector.extract_strided_slice %reshape3A_1191 {offsets = [0, 1, 0], sizes = [512, 1, 16], strides = [1, 1, 1]} : vector<512x8x16xf32> to vector<512x1x16xf32>
    %squeeze3A_1202 = vector.shape_cast %slice3A_1201 : vector<512x1x16xf32> to vector<512x16xf32>
    %get3A_1203 = arith.constant 1 : index
    %get3A_1204 = arith.constant 0 : index
    %get3A_1205 = arith.constant 0 : index
    %get3A_1206 = vector.load %arg2[%get3A_1203, %get3A_1204, %get3A_1205] : memref<8x16x128xf32, #tpu.memory_space<vmem>>, vector<1x16x128xf32>
    %get3A_1207 = vector.shape_cast %get3A_1206 : vector<1x16x128xf32> to vector<16x128xf32>
    %dot_general3A_1208 = arith.constant dense<0.000000e+00> : vector<512x128xf32>
    %dot_general3A_1209 = tpu.matmul %squeeze3A_1202, %get3A_1207, %dot_general3A_1208 {dimension_numbers = #tpu.dot_dimension_numbers<[1], [0], [0], [1], [0, 0, 1, 1], [], []>, transpose_lhs_hint = false} : vector<512x16xf32>, vector<16x128xf32>, vector<512x128xf32> -> vector<512x128xf32>
    %add3A_1210 = arith.addf %dot_general3A_1200, %dot_general3A_1209 : vector<512x128xf32>
    %slice3A_1211 = vector.extract_strided_slice %reshape3A_1191 {offsets = [0, 2, 0], sizes = [512, 1, 16], strides = [1, 1, 1]} : vector<512x8x16xf32> to vector<512x1x16xf32>
    %squeeze3A_1212 = vector.shape_cast %slice3A_1211 : vector<512x1x16xf32> to vector<512x16xf32>
    %get3A_1213 = arith.constant 2 : index
    %get3A_1214 = arith.constant 0 : index
    %get3A_1215 = arith.constant 0 : index
    %get3A_1216 = vector.load %arg2[%get3A_1213, %get3A_1214, %get3A_1215] : memref<8x16x128xf32, #tpu.memory_space<vmem>>, vector<1x16x128xf32>
    %get3A_1217 = vector.shape_cast %get3A_1216 : vector<1x16x128xf32> to vector<16x128xf32>
    %dot_general3A_1218 = arith.constant dense<0.000000e+00> : vector<512x128xf32>
    %dot_general3A_1219 = tpu.matmul %squeeze3A_1212, %get3A_1217, %dot_general3A_1218 {dimension_numbers = #tpu.dot_dimension_numbers<[1], [0], [0], [1], [0, 0, 1, 1], [], []>, transpose_lhs_hint = false} : vector<512x16xf32>, vector<16x128xf32>, vector<512x128xf32> -> vector<512x128xf32>
    %add3A_1220 = arith.addf %add3A_1210, %dot_general3A_1219 : vector<512x128xf32>
    %slice3A_1221 = vector.extract_strided_slice %reshape3A_1191 {offsets = [0, 3, 0], sizes = [512, 1, 16], strides = [1, 1, 1]} : vector<512x8x16xf32> to vector<512x1x16xf32>
    %squeeze3A_1222 = vector.shape_cast %slice3A_1221 : vector<512x1x16xf32> to vector<512x16xf32>
    %get3A_1223 = arith.constant 3 : index
    %get3A_1224 = arith.constant 0 : index
    %get3A_1225 = arith.constant 0 : index
    %get3A_1226 = vector.load %arg2[%get3A_1223, %get3A_1224, %get3A_1225] : memref<8x16x128xf32, #tpu.memory_space<vmem>>, vector<1x16x128xf32>
    %get3A_1227 = vector.shape_cast %get3A_1226 : vector<1x16x128xf32> to vector<16x128xf32>
    %dot_general3A_1228 = arith.constant dense<0.000000e+00> : vector<512x128xf32>
    %dot_general3A_1229 = tpu.matmul %squeeze3A_1222, %get3A_1227, %dot_general3A_1228 {dimension_numbers = #tpu.dot_dimension_numbers<[1], [0], [0], [1], [0, 0, 1, 1], [], []>, transpose_lhs_hint = false} : vector<512x16xf32>, vector<16x128xf32>, vector<512x128xf32> -> vector<512x128xf32>
    %add3A_1230 = arith.addf %add3A_1220, %dot_general3A_1229 : vector<512x128xf32>
    %slice3A_1231 = vector.extract_strided_slice %reshape3A_1191 {offsets = [0, 4, 0], sizes = [512, 1, 16], strides = [1, 1, 1]} : vector<512x8x16xf32> to vector<512x1x16xf32>
    %squeeze3A_1232 = vector.shape_cast %slice3A_1231 : vector<512x1x16xf32> to vector<512x16xf32>
    %get3A_1233 = arith.constant 4 : index
    %get3A_1234 = arith.constant 0 : index
    %get3A_1235 = arith.constant 0 : index
    %get3A_1236 = vector.load %arg2[%get3A_1233, %get3A_1234, %get3A_1235] : memref<8x16x128xf32, #tpu.memory_space<vmem>>, vector<1x16x128xf32>
    %get3A_1237 = vector.shape_cast %get3A_1236 : vector<1x16x128xf32> to vector<16x128xf32>
    %dot_general3A_1238 = arith.constant dense<0.000000e+00> : vector<512x128xf32>
    %dot_general3A_1239 = tpu.matmul %squeeze3A_1232, %get3A_1237, %dot_general3A_1238 {dimension_numbers = #tpu.dot_dimension_numbers<[1], [0], [0], [1], [0, 0, 1, 1], [], []>, transpose_lhs_hint = false} : vector<512x16xf32>, vector<16x128xf32>, vector<512x128xf32> -> vector<512x128xf32>
    %add3A_1240 = arith.addf %add3A_1230, %dot_general3A_1239 : vector<512x128xf32>
    %slice3A_1241 = vector.extract_strided_slice %reshape3A_1191 {offsets = [0, 5, 0], sizes = [512, 1, 16], strides = [1, 1, 1]} : vector<512x8x16xf32> to vector<512x1x16xf32>
    %squeeze3A_1242 = vector.shape_cast %slice3A_1241 : vector<512x1x16xf32> to vector<512x16xf32>
    %get3A_1243 = arith.constant 5 : index
    %get3A_1244 = arith.constant 0 : index
    %get3A_1245 = arith.constant 0 : index
    %get3A_1246 = vector.load %arg2[%get3A_1243, %get3A_1244, %get3A_1245] : memref<8x16x128xf32, #tpu.memory_space<vmem>>, vector<1x16x128xf32>
    %get3A_1247 = vector.shape_cast %get3A_1246 : vector<1x16x128xf32> to vector<16x128xf32>
    %dot_general3A_1248 = arith.constant dense<0.000000e+00> : vector<512x128xf32>
    %dot_general3A_1249 = tpu.matmul %squeeze3A_1242, %get3A_1247, %dot_general3A_1248 {dimension_numbers = #tpu.dot_dimension_numbers<[1], [0], [0], [1], [0, 0, 1, 1], [], []>, transpose_lhs_hint = false} : vector<512x16xf32>, vector<16x128xf32>, vector<512x128xf32> -> vector<512x128xf32>
    %add3A_1250 = arith.addf %add3A_1240, %dot_general3A_1249 : vector<512x128xf32>
    %slice3A_1251 = vector.extract_strided_slice %reshape3A_1191 {offsets = [0, 6, 0], sizes = [512, 1, 16], strides = [1, 1, 1]} : vector<512x8x16xf32> to vector<512x1x16xf32>
    %squeeze3A_1252 = vector.shape_cast %slice3A_1251 : vector<512x1x16xf32> to vector<512x16xf32>
    %get3A_1253 = arith.constant 6 : index
    %get3A_1254 = arith.constant 0 : index
    %get3A_1255 = arith.constant 0 : index
    %get3A_1256 = vector.load %arg2[%get3A_1253, %get3A_1254, %get3A_1255] : memref<8x16x128xf32, #tpu.memory_space<vmem>>, vector<1x16x128xf32>
    %get3A_1257 = vector.shape_cast %get3A_1256 : vector<1x16x128xf32> to vector<16x128xf32>
    %dot_general3A_1258 = arith.constant dense<0.000000e+00> : vector<512x128xf32>
    %dot_general3A_1259 = tpu.matmul %squeeze3A_1252, %get3A_1257, %dot_general3A_1258 {dimension_numbers = #tpu.dot_dimension_numbers<[1], [0], [0], [1], [0, 0, 1, 1], [], []>, transpose_lhs_hint = false} : vector<512x16xf32>, vector<16x128xf32>, vector<512x128xf32> -> vector<512x128xf32>
    %add3A_1260 = arith.addf %add3A_1250, %dot_general3A_1259 : vector<512x128xf32>
    %slice3A_1261 = vector.extract_strided_slice %reshape3A_1191 {offsets = [0, 7, 0], sizes = [512, 1, 16], strides = [1, 1, 1]} : vector<512x8x16xf32> to vector<512x1x16xf32>
    %squeeze3A_1262 = vector.shape_cast %slice3A_1261 : vector<512x1x16xf32> to vector<512x16xf32>
    %get3A_1263 = arith.constant 7 : index
    %get3A_1264 = arith.constant 0 : index
    %get3A_1265 = arith.constant 0 : index
    %get3A_1266 = vector.load %arg2[%get3A_1263, %get3A_1264, %get3A_1265] : memref<8x16x128xf32, #tpu.memory_space<vmem>>, vector<1x16x128xf32>
    %get3A_1267 = vector.shape_cast %get3A_1266 : vector<1x16x128xf32> to vector<16x128xf32>
    %dot_general3A_1268 = arith.constant dense<0.000000e+00> : vector<512x128xf32>
    %dot_general3A_1269 = tpu.matmul %squeeze3A_1262, %get3A_1267, %dot_general3A_1268 {dimension_numbers = #tpu.dot_dimension_numbers<[1], [0], [0], [1], [0, 0, 1, 1], [], []>, transpose_lhs_hint = false} : vector<512x16xf32>, vector<16x128xf32>, vector<512x128xf32> -> vector<512x128xf32>
    %add3A_1270 = arith.addf %add3A_1260, %dot_general3A_1269 : vector<512x128xf32>
    %swap3A_1271 = arith.constant 0 : index
    %swap3A_1272 = arith.constant 6144 : index
    %swap3A_1273 = arith.constant 0 : index
    %swap3A_1274 = vector.load %arg3[%swap3A_1271, %swap3A_1272, %swap3A_1273] : memref<1x12504x128xf32, #tpu.memory_space<vmem>>, vector<1x512x128xf32>
    %swap3A_1275 = vector.shape_cast %swap3A_1274 : vector<1x512x128xf32> to vector<512x128xf32>
    %swap3A_1276 = vector.shape_cast %add3A_1270 : vector<512x128xf32> to vector<1x512x128xf32>
    tpu.vector_store %arg3[%swap3A_1271, %swap3A_1272, %swap3A_1273], %swap3A_1276 {strides = array<i32>} : memref<1x12504x128xf32, #tpu.memory_space<vmem>>, vector<1x512x128xf32>,
    %get3A_1277 = arith.constant 0 : index
    %get3A_1278 = arith.constant 53248 : index
    %get3A_1279 = vector.load %arg1[%get3A_1277, %get3A_1278] : memref<16x100000xf32, #tpu.memory_space<vmem>>, vector<16x4096xf32>
    %iota3A_1280 = tpu.iota {dimensions = array<i32: 0>} : vector<16x16xi32>
    %iota3A_1281 = tpu.iota {dimensions = array<i32: 1>} : vector<16x16xi32>
    %add3A_1282 = arith.constant 0 : i32
    %add3A_1283 = vector.broadcast %add3A_1282 : i32 to vector<16x16xi32>
    %add3A_1284 = arith.addi %iota3A_1280, %add3A_1283 : vector<16x16xi32>
    %eq3A_1285 = arith.cmpi eq, %add3A_1284, %iota3A_1281 : vector<16x16xi32>
    %convert_element_type3A_1286 = arith.extui %eq3A_1285 : vector<16x16xi1> to vector<16x16xi32>
    %convert_element_type3A_1287 = arith.sitofp %convert_element_type3A_1286 : vector<16x16xi32> to vector<16x16xf32>
    %dot_general3A_1288 = arith.constant dense<0.000000e+00> : vector<4096x16xf32>
    %dot_general3A_1289 = tpu.matmul %get3A_1279, %convert_element_type3A_1287, %dot_general3A_1288 {dimension_numbers = #tpu.dot_dimension_numbers<[0], [0], [1], [1], [0, 1, 1, 1], [], []>, transpose_lhs_hint = false} : vector<16x4096xf32>, vector<16x16xf32>, vector<4096x16xf32> -> vector<4096x16xf32>
    %reshape3A_1290 = vector.shape_cast %dot_general3A_1289 : vector<4096x16xf32> to vector<512x8x16xf32>
    %slice3A_1291 = vector.extract_strided_slice %reshape3A_1290 {offsets = [0, 0, 0], sizes = [512, 1, 16], strides = [1, 1, 1]} : vector<512x8x16xf32> to vector<512x1x16xf32>
    %squeeze3A_1292 = vector.shape_cast %slice3A_1291 : vector<512x1x16xf32> to vector<512x16xf32>
    %get3A_1293 = arith.constant 0 : index
    %get3A_1294 = arith.constant 0 : index
    %get3A_1295 = arith.constant 0 : index
    %get3A_1296 = vector.load %arg2[%get3A_1293, %get3A_1294, %get3A_1295] : memref<8x16x128xf32, #tpu.memory_space<vmem>>, vector<1x16x128xf32>
    %get3A_1297 = vector.shape_cast %get3A_1296 : vector<1x16x128xf32> to vector<16x128xf32>
    %dot_general3A_1298 = arith.constant dense<0.000000e+00> : vector<512x128xf32>
    %dot_general3A_1299 = tpu.matmul %squeeze3A_1292, %get3A_1297, %dot_general3A_1298 {dimension_numbers = #tpu.dot_dimension_numbers<[1], [0], [0], [1], [0, 0, 1, 1], [], []>, transpose_lhs_hint = false} : vector<512x16xf32>, vector<16x128xf32>, vector<512x128xf32> -> vector<512x128xf32>
    %slice3A_1300 = vector.extract_strided_slice %reshape3A_1290 {offsets = [0, 1, 0], sizes = [512, 1, 16], strides = [1, 1, 1]} : vector<512x8x16xf32> to vector<512x1x16xf32>
    %squeeze3A_1301 = vector.shape_cast %slice3A_1300 : vector<512x1x16xf32> to vector<512x16xf32>
    %get3A_1302 = arith.constant 1 : index
    %get3A_1303 = arith.constant 0 : index
    %get3A_1304 = arith.constant 0 : index
    %get3A_1305 = vector.load %arg2[%get3A_1302, %get3A_1303, %get3A_1304] : memref<8x16x128xf32, #tpu.memory_space<vmem>>, vector<1x16x128xf32>
    %get3A_1306 = vector.shape_cast %get3A_1305 : vector<1x16x128xf32> to vector<16x128xf32>
    %dot_general3A_1307 = arith.constant dense<0.000000e+00> : vector<512x128xf32>
    %dot_general3A_1308 = tpu.matmul %squeeze3A_1301, %get3A_1306, %dot_general3A_1307 {dimension_numbers = #tpu.dot_dimension_numbers<[1], [0], [0], [1], [0, 0, 1, 1], [], []>, transpose_lhs_hint = false} : vector<512x16xf32>, vector<16x128xf32>, vector<512x128xf32> -> vector<512x128xf32>
    %add3A_1309 = arith.addf %dot_general3A_1299, %dot_general3A_1308 : vector<512x128xf32>
    %slice3A_1310 = vector.extract_strided_slice %reshape3A_1290 {offsets = [0, 2, 0], sizes = [512, 1, 16], strides = [1, 1, 1]} : vector<512x8x16xf32> to vector<512x1x16xf32>
    %squeeze3A_1311 = vector.shape_cast %slice3A_1310 : vector<512x1x16xf32> to vector<512x16xf32>
    %get3A_1312 = arith.constant 2 : index
    %get3A_1313 = arith.constant 0 : index
    %get3A_1314 = arith.constant 0 : index
    %get3A_1315 = vector.load %arg2[%get3A_1312, %get3A_1313, %get3A_1314] : memref<8x16x128xf32, #tpu.memory_space<vmem>>, vector<1x16x128xf32>
    %get3A_1316 = vector.shape_cast %get3A_1315 : vector<1x16x128xf32> to vector<16x128xf32>
    %dot_general3A_1317 = arith.constant dense<0.000000e+00> : vector<512x128xf32>
    %dot_general3A_1318 = tpu.matmul %squeeze3A_1311, %get3A_1316, %dot_general3A_1317 {dimension_numbers = #tpu.dot_dimension_numbers<[1], [0], [0], [1], [0, 0, 1, 1], [], []>, transpose_lhs_hint = false} : vector<512x16xf32>, vector<16x128xf32>, vector<512x128xf32> -> vector<512x128xf32>
    %add3A_1319 = arith.addf %add3A_1309, %dot_general3A_1318 : vector<512x128xf32>
    %slice3A_1320 = vector.extract_strided_slice %reshape3A_1290 {offsets = [0, 3, 0], sizes = [512, 1, 16], strides = [1, 1, 1]} : vector<512x8x16xf32> to vector<512x1x16xf32>
    %squeeze3A_1321 = vector.shape_cast %slice3A_1320 : vector<512x1x16xf32> to vector<512x16xf32>
    %get3A_1322 = arith.constant 3 : index
    %get3A_1323 = arith.constant 0 : index
    %get3A_1324 = arith.constant 0 : index
    %get3A_1325 = vector.load %arg2[%get3A_1322, %get3A_1323, %get3A_1324] : memref<8x16x128xf32, #tpu.memory_space<vmem>>, vector<1x16x128xf32>
    %get3A_1326 = vector.shape_cast %get3A_1325 : vector<1x16x128xf32> to vector<16x128xf32>
    %dot_general3A_1327 = arith.constant dense<0.000000e+00> : vector<512x128xf32>
    %dot_general3A_1328 = tpu.matmul %squeeze3A_1321, %get3A_1326, %dot_general3A_1327 {dimension_numbers = #tpu.dot_dimension_numbers<[1], [0], [0], [1], [0, 0, 1, 1], [], []>, transpose_lhs_hint = false} : vector<512x16xf32>, vector<16x128xf32>, vector<512x128xf32> -> vector<512x128xf32>
    %add3A_1329 = arith.addf %add3A_1319, %dot_general3A_1328 : vector<512x128xf32>
    %slice3A_1330 = vector.extract_strided_slice %reshape3A_1290 {offsets = [0, 4, 0], sizes = [512, 1, 16], strides = [1, 1, 1]} : vector<512x8x16xf32> to vector<512x1x16xf32>
    %squeeze3A_1331 = vector.shape_cast %slice3A_1330 : vector<512x1x16xf32> to vector<512x16xf32>
    %get3A_1332 = arith.constant 4 : index
    %get3A_1333 = arith.constant 0 : index
    %get3A_1334 = arith.constant 0 : index
    %get3A_1335 = vector.load %arg2[%get3A_1332, %get3A_1333, %get3A_1334] : memref<8x16x128xf32, #tpu.memory_space<vmem>>, vector<1x16x128xf32>
    %get3A_1336 = vector.shape_cast %get3A_1335 : vector<1x16x128xf32> to vector<16x128xf32>
    %dot_general3A_1337 = arith.constant dense<0.000000e+00> : vector<512x128xf32>
    %dot_general3A_1338 = tpu.matmul %squeeze3A_1331, %get3A_1336, %dot_general3A_1337 {dimension_numbers = #tpu.dot_dimension_numbers<[1], [0], [0], [1], [0, 0, 1, 1], [], []>, transpose_lhs_hint = false} : vector<512x16xf32>, vector<16x128xf32>, vector<512x128xf32> -> vector<512x128xf32>
    %add3A_1339 = arith.addf %add3A_1329, %dot_general3A_1338 : vector<512x128xf32>
    %slice3A_1340 = vector.extract_strided_slice %reshape3A_1290 {offsets = [0, 5, 0], sizes = [512, 1, 16], strides = [1, 1, 1]} : vector<512x8x16xf32> to vector<512x1x16xf32>
    %squeeze3A_1341 = vector.shape_cast %slice3A_1340 : vector<512x1x16xf32> to vector<512x16xf32>
    %get3A_1342 = arith.constant 5 : index
    %get3A_1343 = arith.constant 0 : index
    %get3A_1344 = arith.constant 0 : index
    %get3A_1345 = vector.load %arg2[%get3A_1342, %get3A_1343, %get3A_1344] : memref<8x16x128xf32, #tpu.memory_space<vmem>>, vector<1x16x128xf32>
    %get3A_1346 = vector.shape_cast %get3A_1345 : vector<1x16x128xf32> to vector<16x128xf32>
    %dot_general3A_1347 = arith.constant dense<0.000000e+00> : vector<512x128xf32>
    %dot_general3A_1348 = tpu.matmul %squeeze3A_1341, %get3A_1346, %dot_general3A_1347 {dimension_numbers = #tpu.dot_dimension_numbers<[1], [0], [0], [1], [0, 0, 1, 1], [], []>, transpose_lhs_hint = false} : vector<512x16xf32>, vector<16x128xf32>, vector<512x128xf32> -> vector<512x128xf32>
    %add3A_1349 = arith.addf %add3A_1339, %dot_general3A_1348 : vector<512x128xf32>
    %slice3A_1350 = vector.extract_strided_slice %reshape3A_1290 {offsets = [0, 6, 0], sizes = [512, 1, 16], strides = [1, 1, 1]} : vector<512x8x16xf32> to vector<512x1x16xf32>
    %squeeze3A_1351 = vector.shape_cast %slice3A_1350 : vector<512x1x16xf32> to vector<512x16xf32>
    %get3A_1352 = arith.constant 6 : index
    %get3A_1353 = arith.constant 0 : index
    %get3A_1354 = arith.constant 0 : index
    %get3A_1355 = vector.load %arg2[%get3A_1352, %get3A_1353, %get3A_1354] : memref<8x16x128xf32, #tpu.memory_space<vmem>>, vector<1x16x128xf32>
    %get3A_1356 = vector.shape_cast %get3A_1355 : vector<1x16x128xf32> to vector<16x128xf32>
    %dot_general3A_1357 = arith.constant dense<0.000000e+00> : vector<512x128xf32>
    %dot_general3A_1358 = tpu.matmul %squeeze3A_1351, %get3A_1356, %dot_general3A_1357 {dimension_numbers = #tpu.dot_dimension_numbers<[1], [0], [0], [1], [0, 0, 1, 1], [], []>, transpose_lhs_hint = false} : vector<512x16xf32>, vector<16x128xf32>, vector<512x128xf32> -> vector<512x128xf32>
    %add3A_1359 = arith.addf %add3A_1349, %dot_general3A_1358 : vector<512x128xf32>
    %slice3A_1360 = vector.extract_strided_slice %reshape3A_1290 {offsets = [0, 7, 0], sizes = [512, 1, 16], strides = [1, 1, 1]} : vector<512x8x16xf32> to vector<512x1x16xf32>
    %squeeze3A_1361 = vector.shape_cast %slice3A_1360 : vector<512x1x16xf32> to vector<512x16xf32>
    %get3A_1362 = arith.constant 7 : index
    %get3A_1363 = arith.constant 0 : index
    %get3A_1364 = arith.constant 0 : index
    %get3A_1365 = vector.load %arg2[%get3A_1362, %get3A_1363, %get3A_1364] : memref<8x16x128xf32, #tpu.memory_space<vmem>>, vector<1x16x128xf32>
    %get3A_1366 = vector.shape_cast %get3A_1365 : vector<1x16x128xf32> to vector<16x128xf32>
    %dot_general3A_1367 = arith.constant dense<0.000000e+00> : vector<512x128xf32>
    %dot_general3A_1368 = tpu.matmul %squeeze3A_1361, %get3A_1366, %dot_general3A_1367 {dimension_numbers = #tpu.dot_dimension_numbers<[1], [0], [0], [1], [0, 0, 1, 1], [], []>, transpose_lhs_hint = false} : vector<512x16xf32>, vector<16x128xf32>, vector<512x128xf32> -> vector<512x128xf32>
    %add3A_1369 = arith.addf %add3A_1359, %dot_general3A_1368 : vector<512x128xf32>
    %swap3A_1370 = arith.constant 0 : index
    %swap3A_1371 = arith.constant 6656 : index
    %swap3A_1372 = arith.constant 0 : index
    %swap3A_1373 = vector.load %arg3[%swap3A_1370, %swap3A_1371, %swap3A_1372] : memref<1x12504x128xf32, #tpu.memory_space<vmem>>, vector<1x512x128xf32>
    %swap3A_1374 = vector.shape_cast %swap3A_1373 : vector<1x512x128xf32> to vector<512x128xf32>
    %swap3A_1375 = vector.shape_cast %add3A_1369 : vector<512x128xf32> to vector<1x512x128xf32>
    tpu.vector_store %arg3[%swap3A_1370, %swap3A_1371, %swap3A_1372], %swap3A_1375 {strides = array<i32>} : memref<1x12504x128xf32, #tpu.memory_space<vmem>>, vector<1x512x128xf32>,
    %get3A_1376 = arith.constant 0 : index
    %get3A_1377 = arith.constant 57344 : index
    %get3A_1378 = vector.load %arg1[%get3A_1376, %get3A_1377] : memref<16x100000xf32, #tpu.memory_space<vmem>>, vector<16x4096xf32>
    %iota3A_1379 = tpu.iota {dimensions = array<i32: 0>} : vector<16x16xi32>
    %iota3A_1380 = tpu.iota {dimensions = array<i32: 1>} : vector<16x16xi32>
    %add3A_1381 = arith.constant 0 : i32
    %add3A_1382 = vector.broadcast %add3A_1381 : i32 to vector<16x16xi32>
    %add3A_1383 = arith.addi %iota3A_1379, %add3A_1382 : vector<16x16xi32>
    %eq3A_1384 = arith.cmpi eq, %add3A_1383, %iota3A_1380 : vector<16x16xi32>
    %convert_element_type3A_1385 = arith.extui %eq3A_1384 : vector<16x16xi1> to vector<16x16xi32>
    %convert_element_type3A_1386 = arith.sitofp %convert_element_type3A_1385 : vector<16x16xi32> to vector<16x16xf32>
    %dot_general3A_1387 = arith.constant dense<0.000000e+00> : vector<4096x16xf32>
    %dot_general3A_1388 = tpu.matmul %get3A_1378, %convert_element_type3A_1386, %dot_general3A_1387 {dimension_numbers = #tpu.dot_dimension_numbers<[0], [0], [1], [1], [0, 1, 1, 1], [], []>, transpose_lhs_hint = false} : vector<16x4096xf32>, vector<16x16xf32>, vector<4096x16xf32> -> vector<4096x16xf32>
    %reshape3A_1389 = vector.shape_cast %dot_general3A_1388 : vector<4096x16xf32> to vector<512x8x16xf32>
    %slice3A_1390 = vector.extract_strided_slice %reshape3A_1389 {offsets = [0, 0, 0], sizes = [512, 1, 16], strides = [1, 1, 1]} : vector<512x8x16xf32> to vector<512x1x16xf32>
    %squeeze3A_1391 = vector.shape_cast %slice3A_1390 : vector<512x1x16xf32> to vector<512x16xf32>
    %get3A_1392 = arith.constant 0 : index
    %get3A_1393 = arith.constant 0 : index
    %get3A_1394 = arith.constant 0 : index
    %get3A_1395 = vector.load %arg2[%get3A_1392, %get3A_1393, %get3A_1394] : memref<8x16x128xf32, #tpu.memory_space<vmem>>, vector<1x16x128xf32>
    %get3A_1396 = vector.shape_cast %get3A_1395 : vector<1x16x128xf32> to vector<16x128xf32>
    %dot_general3A_1397 = arith.constant dense<0.000000e+00> : vector<512x128xf32>
    %dot_general3A_1398 = tpu.matmul %squeeze3A_1391, %get3A_1396, %dot_general3A_1397 {dimension_numbers = #tpu.dot_dimension_numbers<[1], [0], [0], [1], [0, 0, 1, 1], [], []>, transpose_lhs_hint = false} : vector<512x16xf32>, vector<16x128xf32>, vector<512x128xf32> -> vector<512x128xf32>
    %slice3A_1399 = vector.extract_strided_slice %reshape3A_1389 {offsets = [0, 1, 0], sizes = [512, 1, 16], strides = [1, 1, 1]} : vector<512x8x16xf32> to vector<512x1x16xf32>
    %squeeze3A_1400 = vector.shape_cast %slice3A_1399 : vector<512x1x16xf32> to vector<512x16xf32>
    %get3A_1401 = arith.constant 1 : index
    %get3A_1402 = arith.constant 0 : index
    %get3A_1403 = arith.constant 0 : index
    %get3A_1404 = vector.load %arg2[%get3A_1401, %get3A_1402, %get3A_1403] : memref<8x16x128xf32, #tpu.memory_space<vmem>>, vector<1x16x128xf32>
    %get3A_1405 = vector.shape_cast %get3A_1404 : vector<1x16x128xf32> to vector<16x128xf32>
    %dot_general3A_1406 = arith.constant dense<0.000000e+00> : vector<512x128xf32>
    %dot_general3A_1407 = tpu.matmul %squeeze3A_1400, %get3A_1405, %dot_general3A_1406 {dimension_numbers = #tpu.dot_dimension_numbers<[1], [0], [0], [1], [0, 0, 1, 1], [], []>, transpose_lhs_hint = false} : vector<512x16xf32>, vector<16x128xf32>, vector<512x128xf32> -> vector<512x128xf32>
    %add3A_1408 = arith.addf %dot_general3A_1398, %dot_general3A_1407 : vector<512x128xf32>
    %slice3A_1409 = vector.extract_strided_slice %reshape3A_1389 {offsets = [0, 2, 0], sizes = [512, 1, 16], strides = [1, 1, 1]} : vector<512x8x16xf32> to vector<512x1x16xf32>
    %squeeze3A_1410 = vector.shape_cast %slice3A_1409 : vector<512x1x16xf32> to vector<512x16xf32>
    %get3A_1411 = arith.constant 2 : index
    %get3A_1412 = arith.constant 0 : index
    %get3A_1413 = arith.constant 0 : index
    %get3A_1414 = vector.load %arg2[%get3A_1411, %get3A_1412, %get3A_1413] : memref<8x16x128xf32, #tpu.memory_space<vmem>>, vector<1x16x128xf32>
    %get3A_1415 = vector.shape_cast %get3A_1414 : vector<1x16x128xf32> to vector<16x128xf32>
    %dot_general3A_1416 = arith.constant dense<0.000000e+00> : vector<512x128xf32>
    %dot_general3A_1417 = tpu.matmul %squeeze3A_1410, %get3A_1415, %dot_general3A_1416 {dimension_numbers = #tpu.dot_dimension_numbers<[1], [0], [0], [1], [0, 0, 1, 1], [], []>, transpose_lhs_hint = false} : vector<512x16xf32>, vector<16x128xf32>, vector<512x128xf32> -> vector<512x128xf32>
    %add3A_1418 = arith.addf %add3A_1408, %dot_general3A_1417 : vector<512x128xf32>
    %slice3A_1419 = vector.extract_strided_slice %reshape3A_1389 {offsets = [0, 3, 0], sizes = [512, 1, 16], strides = [1, 1, 1]} : vector<512x8x16xf32> to vector<512x1x16xf32>
    %squeeze3A_1420 = vector.shape_cast %slice3A_1419 : vector<512x1x16xf32> to vector<512x16xf32>
    %get3A_1421 = arith.constant 3 : index
    %get3A_1422 = arith.constant 0 : index
    %get3A_1423 = arith.constant 0 : index
    %get3A_1424 = vector.load %arg2[%get3A_1421, %get3A_1422, %get3A_1423] : memref<8x16x128xf32, #tpu.memory_space<vmem>>, vector<1x16x128xf32>
    %get3A_1425 = vector.shape_cast %get3A_1424 : vector<1x16x128xf32> to vector<16x128xf32>
    %dot_general3A_1426 = arith.constant dense<0.000000e+00> : vector<512x128xf32>
    %dot_general3A_1427 = tpu.matmul %squeeze3A_1420, %get3A_1425, %dot_general3A_1426 {dimension_numbers = #tpu.dot_dimension_numbers<[1], [0], [0], [1], [0, 0, 1, 1], [], []>, transpose_lhs_hint = false} : vector<512x16xf32>, vector<16x128xf32>, vector<512x128xf32> -> vector<512x128xf32>
    %add3A_1428 = arith.addf %add3A_1418, %dot_general3A_1427 : vector<512x128xf32>
    %slice3A_1429 = vector.extract_strided_slice %reshape3A_1389 {offsets = [0, 4, 0], sizes = [512, 1, 16], strides = [1, 1, 1]} : vector<512x8x16xf32> to vector<512x1x16xf32>
    %squeeze3A_1430 = vector.shape_cast %slice3A_1429 : vector<512x1x16xf32> to vector<512x16xf32>
    %get3A_1431 = arith.constant 4 : index
    %get3A_1432 = arith.constant 0 : index
    %get3A_1433 = arith.constant 0 : index
    %get3A_1434 = vector.load %arg2[%get3A_1431, %get3A_1432, %get3A_1433] : memref<8x16x128xf32, #tpu.memory_space<vmem>>, vector<1x16x128xf32>
    %get3A_1435 = vector.shape_cast %get3A_1434 : vector<1x16x128xf32> to vector<16x128xf32>
    %dot_general3A_1436 = arith.constant dense<0.000000e+00> : vector<512x128xf32>
    %dot_general3A_1437 = tpu.matmul %squeeze3A_1430, %get3A_1435, %dot_general3A_1436 {dimension_numbers = #tpu.dot_dimension_numbers<[1], [0], [0], [1], [0, 0, 1, 1], [], []>, transpose_lhs_hint = false} : vector<512x16xf32>, vector<16x128xf32>, vector<512x128xf32> -> vector<512x128xf32>
    %add3A_1438 = arith.addf %add3A_1428, %dot_general3A_1437 : vector<512x128xf32>
    %slice3A_1439 = vector.extract_strided_slice %reshape3A_1389 {offsets = [0, 5, 0], sizes = [512, 1, 16], strides = [1, 1, 1]} : vector<512x8x16xf32> to vector<512x1x16xf32>
    %squeeze3A_1440 = vector.shape_cast %slice3A_1439 : vector<512x1x16xf32> to vector<512x16xf32>
    %get3A_1441 = arith.constant 5 : index
    %get3A_1442 = arith.constant 0 : index
    %get3A_1443 = arith.constant 0 : index
    %get3A_1444 = vector.load %arg2[%get3A_1441, %get3A_1442, %get3A_1443] : memref<8x16x128xf32, #tpu.memory_space<vmem>>, vector<1x16x128xf32>
    %get3A_1445 = vector.shape_cast %get3A_1444 : vector<1x16x128xf32> to vector<16x128xf32>
    %dot_general3A_1446 = arith.constant dense<0.000000e+00> : vector<512x128xf32>
    %dot_general3A_1447 = tpu.matmul %squeeze3A_1440, %get3A_1445, %dot_general3A_1446 {dimension_numbers = #tpu.dot_dimension_numbers<[1], [0], [0], [1], [0, 0, 1, 1], [], []>, transpose_lhs_hint = false} : vector<512x16xf32>, vector<16x128xf32>, vector<512x128xf32> -> vector<512x128xf32>
    %add3A_1448 = arith.addf %add3A_1438, %dot_general3A_1447 : vector<512x128xf32>
    %slice3A_1449 = vector.extract_strided_slice %reshape3A_1389 {offsets = [0, 6, 0], sizes = [512, 1, 16], strides = [1, 1, 1]} : vector<512x8x16xf32> to vector<512x1x16xf32>
    %squeeze3A_1450 = vector.shape_cast %slice3A_1449 : vector<512x1x16xf32> to vector<512x16xf32>
    %get3A_1451 = arith.constant 6 : index
    %get3A_1452 = arith.constant 0 : index
    %get3A_1453 = arith.constant 0 : index
    %get3A_1454 = vector.load %arg2[%get3A_1451, %get3A_1452, %get3A_1453] : memref<8x16x128xf32, #tpu.memory_space<vmem>>, vector<1x16x128xf32>
    %get3A_1455 = vector.shape_cast %get3A_1454 : vector<1x16x128xf32> to vector<16x128xf32>
    %dot_general3A_1456 = arith.constant dense<0.000000e+00> : vector<512x128xf32>
    %dot_general3A_1457 = tpu.matmul %squeeze3A_1450, %get3A_1455, %dot_general3A_1456 {dimension_numbers = #tpu.dot_dimension_numbers<[1], [0], [0], [1], [0, 0, 1, 1], [], []>, transpose_lhs_hint = false} : vector<512x16xf32>, vector<16x128xf32>, vector<512x128xf32> -> vector<512x128xf32>
    %add3A_1458 = arith.addf %add3A_1448, %dot_general3A_1457 : vector<512x128xf32>
    %slice3A_1459 = vector.extract_strided_slice %reshape3A_1389 {offsets = [0, 7, 0], sizes = [512, 1, 16], strides = [1, 1, 1]} : vector<512x8x16xf32> to vector<512x1x16xf32>
    %squeeze3A_1460 = vector.shape_cast %slice3A_1459 : vector<512x1x16xf32> to vector<512x16xf32>
    %get3A_1461 = arith.constant 7 : index
    %get3A_1462 = arith.constant 0 : index
    %get3A_1463 = arith.constant 0 : index
    %get3A_1464 = vector.load %arg2[%get3A_1461, %get3A_1462, %get3A_1463] : memref<8x16x128xf32, #tpu.memory_space<vmem>>, vector<1x16x128xf32>
    %get3A_1465 = vector.shape_cast %get3A_1464 : vector<1x16x128xf32> to vector<16x128xf32>
    %dot_general3A_1466 = arith.constant dense<0.000000e+00> : vector<512x128xf32>
    %dot_general3A_1467 = tpu.matmul %squeeze3A_1460, %get3A_1465, %dot_general3A_1466 {dimension_numbers = #tpu.dot_dimension_numbers<[1], [0], [0], [1], [0, 0, 1, 1], [], []>, transpose_lhs_hint = false} : vector<512x16xf32>, vector<16x128xf32>, vector<512x128xf32> -> vector<512x128xf32>
    %add3A_1468 = arith.addf %add3A_1458, %dot_general3A_1467 : vector<512x128xf32>
    %swap3A_1469 = arith.constant 0 : index
    %swap3A_1470 = arith.constant 7168 : index
    %swap3A_1471 = arith.constant 0 : index
    %swap3A_1472 = vector.load %arg3[%swap3A_1469, %swap3A_1470, %swap3A_1471] : memref<1x12504x128xf32, #tpu.memory_space<vmem>>, vector<1x512x128xf32>
    %swap3A_1473 = vector.shape_cast %swap3A_1472 : vector<1x512x128xf32> to vector<512x128xf32>
    %swap3A_1474 = vector.shape_cast %add3A_1468 : vector<512x128xf32> to vector<1x512x128xf32>
    tpu.vector_store %arg3[%swap3A_1469, %swap3A_1470, %swap3A_1471], %swap3A_1474 {strides = array<i32>} : memref<1x12504x128xf32, #tpu.memory_space<vmem>>, vector<1x512x128xf32>,
    %get3A_1475 = arith.constant 0 : index
    %get3A_1476 = arith.constant 61440 : index
    %get3A_1477 = vector.load %arg1[%get3A_1475, %get3A_1476] : memref<16x100000xf32, #tpu.memory_space<vmem>>, vector<16x4096xf32>
    %iota3A_1478 = tpu.iota {dimensions = array<i32: 0>} : vector<16x16xi32>
    %iota3A_1479 = tpu.iota {dimensions = array<i32: 1>} : vector<16x16xi32>
    %add3A_1480 = arith.constant 0 : i32
    %add3A_1481 = vector.broadcast %add3A_1480 : i32 to vector<16x16xi32>
    %add3A_1482 = arith.addi %iota3A_1478, %add3A_1481 : vector<16x16xi32>
    %eq3A_1483 = arith.cmpi eq, %add3A_1482, %iota3A_1479 : vector<16x16xi32>
    %convert_element_type3A_1484 = arith.extui %eq3A_1483 : vector<16x16xi1> to vector<16x16xi32>
    %convert_element_type3A_1485 = arith.sitofp %convert_element_type3A_1484 : vector<16x16xi32> to vector<16x16xf32>
    %dot_general3A_1486 = arith.constant dense<0.000000e+00> : vector<4096x16xf32>
    %dot_general3A_1487 = tpu.matmul %get3A_1477, %convert_element_type3A_1485, %dot_general3A_1486 {dimension_numbers = #tpu.dot_dimension_numbers<[0], [0], [1], [1], [0, 1, 1, 1], [], []>, transpose_lhs_hint = false} : vector<16x4096xf32>, vector<16x16xf32>, vector<4096x16xf32> -> vector<4096x16xf32>
    %reshape3A_1488 = vector.shape_cast %dot_general3A_1487 : vector<4096x16xf32> to vector<512x8x16xf32>
    %slice3A_1489 = vector.extract_strided_slice %reshape3A_1488 {offsets = [0, 0, 0], sizes = [512, 1, 16], strides = [1, 1, 1]} : vector<512x8x16xf32> to vector<512x1x16xf32>
    %squeeze3A_1490 = vector.shape_cast %slice3A_1489 : vector<512x1x16xf32> to vector<512x16xf32>
    %get3A_1491 = arith.constant 0 : index
    %get3A_1492 = arith.constant 0 : index
    %get3A_1493 = arith.constant 0 : index
    %get3A_1494 = vector.load %arg2[%get3A_1491, %get3A_1492, %get3A_1493] : memref<8x16x128xf32, #tpu.memory_space<vmem>>, vector<1x16x128xf32>
    %get3A_1495 = vector.shape_cast %get3A_1494 : vector<1x16x128xf32> to vector<16x128xf32>
    %dot_general3A_1496 = arith.constant dense<0.000000e+00> : vector<512x128xf32>
    %dot_general3A_1497 = tpu.matmul %squeeze3A_1490, %get3A_1495, %dot_general3A_1496 {dimension_numbers = #tpu.dot_dimension_numbers<[1], [0], [0], [1], [0, 0, 1, 1], [], []>, transpose_lhs_hint = false} : vector<512x16xf32>, vector<16x128xf32>, vector<512x128xf32> -> vector<512x128xf32>
    %slice3A_1498 = vector.extract_strided_slice %reshape3A_1488 {offsets = [0, 1, 0], sizes = [512, 1, 16], strides = [1, 1, 1]} : vector<512x8x16xf32> to vector<512x1x16xf32>
    %squeeze3A_1499 = vector.shape_cast %slice3A_1498 : vector<512x1x16xf32> to vector<512x16xf32>
    %get3A_1500 = arith.constant 1 : index
    %get3A_1501 = arith.constant 0 : index
    %get3A_1502 = arith.constant 0 : index
    %get3A_1503 = vector.load %arg2[%get3A_1500, %get3A_1501, %get3A_1502] : memref<8x16x128xf32, #tpu.memory_space<vmem>>, vector<1x16x128xf32>
    %get3A_1504 = vector.shape_cast %get3A_1503 : vector<1x16x128xf32> to vector<16x128xf32>
    %dot_general3A_1505 = arith.constant dense<0.000000e+00> : vector<512x128xf32>
    %dot_general3A_1506 = tpu.matmul %squeeze3A_1499, %get3A_1504, %dot_general3A_1505 {dimension_numbers = #tpu.dot_dimension_numbers<[1], [0], [0], [1], [0, 0, 1, 1], [], []>, transpose_lhs_hint = false} : vector<512x16xf32>, vector<16x128xf32>, vector<512x128xf32> -> vector<512x128xf32>
    %add3A_1507 = arith.addf %dot_general3A_1497, %dot_general3A_1506 : vector<512x128xf32>
    %slice3A_1508 = vector.extract_strided_slice %reshape3A_1488 {offsets = [0, 2, 0], sizes = [512, 1, 16], strides = [1, 1, 1]} : vector<512x8x16xf32> to vector<512x1x16xf32>
    %squeeze3A_1509 = vector.shape_cast %slice3A_1508 : vector<512x1x16xf32> to vector<512x16xf32>
    %get3A_1510 = arith.constant 2 : index
    %get3A_1511 = arith.constant 0 : index
    %get3A_1512 = arith.constant 0 : index
    %get3A_1513 = vector.load %arg2[%get3A_1510, %get3A_1511, %get3A_1512] : memref<8x16x128xf32, #tpu.memory_space<vmem>>, vector<1x16x128xf32>
    %get3A_1514 = vector.shape_cast %get3A_1513 : vector<1x16x128xf32> to vector<16x128xf32>
    %dot_general3A_1515 = arith.constant dense<0.000000e+00> : vector<512x128xf32>
    %dot_general3A_1516 = tpu.matmul %squeeze3A_1509, %get3A_1514, %dot_general3A_1515 {dimension_numbers = #tpu.dot_dimension_numbers<[1], [0], [0], [1], [0, 0, 1, 1], [], []>, transpose_lhs_hint = false} : vector<512x16xf32>, vector<16x128xf32>, vector<512x128xf32> -> vector<512x128xf32>
    %add3A_1517 = arith.addf %add3A_1507, %dot_general3A_1516 : vector<512x128xf32>
    %slice3A_1518 = vector.extract_strided_slice %reshape3A_1488 {offsets = [0, 3, 0], sizes = [512, 1, 16], strides = [1, 1, 1]} : vector<512x8x16xf32> to vector<512x1x16xf32>
    %squeeze3A_1519 = vector.shape_cast %slice3A_1518 : vector<512x1x16xf32> to vector<512x16xf32>
    %get3A_1520 = arith.constant 3 : index
    %get3A_1521 = arith.constant 0 : index
    %get3A_1522 = arith.constant 0 : index
    %get3A_1523 = vector.load %arg2[%get3A_1520, %get3A_1521, %get3A_1522] : memref<8x16x128xf32, #tpu.memory_space<vmem>>, vector<1x16x128xf32>
    %get3A_1524 = vector.shape_cast %get3A_1523 : vector<1x16x128xf32> to vector<16x128xf32>
    %dot_general3A_1525 = arith.constant dense<0.000000e+00> : vector<512x128xf32>
    %dot_general3A_1526 = tpu.matmul %squeeze3A_1519, %get3A_1524, %dot_general3A_1525 {dimension_numbers = #tpu.dot_dimension_numbers<[1], [0], [0], [1], [0, 0, 1, 1], [], []>, transpose_lhs_hint = false} : vector<512x16xf32>, vector<16x128xf32>, vector<512x128xf32> -> vector<512x128xf32>
    %add3A_1527 = arith.addf %add3A_1517, %dot_general3A_1526 : vector<512x128xf32>
    %slice3A_1528 = vector.extract_strided_slice %reshape3A_1488 {offsets = [0, 4, 0], sizes = [512, 1, 16], strides = [1, 1, 1]} : vector<512x8x16xf32> to vector<512x1x16xf32>
    %squeeze3A_1529 = vector.shape_cast %slice3A_1528 : vector<512x1x16xf32> to vector<512x16xf32>
    %get3A_1530 = arith.constant 4 : index
    %get3A_1531 = arith.constant 0 : index
    %get3A_1532 = arith.constant 0 : index
    %get3A_1533 = vector.load %arg2[%get3A_1530, %get3A_1531, %get3A_1532] : memref<8x16x128xf32, #tpu.memory_space<vmem>>, vector<1x16x128xf32>
    %get3A_1534 = vector.shape_cast %get3A_1533 : vector<1x16x128xf32> to vector<16x128xf32>
    %dot_general3A_1535 = arith.constant dense<0.000000e+00> : vector<512x128xf32>
    %dot_general3A_1536 = tpu.matmul %squeeze3A_1529, %get3A_1534, %dot_general3A_1535 {dimension_numbers = #tpu.dot_dimension_numbers<[1], [0], [0], [1], [0, 0, 1, 1], [], []>, transpose_lhs_hint = false} : vector<512x16xf32>, vector<16x128xf32>, vector<512x128xf32> -> vector<512x128xf32>
    %add3A_1537 = arith.addf %add3A_1527, %dot_general3A_1536 : vector<512x128xf32>
    %slice3A_1538 = vector.extract_strided_slice %reshape3A_1488 {offsets = [0, 5, 0], sizes = [512, 1, 16], strides = [1, 1, 1]} : vector<512x8x16xf32> to vector<512x1x16xf32>
    %squeeze3A_1539 = vector.shape_cast %slice3A_1538 : vector<512x1x16xf32> to vector<512x16xf32>
    %get3A_1540 = arith.constant 5 : index
    %get3A_1541 = arith.constant 0 : index
    %get3A_1542 = arith.constant 0 : index
    %get3A_1543 = vector.load %arg2[%get3A_1540, %get3A_1541, %get3A_1542] : memref<8x16x128xf32, #tpu.memory_space<vmem>>, vector<1x16x128xf32>
    %get3A_1544 = vector.shape_cast %get3A_1543 : vector<1x16x128xf32> to vector<16x128xf32>
    %dot_general3A_1545 = arith.constant dense<0.000000e+00> : vector<512x128xf32>
    %dot_general3A_1546 = tpu.matmul %squeeze3A_1539, %get3A_1544, %dot_general3A_1545 {dimension_numbers = #tpu.dot_dimension_numbers<[1], [0], [0], [1], [0, 0, 1, 1], [], []>, transpose_lhs_hint = false} : vector<512x16xf32>, vector<16x128xf32>, vector<512x128xf32> -> vector<512x128xf32>
    %add3A_1547 = arith.addf %add3A_1537, %dot_general3A_1546 : vector<512x128xf32>
    %slice3A_1548 = vector.extract_strided_slice %reshape3A_1488 {offsets = [0, 6, 0], sizes = [512, 1, 16], strides = [1, 1, 1]} : vector<512x8x16xf32> to vector<512x1x16xf32>
    %squeeze3A_1549 = vector.shape_cast %slice3A_1548 : vector<512x1x16xf32> to vector<512x16xf32>
    %get3A_1550 = arith.constant 6 : index
    %get3A_1551 = arith.constant 0 : index
    %get3A_1552 = arith.constant 0 : index
    %get3A_1553 = vector.load %arg2[%get3A_1550, %get3A_1551, %get3A_1552] : memref<8x16x128xf32, #tpu.memory_space<vmem>>, vector<1x16x128xf32>
    %get3A_1554 = vector.shape_cast %get3A_1553 : vector<1x16x128xf32> to vector<16x128xf32>
    %dot_general3A_1555 = arith.constant dense<0.000000e+00> : vector<512x128xf32>
    %dot_general3A_1556 = tpu.matmul %squeeze3A_1549, %get3A_1554, %dot_general3A_1555 {dimension_numbers = #tpu.dot_dimension_numbers<[1], [0], [0], [1], [0, 0, 1, 1], [], []>, transpose_lhs_hint = false} : vector<512x16xf32>, vector<16x128xf32>, vector<512x128xf32> -> vector<512x128xf32>
    %add3A_1557 = arith.addf %add3A_1547, %dot_general3A_1556 : vector<512x128xf32>
    %slice3A_1558 = vector.extract_strided_slice %reshape3A_1488 {offsets = [0, 7, 0], sizes = [512, 1, 16], strides = [1, 1, 1]} : vector<512x8x16xf32> to vector<512x1x16xf32>
    %squeeze3A_1559 = vector.shape_cast %slice3A_1558 : vector<512x1x16xf32> to vector<512x16xf32>
    %get3A_1560 = arith.constant 7 : index
    %get3A_1561 = arith.constant 0 : index
    %get3A_1562 = arith.constant 0 : index
    %get3A_1563 = vector.load %arg2[%get3A_1560, %get3A_1561, %get3A_1562] : memref<8x16x128xf32, #tpu.memory_space<vmem>>, vector<1x16x128xf32>
    %get3A_1564 = vector.shape_cast %get3A_1563 : vector<1x16x128xf32> to vector<16x128xf32>
    %dot_general3A_1565 = arith.constant dense<0.000000e+00> : vector<512x128xf32>
    %dot_general3A_1566 = tpu.matmul %squeeze3A_1559, %get3A_1564, %dot_general3A_1565 {dimension_numbers = #tpu.dot_dimension_numbers<[1], [0], [0], [1], [0, 0, 1, 1], [], []>, transpose_lhs_hint = false} : vector<512x16xf32>, vector<16x128xf32>, vector<512x128xf32> -> vector<512x128xf32>
    %add3A_1567 = arith.addf %add3A_1557, %dot_general3A_1566 : vector<512x128xf32>
    %swap3A_1568 = arith.constant 0 : index
    %swap3A_1569 = arith.constant 7680 : index
    %swap3A_1570 = arith.constant 0 : index
    %swap3A_1571 = vector.load %arg3[%swap3A_1568, %swap3A_1569, %swap3A_1570] : memref<1x12504x128xf32, #tpu.memory_space<vmem>>, vector<1x512x128xf32>
    %swap3A_1572 = vector.shape_cast %swap3A_1571 : vector<1x512x128xf32> to vector<512x128xf32>
    %swap3A_1573 = vector.shape_cast %add3A_1567 : vector<512x128xf32> to vector<1x512x128xf32>
    tpu.vector_store %arg3[%swap3A_1568, %swap3A_1569, %swap3A_1570], %swap3A_1573 {strides = array<i32>} : memref<1x12504x128xf32, #tpu.memory_space<vmem>>, vector<1x512x128xf32>,
    %get3A_1574 = arith.constant 0 : index
    %get3A_1575 = arith.constant 65536 : index
    %get3A_1576 = vector.load %arg1[%get3A_1574, %get3A_1575] : memref<16x100000xf32, #tpu.memory_space<vmem>>, vector<16x4096xf32>
    %iota3A_1577 = tpu.iota {dimensions = array<i32: 0>} : vector<16x16xi32>
    %iota3A_1578 = tpu.iota {dimensions = array<i32: 1>} : vector<16x16xi32>
    %add3A_1579 = arith.constant 0 : i32
    %add3A_1580 = vector.broadcast %add3A_1579 : i32 to vector<16x16xi32>
    %add3A_1581 = arith.addi %iota3A_1577, %add3A_1580 : vector<16x16xi32>
    %eq3A_1582 = arith.cmpi eq, %add3A_1581, %iota3A_1578 : vector<16x16xi32>
    %convert_element_type3A_1583 = arith.extui %eq3A_1582 : vector<16x16xi1> to vector<16x16xi32>
    %convert_element_type3A_1584 = arith.sitofp %convert_element_type3A_1583 : vector<16x16xi32> to vector<16x16xf32>
    %dot_general3A_1585 = arith.constant dense<0.000000e+00> : vector<4096x16xf32>
    %dot_general3A_1586 = tpu.matmul %get3A_1576, %convert_element_type3A_1584, %dot_general3A_1585 {dimension_numbers = #tpu.dot_dimension_numbers<[0], [0], [1], [1], [0, 1, 1, 1], [], []>, transpose_lhs_hint = false} : vector<16x4096xf32>, vector<16x16xf32>, vector<4096x16xf32> -> vector<4096x16xf32>
    %reshape3A_1587 = vector.shape_cast %dot_general3A_1586 : vector<4096x16xf32> to vector<512x8x16xf32>
    %slice3A_1588 = vector.extract_strided_slice %reshape3A_1587 {offsets = [0, 0, 0], sizes = [512, 1, 16], strides = [1, 1, 1]} : vector<512x8x16xf32> to vector<512x1x16xf32>
    %squeeze3A_1589 = vector.shape_cast %slice3A_1588 : vector<512x1x16xf32> to vector<512x16xf32>
    %get3A_1590 = arith.constant 0 : index
    %get3A_1591 = arith.constant 0 : index
    %get3A_1592 = arith.constant 0 : index
    %get3A_1593 = vector.load %arg2[%get3A_1590, %get3A_1591, %get3A_1592] : memref<8x16x128xf32, #tpu.memory_space<vmem>>, vector<1x16x128xf32>
    %get3A_1594 = vector.shape_cast %get3A_1593 : vector<1x16x128xf32> to vector<16x128xf32>
    %dot_general3A_1595 = arith.constant dense<0.000000e+00> : vector<512x128xf32>
    %dot_general3A_1596 = tpu.matmul %squeeze3A_1589, %get3A_1594, %dot_general3A_1595 {dimension_numbers = #tpu.dot_dimension_numbers<[1], [0], [0], [1], [0, 0, 1, 1], [], []>, transpose_lhs_hint = false} : vector<512x16xf32>, vector<16x128xf32>, vector<512x128xf32> -> vector<512x128xf32>
    %slice3A_1597 = vector.extract_strided_slice %reshape3A_1587 {offsets = [0, 1, 0], sizes = [512, 1, 16], strides = [1, 1, 1]} : vector<512x8x16xf32> to vector<512x1x16xf32>
    %squeeze3A_1598 = vector.shape_cast %slice3A_1597 : vector<512x1x16xf32> to vector<512x16xf32>
    %get3A_1599 = arith.constant 1 : index
    %get3A_1600 = arith.constant 0 : index
    %get3A_1601 = arith.constant 0 : index
    %get3A_1602 = vector.load %arg2[%get3A_1599, %get3A_1600, %get3A_1601] : memref<8x16x128xf32, #tpu.memory_space<vmem>>, vector<1x16x128xf32>
    %get3A_1603 = vector.shape_cast %get3A_1602 : vector<1x16x128xf32> to vector<16x128xf32>
    %dot_general3A_1604 = arith.constant dense<0.000000e+00> : vector<512x128xf32>
    %dot_general3A_1605 = tpu.matmul %squeeze3A_1598, %get3A_1603, %dot_general3A_1604 {dimension_numbers = #tpu.dot_dimension_numbers<[1], [0], [0], [1], [0, 0, 1, 1], [], []>, transpose_lhs_hint = false} : vector<512x16xf32>, vector<16x128xf32>, vector<512x128xf32> -> vector<512x128xf32>
    %add3A_1606 = arith.addf %dot_general3A_1596, %dot_general3A_1605 : vector<512x128xf32>
    %slice3A_1607 = vector.extract_strided_slice %reshape3A_1587 {offsets = [0, 2, 0], sizes = [512, 1, 16], strides = [1, 1, 1]} : vector<512x8x16xf32> to vector<512x1x16xf32>
    %squeeze3A_1608 = vector.shape_cast %slice3A_1607 : vector<512x1x16xf32> to vector<512x16xf32>
    %get3A_1609 = arith.constant 2 : index
    %get3A_1610 = arith.constant 0 : index
    %get3A_1611 = arith.constant 0 : index
    %get3A_1612 = vector.load %arg2[%get3A_1609, %get3A_1610, %get3A_1611] : memref<8x16x128xf32, #tpu.memory_space<vmem>>, vector<1x16x128xf32>
    %get3A_1613 = vector.shape_cast %get3A_1612 : vector<1x16x128xf32> to vector<16x128xf32>
    %dot_general3A_1614 = arith.constant dense<0.000000e+00> : vector<512x128xf32>
    %dot_general3A_1615 = tpu.matmul %squeeze3A_1608, %get3A_1613, %dot_general3A_1614 {dimension_numbers = #tpu.dot_dimension_numbers<[1], [0], [0], [1], [0, 0, 1, 1], [], []>, transpose_lhs_hint = false} : vector<512x16xf32>, vector<16x128xf32>, vector<512x128xf32> -> vector<512x128xf32>
    %add3A_1616 = arith.addf %add3A_1606, %dot_general3A_1615 : vector<512x128xf32>
    %slice3A_1617 = vector.extract_strided_slice %reshape3A_1587 {offsets = [0, 3, 0], sizes = [512, 1, 16], strides = [1, 1, 1]} : vector<512x8x16xf32> to vector<512x1x16xf32>
    %squeeze3A_1618 = vector.shape_cast %slice3A_1617 : vector<512x1x16xf32> to vector<512x16xf32>
    %get3A_1619 = arith.constant 3 : index
    %get3A_1620 = arith.constant 0 : index
    %get3A_1621 = arith.constant 0 : index
    %get3A_1622 = vector.load %arg2[%get3A_1619, %get3A_1620, %get3A_1621] : memref<8x16x128xf32, #tpu.memory_space<vmem>>, vector<1x16x128xf32>
    %get3A_1623 = vector.shape_cast %get3A_1622 : vector<1x16x128xf32> to vector<16x128xf32>
    %dot_general3A_1624 = arith.constant dense<0.000000e+00> : vector<512x128xf32>
    %dot_general3A_1625 = tpu.matmul %squeeze3A_1618, %get3A_1623, %dot_general3A_1624 {dimension_numbers = #tpu.dot_dimension_numbers<[1], [0], [0], [1], [0, 0, 1, 1], [], []>, transpose_lhs_hint = false} : vector<512x16xf32>, vector<16x128xf32>, vector<512x128xf32> -> vector<512x128xf32>
    %add3A_1626 = arith.addf %add3A_1616, %dot_general3A_1625 : vector<512x128xf32>
    %slice3A_1627 = vector.extract_strided_slice %reshape3A_1587 {offsets = [0, 4, 0], sizes = [512, 1, 16], strides = [1, 1, 1]} : vector<512x8x16xf32> to vector<512x1x16xf32>
    %squeeze3A_1628 = vector.shape_cast %slice3A_1627 : vector<512x1x16xf32> to vector<512x16xf32>
    %get3A_1629 = arith.constant 4 : index
    %get3A_1630 = arith.constant 0 : index
    %get3A_1631 = arith.constant 0 : index
    %get3A_1632 = vector.load %arg2[%get3A_1629, %get3A_1630, %get3A_1631] : memref<8x16x128xf32, #tpu.memory_space<vmem>>, vector<1x16x128xf32>
    %get3A_1633 = vector.shape_cast %get3A_1632 : vector<1x16x128xf32> to vector<16x128xf32>
    %dot_general3A_1634 = arith.constant dense<0.000000e+00> : vector<512x128xf32>
    %dot_general3A_1635 = tpu.matmul %squeeze3A_1628, %get3A_1633, %dot_general3A_1634 {dimension_numbers = #tpu.dot_dimension_numbers<[1], [0], [0], [1], [0, 0, 1, 1], [], []>, transpose_lhs_hint = false} : vector<512x16xf32>, vector<16x128xf32>, vector<512x128xf32> -> vector<512x128xf32>
    %add3A_1636 = arith.addf %add3A_1626, %dot_general3A_1635 : vector<512x128xf32>
    %slice3A_1637 = vector.extract_strided_slice %reshape3A_1587 {offsets = [0, 5, 0], sizes = [512, 1, 16], strides = [1, 1, 1]} : vector<512x8x16xf32> to vector<512x1x16xf32>
    %squeeze3A_1638 = vector.shape_cast %slice3A_1637 : vector<512x1x16xf32> to vector<512x16xf32>
    %get3A_1639 = arith.constant 5 : index
    %get3A_1640 = arith.constant 0 : index
    %get3A_1641 = arith.constant 0 : index
    %get3A_1642 = vector.load %arg2[%get3A_1639, %get3A_1640, %get3A_1641] : memref<8x16x128xf32, #tpu.memory_space<vmem>>, vector<1x16x128xf32>
    %get3A_1643 = vector.shape_cast %get3A_1642 : vector<1x16x128xf32> to vector<16x128xf32>
    %dot_general3A_1644 = arith.constant dense<0.000000e+00> : vector<512x128xf32>
    %dot_general3A_1645 = tpu.matmul %squeeze3A_1638, %get3A_1643, %dot_general3A_1644 {dimension_numbers = #tpu.dot_dimension_numbers<[1], [0], [0], [1], [0, 0, 1, 1], [], []>, transpose_lhs_hint = false} : vector<512x16xf32>, vector<16x128xf32>, vector<512x128xf32> -> vector<512x128xf32>
    %add3A_1646 = arith.addf %add3A_1636, %dot_general3A_1645 : vector<512x128xf32>
    %slice3A_1647 = vector.extract_strided_slice %reshape3A_1587 {offsets = [0, 6, 0], sizes = [512, 1, 16], strides = [1, 1, 1]} : vector<512x8x16xf32> to vector<512x1x16xf32>
    %squeeze3A_1648 = vector.shape_cast %slice3A_1647 : vector<512x1x16xf32> to vector<512x16xf32>
    %get3A_1649 = arith.constant 6 : index
    %get3A_1650 = arith.constant 0 : index
    %get3A_1651 = arith.constant 0 : index
    %get3A_1652 = vector.load %arg2[%get3A_1649, %get3A_1650, %get3A_1651] : memref<8x16x128xf32, #tpu.memory_space<vmem>>, vector<1x16x128xf32>
    %get3A_1653 = vector.shape_cast %get3A_1652 : vector<1x16x128xf32> to vector<16x128xf32>
    %dot_general3A_1654 = arith.constant dense<0.000000e+00> : vector<512x128xf32>
    %dot_general3A_1655 = tpu.matmul %squeeze3A_1648, %get3A_1653, %dot_general3A_1654 {dimension_numbers = #tpu.dot_dimension_numbers<[1], [0], [0], [1], [0, 0, 1, 1], [], []>, transpose_lhs_hint = false} : vector<512x16xf32>, vector<16x128xf32>, vector<512x128xf32> -> vector<512x128xf32>
    %add3A_1656 = arith.addf %add3A_1646, %dot_general3A_1655 : vector<512x128xf32>
    %slice3A_1657 = vector.extract_strided_slice %reshape3A_1587 {offsets = [0, 7, 0], sizes = [512, 1, 16], strides = [1, 1, 1]} : vector<512x8x16xf32> to vector<512x1x16xf32>
    %squeeze3A_1658 = vector.shape_cast %slice3A_1657 : vector<512x1x16xf32> to vector<512x16xf32>
    %get3A_1659 = arith.constant 7 : index
    %get3A_1660 = arith.constant 0 : index
    %get3A_1661 = arith.constant 0 : index
    %get3A_1662 = vector.load %arg2[%get3A_1659, %get3A_1660, %get3A_1661] : memref<8x16x128xf32, #tpu.memory_space<vmem>>, vector<1x16x128xf32>
    %get3A_1663 = vector.shape_cast %get3A_1662 : vector<1x16x128xf32> to vector<16x128xf32>
    %dot_general3A_1664 = arith.constant dense<0.000000e+00> : vector<512x128xf32>
    %dot_general3A_1665 = tpu.matmul %squeeze3A_1658, %get3A_1663, %dot_general3A_1664 {dimension_numbers = #tpu.dot_dimension_numbers<[1], [0], [0], [1], [0, 0, 1, 1], [], []>, transpose_lhs_hint = false} : vector<512x16xf32>, vector<16x128xf32>, vector<512x128xf32> -> vector<512x128xf32>
    %add3A_1666 = arith.addf %add3A_1656, %dot_general3A_1665 : vector<512x128xf32>
    %swap3A_1667 = arith.constant 0 : index
    %swap3A_1668 = arith.constant 8192 : index
    %swap3A_1669 = arith.constant 0 : index
    %swap3A_1670 = vector.load %arg3[%swap3A_1667, %swap3A_1668, %swap3A_1669] : memref<1x12504x128xf32, #tpu.memory_space<vmem>>, vector<1x512x128xf32>
    %swap3A_1671 = vector.shape_cast %swap3A_1670 : vector<1x512x128xf32> to vector<512x128xf32>
    %swap3A_1672 = vector.shape_cast %add3A_1666 : vector<512x128xf32> to vector<1x512x128xf32>
    tpu.vector_store %arg3[%swap3A_1667, %swap3A_1668, %swap3A_1669], %swap3A_1672 {strides = array<i32>} : memref<1x12504x128xf32, #tpu.memory_space<vmem>>, vector<1x512x128xf32>,
    %get3A_1673 = arith.constant 0 : index
    %get3A_1674 = arith.constant 69632 : index
    %get3A_1675 = vector.load %arg1[%get3A_1673, %get3A_1674] : memref<16x100000xf32, #tpu.memory_space<vmem>>, vector<16x4096xf32>
    %iota3A_1676 = tpu.iota {dimensions = array<i32: 0>} : vector<16x16xi32>
    %iota3A_1677 = tpu.iota {dimensions = array<i32: 1>} : vector<16x16xi32>
    %add3A_1678 = arith.constant 0 : i32
    %add3A_1679 = vector.broadcast %add3A_1678 : i32 to vector<16x16xi32>
    %add3A_1680 = arith.addi %iota3A_1676, %add3A_1679 : vector<16x16xi32>
    %eq3A_1681 = arith.cmpi eq, %add3A_1680, %iota3A_1677 : vector<16x16xi32>
    %convert_element_type3A_1682 = arith.extui %eq3A_1681 : vector<16x16xi1> to vector<16x16xi32>
    %convert_element_type3A_1683 = arith.sitofp %convert_element_type3A_1682 : vector<16x16xi32> to vector<16x16xf32>
    %dot_general3A_1684 = arith.constant dense<0.000000e+00> : vector<4096x16xf32>
    %dot_general3A_1685 = tpu.matmul %get3A_1675, %convert_element_type3A_1683, %dot_general3A_1684 {dimension_numbers = #tpu.dot_dimension_numbers<[0], [0], [1], [1], [0, 1, 1, 1], [], []>, transpose_lhs_hint = false} : vector<16x4096xf32>, vector<16x16xf32>, vector<4096x16xf32> -> vector<4096x16xf32>
    %reshape3A_1686 = vector.shape_cast %dot_general3A_1685 : vector<4096x16xf32> to vector<512x8x16xf32>
    %slice3A_1687 = vector.extract_strided_slice %reshape3A_1686 {offsets = [0, 0, 0], sizes = [512, 1, 16], strides = [1, 1, 1]} : vector<512x8x16xf32> to vector<512x1x16xf32>
    %squeeze3A_1688 = vector.shape_cast %slice3A_1687 : vector<512x1x16xf32> to vector<512x16xf32>
    %get3A_1689 = arith.constant 0 : index
    %get3A_1690 = arith.constant 0 : index
    %get3A_1691 = arith.constant 0 : index
    %get3A_1692 = vector.load %arg2[%get3A_1689, %get3A_1690, %get3A_1691] : memref<8x16x128xf32, #tpu.memory_space<vmem>>, vector<1x16x128xf32>
    %get3A_1693 = vector.shape_cast %get3A_1692 : vector<1x16x128xf32> to vector<16x128xf32>
    %dot_general3A_1694 = arith.constant dense<0.000000e+00> : vector<512x128xf32>
    %dot_general3A_1695 = tpu.matmul %squeeze3A_1688, %get3A_1693, %dot_general3A_1694 {dimension_numbers = #tpu.dot_dimension_numbers<[1], [0], [0], [1], [0, 0, 1, 1], [], []>, transpose_lhs_hint = false} : vector<512x16xf32>, vector<16x128xf32>, vector<512x128xf32> -> vector<512x128xf32>
    %slice3A_1696 = vector.extract_strided_slice %reshape3A_1686 {offsets = [0, 1, 0], sizes = [512, 1, 16], strides = [1, 1, 1]} : vector<512x8x16xf32> to vector<512x1x16xf32>
    %squeeze3A_1697 = vector.shape_cast %slice3A_1696 : vector<512x1x16xf32> to vector<512x16xf32>
    %get3A_1698 = arith.constant 1 : index
    %get3A_1699 = arith.constant 0 : index
    %get3A_1700 = arith.constant 0 : index
    %get3A_1701 = vector.load %arg2[%get3A_1698, %get3A_1699, %get3A_1700] : memref<8x16x128xf32, #tpu.memory_space<vmem>>, vector<1x16x128xf32>
    %get3A_1702 = vector.shape_cast %get3A_1701 : vector<1x16x128xf32> to vector<16x128xf32>
    %dot_general3A_1703 = arith.constant dense<0.000000e+00> : vector<512x128xf32>
    %dot_general3A_1704 = tpu.matmul %squeeze3A_1697, %get3A_1702, %dot_general3A_1703 {dimension_numbers = #tpu.dot_dimension_numbers<[1], [0], [0], [1], [0, 0, 1, 1], [], []>, transpose_lhs_hint = false} : vector<512x16xf32>, vector<16x128xf32>, vector<512x128xf32> -> vector<512x128xf32>
    %add3A_1705 = arith.addf %dot_general3A_1695, %dot_general3A_1704 : vector<512x128xf32>
    %slice3A_1706 = vector.extract_strided_slice %reshape3A_1686 {offsets = [0, 2, 0], sizes = [512, 1, 16], strides = [1, 1, 1]} : vector<512x8x16xf32> to vector<512x1x16xf32>
    %squeeze3A_1707 = vector.shape_cast %slice3A_1706 : vector<512x1x16xf32> to vector<512x16xf32>
    %get3A_1708 = arith.constant 2 : index
    %get3A_1709 = arith.constant 0 : index
    %get3A_1710 = arith.constant 0 : index
    %get3A_1711 = vector.load %arg2[%get3A_1708, %get3A_1709, %get3A_1710] : memref<8x16x128xf32, #tpu.memory_space<vmem>>, vector<1x16x128xf32>
    %get3A_1712 = vector.shape_cast %get3A_1711 : vector<1x16x128xf32> to vector<16x128xf32>
    %dot_general3A_1713 = arith.constant dense<0.000000e+00> : vector<512x128xf32>
    %dot_general3A_1714 = tpu.matmul %squeeze3A_1707, %get3A_1712, %dot_general3A_1713 {dimension_numbers = #tpu.dot_dimension_numbers<[1], [0], [0], [1], [0, 0, 1, 1], [], []>, transpose_lhs_hint = false} : vector<512x16xf32>, vector<16x128xf32>, vector<512x128xf32> -> vector<512x128xf32>
    %add3A_1715 = arith.addf %add3A_1705, %dot_general3A_1714 : vector<512x128xf32>
    %slice3A_1716 = vector.extract_strided_slice %reshape3A_1686 {offsets = [0, 3, 0], sizes = [512, 1, 16], strides = [1, 1, 1]} : vector<512x8x16xf32> to vector<512x1x16xf32>
    %squeeze3A_1717 = vector.shape_cast %slice3A_1716 : vector<512x1x16xf32> to vector<512x16xf32>
    %get3A_1718 = arith.constant 3 : index
    %get3A_1719 = arith.constant 0 : index
    %get3A_1720 = arith.constant 0 : index
    %get3A_1721 = vector.load %arg2[%get3A_1718, %get3A_1719, %get3A_1720] : memref<8x16x128xf32, #tpu.memory_space<vmem>>, vector<1x16x128xf32>
    %get3A_1722 = vector.shape_cast %get3A_1721 : vector<1x16x128xf32> to vector<16x128xf32>
    %dot_general3A_1723 = arith.constant dense<0.000000e+00> : vector<512x128xf32>
    %dot_general3A_1724 = tpu.matmul %squeeze3A_1717, %get3A_1722, %dot_general3A_1723 {dimension_numbers = #tpu.dot_dimension_numbers<[1], [0], [0], [1], [0, 0, 1, 1], [], []>, transpose_lhs_hint = false} : vector<512x16xf32>, vector<16x128xf32>, vector<512x128xf32> -> vector<512x128xf32>
    %add3A_1725 = arith.addf %add3A_1715, %dot_general3A_1724 : vector<512x128xf32>
    %slice3A_1726 = vector.extract_strided_slice %reshape3A_1686 {offsets = [0, 4, 0], sizes = [512, 1, 16], strides = [1, 1, 1]} : vector<512x8x16xf32> to vector<512x1x16xf32>
    %squeeze3A_1727 = vector.shape_cast %slice3A_1726 : vector<512x1x16xf32> to vector<512x16xf32>
    %get3A_1728 = arith.constant 4 : index
    %get3A_1729 = arith.constant 0 : index
    %get3A_1730 = arith.constant 0 : index
    %get3A_1731 = vector.load %arg2[%get3A_1728, %get3A_1729, %get3A_1730] : memref<8x16x128xf32, #tpu.memory_space<vmem>>, vector<1x16x128xf32>
    %get3A_1732 = vector.shape_cast %get3A_1731 : vector<1x16x128xf32> to vector<16x128xf32>
    %dot_general3A_1733 = arith.constant dense<0.000000e+00> : vector<512x128xf32>
    %dot_general3A_1734 = tpu.matmul %squeeze3A_1727, %get3A_1732, %dot_general3A_1733 {dimension_numbers = #tpu.dot_dimension_numbers<[1], [0], [0], [1], [0, 0, 1, 1], [], []>, transpose_lhs_hint = false} : vector<512x16xf32>, vector<16x128xf32>, vector<512x128xf32> -> vector<512x128xf32>
    %add3A_1735 = arith.addf %add3A_1725, %dot_general3A_1734 : vector<512x128xf32>
    %slice3A_1736 = vector.extract_strided_slice %reshape3A_1686 {offsets = [0, 5, 0], sizes = [512, 1, 16], strides = [1, 1, 1]} : vector<512x8x16xf32> to vector<512x1x16xf32>
    %squeeze3A_1737 = vector.shape_cast %slice3A_1736 : vector<512x1x16xf32> to vector<512x16xf32>
    %get3A_1738 = arith.constant 5 : index
    %get3A_1739 = arith.constant 0 : index
    %get3A_1740 = arith.constant 0 : index
    %get3A_1741 = vector.load %arg2[%get3A_1738, %get3A_1739, %get3A_1740] : memref<8x16x128xf32, #tpu.memory_space<vmem>>, vector<1x16x128xf32>
    %get3A_1742 = vector.shape_cast %get3A_1741 : vector<1x16x128xf32> to vector<16x128xf32>
    %dot_general3A_1743 = arith.constant dense<0.000000e+00> : vector<512x128xf32>
    %dot_general3A_1744 = tpu.matmul %squeeze3A_1737, %get3A_1742, %dot_general3A_1743 {dimension_numbers = #tpu.dot_dimension_numbers<[1], [0], [0], [1], [0, 0, 1, 1], [], []>, transpose_lhs_hint = false} : vector<512x16xf32>, vector<16x128xf32>, vector<512x128xf32> -> vector<512x128xf32>
    %add3A_1745 = arith.addf %add3A_1735, %dot_general3A_1744 : vector<512x128xf32>
    %slice3A_1746 = vector.extract_strided_slice %reshape3A_1686 {offsets = [0, 6, 0], sizes = [512, 1, 16], strides = [1, 1, 1]} : vector<512x8x16xf32> to vector<512x1x16xf32>
    %squeeze3A_1747 = vector.shape_cast %slice3A_1746 : vector<512x1x16xf32> to vector<512x16xf32>
    %get3A_1748 = arith.constant 6 : index
    %get3A_1749 = arith.constant 0 : index
    %get3A_1750 = arith.constant 0 : index
    %get3A_1751 = vector.load %arg2[%get3A_1748, %get3A_1749, %get3A_1750] : memref<8x16x128xf32, #tpu.memory_space<vmem>>, vector<1x16x128xf32>
    %get3A_1752 = vector.shape_cast %get3A_1751 : vector<1x16x128xf32> to vector<16x128xf32>
    %dot_general3A_1753 = arith.constant dense<0.000000e+00> : vector<512x128xf32>
    %dot_general3A_1754 = tpu.matmul %squeeze3A_1747, %get3A_1752, %dot_general3A_1753 {dimension_numbers = #tpu.dot_dimension_numbers<[1], [0], [0], [1], [0, 0, 1, 1], [], []>, transpose_lhs_hint = false} : vector<512x16xf32>, vector<16x128xf32>, vector<512x128xf32> -> vector<512x128xf32>
    %add3A_1755 = arith.addf %add3A_1745, %dot_general3A_1754 : vector<512x128xf32>
    %slice3A_1756 = vector.extract_strided_slice %reshape3A_1686 {offsets = [0, 7, 0], sizes = [512, 1, 16], strides = [1, 1, 1]} : vector<512x8x16xf32> to vector<512x1x16xf32>
    %squeeze3A_1757 = vector.shape_cast %slice3A_1756 : vector<512x1x16xf32> to vector<512x16xf32>
    %get3A_1758 = arith.constant 7 : index
    %get3A_1759 = arith.constant 0 : index
    %get3A_1760 = arith.constant 0 : index
    %get3A_1761 = vector.load %arg2[%get3A_1758, %get3A_1759, %get3A_1760] : memref<8x16x128xf32, #tpu.memory_space<vmem>>, vector<1x16x128xf32>
    %get3A_1762 = vector.shape_cast %get3A_1761 : vector<1x16x128xf32> to vector<16x128xf32>
    %dot_general3A_1763 = arith.constant dense<0.000000e+00> : vector<512x128xf32>
    %dot_general3A_1764 = tpu.matmul %squeeze3A_1757, %get3A_1762, %dot_general3A_1763 {dimension_numbers = #tpu.dot_dimension_numbers<[1], [0], [0], [1], [0, 0, 1, 1], [], []>, transpose_lhs_hint = false} : vector<512x16xf32>, vector<16x128xf32>, vector<512x128xf32> -> vector<512x128xf32>
    %add3A_1765 = arith.addf %add3A_1755, %dot_general3A_1764 : vector<512x128xf32>
    %swap3A_1766 = arith.constant 0 : index
    %swap3A_1767 = arith.constant 8704 : index
    %swap3A_1768 = arith.constant 0 : index
    %swap3A_1769 = vector.load %arg3[%swap3A_1766, %swap3A_1767, %swap3A_1768] : memref<1x12504x128xf32, #tpu.memory_space<vmem>>, vector<1x512x128xf32>
    %swap3A_1770 = vector.shape_cast %swap3A_1769 : vector<1x512x128xf32> to vector<512x128xf32>
    %swap3A_1771 = vector.shape_cast %add3A_1765 : vector<512x128xf32> to vector<1x512x128xf32>
    tpu.vector_store %arg3[%swap3A_1766, %swap3A_1767, %swap3A_1768], %swap3A_1771 {strides = array<i32>} : memref<1x12504x128xf32, #tpu.memory_space<vmem>>, vector<1x512x128xf32>,
    %get3A_1772 = arith.constant 0 : index
    %get3A_1773 = arith.constant 73728 : index
    %get3A_1774 = vector.load %arg1[%get3A_1772, %get3A_1773] : memref<16x100000xf32, #tpu.memory_space<vmem>>, vector<16x4096xf32>
    %iota3A_1775 = tpu.iota {dimensions = array<i32: 0>} : vector<16x16xi32>
    %iota3A_1776 = tpu.iota {dimensions = array<i32: 1>} : vector<16x16xi32>
    %add3A_1777 = arith.constant 0 : i32
    %add3A_1778 = vector.broadcast %add3A_1777 : i32 to vector<16x16xi32>
    %add3A_1779 = arith.addi %iota3A_1775, %add3A_1778 : vector<16x16xi32>
    %eq3A_1780 = arith.cmpi eq, %add3A_1779, %iota3A_1776 : vector<16x16xi32>
    %convert_element_type3A_1781 = arith.extui %eq3A_1780 : vector<16x16xi1> to vector<16x16xi32>
    %convert_element_type3A_1782 = arith.sitofp %convert_element_type3A_1781 : vector<16x16xi32> to vector<16x16xf32>
    %dot_general3A_1783 = arith.constant dense<0.000000e+00> : vector<4096x16xf32>
    %dot_general3A_1784 = tpu.matmul %get3A_1774, %convert_element_type3A_1782, %dot_general3A_1783 {dimension_numbers = #tpu.dot_dimension_numbers<[0], [0], [1], [1], [0, 1, 1, 1], [], []>, transpose_lhs_hint = false} : vector<16x4096xf32>, vector<16x16xf32>, vector<4096x16xf32> -> vector<4096x16xf32>
    %reshape3A_1785 = vector.shape_cast %dot_general3A_1784 : vector<4096x16xf32> to vector<512x8x16xf32>
    %slice3A_1786 = vector.extract_strided_slice %reshape3A_1785 {offsets = [0, 0, 0], sizes = [512, 1, 16], strides = [1, 1, 1]} : vector<512x8x16xf32> to vector<512x1x16xf32>
    %squeeze3A_1787 = vector.shape_cast %slice3A_1786 : vector<512x1x16xf32> to vector<512x16xf32>
    %get3A_1788 = arith.constant 0 : index
    %get3A_1789 = arith.constant 0 : index
    %get3A_1790 = arith.constant 0 : index
    %get3A_1791 = vector.load %arg2[%get3A_1788, %get3A_1789, %get3A_1790] : memref<8x16x128xf32, #tpu.memory_space<vmem>>, vector<1x16x128xf32>
    %get3A_1792 = vector.shape_cast %get3A_1791 : vector<1x16x128xf32> to vector<16x128xf32>
    %dot_general3A_1793 = arith.constant dense<0.000000e+00> : vector<512x128xf32>
    %dot_general3A_1794 = tpu.matmul %squeeze3A_1787, %get3A_1792, %dot_general3A_1793 {dimension_numbers = #tpu.dot_dimension_numbers<[1], [0], [0], [1], [0, 0, 1, 1], [], []>, transpose_lhs_hint = false} : vector<512x16xf32>, vector<16x128xf32>, vector<512x128xf32> -> vector<512x128xf32>
    %slice3A_1795 = vector.extract_strided_slice %reshape3A_1785 {offsets = [0, 1, 0], sizes = [512, 1, 16], strides = [1, 1, 1]} : vector<512x8x16xf32> to vector<512x1x16xf32>
    %squeeze3A_1796 = vector.shape_cast %slice3A_1795 : vector<512x1x16xf32> to vector<512x16xf32>
    %get3A_1797 = arith.constant 1 : index
    %get3A_1798 = arith.constant 0 : index
    %get3A_1799 = arith.constant 0 : index
    %get3A_1800 = vector.load %arg2[%get3A_1797, %get3A_1798, %get3A_1799] : memref<8x16x128xf32, #tpu.memory_space<vmem>>, vector<1x16x128xf32>
    %get3A_1801 = vector.shape_cast %get3A_1800 : vector<1x16x128xf32> to vector<16x128xf32>
    %dot_general3A_1802 = arith.constant dense<0.000000e+00> : vector<512x128xf32>
    %dot_general3A_1803 = tpu.matmul %squeeze3A_1796, %get3A_1801, %dot_general3A_1802 {dimension_numbers = #tpu.dot_dimension_numbers<[1], [0], [0], [1], [0, 0, 1, 1], [], []>, transpose_lhs_hint = false} : vector<512x16xf32>, vector<16x128xf32>, vector<512x128xf32> -> vector<512x128xf32>
    %add3A_1804 = arith.addf %dot_general3A_1794, %dot_general3A_1803 : vector<512x128xf32>
    %slice3A_1805 = vector.extract_strided_slice %reshape3A_1785 {offsets = [0, 2, 0], sizes = [512, 1, 16], strides = [1, 1, 1]} : vector<512x8x16xf32> to vector<512x1x16xf32>
    %squeeze3A_1806 = vector.shape_cast %slice3A_1805 : vector<512x1x16xf32> to vector<512x16xf32>
    %get3A_1807 = arith.constant 2 : index
    %get3A_1808 = arith.constant 0 : index
    %get3A_1809 = arith.constant 0 : index
    %get3A_1810 = vector.load %arg2[%get3A_1807, %get3A_1808, %get3A_1809] : memref<8x16x128xf32, #tpu.memory_space<vmem>>, vector<1x16x128xf32>
    %get3A_1811 = vector.shape_cast %get3A_1810 : vector<1x16x128xf32> to vector<16x128xf32>
    %dot_general3A_1812 = arith.constant dense<0.000000e+00> : vector<512x128xf32>
    %dot_general3A_1813 = tpu.matmul %squeeze3A_1806, %get3A_1811, %dot_general3A_1812 {dimension_numbers = #tpu.dot_dimension_numbers<[1], [0], [0], [1], [0, 0, 1, 1], [], []>, transpose_lhs_hint = false} : vector<512x16xf32>, vector<16x128xf32>, vector<512x128xf32> -> vector<512x128xf32>
    %add3A_1814 = arith.addf %add3A_1804, %dot_general3A_1813 : vector<512x128xf32>
    %slice3A_1815 = vector.extract_strided_slice %reshape3A_1785 {offsets = [0, 3, 0], sizes = [512, 1, 16], strides = [1, 1, 1]} : vector<512x8x16xf32> to vector<512x1x16xf32>
    %squeeze3A_1816 = vector.shape_cast %slice3A_1815 : vector<512x1x16xf32> to vector<512x16xf32>
    %get3A_1817 = arith.constant 3 : index
    %get3A_1818 = arith.constant 0 : index
    %get3A_1819 = arith.constant 0 : index
    %get3A_1820 = vector.load %arg2[%get3A_1817, %get3A_1818, %get3A_1819] : memref<8x16x128xf32, #tpu.memory_space<vmem>>, vector<1x16x128xf32>
    %get3A_1821 = vector.shape_cast %get3A_1820 : vector<1x16x128xf32> to vector<16x128xf32>
    %dot_general3A_1822 = arith.constant dense<0.000000e+00> : vector<512x128xf32>
    %dot_general3A_1823 = tpu.matmul %squeeze3A_1816, %get3A_1821, %dot_general3A_1822 {dimension_numbers = #tpu.dot_dimension_numbers<[1], [0], [0], [1], [0, 0, 1, 1], [], []>, transpose_lhs_hint = false} : vector<512x16xf32>, vector<16x128xf32>, vector<512x128xf32> -> vector<512x128xf32>
    %add3A_1824 = arith.addf %add3A_1814, %dot_general3A_1823 : vector<512x128xf32>
    %slice3A_1825 = vector.extract_strided_slice %reshape3A_1785 {offsets = [0, 4, 0], sizes = [512, 1, 16], strides = [1, 1, 1]} : vector<512x8x16xf32> to vector<512x1x16xf32>
    %squeeze3A_1826 = vector.shape_cast %slice3A_1825 : vector<512x1x16xf32> to vector<512x16xf32>
    %get3A_1827 = arith.constant 4 : index
    %get3A_1828 = arith.constant 0 : index
    %get3A_1829 = arith.constant 0 : index
    %get3A_1830 = vector.load %arg2[%get3A_1827, %get3A_1828, %get3A_1829] : memref<8x16x128xf32, #tpu.memory_space<vmem>>, vector<1x16x128xf32>
    %get3A_1831 = vector.shape_cast %get3A_1830 : vector<1x16x128xf32> to vector<16x128xf32>
    %dot_general3A_1832 = arith.constant dense<0.000000e+00> : vector<512x128xf32>
    %dot_general3A_1833 = tpu.matmul %squeeze3A_1826, %get3A_1831, %dot_general3A_1832 {dimension_numbers = #tpu.dot_dimension_numbers<[1], [0], [0], [1], [0, 0, 1, 1], [], []>, transpose_lhs_hint = false} : vector<512x16xf32>, vector<16x128xf32>, vector<512x128xf32> -> vector<512x128xf32>
    %add3A_1834 = arith.addf %add3A_1824, %dot_general3A_1833 : vector<512x128xf32>
    %slice3A_1835 = vector.extract_strided_slice %reshape3A_1785 {offsets = [0, 5, 0], sizes = [512, 1, 16], strides = [1, 1, 1]} : vector<512x8x16xf32> to vector<512x1x16xf32>
    %squeeze3A_1836 = vector.shape_cast %slice3A_1835 : vector<512x1x16xf32> to vector<512x16xf32>
    %get3A_1837 = arith.constant 5 : index
    %get3A_1838 = arith.constant 0 : index
    %get3A_1839 = arith.constant 0 : index
    %get3A_1840 = vector.load %arg2[%get3A_1837, %get3A_1838, %get3A_1839] : memref<8x16x128xf32, #tpu.memory_space<vmem>>, vector<1x16x128xf32>
    %get3A_1841 = vector.shape_cast %get3A_1840 : vector<1x16x128xf32> to vector<16x128xf32>
    %dot_general3A_1842 = arith.constant dense<0.000000e+00> : vector<512x128xf32>
    %dot_general3A_1843 = tpu.matmul %squeeze3A_1836, %get3A_1841, %dot_general3A_1842 {dimension_numbers = #tpu.dot_dimension_numbers<[1], [0], [0], [1], [0, 0, 1, 1], [], []>, transpose_lhs_hint = false} : vector<512x16xf32>, vector<16x128xf32>, vector<512x128xf32> -> vector<512x128xf32>
    %add3A_1844 = arith.addf %add3A_1834, %dot_general3A_1843 : vector<512x128xf32>
    %slice3A_1845 = vector.extract_strided_slice %reshape3A_1785 {offsets = [0, 6, 0], sizes = [512, 1, 16], strides = [1, 1, 1]} : vector<512x8x16xf32> to vector<512x1x16xf32>
    %squeeze3A_1846 = vector.shape_cast %slice3A_1845 : vector<512x1x16xf32> to vector<512x16xf32>
    %get3A_1847 = arith.constant 6 : index
    %get3A_1848 = arith.constant 0 : index
    %get3A_1849 = arith.constant 0 : index
    %get3A_1850 = vector.load %arg2[%get3A_1847, %get3A_1848, %get3A_1849] : memref<8x16x128xf32, #tpu.memory_space<vmem>>, vector<1x16x128xf32>
    %get3A_1851 = vector.shape_cast %get3A_1850 : vector<1x16x128xf32> to vector<16x128xf32>
    %dot_general3A_1852 = arith.constant dense<0.000000e+00> : vector<512x128xf32>
    %dot_general3A_1853 = tpu.matmul %squeeze3A_1846, %get3A_1851, %dot_general3A_1852 {dimension_numbers = #tpu.dot_dimension_numbers<[1], [0], [0], [1], [0, 0, 1, 1], [], []>, transpose_lhs_hint = false} : vector<512x16xf32>, vector<16x128xf32>, vector<512x128xf32> -> vector<512x128xf32>
    %add3A_1854 = arith.addf %add3A_1844, %dot_general3A_1853 : vector<512x128xf32>
    %slice3A_1855 = vector.extract_strided_slice %reshape3A_1785 {offsets = [0, 7, 0], sizes = [512, 1, 16], strides = [1, 1, 1]} : vector<512x8x16xf32> to vector<512x1x16xf32>
    %squeeze3A_1856 = vector.shape_cast %slice3A_1855 : vector<512x1x16xf32> to vector<512x16xf32>
    %get3A_1857 = arith.constant 7 : index
    %get3A_1858 = arith.constant 0 : index
    %get3A_1859 = arith.constant 0 : index
    %get3A_1860 = vector.load %arg2[%get3A_1857, %get3A_1858, %get3A_1859] : memref<8x16x128xf32, #tpu.memory_space<vmem>>, vector<1x16x128xf32>
    %get3A_1861 = vector.shape_cast %get3A_1860 : vector<1x16x128xf32> to vector<16x128xf32>
    %dot_general3A_1862 = arith.constant dense<0.000000e+00> : vector<512x128xf32>
    %dot_general3A_1863 = tpu.matmul %squeeze3A_1856, %get3A_1861, %dot_general3A_1862 {dimension_numbers = #tpu.dot_dimension_numbers<[1], [0], [0], [1], [0, 0, 1, 1], [], []>, transpose_lhs_hint = false} : vector<512x16xf32>, vector<16x128xf32>, vector<512x128xf32> -> vector<512x128xf32>
    %add3A_1864 = arith.addf %add3A_1854, %dot_general3A_1863 : vector<512x128xf32>
    %swap3A_1865 = arith.constant 0 : index
    %swap3A_1866 = arith.constant 9216 : index
    %swap3A_1867 = arith.constant 0 : index
    %swap3A_1868 = vector.load %arg3[%swap3A_1865, %swap3A_1866, %swap3A_1867] : memref<1x12504x128xf32, #tpu.memory_space<vmem>>, vector<1x512x128xf32>
    %swap3A_1869 = vector.shape_cast %swap3A_1868 : vector<1x512x128xf32> to vector<512x128xf32>
    %swap3A_1870 = vector.shape_cast %add3A_1864 : vector<512x128xf32> to vector<1x512x128xf32>
    tpu.vector_store %arg3[%swap3A_1865, %swap3A_1866, %swap3A_1867], %swap3A_1870 {strides = array<i32>} : memref<1x12504x128xf32, #tpu.memory_space<vmem>>, vector<1x512x128xf32>,
    %get3A_1871 = arith.constant 0 : index
    %get3A_1872 = arith.constant 77824 : index
    %get3A_1873 = vector.load %arg1[%get3A_1871, %get3A_1872] : memref<16x100000xf32, #tpu.memory_space<vmem>>, vector<16x4096xf32>
    %iota3A_1874 = tpu.iota {dimensions = array<i32: 0>} : vector<16x16xi32>
    %iota3A_1875 = tpu.iota {dimensions = array<i32: 1>} : vector<16x16xi32>
    %add3A_1876 = arith.constant 0 : i32
    %add3A_1877 = vector.broadcast %add3A_1876 : i32 to vector<16x16xi32>
    %add3A_1878 = arith.addi %iota3A_1874, %add3A_1877 : vector<16x16xi32>
    %eq3A_1879 = arith.cmpi eq, %add3A_1878, %iota3A_1875 : vector<16x16xi32>
    %convert_element_type3A_1880 = arith.extui %eq3A_1879 : vector<16x16xi1> to vector<16x16xi32>
    %convert_element_type3A_1881 = arith.sitofp %convert_element_type3A_1880 : vector<16x16xi32> to vector<16x16xf32>
    %dot_general3A_1882 = arith.constant dense<0.000000e+00> : vector<4096x16xf32>
    %dot_general3A_1883 = tpu.matmul %get3A_1873, %convert_element_type3A_1881, %dot_general3A_1882 {dimension_numbers = #tpu.dot_dimension_numbers<[0], [0], [1], [1], [0, 1, 1, 1], [], []>, transpose_lhs_hint = false} : vector<16x4096xf32>, vector<16x16xf32>, vector<4096x16xf32> -> vector<4096x16xf32>
    %reshape3A_1884 = vector.shape_cast %dot_general3A_1883 : vector<4096x16xf32> to vector<512x8x16xf32>
    %slice3A_1885 = vector.extract_strided_slice %reshape3A_1884 {offsets = [0, 0, 0], sizes = [512, 1, 16], strides = [1, 1, 1]} : vector<512x8x16xf32> to vector<512x1x16xf32>
    %squeeze3A_1886 = vector.shape_cast %slice3A_1885 : vector<512x1x16xf32> to vector<512x16xf32>
    %get3A_1887 = arith.constant 0 : index
    %get3A_1888 = arith.constant 0 : index
    %get3A_1889 = arith.constant 0 : index
    %get3A_1890 = vector.load %arg2[%get3A_1887, %get3A_1888, %get3A_1889] : memref<8x16x128xf32, #tpu.memory_space<vmem>>, vector<1x16x128xf32>
    %get3A_1891 = vector.shape_cast %get3A_1890 : vector<1x16x128xf32> to vector<16x128xf32>
    %dot_general3A_1892 = arith.constant dense<0.000000e+00> : vector<512x128xf32>
    %dot_general3A_1893 = tpu.matmul %squeeze3A_1886, %get3A_1891, %dot_general3A_1892 {dimension_numbers = #tpu.dot_dimension_numbers<[1], [0], [0], [1], [0, 0, 1, 1], [], []>, transpose_lhs_hint = false} : vector<512x16xf32>, vector<16x128xf32>, vector<512x128xf32> -> vector<512x128xf32>
    %slice3A_1894 = vector.extract_strided_slice %reshape3A_1884 {offsets = [0, 1, 0], sizes = [512, 1, 16], strides = [1, 1, 1]} : vector<512x8x16xf32> to vector<512x1x16xf32>
    %squeeze3A_1895 = vector.shape_cast %slice3A_1894 : vector<512x1x16xf32> to vector<512x16xf32>
    %get3A_1896 = arith.constant 1 : index
    %get3A_1897 = arith.constant 0 : index
    %get3A_1898 = arith.constant 0 : index
    %get3A_1899 = vector.load %arg2[%get3A_1896, %get3A_1897, %get3A_1898] : memref<8x16x128xf32, #tpu.memory_space<vmem>>, vector<1x16x128xf32>
    %get3A_1900 = vector.shape_cast %get3A_1899 : vector<1x16x128xf32> to vector<16x128xf32>
    %dot_general3A_1901 = arith.constant dense<0.000000e+00> : vector<512x128xf32>
    %dot_general3A_1902 = tpu.matmul %squeeze3A_1895, %get3A_1900, %dot_general3A_1901 {dimension_numbers = #tpu.dot_dimension_numbers<[1], [0], [0], [1], [0, 0, 1, 1], [], []>, transpose_lhs_hint = false} : vector<512x16xf32>, vector<16x128xf32>, vector<512x128xf32> -> vector<512x128xf32>
    %add3A_1903 = arith.addf %dot_general3A_1893, %dot_general3A_1902 : vector<512x128xf32>
    %slice3A_1904 = vector.extract_strided_slice %reshape3A_1884 {offsets = [0, 2, 0], sizes = [512, 1, 16], strides = [1, 1, 1]} : vector<512x8x16xf32> to vector<512x1x16xf32>
    %squeeze3A_1905 = vector.shape_cast %slice3A_1904 : vector<512x1x16xf32> to vector<512x16xf32>
    %get3A_1906 = arith.constant 2 : index
    %get3A_1907 = arith.constant 0 : index
    %get3A_1908 = arith.constant 0 : index
    %get3A_1909 = vector.load %arg2[%get3A_1906, %get3A_1907, %get3A_1908] : memref<8x16x128xf32, #tpu.memory_space<vmem>>, vector<1x16x128xf32>
    %get3A_1910 = vector.shape_cast %get3A_1909 : vector<1x16x128xf32> to vector<16x128xf32>
    %dot_general3A_1911 = arith.constant dense<0.000000e+00> : vector<512x128xf32>
    %dot_general3A_1912 = tpu.matmul %squeeze3A_1905, %get3A_1910, %dot_general3A_1911 {dimension_numbers = #tpu.dot_dimension_numbers<[1], [0], [0], [1], [0, 0, 1, 1], [], []>, transpose_lhs_hint = false} : vector<512x16xf32>, vector<16x128xf32>, vector<512x128xf32> -> vector<512x128xf32>
    %add3A_1913 = arith.addf %add3A_1903, %dot_general3A_1912 : vector<512x128xf32>
    %slice3A_1914 = vector.extract_strided_slice %reshape3A_1884 {offsets = [0, 3, 0], sizes = [512, 1, 16], strides = [1, 1, 1]} : vector<512x8x16xf32> to vector<512x1x16xf32>
    %squeeze3A_1915 = vector.shape_cast %slice3A_1914 : vector<512x1x16xf32> to vector<512x16xf32>
    %get3A_1916 = arith.constant 3 : index
    %get3A_1917 = arith.constant 0 : index
    %get3A_1918 = arith.constant 0 : index
    %get3A_1919 = vector.load %arg2[%get3A_1916, %get3A_1917, %get3A_1918] : memref<8x16x128xf32, #tpu.memory_space<vmem>>, vector<1x16x128xf32>
    %get3A_1920 = vector.shape_cast %get3A_1919 : vector<1x16x128xf32> to vector<16x128xf32>
    %dot_general3A_1921 = arith.constant dense<0.000000e+00> : vector<512x128xf32>
    %dot_general3A_1922 = tpu.matmul %squeeze3A_1915, %get3A_1920, %dot_general3A_1921 {dimension_numbers = #tpu.dot_dimension_numbers<[1], [0], [0], [1], [0, 0, 1, 1], [], []>, transpose_lhs_hint = false} : vector<512x16xf32>, vector<16x128xf32>, vector<512x128xf32> -> vector<512x128xf32>
    %add3A_1923 = arith.addf %add3A_1913, %dot_general3A_1922 : vector<512x128xf32>
    %slice3A_1924 = vector.extract_strided_slice %reshape3A_1884 {offsets = [0, 4, 0], sizes = [512, 1, 16], strides = [1, 1, 1]} : vector<512x8x16xf32> to vector<512x1x16xf32>
    %squeeze3A_1925 = vector.shape_cast %slice3A_1924 : vector<512x1x16xf32> to vector<512x16xf32>
    %get3A_1926 = arith.constant 4 : index
    %get3A_1927 = arith.constant 0 : index
    %get3A_1928 = arith.constant 0 : index
    %get3A_1929 = vector.load %arg2[%get3A_1926, %get3A_1927, %get3A_1928] : memref<8x16x128xf32, #tpu.memory_space<vmem>>, vector<1x16x128xf32>
    %get3A_1930 = vector.shape_cast %get3A_1929 : vector<1x16x128xf32> to vector<16x128xf32>
    %dot_general3A_1931 = arith.constant dense<0.000000e+00> : vector<512x128xf32>
    %dot_general3A_1932 = tpu.matmul %squeeze3A_1925, %get3A_1930, %dot_general3A_1931 {dimension_numbers = #tpu.dot_dimension_numbers<[1], [0], [0], [1], [0, 0, 1, 1], [], []>, transpose_lhs_hint = false} : vector<512x16xf32>, vector<16x128xf32>, vector<512x128xf32> -> vector<512x128xf32>
    %add3A_1933 = arith.addf %add3A_1923, %dot_general3A_1932 : vector<512x128xf32>
    %slice3A_1934 = vector.extract_strided_slice %reshape3A_1884 {offsets = [0, 5, 0], sizes = [512, 1, 16], strides = [1, 1, 1]} : vector<512x8x16xf32> to vector<512x1x16xf32>
    %squeeze3A_1935 = vector.shape_cast %slice3A_1934 : vector<512x1x16xf32> to vector<512x16xf32>
    %get3A_1936 = arith.constant 5 : index
    %get3A_1937 = arith.constant 0 : index
    %get3A_1938 = arith.constant 0 : index
    %get3A_1939 = vector.load %arg2[%get3A_1936, %get3A_1937, %get3A_1938] : memref<8x16x128xf32, #tpu.memory_space<vmem>>, vector<1x16x128xf32>
    %get3A_1940 = vector.shape_cast %get3A_1939 : vector<1x16x128xf32> to vector<16x128xf32>
    %dot_general3A_1941 = arith.constant dense<0.000000e+00> : vector<512x128xf32>
    %dot_general3A_1942 = tpu.matmul %squeeze3A_1935, %get3A_1940, %dot_general3A_1941 {dimension_numbers = #tpu.dot_dimension_numbers<[1], [0], [0], [1], [0, 0, 1, 1], [], []>, transpose_lhs_hint = false} : vector<512x16xf32>, vector<16x128xf32>, vector<512x128xf32> -> vector<512x128xf32>
    %add3A_1943 = arith.addf %add3A_1933, %dot_general3A_1942 : vector<512x128xf32>
    %slice3A_1944 = vector.extract_strided_slice %reshape3A_1884 {offsets = [0, 6, 0], sizes = [512, 1, 16], strides = [1, 1, 1]} : vector<512x8x16xf32> to vector<512x1x16xf32>
    %squeeze3A_1945 = vector.shape_cast %slice3A_1944 : vector<512x1x16xf32> to vector<512x16xf32>
    %get3A_1946 = arith.constant 6 : index
    %get3A_1947 = arith.constant 0 : index
    %get3A_1948 = arith.constant 0 : index
    %get3A_1949 = vector.load %arg2[%get3A_1946, %get3A_1947, %get3A_1948] : memref<8x16x128xf32, #tpu.memory_space<vmem>>, vector<1x16x128xf32>
    %get3A_1950 = vector.shape_cast %get3A_1949 : vector<1x16x128xf32> to vector<16x128xf32>
    %dot_general3A_1951 = arith.constant dense<0.000000e+00> : vector<512x128xf32>
    %dot_general3A_1952 = tpu.matmul %squeeze3A_1945, %get3A_1950, %dot_general3A_1951 {dimension_numbers = #tpu.dot_dimension_numbers<[1], [0], [0], [1], [0, 0, 1, 1], [], []>, transpose_lhs_hint = false} : vector<512x16xf32>, vector<16x128xf32>, vector<512x128xf32> -> vector<512x128xf32>
    %add3A_1953 = arith.addf %add3A_1943, %dot_general3A_1952 : vector<512x128xf32>
    %slice3A_1954 = vector.extract_strided_slice %reshape3A_1884 {offsets = [0, 7, 0], sizes = [512, 1, 16], strides = [1, 1, 1]} : vector<512x8x16xf32> to vector<512x1x16xf32>
    %squeeze3A_1955 = vector.shape_cast %slice3A_1954 : vector<512x1x16xf32> to vector<512x16xf32>
    %get3A_1956 = arith.constant 7 : index
    %get3A_1957 = arith.constant 0 : index
    %get3A_1958 = arith.constant 0 : index
    %get3A_1959 = vector.load %arg2[%get3A_1956, %get3A_1957, %get3A_1958] : memref<8x16x128xf32, #tpu.memory_space<vmem>>, vector<1x16x128xf32>
    %get3A_1960 = vector.shape_cast %get3A_1959 : vector<1x16x128xf32> to vector<16x128xf32>
    %dot_general3A_1961 = arith.constant dense<0.000000e+00> : vector<512x128xf32>
    %dot_general3A_1962 = tpu.matmul %squeeze3A_1955, %get3A_1960, %dot_general3A_1961 {dimension_numbers = #tpu.dot_dimension_numbers<[1], [0], [0], [1], [0, 0, 1, 1], [], []>, transpose_lhs_hint = false} : vector<512x16xf32>, vector<16x128xf32>, vector<512x128xf32> -> vector<512x128xf32>
    %add3A_1963 = arith.addf %add3A_1953, %dot_general3A_1962 : vector<512x128xf32>
    %swap3A_1964 = arith.constant 0 : index
    %swap3A_1965 = arith.constant 9728 : index
    %swap3A_1966 = arith.constant 0 : index
    %swap3A_1967 = vector.load %arg3[%swap3A_1964, %swap3A_1965, %swap3A_1966] : memref<1x12504x128xf32, #tpu.memory_space<vmem>>, vector<1x512x128xf32>
    %swap3A_1968 = vector.shape_cast %swap3A_1967 : vector<1x512x128xf32> to vector<512x128xf32>
    %swap3A_1969 = vector.shape_cast %add3A_1963 : vector<512x128xf32> to vector<1x512x128xf32>
    tpu.vector_store %arg3[%swap3A_1964, %swap3A_1965, %swap3A_1966], %swap3A_1969 {strides = array<i32>} : memref<1x12504x128xf32, #tpu.memory_space<vmem>>, vector<1x512x128xf32>,
    %get3A_1970 = arith.constant 0 : index
    %get3A_1971 = arith.constant 81920 : index
    %get3A_1972 = vector.load %arg1[%get3A_1970, %get3A_1971] : memref<16x100000xf32, #tpu.memory_space<vmem>>, vector<16x4096xf32>
    %iota3A_1973 = tpu.iota {dimensions = array<i32: 0>} : vector<16x16xi32>
    %iota3A_1974 = tpu.iota {dimensions = array<i32: 1>} : vector<16x16xi32>
    %add3A_1975 = arith.constant 0 : i32
    %add3A_1976 = vector.broadcast %add3A_1975 : i32 to vector<16x16xi32>
    %add3A_1977 = arith.addi %iota3A_1973, %add3A_1976 : vector<16x16xi32>
    %eq3A_1978 = arith.cmpi eq, %add3A_1977, %iota3A_1974 : vector<16x16xi32>
    %convert_element_type3A_1979 = arith.extui %eq3A_1978 : vector<16x16xi1> to vector<16x16xi32>
    %convert_element_type3A_1980 = arith.sitofp %convert_element_type3A_1979 : vector<16x16xi32> to vector<16x16xf32>
    %dot_general3A_1981 = arith.constant dense<0.000000e+00> : vector<4096x16xf32>
    %dot_general3A_1982 = tpu.matmul %get3A_1972, %convert_element_type3A_1980, %dot_general3A_1981 {dimension_numbers = #tpu.dot_dimension_numbers<[0], [0], [1], [1], [0, 1, 1, 1], [], []>, transpose_lhs_hint = false} : vector<16x4096xf32>, vector<16x16xf32>, vector<4096x16xf32> -> vector<4096x16xf32>
    %reshape3A_1983 = vector.shape_cast %dot_general3A_1982 : vector<4096x16xf32> to vector<512x8x16xf32>
    %slice3A_1984 = vector.extract_strided_slice %reshape3A_1983 {offsets = [0, 0, 0], sizes = [512, 1, 16], strides = [1, 1, 1]} : vector<512x8x16xf32> to vector<512x1x16xf32>
    %squeeze3A_1985 = vector.shape_cast %slice3A_1984 : vector<512x1x16xf32> to vector<512x16xf32>
    %get3A_1986 = arith.constant 0 : index
    %get3A_1987 = arith.constant 0 : index
    %get3A_1988 = arith.constant 0 : index
    %get3A_1989 = vector.load %arg2[%get3A_1986, %get3A_1987, %get3A_1988] : memref<8x16x128xf32, #tpu.memory_space<vmem>>, vector<1x16x128xf32>
    %get3A_1990 = vector.shape_cast %get3A_1989 : vector<1x16x128xf32> to vector<16x128xf32>
    %dot_general3A_1991 = arith.constant dense<0.000000e+00> : vector<512x128xf32>
    %dot_general3A_1992 = tpu.matmul %squeeze3A_1985, %get3A_1990, %dot_general3A_1991 {dimension_numbers = #tpu.dot_dimension_numbers<[1], [0], [0], [1], [0, 0, 1, 1], [], []>, transpose_lhs_hint = false} : vector<512x16xf32>, vector<16x128xf32>, vector<512x128xf32> -> vector<512x128xf32>
    %slice3A_1993 = vector.extract_strided_slice %reshape3A_1983 {offsets = [0, 1, 0], sizes = [512, 1, 16], strides = [1, 1, 1]} : vector<512x8x16xf32> to vector<512x1x16xf32>
    %squeeze3A_1994 = vector.shape_cast %slice3A_1993 : vector<512x1x16xf32> to vector<512x16xf32>
    %get3A_1995 = arith.constant 1 : index
    %get3A_1996 = arith.constant 0 : index
    %get3A_1997 = arith.constant 0 : index
    %get3A_1998 = vector.load %arg2[%get3A_1995, %get3A_1996, %get3A_1997] : memref<8x16x128xf32, #tpu.memory_space<vmem>>, vector<1x16x128xf32>
    %get3A_1999 = vector.shape_cast %get3A_1998 : vector<1x16x128xf32> to vector<16x128xf32>
    %dot_general3A_2000 = arith.constant dense<0.000000e+00> : vector<512x128xf32>
    %dot_general3A_2001 = tpu.matmul %squeeze3A_1994, %get3A_1999, %dot_general3A_2000 {dimension_numbers = #tpu.dot_dimension_numbers<[1], [0], [0], [1], [0, 0, 1, 1], [], []>, transpose_lhs_hint = false} : vector<512x16xf32>, vector<16x128xf32>, vector<512x128xf32> -> vector<512x128xf32>
    %add3A_2002 = arith.addf %dot_general3A_1992, %dot_general3A_2001 : vector<512x128xf32>
    %slice3A_2003 = vector.extract_strided_slice %reshape3A_1983 {offsets = [0, 2, 0], sizes = [512, 1, 16], strides = [1, 1, 1]} : vector<512x8x16xf32> to vector<512x1x16xf32>
    %squeeze3A_2004 = vector.shape_cast %slice3A_2003 : vector<512x1x16xf32> to vector<512x16xf32>
    %get3A_2005 = arith.constant 2 : index
    %get3A_2006 = arith.constant 0 : index
    %get3A_2007 = arith.constant 0 : index
    %get3A_2008 = vector.load %arg2[%get3A_2005, %get3A_2006, %get3A_2007] : memref<8x16x128xf32, #tpu.memory_space<vmem>>, vector<1x16x128xf32>
    %get3A_2009 = vector.shape_cast %get3A_2008 : vector<1x16x128xf32> to vector<16x128xf32>
    %dot_general3A_2010 = arith.constant dense<0.000000e+00> : vector<512x128xf32>
    %dot_general3A_2011 = tpu.matmul %squeeze3A_2004, %get3A_2009, %dot_general3A_2010 {dimension_numbers = #tpu.dot_dimension_numbers<[1], [0], [0], [1], [0, 0, 1, 1], [], []>, transpose_lhs_hint = false} : vector<512x16xf32>, vector<16x128xf32>, vector<512x128xf32> -> vector<512x128xf32>
    %add3A_2012 = arith.addf %add3A_2002, %dot_general3A_2011 : vector<512x128xf32>
    %slice3A_2013 = vector.extract_strided_slice %reshape3A_1983 {offsets = [0, 3, 0], sizes = [512, 1, 16], strides = [1, 1, 1]} : vector<512x8x16xf32> to vector<512x1x16xf32>
    %squeeze3A_2014 = vector.shape_cast %slice3A_2013 : vector<512x1x16xf32> to vector<512x16xf32>
    %get3A_2015 = arith.constant 3 : index
    %get3A_2016 = arith.constant 0 : index
    %get3A_2017 = arith.constant 0 : index
    %get3A_2018 = vector.load %arg2[%get3A_2015, %get3A_2016, %get3A_2017] : memref<8x16x128xf32, #tpu.memory_space<vmem>>, vector<1x16x128xf32>
    %get3A_2019 = vector.shape_cast %get3A_2018 : vector<1x16x128xf32> to vector<16x128xf32>
    %dot_general3A_2020 = arith.constant dense<0.000000e+00> : vector<512x128xf32>
    %dot_general3A_2021 = tpu.matmul %squeeze3A_2014, %get3A_2019, %dot_general3A_2020 {dimension_numbers = #tpu.dot_dimension_numbers<[1], [0], [0], [1], [0, 0, 1, 1], [], []>, transpose_lhs_hint = false} : vector<512x16xf32>, vector<16x128xf32>, vector<512x128xf32> -> vector<512x128xf32>
    %add3A_2022 = arith.addf %add3A_2012, %dot_general3A_2021 : vector<512x128xf32>
    %slice3A_2023 = vector.extract_strided_slice %reshape3A_1983 {offsets = [0, 4, 0], sizes = [512, 1, 16], strides = [1, 1, 1]} : vector<512x8x16xf32> to vector<512x1x16xf32>
    %squeeze3A_2024 = vector.shape_cast %slice3A_2023 : vector<512x1x16xf32> to vector<512x16xf32>
    %get3A_2025 = arith.constant 4 : index
    %get3A_2026 = arith.constant 0 : index
    %get3A_2027 = arith.constant 0 : index
    %get3A_2028 = vector.load %arg2[%get3A_2025, %get3A_2026, %get3A_2027] : memref<8x16x128xf32, #tpu.memory_space<vmem>>, vector<1x16x128xf32>
    %get3A_2029 = vector.shape_cast %get3A_2028 : vector<1x16x128xf32> to vector<16x128xf32>
    %dot_general3A_2030 = arith.constant dense<0.000000e+00> : vector<512x128xf32>
    %dot_general3A_2031 = tpu.matmul %squeeze3A_2024, %get3A_2029, %dot_general3A_2030 {dimension_numbers = #tpu.dot_dimension_numbers<[1], [0], [0], [1], [0, 0, 1, 1], [], []>, transpose_lhs_hint = false} : vector<512x16xf32>, vector<16x128xf32>, vector<512x128xf32> -> vector<512x128xf32>
    %add3A_2032 = arith.addf %add3A_2022, %dot_general3A_2031 : vector<512x128xf32>
    %slice3A_2033 = vector.extract_strided_slice %reshape3A_1983 {offsets = [0, 5, 0], sizes = [512, 1, 16], strides = [1, 1, 1]} : vector<512x8x16xf32> to vector<512x1x16xf32>
    %squeeze3A_2034 = vector.shape_cast %slice3A_2033 : vector<512x1x16xf32> to vector<512x16xf32>
    %get3A_2035 = arith.constant 5 : index
    %get3A_2036 = arith.constant 0 : index
    %get3A_2037 = arith.constant 0 : index
    %get3A_2038 = vector.load %arg2[%get3A_2035, %get3A_2036, %get3A_2037] : memref<8x16x128xf32, #tpu.memory_space<vmem>>, vector<1x16x128xf32>
    %get3A_2039 = vector.shape_cast %get3A_2038 : vector<1x16x128xf32> to vector<16x128xf32>
    %dot_general3A_2040 = arith.constant dense<0.000000e+00> : vector<512x128xf32>
    %dot_general3A_2041 = tpu.matmul %squeeze3A_2034, %get3A_2039, %dot_general3A_2040 {dimension_numbers = #tpu.dot_dimension_numbers<[1], [0], [0], [1], [0, 0, 1, 1], [], []>, transpose_lhs_hint = false} : vector<512x16xf32>, vector<16x128xf32>, vector<512x128xf32> -> vector<512x128xf32>
    %add3A_2042 = arith.addf %add3A_2032, %dot_general3A_2041 : vector<512x128xf32>
    %slice3A_2043 = vector.extract_strided_slice %reshape3A_1983 {offsets = [0, 6, 0], sizes = [512, 1, 16], strides = [1, 1, 1]} : vector<512x8x16xf32> to vector<512x1x16xf32>
    %squeeze3A_2044 = vector.shape_cast %slice3A_2043 : vector<512x1x16xf32> to vector<512x16xf32>
    %get3A_2045 = arith.constant 6 : index
    %get3A_2046 = arith.constant 0 : index
    %get3A_2047 = arith.constant 0 : index
    %get3A_2048 = vector.load %arg2[%get3A_2045, %get3A_2046, %get3A_2047] : memref<8x16x128xf32, #tpu.memory_space<vmem>>, vector<1x16x128xf32>
    %get3A_2049 = vector.shape_cast %get3A_2048 : vector<1x16x128xf32> to vector<16x128xf32>
    %dot_general3A_2050 = arith.constant dense<0.000000e+00> : vector<512x128xf32>
    %dot_general3A_2051 = tpu.matmul %squeeze3A_2044, %get3A_2049, %dot_general3A_2050 {dimension_numbers = #tpu.dot_dimension_numbers<[1], [0], [0], [1], [0, 0, 1, 1], [], []>, transpose_lhs_hint = false} : vector<512x16xf32>, vector<16x128xf32>, vector<512x128xf32> -> vector<512x128xf32>
    %add3A_2052 = arith.addf %add3A_2042, %dot_general3A_2051 : vector<512x128xf32>
    %slice3A_2053 = vector.extract_strided_slice %reshape3A_1983 {offsets = [0, 7, 0], sizes = [512, 1, 16], strides = [1, 1, 1]} : vector<512x8x16xf32> to vector<512x1x16xf32>
    %squeeze3A_2054 = vector.shape_cast %slice3A_2053 : vector<512x1x16xf32> to vector<512x16xf32>
    %get3A_2055 = arith.constant 7 : index
    %get3A_2056 = arith.constant 0 : index
    %get3A_2057 = arith.constant 0 : index
    %get3A_2058 = vector.load %arg2[%get3A_2055, %get3A_2056, %get3A_2057] : memref<8x16x128xf32, #tpu.memory_space<vmem>>, vector<1x16x128xf32>
    %get3A_2059 = vector.shape_cast %get3A_2058 : vector<1x16x128xf32> to vector<16x128xf32>
    %dot_general3A_2060 = arith.constant dense<0.000000e+00> : vector<512x128xf32>
    %dot_general3A_2061 = tpu.matmul %squeeze3A_2054, %get3A_2059, %dot_general3A_2060 {dimension_numbers = #tpu.dot_dimension_numbers<[1], [0], [0], [1], [0, 0, 1, 1], [], []>, transpose_lhs_hint = false} : vector<512x16xf32>, vector<16x128xf32>, vector<512x128xf32> -> vector<512x128xf32>
    %add3A_2062 = arith.addf %add3A_2052, %dot_general3A_2061 : vector<512x128xf32>
    %swap3A_2063 = arith.constant 0 : index
    %swap3A_2064 = arith.constant 10240 : index
    %swap3A_2065 = arith.constant 0 : index
    %swap3A_2066 = vector.load %arg3[%swap3A_2063, %swap3A_2064, %swap3A_2065] : memref<1x12504x128xf32, #tpu.memory_space<vmem>>, vector<1x512x128xf32>
    %swap3A_2067 = vector.shape_cast %swap3A_2066 : vector<1x512x128xf32> to vector<512x128xf32>
    %swap3A_2068 = vector.shape_cast %add3A_2062 : vector<512x128xf32> to vector<1x512x128xf32>
    tpu.vector_store %arg3[%swap3A_2063, %swap3A_2064, %swap3A_2065], %swap3A_2068 {strides = array<i32>} : memref<1x12504x128xf32, #tpu.memory_space<vmem>>, vector<1x512x128xf32>,
    %get3A_2069 = arith.constant 0 : index
    %get3A_2070 = arith.constant 86016 : index
    %get3A_2071 = vector.load %arg1[%get3A_2069, %get3A_2070] : memref<16x100000xf32, #tpu.memory_space<vmem>>, vector<16x4096xf32>
    %iota3A_2072 = tpu.iota {dimensions = array<i32: 0>} : vector<16x16xi32>
    %iota3A_2073 = tpu.iota {dimensions = array<i32: 1>} : vector<16x16xi32>
    %add3A_2074 = arith.constant 0 : i32
    %add3A_2075 = vector.broadcast %add3A_2074 : i32 to vector<16x16xi32>
    %add3A_2076 = arith.addi %iota3A_2072, %add3A_2075 : vector<16x16xi32>
    %eq3A_2077 = arith.cmpi eq, %add3A_2076, %iota3A_2073 : vector<16x16xi32>
    %convert_element_type3A_2078 = arith.extui %eq3A_2077 : vector<16x16xi1> to vector<16x16xi32>
    %convert_element_type3A_2079 = arith.sitofp %convert_element_type3A_2078 : vector<16x16xi32> to vector<16x16xf32>
    %dot_general3A_2080 = arith.constant dense<0.000000e+00> : vector<4096x16xf32>
    %dot_general3A_2081 = tpu.matmul %get3A_2071, %convert_element_type3A_2079, %dot_general3A_2080 {dimension_numbers = #tpu.dot_dimension_numbers<[0], [0], [1], [1], [0, 1, 1, 1], [], []>, transpose_lhs_hint = false} : vector<16x4096xf32>, vector<16x16xf32>, vector<4096x16xf32> -> vector<4096x16xf32>
    %reshape3A_2082 = vector.shape_cast %dot_general3A_2081 : vector<4096x16xf32> to vector<512x8x16xf32>
    %slice3A_2083 = vector.extract_strided_slice %reshape3A_2082 {offsets = [0, 0, 0], sizes = [512, 1, 16], strides = [1, 1, 1]} : vector<512x8x16xf32> to vector<512x1x16xf32>
    %squeeze3A_2084 = vector.shape_cast %slice3A_2083 : vector<512x1x16xf32> to vector<512x16xf32>
    %get3A_2085 = arith.constant 0 : index
    %get3A_2086 = arith.constant 0 : index
    %get3A_2087 = arith.constant 0 : index
    %get3A_2088 = vector.load %arg2[%get3A_2085, %get3A_2086, %get3A_2087] : memref<8x16x128xf32, #tpu.memory_space<vmem>>, vector<1x16x128xf32>
    %get3A_2089 = vector.shape_cast %get3A_2088 : vector<1x16x128xf32> to vector<16x128xf32>
    %dot_general3A_2090 = arith.constant dense<0.000000e+00> : vector<512x128xf32>
    %dot_general3A_2091 = tpu.matmul %squeeze3A_2084, %get3A_2089, %dot_general3A_2090 {dimension_numbers = #tpu.dot_dimension_numbers<[1], [0], [0], [1], [0, 0, 1, 1], [], []>, transpose_lhs_hint = false} : vector<512x16xf32>, vector<16x128xf32>, vector<512x128xf32> -> vector<512x128xf32>
    %slice3A_2092 = vector.extract_strided_slice %reshape3A_2082 {offsets = [0, 1, 0], sizes = [512, 1, 16], strides = [1, 1, 1]} : vector<512x8x16xf32> to vector<512x1x16xf32>
    %squeeze3A_2093 = vector.shape_cast %slice3A_2092 : vector<512x1x16xf32> to vector<512x16xf32>
    %get3A_2094 = arith.constant 1 : index
    %get3A_2095 = arith.constant 0 : index
    %get3A_2096 = arith.constant 0 : index
    %get3A_2097 = vector.load %arg2[%get3A_2094, %get3A_2095, %get3A_2096] : memref<8x16x128xf32, #tpu.memory_space<vmem>>, vector<1x16x128xf32>
    %get3A_2098 = vector.shape_cast %get3A_2097 : vector<1x16x128xf32> to vector<16x128xf32>
    %dot_general3A_2099 = arith.constant dense<0.000000e+00> : vector<512x128xf32>
    %dot_general3A_2100 = tpu.matmul %squeeze3A_2093, %get3A_2098, %dot_general3A_2099 {dimension_numbers = #tpu.dot_dimension_numbers<[1], [0], [0], [1], [0, 0, 1, 1], [], []>, transpose_lhs_hint = false} : vector<512x16xf32>, vector<16x128xf32>, vector<512x128xf32> -> vector<512x128xf32>
    %add3A_2101 = arith.addf %dot_general3A_2091, %dot_general3A_2100 : vector<512x128xf32>
    %slice3A_2102 = vector.extract_strided_slice %reshape3A_2082 {offsets = [0, 2, 0], sizes = [512, 1, 16], strides = [1, 1, 1]} : vector<512x8x16xf32> to vector<512x1x16xf32>
    %squeeze3A_2103 = vector.shape_cast %slice3A_2102 : vector<512x1x16xf32> to vector<512x16xf32>
    %get3A_2104 = arith.constant 2 : index
    %get3A_2105 = arith.constant 0 : index
    %get3A_2106 = arith.constant 0 : index
    %get3A_2107 = vector.load %arg2[%get3A_2104, %get3A_2105, %get3A_2106] : memref<8x16x128xf32, #tpu.memory_space<vmem>>, vector<1x16x128xf32>
    %get3A_2108 = vector.shape_cast %get3A_2107 : vector<1x16x128xf32> to vector<16x128xf32>
    %dot_general3A_2109 = arith.constant dense<0.000000e+00> : vector<512x128xf32>
    %dot_general3A_2110 = tpu.matmul %squeeze3A_2103, %get3A_2108, %dot_general3A_2109 {dimension_numbers = #tpu.dot_dimension_numbers<[1], [0], [0], [1], [0, 0, 1, 1], [], []>, transpose_lhs_hint = false} : vector<512x16xf32>, vector<16x128xf32>, vector<512x128xf32> -> vector<512x128xf32>
    %add3A_2111 = arith.addf %add3A_2101, %dot_general3A_2110 : vector<512x128xf32>
    %slice3A_2112 = vector.extract_strided_slice %reshape3A_2082 {offsets = [0, 3, 0], sizes = [512, 1, 16], strides = [1, 1, 1]} : vector<512x8x16xf32> to vector<512x1x16xf32>
    %squeeze3A_2113 = vector.shape_cast %slice3A_2112 : vector<512x1x16xf32> to vector<512x16xf32>
    %get3A_2114 = arith.constant 3 : index
    %get3A_2115 = arith.constant 0 : index
    %get3A_2116 = arith.constant 0 : index
    %get3A_2117 = vector.load %arg2[%get3A_2114, %get3A_2115, %get3A_2116] : memref<8x16x128xf32, #tpu.memory_space<vmem>>, vector<1x16x128xf32>
    %get3A_2118 = vector.shape_cast %get3A_2117 : vector<1x16x128xf32> to vector<16x128xf32>
    %dot_general3A_2119 = arith.constant dense<0.000000e+00> : vector<512x128xf32>
    %dot_general3A_2120 = tpu.matmul %squeeze3A_2113, %get3A_2118, %dot_general3A_2119 {dimension_numbers = #tpu.dot_dimension_numbers<[1], [0], [0], [1], [0, 0, 1, 1], [], []>, transpose_lhs_hint = false} : vector<512x16xf32>, vector<16x128xf32>, vector<512x128xf32> -> vector<512x128xf32>
    %add3A_2121 = arith.addf %add3A_2111, %dot_general3A_2120 : vector<512x128xf32>
    %slice3A_2122 = vector.extract_strided_slice %reshape3A_2082 {offsets = [0, 4, 0], sizes = [512, 1, 16], strides = [1, 1, 1]} : vector<512x8x16xf32> to vector<512x1x16xf32>
    %squeeze3A_2123 = vector.shape_cast %slice3A_2122 : vector<512x1x16xf32> to vector<512x16xf32>
    %get3A_2124 = arith.constant 4 : index
    %get3A_2125 = arith.constant 0 : index
    %get3A_2126 = arith.constant 0 : index
    %get3A_2127 = vector.load %arg2[%get3A_2124, %get3A_2125, %get3A_2126] : memref<8x16x128xf32, #tpu.memory_space<vmem>>, vector<1x16x128xf32>
    %get3A_2128 = vector.shape_cast %get3A_2127 : vector<1x16x128xf32> to vector<16x128xf32>
    %dot_general3A_2129 = arith.constant dense<0.000000e+00> : vector<512x128xf32>
    %dot_general3A_2130 = tpu.matmul %squeeze3A_2123, %get3A_2128, %dot_general3A_2129 {dimension_numbers = #tpu.dot_dimension_numbers<[1], [0], [0], [1], [0, 0, 1, 1], [], []>, transpose_lhs_hint = false} : vector<512x16xf32>, vector<16x128xf32>, vector<512x128xf32> -> vector<512x128xf32>
    %add3A_2131 = arith.addf %add3A_2121, %dot_general3A_2130 : vector<512x128xf32>
    %slice3A_2132 = vector.extract_strided_slice %reshape3A_2082 {offsets = [0, 5, 0], sizes = [512, 1, 16], strides = [1, 1, 1]} : vector<512x8x16xf32> to vector<512x1x16xf32>
    %squeeze3A_2133 = vector.shape_cast %slice3A_2132 : vector<512x1x16xf32> to vector<512x16xf32>
    %get3A_2134 = arith.constant 5 : index
    %get3A_2135 = arith.constant 0 : index
    %get3A_2136 = arith.constant 0 : index
    %get3A_2137 = vector.load %arg2[%get3A_2134, %get3A_2135, %get3A_2136] : memref<8x16x128xf32, #tpu.memory_space<vmem>>, vector<1x16x128xf32>
    %get3A_2138 = vector.shape_cast %get3A_2137 : vector<1x16x128xf32> to vector<16x128xf32>
    %dot_general3A_2139 = arith.constant dense<0.000000e+00> : vector<512x128xf32>
    %dot_general3A_2140 = tpu.matmul %squeeze3A_2133, %get3A_2138, %dot_general3A_2139 {dimension_numbers = #tpu.dot_dimension_numbers<[1], [0], [0], [1], [0, 0, 1, 1], [], []>, transpose_lhs_hint = false} : vector<512x16xf32>, vector<16x128xf32>, vector<512x128xf32> -> vector<512x128xf32>
    %add3A_2141 = arith.addf %add3A_2131, %dot_general3A_2140 : vector<512x128xf32>
    %slice3A_2142 = vector.extract_strided_slice %reshape3A_2082 {offsets = [0, 6, 0], sizes = [512, 1, 16], strides = [1, 1, 1]} : vector<512x8x16xf32> to vector<512x1x16xf32>
    %squeeze3A_2143 = vector.shape_cast %slice3A_2142 : vector<512x1x16xf32> to vector<512x16xf32>
    %get3A_2144 = arith.constant 6 : index
    %get3A_2145 = arith.constant 0 : index
    %get3A_2146 = arith.constant 0 : index
    %get3A_2147 = vector.load %arg2[%get3A_2144, %get3A_2145, %get3A_2146] : memref<8x16x128xf32, #tpu.memory_space<vmem>>, vector<1x16x128xf32>
    %get3A_2148 = vector.shape_cast %get3A_2147 : vector<1x16x128xf32> to vector<16x128xf32>
    %dot_general3A_2149 = arith.constant dense<0.000000e+00> : vector<512x128xf32>
    %dot_general3A_2150 = tpu.matmul %squeeze3A_2143, %get3A_2148, %dot_general3A_2149 {dimension_numbers = #tpu.dot_dimension_numbers<[1], [0], [0], [1], [0, 0, 1, 1], [], []>, transpose_lhs_hint = false} : vector<512x16xf32>, vector<16x128xf32>, vector<512x128xf32> -> vector<512x128xf32>
    %add3A_2151 = arith.addf %add3A_2141, %dot_general3A_2150 : vector<512x128xf32>
    %slice3A_2152 = vector.extract_strided_slice %reshape3A_2082 {offsets = [0, 7, 0], sizes = [512, 1, 16], strides = [1, 1, 1]} : vector<512x8x16xf32> to vector<512x1x16xf32>
    %squeeze3A_2153 = vector.shape_cast %slice3A_2152 : vector<512x1x16xf32> to vector<512x16xf32>
    %get3A_2154 = arith.constant 7 : index
    %get3A_2155 = arith.constant 0 : index
    %get3A_2156 = arith.constant 0 : index
    %get3A_2157 = vector.load %arg2[%get3A_2154, %get3A_2155, %get3A_2156] : memref<8x16x128xf32, #tpu.memory_space<vmem>>, vector<1x16x128xf32>
    %get3A_2158 = vector.shape_cast %get3A_2157 : vector<1x16x128xf32> to vector<16x128xf32>
    %dot_general3A_2159 = arith.constant dense<0.000000e+00> : vector<512x128xf32>
    %dot_general3A_2160 = tpu.matmul %squeeze3A_2153, %get3A_2158, %dot_general3A_2159 {dimension_numbers = #tpu.dot_dimension_numbers<[1], [0], [0], [1], [0, 0, 1, 1], [], []>, transpose_lhs_hint = false} : vector<512x16xf32>, vector<16x128xf32>, vector<512x128xf32> -> vector<512x128xf32>
    %add3A_2161 = arith.addf %add3A_2151, %dot_general3A_2160 : vector<512x128xf32>
    %swap3A_2162 = arith.constant 0 : index
    %swap3A_2163 = arith.constant 10752 : index
    %swap3A_2164 = arith.constant 0 : index
    %swap3A_2165 = vector.load %arg3[%swap3A_2162, %swap3A_2163, %swap3A_2164] : memref<1x12504x128xf32, #tpu.memory_space<vmem>>, vector<1x512x128xf32>
    %swap3A_2166 = vector.shape_cast %swap3A_2165 : vector<1x512x128xf32> to vector<512x128xf32>
    %swap3A_2167 = vector.shape_cast %add3A_2161 : vector<512x128xf32> to vector<1x512x128xf32>
    tpu.vector_store %arg3[%swap3A_2162, %swap3A_2163, %swap3A_2164], %swap3A_2167 {strides = array<i32>} : memref<1x12504x128xf32, #tpu.memory_space<vmem>>, vector<1x512x128xf32>,
    %get3A_2168 = arith.constant 0 : index
    %get3A_2169 = arith.constant 90112 : index
    %get3A_2170 = vector.load %arg1[%get3A_2168, %get3A_2169] : memref<16x100000xf32, #tpu.memory_space<vmem>>, vector<16x4096xf32>
    %iota3A_2171 = tpu.iota {dimensions = array<i32: 0>} : vector<16x16xi32>
    %iota3A_2172 = tpu.iota {dimensions = array<i32: 1>} : vector<16x16xi32>
    %add3A_2173 = arith.constant 0 : i32
    %add3A_2174 = vector.broadcast %add3A_2173 : i32 to vector<16x16xi32>
    %add3A_2175 = arith.addi %iota3A_2171, %add3A_2174 : vector<16x16xi32>
    %eq3A_2176 = arith.cmpi eq, %add3A_2175, %iota3A_2172 : vector<16x16xi32>
    %convert_element_type3A_2177 = arith.extui %eq3A_2176 : vector<16x16xi1> to vector<16x16xi32>
    %convert_element_type3A_2178 = arith.sitofp %convert_element_type3A_2177 : vector<16x16xi32> to vector<16x16xf32>
    %dot_general3A_2179 = arith.constant dense<0.000000e+00> : vector<4096x16xf32>
    %dot_general3A_2180 = tpu.matmul %get3A_2170, %convert_element_type3A_2178, %dot_general3A_2179 {dimension_numbers = #tpu.dot_dimension_numbers<[0], [0], [1], [1], [0, 1, 1, 1], [], []>, transpose_lhs_hint = false} : vector<16x4096xf32>, vector<16x16xf32>, vector<4096x16xf32> -> vector<4096x16xf32>
    %reshape3A_2181 = vector.shape_cast %dot_general3A_2180 : vector<4096x16xf32> to vector<512x8x16xf32>
    %slice3A_2182 = vector.extract_strided_slice %reshape3A_2181 {offsets = [0, 0, 0], sizes = [512, 1, 16], strides = [1, 1, 1]} : vector<512x8x16xf32> to vector<512x1x16xf32>
    %squeeze3A_2183 = vector.shape_cast %slice3A_2182 : vector<512x1x16xf32> to vector<512x16xf32>
    %get3A_2184 = arith.constant 0 : index
    %get3A_2185 = arith.constant 0 : index
    %get3A_2186 = arith.constant 0 : index
    %get3A_2187 = vector.load %arg2[%get3A_2184, %get3A_2185, %get3A_2186] : memref<8x16x128xf32, #tpu.memory_space<vmem>>, vector<1x16x128xf32>
    %get3A_2188 = vector.shape_cast %get3A_2187 : vector<1x16x128xf32> to vector<16x128xf32>
    %dot_general3A_2189 = arith.constant dense<0.000000e+00> : vector<512x128xf32>
    %dot_general3A_2190 = tpu.matmul %squeeze3A_2183, %get3A_2188, %dot_general3A_2189 {dimension_numbers = #tpu.dot_dimension_numbers<[1], [0], [0], [1], [0, 0, 1, 1], [], []>, transpose_lhs_hint = false} : vector<512x16xf32>, vector<16x128xf32>, vector<512x128xf32> -> vector<512x128xf32>
    %slice3A_2191 = vector.extract_strided_slice %reshape3A_2181 {offsets = [0, 1, 0], sizes = [512, 1, 16], strides = [1, 1, 1]} : vector<512x8x16xf32> to vector<512x1x16xf32>
    %squeeze3A_2192 = vector.shape_cast %slice3A_2191 : vector<512x1x16xf32> to vector<512x16xf32>
    %get3A_2193 = arith.constant 1 : index
    %get3A_2194 = arith.constant 0 : index
    %get3A_2195 = arith.constant 0 : index
    %get3A_2196 = vector.load %arg2[%get3A_2193, %get3A_2194, %get3A_2195] : memref<8x16x128xf32, #tpu.memory_space<vmem>>, vector<1x16x128xf32>
    %get3A_2197 = vector.shape_cast %get3A_2196 : vector<1x16x128xf32> to vector<16x128xf32>
    %dot_general3A_2198 = arith.constant dense<0.000000e+00> : vector<512x128xf32>
    %dot_general3A_2199 = tpu.matmul %squeeze3A_2192, %get3A_2197, %dot_general3A_2198 {dimension_numbers = #tpu.dot_dimension_numbers<[1], [0], [0], [1], [0, 0, 1, 1], [], []>, transpose_lhs_hint = false} : vector<512x16xf32>, vector<16x128xf32>, vector<512x128xf32> -> vector<512x128xf32>
    %add3A_2200 = arith.addf %dot_general3A_2190, %dot_general3A_2199 : vector<512x128xf32>
    %slice3A_2201 = vector.extract_strided_slice %reshape3A_2181 {offsets = [0, 2, 0], sizes = [512, 1, 16], strides = [1, 1, 1]} : vector<512x8x16xf32> to vector<512x1x16xf32>
    %squeeze3A_2202 = vector.shape_cast %slice3A_2201 : vector<512x1x16xf32> to vector<512x16xf32>
    %get3A_2203 = arith.constant 2 : index
    %get3A_2204 = arith.constant 0 : index
    %get3A_2205 = arith.constant 0 : index
    %get3A_2206 = vector.load %arg2[%get3A_2203, %get3A_2204, %get3A_2205] : memref<8x16x128xf32, #tpu.memory_space<vmem>>, vector<1x16x128xf32>
    %get3A_2207 = vector.shape_cast %get3A_2206 : vector<1x16x128xf32> to vector<16x128xf32>
    %dot_general3A_2208 = arith.constant dense<0.000000e+00> : vector<512x128xf32>
    %dot_general3A_2209 = tpu.matmul %squeeze3A_2202, %get3A_2207, %dot_general3A_2208 {dimension_numbers = #tpu.dot_dimension_numbers<[1], [0], [0], [1], [0, 0, 1, 1], [], []>, transpose_lhs_hint = false} : vector<512x16xf32>, vector<16x128xf32>, vector<512x128xf32> -> vector<512x128xf32>
    %add3A_2210 = arith.addf %add3A_2200, %dot_general3A_2209 : vector<512x128xf32>
    %slice3A_2211 = vector.extract_strided_slice %reshape3A_2181 {offsets = [0, 3, 0], sizes = [512, 1, 16], strides = [1, 1, 1]} : vector<512x8x16xf32> to vector<512x1x16xf32>
    %squeeze3A_2212 = vector.shape_cast %slice3A_2211 : vector<512x1x16xf32> to vector<512x16xf32>
    %get3A_2213 = arith.constant 3 : index
    %get3A_2214 = arith.constant 0 : index
    %get3A_2215 = arith.constant 0 : index
    %get3A_2216 = vector.load %arg2[%get3A_2213, %get3A_2214, %get3A_2215] : memref<8x16x128xf32, #tpu.memory_space<vmem>>, vector<1x16x128xf32>
    %get3A_2217 = vector.shape_cast %get3A_2216 : vector<1x16x128xf32> to vector<16x128xf32>
    %dot_general3A_2218 = arith.constant dense<0.000000e+00> : vector<512x128xf32>
    %dot_general3A_2219 = tpu.matmul %squeeze3A_2212, %get3A_2217, %dot_general3A_2218 {dimension_numbers = #tpu.dot_dimension_numbers<[1], [0], [0], [1], [0, 0, 1, 1], [], []>, transpose_lhs_hint = false} : vector<512x16xf32>, vector<16x128xf32>, vector<512x128xf32> -> vector<512x128xf32>
    %add3A_2220 = arith.addf %add3A_2210, %dot_general3A_2219 : vector<512x128xf32>
    %slice3A_2221 = vector.extract_strided_slice %reshape3A_2181 {offsets = [0, 4, 0], sizes = [512, 1, 16], strides = [1, 1, 1]} : vector<512x8x16xf32> to vector<512x1x16xf32>
    %squeeze3A_2222 = vector.shape_cast %slice3A_2221 : vector<512x1x16xf32> to vector<512x16xf32>
    %get3A_2223 = arith.constant 4 : index
    %get3A_2224 = arith.constant 0 : index
    %get3A_2225 = arith.constant 0 : index
    %get3A_2226 = vector.load %arg2[%get3A_2223, %get3A_2224, %get3A_2225] : memref<8x16x128xf32, #tpu.memory_space<vmem>>, vector<1x16x128xf32>
    %get3A_2227 = vector.shape_cast %get3A_2226 : vector<1x16x128xf32> to vector<16x128xf32>
    %dot_general3A_2228 = arith.constant dense<0.000000e+00> : vector<512x128xf32>
    %dot_general3A_2229 = tpu.matmul %squeeze3A_2222, %get3A_2227, %dot_general3A_2228 {dimension_numbers = #tpu.dot_dimension_numbers<[1], [0], [0], [1], [0, 0, 1, 1], [], []>, transpose_lhs_hint = false} : vector<512x16xf32>, vector<16x128xf32>, vector<512x128xf32> -> vector<512x128xf32>
    %add3A_2230 = arith.addf %add3A_2220, %dot_general3A_2229 : vector<512x128xf32>
    %slice3A_2231 = vector.extract_strided_slice %reshape3A_2181 {offsets = [0, 5, 0], sizes = [512, 1, 16], strides = [1, 1, 1]} : vector<512x8x16xf32> to vector<512x1x16xf32>
    %squeeze3A_2232 = vector.shape_cast %slice3A_2231 : vector<512x1x16xf32> to vector<512x16xf32>
    %get3A_2233 = arith.constant 5 : index
    %get3A_2234 = arith.constant 0 : index
    %get3A_2235 = arith.constant 0 : index
    %get3A_2236 = vector.load %arg2[%get3A_2233, %get3A_2234, %get3A_2235] : memref<8x16x128xf32, #tpu.memory_space<vmem>>, vector<1x16x128xf32>
    %get3A_2237 = vector.shape_cast %get3A_2236 : vector<1x16x128xf32> to vector<16x128xf32>
    %dot_general3A_2238 = arith.constant dense<0.000000e+00> : vector<512x128xf32>
    %dot_general3A_2239 = tpu.matmul %squeeze3A_2232, %get3A_2237, %dot_general3A_2238 {dimension_numbers = #tpu.dot_dimension_numbers<[1], [0], [0], [1], [0, 0, 1, 1], [], []>, transpose_lhs_hint = false} : vector<512x16xf32>, vector<16x128xf32>, vector<512x128xf32> -> vector<512x128xf32>
    %add3A_2240 = arith.addf %add3A_2230, %dot_general3A_2239 : vector<512x128xf32>
    %slice3A_2241 = vector.extract_strided_slice %reshape3A_2181 {offsets = [0, 6, 0], sizes = [512, 1, 16], strides = [1, 1, 1]} : vector<512x8x16xf32> to vector<512x1x16xf32>
    %squeeze3A_2242 = vector.shape_cast %slice3A_2241 : vector<512x1x16xf32> to vector<512x16xf32>
    %get3A_2243 = arith.constant 6 : index
    %get3A_2244 = arith.constant 0 : index
    %get3A_2245 = arith.constant 0 : index
    %get3A_2246 = vector.load %arg2[%get3A_2243, %get3A_2244, %get3A_2245] : memref<8x16x128xf32, #tpu.memory_space<vmem>>, vector<1x16x128xf32>
    %get3A_2247 = vector.shape_cast %get3A_2246 : vector<1x16x128xf32> to vector<16x128xf32>
    %dot_general3A_2248 = arith.constant dense<0.000000e+00> : vector<512x128xf32>
    %dot_general3A_2249 = tpu.matmul %squeeze3A_2242, %get3A_2247, %dot_general3A_2248 {dimension_numbers = #tpu.dot_dimension_numbers<[1], [0], [0], [1], [0, 0, 1, 1], [], []>, transpose_lhs_hint = false} : vector<512x16xf32>, vector<16x128xf32>, vector<512x128xf32> -> vector<512x128xf32>
    %add3A_2250 = arith.addf %add3A_2240, %dot_general3A_2249 : vector<512x128xf32>
    %slice3A_2251 = vector.extract_strided_slice %reshape3A_2181 {offsets = [0, 7, 0], sizes = [512, 1, 16], strides = [1, 1, 1]} : vector<512x8x16xf32> to vector<512x1x16xf32>
    %squeeze3A_2252 = vector.shape_cast %slice3A_2251 : vector<512x1x16xf32> to vector<512x16xf32>
    %get3A_2253 = arith.constant 7 : index
    %get3A_2254 = arith.constant 0 : index
    %get3A_2255 = arith.constant 0 : index
    %get3A_2256 = vector.load %arg2[%get3A_2253, %get3A_2254, %get3A_2255] : memref<8x16x128xf32, #tpu.memory_space<vmem>>, vector<1x16x128xf32>
    %get3A_2257 = vector.shape_cast %get3A_2256 : vector<1x16x128xf32> to vector<16x128xf32>
    %dot_general3A_2258 = arith.constant dense<0.000000e+00> : vector<512x128xf32>
    %dot_general3A_2259 = tpu.matmul %squeeze3A_2252, %get3A_2257, %dot_general3A_2258 {dimension_numbers = #tpu.dot_dimension_numbers<[1], [0], [0], [1], [0, 0, 1, 1], [], []>, transpose_lhs_hint = false} : vector<512x16xf32>, vector<16x128xf32>, vector<512x128xf32> -> vector<512x128xf32>
    %add3A_2260 = arith.addf %add3A_2250, %dot_general3A_2259 : vector<512x128xf32>
    %swap3A_2261 = arith.constant 0 : index
    %swap3A_2262 = arith.constant 11264 : index
    %swap3A_2263 = arith.constant 0 : index
    %swap3A_2264 = vector.load %arg3[%swap3A_2261, %swap3A_2262, %swap3A_2263] : memref<1x12504x128xf32, #tpu.memory_space<vmem>>, vector<1x512x128xf32>
    %swap3A_2265 = vector.shape_cast %swap3A_2264 : vector<1x512x128xf32> to vector<512x128xf32>
    %swap3A_2266 = vector.shape_cast %add3A_2260 : vector<512x128xf32> to vector<1x512x128xf32>
    tpu.vector_store %arg3[%swap3A_2261, %swap3A_2262, %swap3A_2263], %swap3A_2266 {strides = array<i32>} : memref<1x12504x128xf32, #tpu.memory_space<vmem>>, vector<1x512x128xf32>,
    %get3A_2267 = arith.constant 0 : index
    %get3A_2268 = arith.constant 94208 : index
    %get3A_2269 = vector.load %arg1[%get3A_2267, %get3A_2268] : memref<16x100000xf32, #tpu.memory_space<vmem>>, vector<16x4096xf32>
    %iota3A_2270 = tpu.iota {dimensions = array<i32: 0>} : vector<16x16xi32>
    %iota3A_2271 = tpu.iota {dimensions = array<i32: 1>} : vector<16x16xi32>
    %add3A_2272 = arith.constant 0 : i32
    %add3A_2273 = vector.broadcast %add3A_2272 : i32 to vector<16x16xi32>
    %add3A_2274 = arith.addi %iota3A_2270, %add3A_2273 : vector<16x16xi32>
    %eq3A_2275 = arith.cmpi eq, %add3A_2274, %iota3A_2271 : vector<16x16xi32>
    %convert_element_type3A_2276 = arith.extui %eq3A_2275 : vector<16x16xi1> to vector<16x16xi32>
    %convert_element_type3A_2277 = arith.sitofp %convert_element_type3A_2276 : vector<16x16xi32> to vector<16x16xf32>
    %dot_general3A_2278 = arith.constant dense<0.000000e+00> : vector<4096x16xf32>
    %dot_general3A_2279 = tpu.matmul %get3A_2269, %convert_element_type3A_2277, %dot_general3A_2278 {dimension_numbers = #tpu.dot_dimension_numbers<[0], [0], [1], [1], [0, 1, 1, 1], [], []>, transpose_lhs_hint = false} : vector<16x4096xf32>, vector<16x16xf32>, vector<4096x16xf32> -> vector<4096x16xf32>
    %reshape3A_2280 = vector.shape_cast %dot_general3A_2279 : vector<4096x16xf32> to vector<512x8x16xf32>
    %slice3A_2281 = vector.extract_strided_slice %reshape3A_2280 {offsets = [0, 0, 0], sizes = [512, 1, 16], strides = [1, 1, 1]} : vector<512x8x16xf32> to vector<512x1x16xf32>
    %squeeze3A_2282 = vector.shape_cast %slice3A_2281 : vector<512x1x16xf32> to vector<512x16xf32>
    %get3A_2283 = arith.constant 0 : index
    %get3A_2284 = arith.constant 0 : index
    %get3A_2285 = arith.constant 0 : index
    %get3A_2286 = vector.load %arg2[%get3A_2283, %get3A_2284, %get3A_2285] : memref<8x16x128xf32, #tpu.memory_space<vmem>>, vector<1x16x128xf32>
    %get3A_2287 = vector.shape_cast %get3A_2286 : vector<1x16x128xf32> to vector<16x128xf32>
    %dot_general3A_2288 = arith.constant dense<0.000000e+00> : vector<512x128xf32>
    %dot_general3A_2289 = tpu.matmul %squeeze3A_2282, %get3A_2287, %dot_general3A_2288 {dimension_numbers = #tpu.dot_dimension_numbers<[1], [0], [0], [1], [0, 0, 1, 1], [], []>, transpose_lhs_hint = false} : vector<512x16xf32>, vector<16x128xf32>, vector<512x128xf32> -> vector<512x128xf32>
    %slice3A_2290 = vector.extract_strided_slice %reshape3A_2280 {offsets = [0, 1, 0], sizes = [512, 1, 16], strides = [1, 1, 1]} : vector<512x8x16xf32> to vector<512x1x16xf32>
    %squeeze3A_2291 = vector.shape_cast %slice3A_2290 : vector<512x1x16xf32> to vector<512x16xf32>
    %get3A_2292 = arith.constant 1 : index
    %get3A_2293 = arith.constant 0 : index
    %get3A_2294 = arith.constant 0 : index
    %get3A_2295 = vector.load %arg2[%get3A_2292, %get3A_2293, %get3A_2294] : memref<8x16x128xf32, #tpu.memory_space<vmem>>, vector<1x16x128xf32>
    %get3A_2296 = vector.shape_cast %get3A_2295 : vector<1x16x128xf32> to vector<16x128xf32>
    %dot_general3A_2297 = arith.constant dense<0.000000e+00> : vector<512x128xf32>
    %dot_general3A_2298 = tpu.matmul %squeeze3A_2291, %get3A_2296, %dot_general3A_2297 {dimension_numbers = #tpu.dot_dimension_numbers<[1], [0], [0], [1], [0, 0, 1, 1], [], []>, transpose_lhs_hint = false} : vector<512x16xf32>, vector<16x128xf32>, vector<512x128xf32> -> vector<512x128xf32>
    %add3A_2299 = arith.addf %dot_general3A_2289, %dot_general3A_2298 : vector<512x128xf32>
    %slice3A_2300 = vector.extract_strided_slice %reshape3A_2280 {offsets = [0, 2, 0], sizes = [512, 1, 16], strides = [1, 1, 1]} : vector<512x8x16xf32> to vector<512x1x16xf32>
    %squeeze3A_2301 = vector.shape_cast %slice3A_2300 : vector<512x1x16xf32> to vector<512x16xf32>
    %get3A_2302 = arith.constant 2 : index
    %get3A_2303 = arith.constant 0 : index
    %get3A_2304 = arith.constant 0 : index
    %get3A_2305 = vector.load %arg2[%get3A_2302, %get3A_2303, %get3A_2304] : memref<8x16x128xf32, #tpu.memory_space<vmem>>, vector<1x16x128xf32>
    %get3A_2306 = vector.shape_cast %get3A_2305 : vector<1x16x128xf32> to vector<16x128xf32>
    %dot_general3A_2307 = arith.constant dense<0.000000e+00> : vector<512x128xf32>
    %dot_general3A_2308 = tpu.matmul %squeeze3A_2301, %get3A_2306, %dot_general3A_2307 {dimension_numbers = #tpu.dot_dimension_numbers<[1], [0], [0], [1], [0, 0, 1, 1], [], []>, transpose_lhs_hint = false} : vector<512x16xf32>, vector<16x128xf32>, vector<512x128xf32> -> vector<512x128xf32>
    %add3A_2309 = arith.addf %add3A_2299, %dot_general3A_2308 : vector<512x128xf32>
    %slice3A_2310 = vector.extract_strided_slice %reshape3A_2280 {offsets = [0, 3, 0], sizes = [512, 1, 16], strides = [1, 1, 1]} : vector<512x8x16xf32> to vector<512x1x16xf32>
    %squeeze3A_2311 = vector.shape_cast %slice3A_2310 : vector<512x1x16xf32> to vector<512x16xf32>
    %get3A_2312 = arith.constant 3 : index
    %get3A_2313 = arith.constant 0 : index
    %get3A_2314 = arith.constant 0 : index
    %get3A_2315 = vector.load %arg2[%get3A_2312, %get3A_2313, %get3A_2314] : memref<8x16x128xf32, #tpu.memory_space<vmem>>, vector<1x16x128xf32>
    %get3A_2316 = vector.shape_cast %get3A_2315 : vector<1x16x128xf32> to vector<16x128xf32>
    %dot_general3A_2317 = arith.constant dense<0.000000e+00> : vector<512x128xf32>
    %dot_general3A_2318 = tpu.matmul %squeeze3A_2311, %get3A_2316, %dot_general3A_2317 {dimension_numbers = #tpu.dot_dimension_numbers<[1], [0], [0], [1], [0, 0, 1, 1], [], []>, transpose_lhs_hint = false} : vector<512x16xf32>, vector<16x128xf32>, vector<512x128xf32> -> vector<512x128xf32>
    %add3A_2319 = arith.addf %add3A_2309, %dot_general3A_2318 : vector<512x128xf32>
    %slice3A_2320 = vector.extract_strided_slice %reshape3A_2280 {offsets = [0, 4, 0], sizes = [512, 1, 16], strides = [1, 1, 1]} : vector<512x8x16xf32> to vector<512x1x16xf32>
    %squeeze3A_2321 = vector.shape_cast %slice3A_2320 : vector<512x1x16xf32> to vector<512x16xf32>
    %get3A_2322 = arith.constant 4 : index
    %get3A_2323 = arith.constant 0 : index
    %get3A_2324 = arith.constant 0 : index
    %get3A_2325 = vector.load %arg2[%get3A_2322, %get3A_2323, %get3A_2324] : memref<8x16x128xf32, #tpu.memory_space<vmem>>, vector<1x16x128xf32>
    %get3A_2326 = vector.shape_cast %get3A_2325 : vector<1x16x128xf32> to vector<16x128xf32>
    %dot_general3A_2327 = arith.constant dense<0.000000e+00> : vector<512x128xf32>
    %dot_general3A_2328 = tpu.matmul %squeeze3A_2321, %get3A_2326, %dot_general3A_2327 {dimension_numbers = #tpu.dot_dimension_numbers<[1], [0], [0], [1], [0, 0, 1, 1], [], []>, transpose_lhs_hint = false} : vector<512x16xf32>, vector<16x128xf32>, vector<512x128xf32> -> vector<512x128xf32>
    %add3A_2329 = arith.addf %add3A_2319, %dot_general3A_2328 : vector<512x128xf32>
    %slice3A_2330 = vector.extract_strided_slice %reshape3A_2280 {offsets = [0, 5, 0], sizes = [512, 1, 16], strides = [1, 1, 1]} : vector<512x8x16xf32> to vector<512x1x16xf32>
    %squeeze3A_2331 = vector.shape_cast %slice3A_2330 : vector<512x1x16xf32> to vector<512x16xf32>
    %get3A_2332 = arith.constant 5 : index
    %get3A_2333 = arith.constant 0 : index
    %get3A_2334 = arith.constant 0 : index
    %get3A_2335 = vector.load %arg2[%get3A_2332, %get3A_2333, %get3A_2334] : memref<8x16x128xf32, #tpu.memory_space<vmem>>, vector<1x16x128xf32>
    %get3A_2336 = vector.shape_cast %get3A_2335 : vector<1x16x128xf32> to vector<16x128xf32>
    %dot_general3A_2337 = arith.constant dense<0.000000e+00> : vector<512x128xf32>
    %dot_general3A_2338 = tpu.matmul %squeeze3A_2331, %get3A_2336, %dot_general3A_2337 {dimension_numbers = #tpu.dot_dimension_numbers<[1], [0], [0], [1], [0, 0, 1, 1], [], []>, transpose_lhs_hint = false} : vector<512x16xf32>, vector<16x128xf32>, vector<512x128xf32> -> vector<512x128xf32>
    %add3A_2339 = arith.addf %add3A_2329, %dot_general3A_2338 : vector<512x128xf32>
    %slice3A_2340 = vector.extract_strided_slice %reshape3A_2280 {offsets = [0, 6, 0], sizes = [512, 1, 16], strides = [1, 1, 1]} : vector<512x8x16xf32> to vector<512x1x16xf32>
    %squeeze3A_2341 = vector.shape_cast %slice3A_2340 : vector<512x1x16xf32> to vector<512x16xf32>
    %get3A_2342 = arith.constant 6 : index
    %get3A_2343 = arith.constant 0 : index
    %get3A_2344 = arith.constant 0 : index
    %get3A_2345 = vector.load %arg2[%get3A_2342, %get3A_2343, %get3A_2344] : memref<8x16x128xf32, #tpu.memory_space<vmem>>, vector<1x16x128xf32>
    %get3A_2346 = vector.shape_cast %get3A_2345 : vector<1x16x128xf32> to vector<16x128xf32>
    %dot_general3A_2347 = arith.constant dense<0.000000e+00> : vector<512x128xf32>
    %dot_general3A_2348 = tpu.matmul %squeeze3A_2341, %get3A_2346, %dot_general3A_2347 {dimension_numbers = #tpu.dot_dimension_numbers<[1], [0], [0], [1], [0, 0, 1, 1], [], []>, transpose_lhs_hint = false} : vector<512x16xf32>, vector<16x128xf32>, vector<512x128xf32> -> vector<512x128xf32>
    %add3A_2349 = arith.addf %add3A_2339, %dot_general3A_2348 : vector<512x128xf32>
    %slice3A_2350 = vector.extract_strided_slice %reshape3A_2280 {offsets = [0, 7, 0], sizes = [512, 1, 16], strides = [1, 1, 1]} : vector<512x8x16xf32> to vector<512x1x16xf32>
    %squeeze3A_2351 = vector.shape_cast %slice3A_2350 : vector<512x1x16xf32> to vector<512x16xf32>
    %get3A_2352 = arith.constant 7 : index
    %get3A_2353 = arith.constant 0 : index
    %get3A_2354 = arith.constant 0 : index
    %get3A_2355 = vector.load %arg2[%get3A_2352, %get3A_2353, %get3A_2354] : memref<8x16x128xf32, #tpu.memory_space<vmem>>, vector<1x16x128xf32>
    %get3A_2356 = vector.shape_cast %get3A_2355 : vector<1x16x128xf32> to vector<16x128xf32>
    %dot_general3A_2357 = arith.constant dense<0.000000e+00> : vector<512x128xf32>
    %dot_general3A_2358 = tpu.matmul %squeeze3A_2351, %get3A_2356, %dot_general3A_2357 {dimension_numbers = #tpu.dot_dimension_numbers<[1], [0], [0], [1], [0, 0, 1, 1], [], []>, transpose_lhs_hint = false} : vector<512x16xf32>, vector<16x128xf32>, vector<512x128xf32> -> vector<512x128xf32>
    %add3A_2359 = arith.addf %add3A_2349, %dot_general3A_2358 : vector<512x128xf32>
    %swap3A_2360 = arith.constant 0 : index
    %swap3A_2361 = arith.constant 11776 : index
    %swap3A_2362 = arith.constant 0 : index
    %swap3A_2363 = vector.load %arg3[%swap3A_2360, %swap3A_2361, %swap3A_2362] : memref<1x12504x128xf32, #tpu.memory_space<vmem>>, vector<1x512x128xf32>
    %swap3A_2364 = vector.shape_cast %swap3A_2363 : vector<1x512x128xf32> to vector<512x128xf32>
    %swap3A_2365 = vector.shape_cast %add3A_2359 : vector<512x128xf32> to vector<1x512x128xf32>
    tpu.vector_store %arg3[%swap3A_2360, %swap3A_2361, %swap3A_2362], %swap3A_2365 {strides = array<i32>} : memref<1x12504x128xf32, #tpu.memory_space<vmem>>, vector<1x512x128xf32>,
    %get3A_2366 = arith.constant 0 : index
    %get3A_2367 = arith.constant 98304 : index
    %get3A_2368 = vector.load %arg1[%get3A_2366, %get3A_2367] : memref<16x100000xf32, #tpu.memory_space<vmem>>, vector<16x1696xf32>
    %iota3A_2369 = tpu.iota {dimensions = array<i32: 0>} : vector<16x16xi32>
    %iota3A_2370 = tpu.iota {dimensions = array<i32: 1>} : vector<16x16xi32>
    %add3A_2371 = arith.constant 0 : i32
    %add3A_2372 = vector.broadcast %add3A_2371 : i32 to vector<16x16xi32>
    %add3A_2373 = arith.addi %iota3A_2369, %add3A_2372 : vector<16x16xi32>
    %eq3A_2374 = arith.cmpi eq, %add3A_2373, %iota3A_2370 : vector<16x16xi32>
    %convert_element_type3A_2375 = arith.extui %eq3A_2374 : vector<16x16xi1> to vector<16x16xi32>
    %convert_element_type3A_2376 = arith.sitofp %convert_element_type3A_2375 : vector<16x16xi32> to vector<16x16xf32>
    %dot_general3A_2377 = arith.constant dense<0.000000e+00> : vector<1696x16xf32>
    %dot_general3A_2378 = tpu.matmul %get3A_2368, %convert_element_type3A_2376, %dot_general3A_2377 {dimension_numbers = #tpu.dot_dimension_numbers<[0], [0], [1], [1], [0, 1, 1, 1], [], []>, transpose_lhs_hint = false} : vector<16x1696xf32>, vector<16x16xf32>, vector<1696x16xf32> -> vector<1696x16xf32>
    %reshape3A_2379 = vector.shape_cast %dot_general3A_2378 : vector<1696x16xf32> to vector<212x8x16xf32>
    %slice3A_2380 = vector.extract_strided_slice %reshape3A_2379 {offsets = [0, 0, 0], sizes = [212, 1, 16], strides = [1, 1, 1]} : vector<212x8x16xf32> to vector<212x1x16xf32>
    %squeeze3A_2381 = vector.shape_cast %slice3A_2380 : vector<212x1x16xf32> to vector<212x16xf32>
    %get3A_2382 = arith.constant 0 : index
    %get3A_2383 = arith.constant 0 : index
    %get3A_2384 = arith.constant 0 : index
    %get3A_2385 = vector.load %arg2[%get3A_2382, %get3A_2383, %get3A_2384] : memref<8x16x128xf32, #tpu.memory_space<vmem>>, vector<1x16x128xf32>
    %get3A_2386 = vector.shape_cast %get3A_2385 : vector<1x16x128xf32> to vector<16x128xf32>
    %dot_general3A_2387 = arith.constant dense<0.000000e+00> : vector<212x128xf32>
    %dot_general3A_2388 = tpu.matmul %squeeze3A_2381, %get3A_2386, %dot_general3A_2387 {dimension_numbers = #tpu.dot_dimension_numbers<[1], [0], [0], [1], [0, 0, 1, 1], [], []>, transpose_lhs_hint = false} : vector<212x16xf32>, vector<16x128xf32>, vector<212x128xf32> -> vector<212x128xf32>
    %slice3A_2389 = vector.extract_strided_slice %reshape3A_2379 {offsets = [0, 1, 0], sizes = [212, 1, 16], strides = [1, 1, 1]} : vector<212x8x16xf32> to vector<212x1x16xf32>
    %squeeze3A_2390 = vector.shape_cast %slice3A_2389 : vector<212x1x16xf32> to vector<212x16xf32>
    %get3A_2391 = arith.constant 1 : index
    %get3A_2392 = arith.constant 0 : index
    %get3A_2393 = arith.constant 0 : index
    %get3A_2394 = vector.load %arg2[%get3A_2391, %get3A_2392, %get3A_2393] : memref<8x16x128xf32, #tpu.memory_space<vmem>>, vector<1x16x128xf32>
    %get3A_2395 = vector.shape_cast %get3A_2394 : vector<1x16x128xf32> to vector<16x128xf32>
    %dot_general3A_2396 = arith.constant dense<0.000000e+00> : vector<212x128xf32>
    %dot_general3A_2397 = tpu.matmul %squeeze3A_2390, %get3A_2395, %dot_general3A_2396 {dimension_numbers = #tpu.dot_dimension_numbers<[1], [0], [0], [1], [0, 0, 1, 1], [], []>, transpose_lhs_hint = false} : vector<212x16xf32>, vector<16x128xf32>, vector<212x128xf32> -> vector<212x128xf32>
    %add3A_2398 = arith.addf %dot_general3A_2388, %dot_general3A_2397 : vector<212x128xf32>
    %slice3A_2399 = vector.extract_strided_slice %reshape3A_2379 {offsets = [0, 2, 0], sizes = [212, 1, 16], strides = [1, 1, 1]} : vector<212x8x16xf32> to vector<212x1x16xf32>
    %squeeze3A_2400 = vector.shape_cast %slice3A_2399 : vector<212x1x16xf32> to vector<212x16xf32>
    %get3A_2401 = arith.constant 2 : index
    %get3A_2402 = arith.constant 0 : index
    %get3A_2403 = arith.constant 0 : index
    %get3A_2404 = vector.load %arg2[%get3A_2401, %get3A_2402, %get3A_2403] : memref<8x16x128xf32, #tpu.memory_space<vmem>>, vector<1x16x128xf32>
    %get3A_2405 = vector.shape_cast %get3A_2404 : vector<1x16x128xf32> to vector<16x128xf32>
    %dot_general3A_2406 = arith.constant dense<0.000000e+00> : vector<212x128xf32>
    %dot_general3A_2407 = tpu.matmul %squeeze3A_2400, %get3A_2405, %dot_general3A_2406 {dimension_numbers = #tpu.dot_dimension_numbers<[1], [0], [0], [1], [0, 0, 1, 1], [], []>, transpose_lhs_hint = false} : vector<212x16xf32>, vector<16x128xf32>, vector<212x128xf32> -> vector<212x128xf32>
    %add3A_2408 = arith.addf %add3A_2398, %dot_general3A_2407 : vector<212x128xf32>
    %slice3A_2409 = vector.extract_strided_slice %reshape3A_2379 {offsets = [0, 3, 0], sizes = [212, 1, 16], strides = [1, 1, 1]} : vector<212x8x16xf32> to vector<212x1x16xf32>
    %squeeze3A_2410 = vector.shape_cast %slice3A_2409 : vector<212x1x16xf32> to vector<212x16xf32>
    %get3A_2411 = arith.constant 3 : index
    %get3A_2412 = arith.constant 0 : index
    %get3A_2413 = arith.constant 0 : index
    %get3A_2414 = vector.load %arg2[%get3A_2411, %get3A_2412, %get3A_2413] : memref<8x16x128xf32, #tpu.memory_space<vmem>>, vector<1x16x128xf32>
    %get3A_2415 = vector.shape_cast %get3A_2414 : vector<1x16x128xf32> to vector<16x128xf32>
    %dot_general3A_2416 = arith.constant dense<0.000000e+00> : vector<212x128xf32>
    %dot_general3A_2417 = tpu.matmul %squeeze3A_2410, %get3A_2415, %dot_general3A_2416 {dimension_numbers = #tpu.dot_dimension_numbers<[1], [0], [0], [1], [0, 0, 1, 1], [], []>, transpose_lhs_hint = false} : vector<212x16xf32>, vector<16x128xf32>, vector<212x128xf32> -> vector<212x128xf32>
    %add3A_2418 = arith.addf %add3A_2408, %dot_general3A_2417 : vector<212x128xf32>
    %slice3A_2419 = vector.extract_strided_slice %reshape3A_2379 {offsets = [0, 4, 0], sizes = [212, 1, 16], strides = [1, 1, 1]} : vector<212x8x16xf32> to vector<212x1x16xf32>
    %squeeze3A_2420 = vector.shape_cast %slice3A_2419 : vector<212x1x16xf32> to vector<212x16xf32>
    %get3A_2421 = arith.constant 4 : index
    %get3A_2422 = arith.constant 0 : index
    %get3A_2423 = arith.constant 0 : index
    %get3A_2424 = vector.load %arg2[%get3A_2421, %get3A_2422, %get3A_2423] : memref<8x16x128xf32, #tpu.memory_space<vmem>>, vector<1x16x128xf32>
    %get3A_2425 = vector.shape_cast %get3A_2424 : vector<1x16x128xf32> to vector<16x128xf32>
    %dot_general3A_2426 = arith.constant dense<0.000000e+00> : vector<212x128xf32>
    %dot_general3A_2427 = tpu.matmul %squeeze3A_2420, %get3A_2425, %dot_general3A_2426 {dimension_numbers = #tpu.dot_dimension_numbers<[1], [0], [0], [1], [0, 0, 1, 1], [], []>, transpose_lhs_hint = false} : vector<212x16xf32>, vector<16x128xf32>, vector<212x128xf32> -> vector<212x128xf32>
    %add3A_2428 = arith.addf %add3A_2418, %dot_general3A_2427 : vector<212x128xf32>
    %slice3A_2429 = vector.extract_strided_slice %reshape3A_2379 {offsets = [0, 5, 0], sizes = [212, 1, 16], strides = [1, 1, 1]} : vector<212x8x16xf32> to vector<212x1x16xf32>
    %squeeze3A_2430 = vector.shape_cast %slice3A_2429 : vector<212x1x16xf32> to vector<212x16xf32>
    %get3A_2431 = arith.constant 5 : index
    %get3A_2432 = arith.constant 0 : index
    %get3A_2433 = arith.constant 0 : index
    %get3A_2434 = vector.load %arg2[%get3A_2431, %get3A_2432, %get3A_2433] : memref<8x16x128xf32, #tpu.memory_space<vmem>>, vector<1x16x128xf32>
    %get3A_2435 = vector.shape_cast %get3A_2434 : vector<1x16x128xf32> to vector<16x128xf32>
    %dot_general3A_2436 = arith.constant dense<0.000000e+00> : vector<212x128xf32>
    %dot_general3A_2437 = tpu.matmul %squeeze3A_2430, %get3A_2435, %dot_general3A_2436 {dimension_numbers = #tpu.dot_dimension_numbers<[1], [0], [0], [1], [0, 0, 1, 1], [], []>, transpose_lhs_hint = false} : vector<212x16xf32>, vector<16x128xf32>, vector<212x128xf32> -> vector<212x128xf32>
    %add3A_2438 = arith.addf %add3A_2428, %dot_general3A_2437 : vector<212x128xf32>
    %slice3A_2439 = vector.extract_strided_slice %reshape3A_2379 {offsets = [0, 6, 0], sizes = [212, 1, 16], strides = [1, 1, 1]} : vector<212x8x16xf32> to vector<212x1x16xf32>
    %squeeze3A_2440 = vector.shape_cast %slice3A_2439 : vector<212x1x16xf32> to vector<212x16xf32>
    %get3A_2441 = arith.constant 6 : index
    %get3A_2442 = arith.constant 0 : index
    %get3A_2443 = arith.constant 0 : index
    %get3A_2444 = vector.load %arg2[%get3A_2441, %get3A_2442, %get3A_2443] : memref<8x16x128xf32, #tpu.memory_space<vmem>>, vector<1x16x128xf32>
    %get3A_2445 = vector.shape_cast %get3A_2444 : vector<1x16x128xf32> to vector<16x128xf32>
    %dot_general3A_2446 = arith.constant dense<0.000000e+00> : vector<212x128xf32>
    %dot_general3A_2447 = tpu.matmul %squeeze3A_2440, %get3A_2445, %dot_general3A_2446 {dimension_numbers = #tpu.dot_dimension_numbers<[1], [0], [0], [1], [0, 0, 1, 1], [], []>, transpose_lhs_hint = false} : vector<212x16xf32>, vector<16x128xf32>, vector<212x128xf32> -> vector<212x128xf32>
    %add3A_2448 = arith.addf %add3A_2438, %dot_general3A_2447 : vector<212x128xf32>
    %slice3A_2449 = vector.extract_strided_slice %reshape3A_2379 {offsets = [0, 7, 0], sizes = [212, 1, 16], strides = [1, 1, 1]} : vector<212x8x16xf32> to vector<212x1x16xf32>
    %squeeze3A_2450 = vector.shape_cast %slice3A_2449 : vector<212x1x16xf32> to vector<212x16xf32>
    %get3A_2451 = arith.constant 7 : index
    %get3A_2452 = arith.constant 0 : index
    %get3A_2453 = arith.constant 0 : index
    %get3A_2454 = vector.load %arg2[%get3A_2451, %get3A_2452, %get3A_2453] : memref<8x16x128xf32, #tpu.memory_space<vmem>>, vector<1x16x128xf32>
    %get3A_2455 = vector.shape_cast %get3A_2454 : vector<1x16x128xf32> to vector<16x128xf32>
    %dot_general3A_2456 = arith.constant dense<0.000000e+00> : vector<212x128xf32>
    %dot_general3A_2457 = tpu.matmul %squeeze3A_2450, %get3A_2455, %dot_general3A_2456 {dimension_numbers = #tpu.dot_dimension_numbers<[1], [0], [0], [1], [0, 0, 1, 1], [], []>, transpose_lhs_hint = false} : vector<212x16xf32>, vector<16x128xf32>, vector<212x128xf32> -> vector<212x128xf32>
    %add3A_2458 = arith.addf %add3A_2448, %dot_general3A_2457 : vector<212x128xf32>
    %swap3A_2459 = arith.constant 0 : index
    %swap3A_2460 = arith.constant 12288 : index
    %swap3A_2461 = arith.constant 0 : index
    %swap3A_2462 = vector.load %arg3[%swap3A_2459, %swap3A_2460, %swap3A_2461] : memref<1x12504x128xf32, #tpu.memory_space<vmem>>, vector<1x212x128xf32>
    %swap3A_2463 = vector.shape_cast %swap3A_2462 : vector<1x212x128xf32> to vector<212x128xf32>
    %swap3A_2464 = vector.shape_cast %add3A_2458 : vector<212x128xf32> to vector<1x212x128xf32>
    tpu.vector_store %arg3[%swap3A_2459, %swap3A_2460, %swap3A_2461], %swap3A_2464 {strides = array<i32>} : memref<1x12504x128xf32, #tpu.memory_space<vmem>>, vector<1x212x128xf32>,
    return
  }
  func.func @transform_0(%arg0: i32) -> (i32, i32) {
    %c0_i32 = arith.constant 0 : i32
    %c0_i32_0 = arith.constant 0 : i32
    return %arg0, %c0_i32 : i32, i32
  }
  func.func @transform_1(%arg0: i32) -> (i32, i32, i32) {
    %c0_i32 = arith.constant 0 : i32
    %c0_i32_0 = arith.constant 0 : i32
    %c0_i32_1 = arith.constant 0 : i32
    %c0_i32_2 = arith.constant 0 : i32
    return %c0_i32, %c0_i32_0, %c0_i32_1 : i32, i32, i32
  }
  func.func @transform_2(%arg0: i32) -> (i32, i32, i32) {
    %c0_i32 = arith.constant 0 : i32
    %c0_i32_0 = arith.constant 0 : i32
    %c0_i32_1 = arith.constant 0 : i32
    return %arg0, %c0_i32, %c0_i32_0 : i32, i32, i32
  }
}

module attributes {stable_mosaic.version = 14 : i64} {
  func.func @_mlp_body(%arg0: i32, %arg1: memref<1024x16xf32, #tpu.memory_space<vmem>>, %arg2: memref<1024x416xf32, #tpu.memory_space<vmem>>, %arg3: memref<16x256xf32, #tpu.memory_space<vmem>>, %arg4: memref<416x256xf32, #tpu.memory_space<vmem>>, %arg5: memref<1x256xf32, #tpu.memory_space<vmem>>, %arg6: memref<256x128xf32, #tpu.memory_space<vmem>>, %arg7: memref<1x128xf32, #tpu.memory_space<vmem>>, %arg8: memref<16x1xf32, #tpu.memory_space<vmem>>, %arg9: memref<1x1xf32, #tpu.memory_space<vmem>>, %arg10: memref<1x1xf32, #tpu.memory_space<vmem>>, %arg11: memref<128x1xf32, #tpu.memory_space<vmem>>, %arg12: memref<1x1xf32, #tpu.memory_space<vmem>>, %arg13: memref<1024x1xf32, #tpu.memory_space<vmem>>) attributes {dimension_semantics = [#tpu.dimension_semantics<parallel>], iteration_bounds = array<i64: 16>, scalar_prefetch = 0 : i64, scratch_operands = 0 : i64, tpu.core_type = #tpu.core_type<tc>, window_params = [{transform_indices = @transform_0, window_bounds = array<i64: 1024, 16>}, {transform_indices = @transform_1, window_bounds = array<i64: 1024, 416>}, {pipeline_mode = #tpu.pipeline_mode<synchronous>, transform_indices = @transform_2, window_bounds = array<i64: 16, 256>}, {pipeline_mode = #tpu.pipeline_mode<synchronous>, transform_indices = @transform_3, window_bounds = array<i64: 416, 256>}, {pipeline_mode = #tpu.pipeline_mode<synchronous>, transform_indices = @transform_4, window_bounds = array<i64: 1, 256>}, {pipeline_mode = #tpu.pipeline_mode<synchronous>, transform_indices = @transform_5, window_bounds = array<i64: 256, 128>}, {pipeline_mode = #tpu.pipeline_mode<synchronous>, transform_indices = @transform_6, window_bounds = array<i64: 1, 128>}, {pipeline_mode = #tpu.pipeline_mode<synchronous>, transform_indices = @transform_7, window_bounds = array<i64: 16, 1>}, {pipeline_mode = #tpu.pipeline_mode<synchronous>, transform_indices = @transform_8, window_bounds = array<i64: 1, 1>}, {pipeline_mode = #tpu.pipeline_mode<synchronous>, transform_indices = @transform_9, window_bounds = array<i64: 1, 1>}, {pipeline_mode = #tpu.pipeline_mode<synchronous>, transform_indices = @transform_10, window_bounds = array<i64: 128, 1>}, {pipeline_mode = #tpu.pipeline_mode<synchronous>, transform_indices = @transform_11, window_bounds = array<i64: 1, 1>}, {transform_indices = @transform_12, window_bounds = array<i64: 1024, 1>}]} {
    %get3A = arith.constant 0 : index
    %get3A_0 = arith.constant 0 : index
    %get3A_1 = vector.load %arg1[%get3A, %get3A_0] : memref<1024x16xf32, #tpu.memory_space<vmem>>, vector<1024x16xf32>
    %get3A_2 = arith.constant 0 : index
    %get3A_3 = arith.constant 0 : index
    %get3A_4 = vector.load %arg2[%get3A_2, %get3A_3] : memref<1024x416xf32, #tpu.memory_space<vmem>>, vector<1024x416xf32>
    %get3A_5 = arith.constant 0 : index
    %get3A_6 = arith.constant 0 : index
    %get3A_7 = vector.load %arg4[%get3A_5, %get3A_6] : memref<416x256xf32, #tpu.memory_space<vmem>>, vector<416x256xf32>
    %dot_general3A = arith.constant dense<0.000000e+00> : vector<1024x256xf32>
    %dot_general3A_8 = tpu.matmul %get3A_4, %get3A_7, %dot_general3A {dimension_numbers = #tpu.dot_dimension_numbers<[1], [0], [0], [1], [0, 0, 1, 1], [], []>, transpose_lhs_hint = false} : vector<1024x416xf32>, vector<416x256xf32>, vector<1024x256xf32> -> vector<1024x256xf32>
    %get3A_9 = arith.constant 0 : index
    %get3A_10 = arith.constant 0 : index
    %get3A_11 = vector.load %arg3[%get3A_9, %get3A_10] : memref<16x256xf32, #tpu.memory_space<vmem>>, vector<16x256xf32>
    %dot_general3A_12 = arith.constant dense<0.000000e+00> : vector<1024x256xf32>
    %dot_general3A_13 = tpu.matmul %get3A_1, %get3A_11, %dot_general3A_12 {dimension_numbers = #tpu.dot_dimension_numbers<[1], [0], [0], [1], [0, 0, 1, 1], [], []>, transpose_lhs_hint = false} : vector<1024x16xf32>, vector<16x256xf32>, vector<1024x256xf32> -> vector<1024x256xf32>
    %add3A = arith.addf %dot_general3A_8, %dot_general3A_13 : vector<1024x256xf32>
    %get3A_14 = arith.constant 0 : index
    %get3A_15 = arith.constant 0 : index
    %get3A_16 = vector.load %arg5[%get3A_14, %get3A_15] : memref<1x256xf32, #tpu.memory_space<vmem>>, vector<1x256xf32>
    %add3A_17 = vector.broadcast %get3A_16 : vector<1x256xf32> to vector<1024x256xf32>
    %add3A_18 = arith.addf %add3A, %add3A_17 : vector<1024x256xf32>
    %ge3A = arith.constant 0.000000e+00 : f32
    %ge3A_19 = vector.broadcast %ge3A : f32 to vector<1024x256xf32>
    %ge3A_20 = arith.cmpf oge, %add3A_18, %ge3A_19 : vector<1024x256xf32>
    %mul3A = arith.constant 0.00999999977 : f32
    %mul3A_21 = vector.broadcast %mul3A : f32 to vector<1024x256xf32>
    %mul3A_22 = arith.mulf %mul3A_21, %add3A_18 : vector<1024x256xf32>
    %select_n3A = arith.select %ge3A_20, %add3A_18, %mul3A_22 : vector<1024x256xi1>, vector<1024x256xf32>
    %get3A_23 = arith.constant 0 : index
    %get3A_24 = arith.constant 0 : index
    %get3A_25 = vector.load %arg6[%get3A_23, %get3A_24] : memref<256x128xf32, #tpu.memory_space<vmem>>, vector<256x128xf32>
    %dot_general3A_26 = arith.constant dense<0.000000e+00> : vector<1024x128xf32>
    %dot_general3A_27 = tpu.matmul %select_n3A, %get3A_25, %dot_general3A_26 {dimension_numbers = #tpu.dot_dimension_numbers<[1], [0], [0], [1], [0, 0, 1, 1], [], []>, transpose_lhs_hint = false} : vector<1024x256xf32>, vector<256x128xf32>, vector<1024x128xf32> -> vector<1024x128xf32>
    %get3A_28 = arith.constant 0 : index
    %get3A_29 = arith.constant 0 : index
    %get3A_30 = vector.load %arg7[%get3A_28, %get3A_29] : memref<1x128xf32, #tpu.memory_space<vmem>>, vector<1x128xf32>
    %add3A_31 = vector.broadcast %get3A_30 : vector<1x128xf32> to vector<1024x128xf32>
    %add3A_32 = arith.addf %dot_general3A_27, %add3A_31 : vector<1024x128xf32>
    %ge3A_33 = arith.constant 0.000000e+00 : f32
    %ge3A_34 = vector.broadcast %ge3A_33 : f32 to vector<1024x128xf32>
    %ge3A_35 = arith.cmpf oge, %add3A_32, %ge3A_34 : vector<1024x128xf32>
    %mul3A_36 = arith.constant 0.00999999977 : f32
    %mul3A_37 = vector.broadcast %mul3A_36 : f32 to vector<1024x128xf32>
    %mul3A_38 = arith.mulf %mul3A_37, %add3A_32 : vector<1024x128xf32>
    %select_n3A_39 = arith.select %ge3A_35, %add3A_32, %mul3A_38 : vector<1024x128xi1>, vector<1024x128xf32>
    %get3A_40 = arith.constant 0 : index
    %get3A_41 = arith.constant 0 : index
    %get3A_42 = vector.load %arg8[%get3A_40, %get3A_41] : memref<16x1xf32, #tpu.memory_space<vmem>>, vector<16x1xf32>
    %dot_general3A_43 = arith.constant dense<0.000000e+00> : vector<1024x1xf32>
    %dot_general3A_44 = tpu.matmul %get3A_1, %get3A_42, %dot_general3A_43 {dimension_numbers = #tpu.dot_dimension_numbers<[1], [0], [0], [1], [0, 0, 1, 1], [], []>, transpose_lhs_hint = false} : vector<1024x16xf32>, vector<16x1xf32>, vector<1024x1xf32> -> vector<1024x1xf32>
    %get3A_45 = arith.constant 0 : index
    %get3A_46 = arith.constant 0 : index
    %get3A_47 = vector.load %arg9[%get3A_45, %get3A_46] : memref<1x1xf32, #tpu.memory_space<vmem>>, vector<1x1xf32>
    %add3A_48 = vector.broadcast %get3A_47 : vector<1x1xf32> to vector<1024x1xf32>
    %add3A_49 = arith.addf %dot_general3A_44, %add3A_48 : vector<1024x1xf32>
    %get3A_50 = arith.constant 0 : index
    %get3A_51 = arith.constant 0 : index
    %get3A_52 = vector.load %arg10[%get3A_50, %get3A_51] : memref<1x1xf32, #tpu.memory_space<vmem>>, vector<1x1xf32>
    %mul3A_53 = vector.broadcast %get3A_52 : vector<1x1xf32> to vector<1024x1xf32>
    %mul3A_54 = arith.mulf %add3A_49, %mul3A_53 : vector<1024x1xf32>
    %get3A_55 = arith.constant 0 : index
    %get3A_56 = arith.constant 0 : index
    %get3A_57 = vector.load %arg11[%get3A_55, %get3A_56] : memref<128x1xf32, #tpu.memory_space<vmem>>, vector<128x1xf32>
    %dot_general3A_58 = arith.constant dense<0.000000e+00> : vector<1024x1xf32>
    %dot_general3A_59 = tpu.matmul %select_n3A_39, %get3A_57, %dot_general3A_58 {dimension_numbers = #tpu.dot_dimension_numbers<[1], [0], [0], [1], [0, 0, 1, 1], [], []>, transpose_lhs_hint = false} : vector<1024x128xf32>, vector<128x1xf32>, vector<1024x1xf32> -> vector<1024x1xf32>
    %add3A_60 = arith.addf %mul3A_54, %dot_general3A_59 : vector<1024x1xf32>
    %get3A_61 = arith.constant 0 : index
    %get3A_62 = arith.constant 0 : index
    %get3A_63 = vector.load %arg12[%get3A_61, %get3A_62] : memref<1x1xf32, #tpu.memory_space<vmem>>, vector<1x1xf32>
    %add3A_64 = vector.broadcast %get3A_63 : vector<1x1xf32> to vector<1024x1xf32>
    %add3A_65 = arith.addf %add3A_60, %add3A_64 : vector<1024x1xf32>
    %neg3A = arith.constant 0.000000e+00 : f32
    %neg3A_66 = vector.broadcast %neg3A : f32 to vector<1024x1xf32>
    %neg3A_67 = arith.subf %neg3A_66, %add3A_65 : vector<1024x1xf32>
    %exp3A = math.exp %neg3A_67 : vector<1024x1xf32>
    %add3A_68 = arith.constant 1.000000e+00 : f32
    %add3A_69 = vector.broadcast %add3A_68 : f32 to vector<1024x1xf32>
    %add3A_70 = arith.addf %add3A_69, %exp3A : vector<1024x1xf32>
    %div3A = arith.constant 1.000000e+00 : f32
    %div3A_71 = vector.broadcast %div3A : f32 to vector<1024x1xf32>
    %div3A_72 = arith.divf %div3A_71, %add3A_70 : vector<1024x1xf32>
    %swap3A = arith.constant 0 : index
    %swap3A_73 = arith.constant 0 : index
    %swap3A_74 = vector.load %arg13[%swap3A, %swap3A_73] : memref<1024x1xf32, #tpu.memory_space<vmem>>, vector<1024x1xf32>
    tpu.vector_store %arg13[%swap3A, %swap3A_73], %div3A_72 {strides = array<i32>} : memref<1024x1xf32, #tpu.memory_space<vmem>>, vector<1024x1xf32>,
    return
  }
  func.func @transform_0(%arg0: i32) -> (i32, i32) {
    %c0_i32 = arith.constant 0 : i32
    %c0_i32_0 = arith.constant 0 : i32
    return %arg0, %c0_i32 : i32, i32
  }
  func.func @transform_1(%arg0: i32) -> (i32, i32) {
    %c0_i32 = arith.constant 0 : i32
    %c0_i32_0 = arith.constant 0 : i32
    return %arg0, %c0_i32 : i32, i32
  }
  func.func @transform_2(%arg0: i32) -> (i32, i32) {
    %c0_i32 = arith.constant 0 : i32
    %c0_i32_0 = arith.constant 0 : i32
    %c0_i32_1 = arith.constant 0 : i32
    return %c0_i32, %c0_i32_0 : i32, i32
  }
  func.func @transform_3(%arg0: i32) -> (i32, i32) {
    %c0_i32 = arith.constant 0 : i32
    %c0_i32_0 = arith.constant 0 : i32
    %c0_i32_1 = arith.constant 0 : i32
    return %c0_i32, %c0_i32_0 : i32, i32
  }
  func.func @transform_4(%arg0: i32) -> (i32, i32) {
    %c0_i32 = arith.constant 0 : i32
    %c0_i32_0 = arith.constant 0 : i32
    %c0_i32_1 = arith.constant 0 : i32
    return %c0_i32, %c0_i32_0 : i32, i32
  }
  func.func @transform_5(%arg0: i32) -> (i32, i32) {
    %c0_i32 = arith.constant 0 : i32
    %c0_i32_0 = arith.constant 0 : i32
    %c0_i32_1 = arith.constant 0 : i32
    return %c0_i32, %c0_i32_0 : i32, i32
  }
  func.func @transform_6(%arg0: i32) -> (i32, i32) {
    %c0_i32 = arith.constant 0 : i32
    %c0_i32_0 = arith.constant 0 : i32
    %c0_i32_1 = arith.constant 0 : i32
    return %c0_i32, %c0_i32_0 : i32, i32
  }
  func.func @transform_7(%arg0: i32) -> (i32, i32) {
    %c0_i32 = arith.constant 0 : i32
    %c0_i32_0 = arith.constant 0 : i32
    %c0_i32_1 = arith.constant 0 : i32
    return %c0_i32, %c0_i32_0 : i32, i32
  }
  func.func @transform_8(%arg0: i32) -> (i32, i32) {
    %c0_i32 = arith.constant 0 : i32
    %c0_i32_0 = arith.constant 0 : i32
    %c0_i32_1 = arith.constant 0 : i32
    return %c0_i32, %c0_i32_0 : i32, i32
  }
  func.func @transform_9(%arg0: i32) -> (i32, i32) {
    %c0_i32 = arith.constant 0 : i32
    %c0_i32_0 = arith.constant 0 : i32
    %c0_i32_1 = arith.constant 0 : i32
    return %c0_i32, %c0_i32_0 : i32, i32
  }
  func.func @transform_10(%arg0: i32) -> (i32, i32) {
    %c0_i32 = arith.constant 0 : i32
    %c0_i32_0 = arith.constant 0 : i32
    %c0_i32_1 = arith.constant 0 : i32
    return %c0_i32, %c0_i32_0 : i32, i32
  }
  func.func @transform_11(%arg0: i32) -> (i32, i32) {
    %c0_i32 = arith.constant 0 : i32
    %c0_i32_0 = arith.constant 0 : i32
    %c0_i32_1 = arith.constant 0 : i32
    return %c0_i32, %c0_i32_0 : i32, i32
  }
  func.func @transform_12(%arg0: i32) -> (i32, i32) {
    %c0_i32 = arith.constant 0 : i32
    %c0_i32_0 = arith.constant 0 : i32
    return %arg0, %c0_i32 : i32, i32
  }
}

</mosaic_0001>

<sc_bundles>
// kernel: kernel.5.cloned.1.call-start
scs
__scs_entry_jumppad:
0x0: {  	(pc) =	sbr.rel $0x88, $3  }
0x1: {  	(tag) =	ssettag $0x0;
	lr =	simm.s32 $0x1  }
0x2: {  	[smem:$0x3F96] =	sst lr;
	_ =	strace $0xD0000000  }
0x3: {  	_ = 	snop  }
0x4: {  	_ = 	snop  }
0x5: {  	_ = 	snop  }
0x6: {  	_ = 	snop  }
0x7: {  	_ = 	snop  }
__scs_overlays_trampoline_lowered:
0x8: {  	[smem:$0x3FA5] =	sst s0  }
0x9: {  	[smem:$0x3FA6] =	sst s1  }
0xa: {  	[smem:$0x3FA7] =	sst s2  }
0xb: {  	[smem:$0x3FA8] =	sst s3  }
0xc: {  	[smem:$0x3FA9] =	sst s4  }
0xd: {  	[smem:$0x3FAA] =	sst s5  }
0xe: {  	[smem:$0x3FAB] =	sst s6  }
0xf: {  	[smem:$0x3FAC] =	sst s7  }
0x10: {  	[smem:$0x3FAD] =	sst s8  }
0x11: {  	[smem:$0x3FAE] =	sst s9;
	s0 =	simm.s32 @!p0 $0x0  }
0x12: {  	s1 =	sld [smem:$0x3F94];
	s0 =	simm.s32 @p0 $0x1  }
0x13: {  	[smem:$0x3FAF] =	sst s0;
	s0 =	simm.s32 @!p1 $0x0  }
0x14: {  	s2 =	sld [smem:$0x3F93];
	s0 =	simm.s32 @p1 $0x1  }
0x15: {  	[smem:$0x3FB0] =	sst s0;
	s0 =	simm.s32 @!p2 $0x0  }
0x16: {  	s3 =	sld [smem:$0x3FDB];
	s0 =	simm.s32 @p2 $0x1  }
0x17: {  	s4 =	simm.s32 $0x1BF5;
	[smem:$0x3FB2] =	sst s0  }
0x18: {  	s0 =	sld [smem:$0x3F95];
	_ =	swait.ge [sflag:s4], $0x0  }
0x19: {  	s7 =	sld [smem:$0x3F96]  }
0x1a: {  	s8 =	sadd.s32 $0xFFFFE003, lr  }
0x1b: {  	s9 =	sadd.s32 $0xFFFFFEF7, lr;
	s5 =	simm.s32 $0xFFFFFFFF;
	p2 =	slt.u32 s8, $0xFFFFF086  }
0x1c: {  	p1 =	slt.u32 s9, $0xF7A;
	s5 =	simm.s32 @!p2 $0x0  }
0x1d: {  	s5 =	simm.s32 @p1 $0x1;
	p0 =	seq.s32 s7, s2  }
0x1e: {  	s7 =	smul.u32 @!p0 $0xF7A, s2;
	p2 =	seq.s32 @!p0 s5, $0x0  }
0x1f: {  	s9 =	smul.u32 $0xF7A, s1;
	s8 =	simm.s32 @!p0 $0x1BF5;
	p2 =	por !p2, p0  }
0x20: {  	[sflag:s8] =	ssyncset.s32 @!p0 $0xFFFFF086;
	s6 =	sadd.s32 @!p0 s3, s7;
	s7 =	simm.s32 @!p0 $0x108  }
0x21: {  	s3 =	sadd.s32 s3, s9;
	s6 =	sadd.s32 @!p0 $0x88, s6;
	s7 =	simm.s32 @p2 $0x1082  }
0x22: {  	[simem:s7], [sflag:s8] =	dma.local @!p0 [hbm:s6], $0xF7A  }
0x23: {  	s9 =	sor.u32 $0xD0000000, s2;
	s6 =	simm.s32 $0x108;
	_ =	swait.ge @!p0 [sflag:s8], $0x0  }
0x24: {  	s3 =	sadd.s32 $0x88, s3;
	s6 =	simm.s32 @!p1 $0x1082;
	[sflag:s4] =	ssyncset.s32 $0xFFFFF086  }
0x25: {  	[simem:s6], [sflag:s4] =	dma.local [hbm:s3], $0xF7A  }
0x26: {  	[smem:$0x3F96] =	sst s1;
	(tag) =	ssettag s2;
	_ =	strace s9  }
0x27: {  	s1 =	sld [smem:$0x3FA6]  }
0x28: {  	s2 =	sld [smem:$0x3FA7]  }
0x29: {  	s4 =	sld [smem:$0x3FA9]  }
0x2a: {  	p0 =	seq.s32 s5, $0x0;
	s5 =	sld [smem:$0x3FAA]  }
0x2b: {  	s6 =	sld [smem:$0x3FAB]  }
0x2c: {  	s7 =	sld [smem:$0x3FAC]  }
0x2d: {  	s3 =	simm.s32 $0x108;
	s8 =	sld [smem:$0x3FAD]  }
0x2e: {  	s3 =	simm.s32 @!p0 $0x1082;
	s9 =	sld [smem:$0x3FAE]  }
0x2f: {  	lr =	sadd.s32 s0, s3;
	s0 =	sld [smem:$0x3FA5]  }
0x30: {  	s3 =	sld [smem:$0x3FA8]  }
0x31: {  	[smem:$0x3FB1] =	sst s10  }
0x32: {  	s10 =	sld [smem:$0x3FAF];
	_ =	sdelay $0x3  }
0x33: {  	p0 =	seq.s32 s10, $0x1;
	s10 =	sld [smem:$0x3FB1];
	_ =	sdelay $0x3  }
0x34: {  	[smem:$0x3FB1] =	sst s10  }
0x35: {  	s10 =	sld [smem:$0x3FB0];
	_ =	sdelay $0x3  }
0x36: {  	p1 =	seq.s32 s10, $0x1;
	s10 =	sld [smem:$0x3FB1];
	_ =	sdelay $0x3  }
0x37: {  	[smem:$0x3FB1] =	sst s10  }
0x38: {  	s10 =	sld [smem:$0x3FB2]  }
0x39: {  	_ = 	snop;
	(pc) =	sbr.ind lr, $3  }
0x3a: {  	_ = 	snop  }
0x3b: {  	_ = 	snop  }
0x3c: {  	p2 =	seq.s32 s10, $0x1;
	s10 =	sld [smem:$0x3FB1]  }
0x3d: {  	_ =	shalt  }
0x3e: {  	_ =	shalt  }
0x3f: {  	_ =	shalt  }
0x40: {  	_ =	shalt  }
0x41: {  	_ =	shalt  }
0x42: {  	_ =	shalt  }
0x43: {  	_ =	shalt  }
0x44: {  	_ =	shalt  }
0x45: {  	_ =	shalt  }
0x46: {  	_ =	shalt  }
0x47: {  	_ =	shalt  }
0x48: {  	_ =	shalt  }
0x49: {  	_ =	shalt  }
0x4a: {  	_ =	shalt  }
0x4b: {  	_ =	shalt  }
0x4c: {  	_ =	shalt  }
0x4d: {  	_ =	shalt  }
0x4e: {  	_ =	shalt  }
0x4f: {  	_ =	shalt  }
0x50: {  	_ =	shalt  }
0x51: {  	_ =	shalt  }
0x52: {  	_ =	shalt  }
0x53: {  	_ =	shalt  }
0x54: {  	_ =	shalt  }
0x55: {  	_ =	shalt  }
0x56: {  	_ =	shalt  }
0x57: {  	_ =	shalt  }
0x58: {  	_ =	shalt  }
0x59: {  	_ =	shalt  }
0x5a: {  	_ =	shalt  }
0x5b: {  	_ =	shalt  }
0x5c: {  	_ =	shalt  }
0x5d: {  	_ =	shalt  }
0x5e: {  	_ =	shalt  }
0x5f: {  	_ =	shalt  }
0x60: {  	_ =	shalt  }
0x61: {  	_ =	shalt  }
0x62: {  	_ =	shalt  }
0x63: {  	_ =	shalt  }
0x64: {  	_ =	shalt  }
0x65: {  	_ =	shalt  }
0x66: {  	_ =	shalt  }
0x67: {  	_ =	shalt  }
0x68: {  	_ =	shalt  }
0x69: {  	_ =	shalt  }
0x6a: {  	_ =	shalt  }
0x6b: {  	_ =	shalt  }
0x6c: {  	_ =	shalt  }
0x6d: {  	_ =	shalt  }
0x6e: {  	_ =	shalt  }
0x6f: {  	_ =	shalt  }
0x70: {  	_ =	shalt  }
0x71: {  	_ =	shalt  }
0x72: {  	_ =	shalt  }
0x73: {  	_ =	shalt  }
0x74: {  	_ =	shalt  }
0x75: {  	_ =	shalt  }
0x76: {  	_ =	shalt  }
0x77: {  	_ =	shalt  }
0x78: {  	_ =	shalt  }
0x79: {  	_ =	shalt  }
0x7a: {  	_ =	shalt  }
0x7b: {  	_ =	shalt  }
0x7c: {  	_ =	shalt  }
0x7d: {  	_ =	shalt  }
0x7e: {  	_ =	shalt  }
0x7f: {  	_ =	shalt  }
0x80: {  	_ =	shalt  }
0x81: {  	_ =	shalt  }
0x82: {  	_ =	shalt  }
0x83: {  	_ =	shalt  }
0x84: {  	_ =	shalt  }
0x85: {  	_ =	shalt  }
0x86: {  	_ =	shalt  }
0x87: {  	_ =	shalt  }
.Lfunc_end0:
.L_simem_size_0:
called_computation_lowered:
.L_overlay_start_0:
0x88: {  	s2 =	sld [smem:$0x3FD9]  }
0x89: {  	s3 =	sld [smem:$0x3FFE];
	_ =	sdelay $0x1  }
0x8a: {  	s1 =	srdreg.scid  }
0x8b: {  	s0 =	sand.u32 $0x1, s1  }
0x8c: {  	s16 =	sshll.u32 s0, $0xA;
	s2 =	sadd.s32 s3, s2  }
0x8d: {  	s2 =	sadd.s32 s2, s16  }
0x8e: {  	[smem:$0x3FBD] =	sst s2  }
0x8f: {  	_ = 	snop  }
0x90: {  	(tm) =	ssettm $0x1  }
0x91: {  	s17 =	sld [smem:$0x3FFB];
	_ =	sdelay $0x3  }
0x92: {  	_ =	strace s17  }
0x93: {  	s2 =	sld [smem:$0x3FFC];
	_ =	sdelay $0x3  }
0x94: {  	_ =	strace s2  }
0x95: {  	s2 =	sld [smem:$0x3FFD];
	_ =	sdelay $0x3  }
0x96: {  	_ =	strace s2  }
0x97: {  	_ =	strace $0x8FFFFFFF  }
0x98: {  	s18 =	sld [smem:$0x3FDB];
	_ =	sdelay $0x1  }
0x99: {  	s19 =	simm.s32 $_scs_section_size  }
0x9a: {  	s4 =	simm.s32 $_size__tile_overlayer_lowered;
	s5 =	simm.s32 $_tile_overlayer_lowered  }
0x9b: {  	s22 =	simm.s32 $0x1BFF;
	s21 =	sshll.u32 s5, $0x1;
	s2 =	sadd.s32 s19, s18  }
0x9c: {  	s6 =	simm.s32 $0x0;
	s20 =	sshll.u32 s4, $0x1;
	s4 =	sadd.s32 s21, s2  }
0x9d: {  	[timem:s6], [sflag:s22] =	dma.local [hbm:s4], s20  }
0x9e: {  	_ =	swait.ge [sflag:s22], s20  }
0x9f: {  	s3 =	ssub.s32 $0x0, s20;
	[sflag:s22] =	ssyncset.done $0x0  }
0xa0: {  	[sflag:s22] =	ssyncadd.s32 s3;
	_ =	sdelay $0x1  }
0xa1: {  	s23 =	simm.s32 $0x1B8B  }
0xa2: {  	_ =	swait.ge [sflag:s23], $0x1  }
0xa3: {  	[sflag:s23] =	ssyncset.done $0x0  }
0xa4: {  	s25 =	simm.s32 $0x1B8E;
	s24 =	sld [smem:$0x3FFE];
	[sflag:s23] =	ssyncadd.s32 $0xFFFFFFFF  }
0xa5: {  	s26 =	simm.s32 $execute0_lowered;
	[smem:$0x3FD2] =	sst s25  }
0xa6: {  	s4 =	sshll.u32 s26, $0x1;
	_ =	strace $0x80000046;
	[dreg:$0x1] =	wrdreg $0xFFFFFFFF  }
0xa7: {  	s28 =	simm.s32 $_size_execute0_lowered;
	s2 =	sadd.s32 s2, s4;
	[dreg:$0x0] =	wrdreg $0x0  }
0xa8: {  	s4 =	sshll.u32 s28, $0x1;
	[dreg:$0x2] =	wrdreg s2  }
0xa9: {  	[dreg:$0x3] =	wrdreg s4  }
0xaa: {  	[dreg:$0x4] =	wrdreg $0xC0  }
0xab: {  	_ =	task [dreg:s6], $0x5FFFF  }
0xac: {  	[dreg:$0x1] =	wrdreg $0xFFFFFFFF  }
0xad: {  	[dreg:$0x0] =	wrdreg $0x60  }
0xae: {  	[dreg:$0x2] =	wrdreg s24  }
0xaf: {  	[dreg:$0x3] =	wrdreg $0x9  }
0xb0: {  	_ =	task.clear_ibuf [dreg:s6], $0x4FFFF;
	_ =	strace $0x90000046  }
0xb1: {  	s29 =	simm.s32 $0x9;
	_ =	strace $0x80000048  }
0xb2: {  	_ =	swait.ge [sflag:s29], $0x1  }
0xb3: {  	[sflag:s29] =	ssyncadd.s32 $0xFFFFFFFF  }
0xb4: {  	_ =	strace $0x90000048  }
0xb5: {  	_ =	sfence  }
0xb6: {  	s30 =	sld [smem:$0x0];
	_ =	sdelay $0x2  }
0xb7: {  	s31 =	sshll.u32 s1, $0xD;
	s1 =	sshrl.u32 s1, $0x2  }
0xb8: {  	s3 =	sand.u32 $0x4000, s31;
	s1 =	sadd.s32 s1, s30  }
0xb9: {  	s0 =	sor.u32 s3, s0;
	s1 =	sshll.u32 s1, $0x11  }
0xba: {  	s0 =	sor.u32 s1, s0  }
0xbb: {  	s0 =	sadd.s32 $0x8F2B, s0  }
0xbc: {  	[sflag:s0] =	ssyncadd.remote.s32 $0x1  }
0xbd: {  	_ =	sfence.sel $0xFFFF  }
0xbe: {  	[dreg:$0x0] =	wrdreg $0xFFFFFFFF;
	(pc) =	sbr.abs _section_cstart, $3  }
0xbf: {  	[dreg:$0x1] =	wrdreg $0xFFFFFFFF  }
0xc0: {  	_ =	task.clear_ibuf [dreg:s6], $0x2FFFF;
	_ =	strace $0x9FFFFFFF  }
0xc1: {  	(tm) =	ssettm $0x7FFFFFFF  }
tec
execute0_lowered:
.L_overlay_start_1:
0x0: {  	(tag) =	ssettag $0x1  }
0x1: {  	s1 =	srdreg.scid  }
0x2: {  	s0 =	stileid.u32;
	s4 =	rddreg [dreg:$0x0]  }
0x3: {  	s2 =	simm.s32 $0x0;
	s9 =	simm.s32 $0x3400;
	s10 =	simm.s32 $0x3C00  }
0x4: {  	s11 =	simm.s32 $0x4400;
	s12 =	simm.s32 $0x4C00;
	s13 =	simm.s32 $0x5400  }
0x5: {  	s14 =	simm.s32 $0x5C00;
	s15 =	simm.s32 $0x6400;
	s16 =	simm.s32 $0x6C00  }
0x6: {  	s17 =	simm.s32 $0x1;
	s18 =	simm.s32 $0x2;
	s19 =	simm.s32 $0x0  }
0x7: {  	s3 =	sand.u32 $0x1, s1;
	s5 =	sshll.u32 s0, $0x1;
	s1 =	rddreg [dreg:$0x1]  }
0x8: {  	[smem:$0x7FF] =	sst s2;
	s6 =	smul.u32 $0xD000, s0;
	s5 =	sor.u32 s3, s5  }
0x9: {  	_ =	strace $0x80000047;
	s7 =	ssub.s32 $0x2, s3;
	s8 =	smul.u32 $0x6800, s3  }
0xa: {  	s5 =	smul.u32 $0x680, s5;
	s6 =	sadd.s32 s6, s4;
	s31 =	sshrl.u32 s7, $0x1  }
0xb: {  	s3 =	sadd.s32 $0xE400, s4;
	s7 =	ssub.s32 s7, s31;
	s6 =	sadd.s32 s8, s6  }
0xc: {  	s8 =	simm.s32 $0x80;
	s5 =	sadd.s32 s5, s4;
	s6 =	sadd.s32 $0x504B00, s6  }
0xd: {  	s4 =	sadd.s32 $0x1400, s5;
	s5 =	smax.u32 s7, $0x1;
	s7 =	simm.s32 $0x3  }
.LBB2_1:
0xe: {  	[tilespmem:s2], [sflag:$0x3] =	stream.linear.gather [hbm4b:s4+s2], $0x3400, $0x38;
	[tilespmem:$0x7400] =	vst v63  }
0xf: {  	_ =	swait.ge [sflag:s7], $0x3400  }
0x10: {  	[sflag:s7] =	ssyncset.done $0x0  }
0x11: {  	s20 =	simm.s32 $0x0;
	[sflag:s7] =	ssyncadd.s32 $0xFFFFCC00  }
0x12: {  	[tilespmem:s9], [sflag:$0x1] =	stream.indirect.gather [hbm4b:s3+s8], $0x10, s20, s8, $0xb8;
	[tilespmem:$0x7400] =	vst v63  }
0x13: {  	s28 =	simm.s32 $0x80  }
0x14: {  	[tilespmem:s10], [sflag:$0x1] =	stream.indirect.gather [hbm4b:s3+s8], $0x10, s28, s8, $0xb8;
	[tilespmem:$0x7400] =	vst v63  }
0x15: {  	s29 =	simm.s32 $0x100  }
0x16: {  	[tilespmem:s11], [sflag:$0x1] =	stream.indirect.gather [hbm4b:s3+s8], $0x10, s29, s8, $0xb8;
	[tilespmem:$0x7400] =	vst v63  }
0x17: {  	s30 =	simm.s32 $0x180  }
0x18: {  	[tilespmem:s12], [sflag:$0x1] =	stream.indirect.gather [hbm4b:s3+s8], $0x10, s30, s8, $0xb8;
	[tilespmem:$0x7400] =	vst v63  }
0x19: {  	s31 =	simm.s32 $0x200  }
0x1a: {  	[tilespmem:s13], [sflag:$0x1] =	stream.indirect.gather [hbm4b:s3+s8], $0x10, s31, s8, $0xb8;
	[tilespmem:$0x7400] =	vst v63  }
0x1b: {  	s21 =	simm.s32 $0x280  }
0x1c: {  	[tilespmem:s14], [sflag:$0x1] =	stream.indirect.gather [hbm4b:s3+s8], $0x10, s21, s8, $0xb8;
	[tilespmem:$0x7400] =	vst v63  }
0x1d: {  	s22 =	simm.s32 $0x300  }
0x1e: {  	[tilespmem:s15], [sflag:$0x1] =	stream.indirect.gather [hbm4b:s3+s8], $0x10, s22, s8, $0xb8;
	[tilespmem:$0x7400] =	vst v63  }
0x1f: {  	s23 =	simm.s32 $0x380  }
0x20: {  	[tilespmem:s16], [sflag:$0x1] =	stream.indirect.gather [hbm4b:s3+s8], $0x10, s23, s8, $0xb8;
	[tilespmem:$0x7400] =	vst v63  }
0x21: {  	_ =	swait.ge [sflag:s17], $0x800  }
0x22: {  	[sflag:s17] =	ssyncset.done $0x0  }
0x23: {  	s24 =	sadd.s32 $0xFFFFF900, s6;
	[sflag:s17] =	ssyncadd.s32 $0xFFFFF800  }
0x24: {  	[hbm4b:s24+s2] =	stream.linear.scatter [tilespmem:s9], [sflag:$0x2], $0x800, $0x38;
	[tilespmem:$0x7400] =	vst v63  }
0x25: {  	_ =	swait.ge [sflag:s17], $0x800  }
0x26: {  	[sflag:s17] =	ssyncset.done $0x0  }
0x27: {  	s25 =	sadd.s32 $0xFFFFFA00, s6;
	[sflag:s17] =	ssyncadd.s32 $0xFFFFF800  }
0x28: {  	[hbm4b:s25+s2] =	stream.linear.scatter [tilespmem:s10], [sflag:$0x2], $0x800, $0x38;
	[tilespmem:$0x7400] =	vst v63  }
0x29: {  	_ =	swait.ge [sflag:s17], $0x800  }
0x2a: {  	[sflag:s17] =	ssyncset.done $0x0  }
0x2b: {  	s26 =	sadd.s32 $0xFFFFFB00, s6;
	[sflag:s17] =	ssyncadd.s32 $0xFFFFF800  }
0x2c: {  	[hbm4b:s26+s2] =	stream.linear.scatter [tilespmem:s11], [sflag:$0x2], $0x800, $0x38;
	[tilespmem:$0x7400] =	vst v63  }
0x2d: {  	_ =	swait.ge [sflag:s17], $0x800  }
0x2e: {  	[sflag:s17] =	ssyncset.done $0x0  }
0x2f: {  	s28 =	sadd.s32 $0xFFFFFC00, s6;
	[sflag:s17] =	ssyncadd.s32 $0xFFFFF800  }
0x30: {  	[hbm4b:s28+s2] =	stream.linear.scatter [tilespmem:s12], [sflag:$0x2], $0x800, $0x38;
	[tilespmem:$0x7400] =	vst v63  }
0x31: {  	_ =	swait.ge [sflag:s17], $0x800  }
0x32: {  	[sflag:s17] =	ssyncset.done $0x0  }
0x33: {  	s29 =	sadd.s32 $0xFFFFFD00, s6;
	[sflag:s17] =	ssyncadd.s32 $0xFFFFF800  }
0x34: {  	[hbm4b:s29+s2] =	stream.linear.scatter [tilespmem:s13], [sflag:$0x2], $0x800, $0x38;
	[tilespmem:$0x7400] =	vst v63  }
0x35: {  	_ =	swait.ge [sflag:s17], $0x800  }
0x36: {  	[sflag:s17] =	ssyncset.done $0x0  }
0x37: {  	s30 =	sadd.s32 $0xFFFFFE00, s6;
	[sflag:s17] =	ssyncadd.s32 $0xFFFFF800  }
0x38: {  	[hbm4b:s30+s2] =	stream.linear.scatter [tilespmem:s14], [sflag:$0x2], $0x800, $0x38;
	[tilespmem:$0x7400] =	vst v63  }
0x39: {  	_ =	swait.ge [sflag:s17], $0x800  }
0x3a: {  	[sflag:s17] =	ssyncset.done $0x0  }
0x3b: {  	s31 =	sadd.s32 $0xFFFFFF00, s6;
	[sflag:s17] =	ssyncadd.s32 $0xFFFFF800  }
0x3c: {  	[hbm4b:s31+s2] =	stream.linear.scatter [tilespmem:s15], [sflag:$0x2], $0x800, $0x38;
	[tilespmem:$0x7400] =	vst v63  }
0x3d: {  	_ =	swait.ge [sflag:s17], $0x800  }
0x3e: {  	[sflag:s17] =	ssyncset.done $0x0  }
0x3f: {  	[sflag:s17] =	ssyncadd.s32 $0xFFFFF800  }
0x40: {  	[hbm4b:s6+s2] =	stream.linear.scatter [tilespmem:s16], [sflag:$0x2], $0x800, $0x38;
	[tilespmem:$0x7400] =	vst v63  }
0x41: {  	_ =	swait.ge [sflag:s18], $0x800  }
0x42: {  	[sflag:s18] =	ssyncset.done $0x0  }
0x43: {  	[sflag:s18] =	ssyncadd.s32 $0xFFFFF800  }
0x44: {  	_ =	swait.ge [sflag:s18], $0x800  }
0x45: {  	[sflag:s18] =	ssyncset.done $0x0  }
0x46: {  	[sflag:s18] =	ssyncadd.s32 $0xFFFFF800  }
0x47: {  	_ =	swait.ge [sflag:s18], $0x800  }
0x48: {  	[sflag:s18] =	ssyncset.done $0x0  }
0x49: {  	[sflag:s18] =	ssyncadd.s32 $0xFFFFF800  }
0x4a: {  	_ =	swait.ge [sflag:s18], $0x800  }
0x4b: {  	[sflag:s18] =	ssyncset.done $0x0  }
0x4c: {  	[sflag:s18] =	ssyncadd.s32 $0xFFFFF800  }
0x4d: {  	_ =	swait.ge [sflag:s18], $0x800  }
0x4e: {  	[sflag:s18] =	ssyncset.done $0x0  }
0x4f: {  	[sflag:s18] =	ssyncadd.s32 $0xFFFFF800  }
0x50: {  	_ =	swait.ge [sflag:s18], $0x800  }
0x51: {  	[sflag:s18] =	ssyncset.done $0x0  }
0x52: {  	[sflag:s18] =	ssyncadd.s32 $0xFFFFF800  }
0x53: {  	_ =	swait.ge [sflag:s18], $0x800  }
0x54: {  	[sflag:s18] =	ssyncset.done $0x0  }
0x55: {  	[sflag:s18] =	ssyncadd.s32 $0xFFFFF800  }
0x56: {  	s20 =	sadd.s32 $0x800, s6;
	_ =	swait.ge [sflag:s18], $0x800  }
0x57: {  	s21 =	simm.s32 $0x1000;
	s23 =	simm.s32 $0x2000;
	[sflag:s18] =	ssyncset.done $0x0  }
.LBB2_2:
0x58: {  	s24 =	sshra.s32 s21, $0x2  }
0x59: {  	[sflag:s18] =	ssyncadd.s32 $0xFFFFF800;
	s21 =	smov.u32 s23;
	s22 =	sadd.s32 $0x1000, s23  }
0x5a: {  	[tilespmem:s9], [sflag:$0x1] =	stream.indirect.gather [hbm4b:s3+s8], $0x10, s24, s8, $0xb8;
	[tilespmem:$0x7400] =	vst v63  }
0x5b: {  	p0 =	sne.s32 s23, $0xC000;
	s23 =	sadd.s32 $0x80, s24  }
0x5c: {  	[tilespmem:s10], [sflag:$0x1] =	stream.indirect.gather [hbm4b:s3+s8], $0x10, s23, s8, $0xb8;
	[tilespmem:$0x7400] =	vst v63  }
0x5d: {  	s23 =	sadd.s32 $0x100, s24  }
0x5e: {  	[tilespmem:s11], [sflag:$0x1] =	stream.indirect.gather [hbm4b:s3+s8], $0x10, s23, s8, $0xb8;
	[tilespmem:$0x7400] =	vst v63  }
0x5f: {  	s23 =	sadd.s32 $0x180, s24  }
0x60: {  	[tilespmem:s12], [sflag:$0x1] =	stream.indirect.gather [hbm4b:s3+s8], $0x10, s23, s8, $0xb8;
	[tilespmem:$0x7400] =	vst v63  }
0x61: {  	s23 =	sadd.s32 $0x200, s24  }
0x62: {  	[tilespmem:s13], [sflag:$0x1] =	stream.indirect.gather [hbm4b:s3+s8], $0x10, s23, s8, $0xb8;
	[tilespmem:$0x7400] =	vst v63  }
0x63: {  	s23 =	sadd.s32 $0x280, s24  }
0x64: {  	[tilespmem:s14], [sflag:$0x1] =	stream.indirect.gather [hbm4b:s3+s8], $0x10, s23, s8, $0xb8;
	[tilespmem:$0x7400] =	vst v63  }
0x65: {  	s23 =	sadd.s32 $0x300, s24  }
0x66: {  	[tilespmem:s15], [sflag:$0x1] =	stream.indirect.gather [hbm4b:s3+s8], $0x10, s23, s8, $0xb8;
	[tilespmem:$0x7400] =	vst v63  }
0x67: {  	s23 =	sadd.s32 $0x380, s24  }
0x68: {  	[tilespmem:s16], [sflag:$0x1] =	stream.indirect.gather [hbm4b:s3+s8], $0x10, s23, s8, $0xb8;
	[tilespmem:$0x7400] =	vst v63  }
0x69: {  	_ =	swait.ge [sflag:s17], $0x800  }
0x6a: {  	[sflag:s17] =	ssyncset.done $0x0  }
0x6b: {  	s23 =	sadd.s32 $0xFFFFF900, s20;
	[sflag:s17] =	ssyncadd.s32 $0xFFFFF800  }
0x6c: {  	[hbm4b:s23+s2] =	stream.linear.scatter [tilespmem:s9], [sflag:$0x2], $0x800, $0x38;
	[tilespmem:$0x7400] =	vst v63  }
0x6d: {  	_ =	swait.ge [sflag:s17], $0x800  }
0x6e: {  	[sflag:s17] =	ssyncset.done $0x0  }
0x6f: {  	s23 =	sadd.s32 $0xFFFFFA00, s20;
	[sflag:s17] =	ssyncadd.s32 $0xFFFFF800  }
0x70: {  	[hbm4b:s23+s2] =	stream.linear.scatter [tilespmem:s10], [sflag:$0x2], $0x800, $0x38;
	[tilespmem:$0x7400] =	vst v63  }
0x71: {  	_ =	swait.ge [sflag:s17], $0x800  }
0x72: {  	[sflag:s17] =	ssyncset.done $0x0  }
0x73: {  	s23 =	sadd.s32 $0xFFFFFB00, s20;
	[sflag:s17] =	ssyncadd.s32 $0xFFFFF800  }
0x74: {  	[hbm4b:s23+s2] =	stream.linear.scatter [tilespmem:s11], [sflag:$0x2], $0x800, $0x38;
	[tilespmem:$0x7400] =	vst v63  }
0x75: {  	_ =	swait.ge [sflag:s17], $0x800  }
0x76: {  	[sflag:s17] =	ssyncset.done $0x0  }
0x77: {  	s23 =	sadd.s32 $0xFFFFFC00, s20;
	[sflag:s17] =	ssyncadd.s32 $0xFFFFF800  }
0x78: {  	[hbm4b:s23+s2] =	stream.linear.scatter [tilespmem:s12], [sflag:$0x2], $0x800, $0x38;
	[tilespmem:$0x7400] =	vst v63  }
0x79: {  	_ =	swait.ge [sflag:s17], $0x800  }
0x7a: {  	[sflag:s17] =	ssyncset.done $0x0  }
0x7b: {  	s23 =	sadd.s32 $0xFFFFFD00, s20;
	[sflag:s17] =	ssyncadd.s32 $0xFFFFF800  }
0x7c: {  	[hbm4b:s23+s2] =	stream.linear.scatter [tilespmem:s13], [sflag:$0x2], $0x800, $0x38;
	[tilespmem:$0x7400] =	vst v63  }
0x7d: {  	_ =	swait.ge [sflag:s17], $0x800  }
0x7e: {  	[sflag:s17] =	ssyncset.done $0x0  }
0x7f: {  	s23 =	sadd.s32 $0xFFFFFE00, s20;
	[sflag:s17] =	ssyncadd.s32 $0xFFFFF800  }
0x80: {  	[hbm4b:s23+s2] =	stream.linear.scatter [tilespmem:s14], [sflag:$0x2], $0x800, $0x38;
	[tilespmem:$0x7400] =	vst v63  }
0x81: {  	_ =	swait.ge [sflag:s17], $0x800  }
0x82: {  	[sflag:s17] =	ssyncset.done $0x0  }
0x83: {  	s23 =	sadd.s32 $0xFFFFFF00, s20;
	[sflag:s17] =	ssyncadd.s32 $0xFFFFF800  }
0x84: {  	[hbm4b:s23+s2] =	stream.linear.scatter [tilespmem:s15], [sflag:$0x2], $0x800, $0x38;
	[tilespmem:$0x7400] =	vst v63  }
0x85: {  	_ =	swait.ge [sflag:s17], $0x800  }
0x86: {  	[sflag:s17] =	ssyncset.done $0x0  }
0x87: {  	[sflag:s17] =	ssyncadd.s32 $0xFFFFF800  }
0x88: {  	[hbm4b:s20+s2] =	stream.linear.scatter [tilespmem:s16], [sflag:$0x2], $0x800, $0x38;
	[tilespmem:$0x7400] =	vst v63  }
0x89: {  	_ =	swait.ge [sflag:s18], $0x800  }
0x8a: {  	[sflag:s18] =	ssyncset.done $0x0  }
0x8b: {  	[sflag:s18] =	ssyncadd.s32 $0xFFFFF800  }
0x8c: {  	_ =	swait.ge [sflag:s18], $0x800  }
0x8d: {  	[sflag:s18] =	ssyncset.done $0x0  }
0x8e: {  	[sflag:s18] =	ssyncadd.s32 $0xFFFFF800  }
0x8f: {  	_ =	swait.ge [sflag:s18], $0x800  }
0x90: {  	[sflag:s18] =	ssyncset.done $0x0  }
0x91: {  	[sflag:s18] =	ssyncadd.s32 $0xFFFFF800  }
0x92: {  	_ =	swait.ge [sflag:s18], $0x800  }
0x93: {  	[sflag:s18] =	ssyncset.done $0x0  }
0x94: {  	[sflag:s18] =	ssyncadd.s32 $0xFFFFF800  }
0x95: {  	_ =	swait.ge [sflag:s18], $0x800  }
0x96: {  	[sflag:s18] =	ssyncset.done $0x0  }
0x97: {  	[sflag:s18] =	ssyncadd.s32 $0xFFFFF800  }
0x98: {  	_ =	swait.ge [sflag:s18], $0x800  }
0x99: {  	[sflag:s18] =	ssyncset.done $0x0  }
0x9a: {  	[sflag:s18] =	ssyncadd.s32 $0xFFFFF800  }
.Ltmp0:
0x9b: {  	_ =	swait.ge [sflag:s18], $0x800;
	(pc) =	sbr.rel @p0 .LBB2_2-.Ltmp0, $4  }
0x9c: {  	[sflag:s18] =	ssyncset.done $0x0  }
0x9d: {  	[sflag:s18] =	ssyncadd.s32 $0xFFFFF800  }
0x9e: {  	_ =	swait.ge [sflag:s18], $0x800  }
0x9f: {  	s23 =	smov.u32 s22;
	s20 =	sadd.s32 $0x800, s20;
	[sflag:s18] =	ssyncset.done $0x0  }
0xa0: {  	s21 =	sshra.s32 s21, $0x2;
	[sflag:s18] =	ssyncadd.s32 $0xFFFFF800  }
0xa1: {  	[tilespmem:s9], [sflag:$0x1] =	stream.indirect.gather [hbm4b:s3+s8], $0x10, s21, s8, $0xb8;
	[tilespmem:$0x7400] =	vst v63  }
0xa2: {  	s22 =	sadd.s32 $0x80, s21  }
0xa3: {  	[tilespmem:s10], [sflag:$0x1] =	stream.indirect.gather [hbm4b:s3+s8], $0x10, s22, s8, $0xb8;
	[tilespmem:$0x7400] =	vst v63  }
0xa4: {  	s28 =	sadd.s32 $0x100, s21  }
0xa5: {  	[tilespmem:s11], [sflag:$0x1] =	stream.indirect.gather [hbm4b:s3+s8], $0x10, s28, s8, $0xb8;
	[tilespmem:$0x7400] =	vst v63  }
0xa6: {  	s29 =	sadd.s32 $0x180, s21  }
0xa7: {  	[tilespmem:s12], [sflag:$0x1] =	stream.indirect.gather [hbm4b:s3+s8], $0x10, s29, s8, $0xb8;
	[tilespmem:$0x7400] =	vst v63  }
0xa8: {  	s30 =	sadd.s32 $0x200, s21  }
0xa9: {  	[tilespmem:s13], [sflag:$0x1] =	stream.indirect.gather [hbm4b:s3+s8], $0x10, s30, s8, $0xb8;
	[tilespmem:$0x7400] =	vst v63  }
0xaa: {  	s31 =	sadd.s32 $0x280, s21  }
0xab: {  	[tilespmem:s14], [sflag:$0x1] =	stream.indirect.gather [hbm4b:s3+s8], $0x10, s31, s8, $0xb8;
	[tilespmem:$0x7400] =	vst v63  }
0xac: {  	s23 =	sadd.s32 $0x300, s21  }
0xad: {  	[tilespmem:s15], [sflag:$0x1] =	stream.indirect.gather [hbm4b:s3+s8], $0x10, s23, s8, $0xb8;
	[tilespmem:$0x7400] =	vst v63  }
0xae: {  	s21 =	sadd.s32 $0x380, s21  }
0xaf: {  	[tilespmem:s16], [sflag:$0x1] =	stream.indirect.gather [hbm4b:s3+s8], $0x10, s21, s8, $0xb8;
	[tilespmem:$0x7400] =	vst v63  }
0xb0: {  	_ =	swait.ge [sflag:s17], $0x800  }
0xb1: {  	[sflag:s17] =	ssyncset.done $0x0  }
0xb2: {  	s24 =	sadd.s32 $0xFFFFF900, s20;
	[sflag:s17] =	ssyncadd.s32 $0xFFFFF800  }
0xb3: {  	[hbm4b:s24+s2] =	stream.linear.scatter [tilespmem:s9], [sflag:$0x2], $0x800, $0x38;
	[tilespmem:$0x7400] =	vst v63  }
0xb4: {  	_ =	swait.ge [sflag:s17], $0x800  }
0xb5: {  	[sflag:s17] =	ssyncset.done $0x0  }
0xb6: {  	s25 =	sadd.s32 $0xFFFFFA00, s20;
	[sflag:s17] =	ssyncadd.s32 $0xFFFFF800  }
0xb7: {  	[hbm4b:s25+s2] =	stream.linear.scatter [tilespmem:s10], [sflag:$0x2], $0x800, $0x38;
	[tilespmem:$0x7400] =	vst v63  }
0xb8: {  	_ =	swait.ge [sflag:s17], $0x800  }
0xb9: {  	[sflag:s17] =	ssyncset.done $0x0  }
0xba: {  	s26 =	sadd.s32 $0xFFFFFB00, s20;
	[sflag:s17] =	ssyncadd.s32 $0xFFFFF800  }
0xbb: {  	[hbm4b:s26+s2] =	stream.linear.scatter [tilespmem:s11], [sflag:$0x2], $0x800, $0x38;
	[tilespmem:$0x7400] =	vst v63  }
0xbc: {  	_ =	swait.ge [sflag:s17], $0x800  }
0xbd: {  	[sflag:s17] =	ssyncset.done $0x0  }
0xbe: {  	s28 =	sadd.s32 $0xFFFFFC00, s20;
	[sflag:s17] =	ssyncadd.s32 $0xFFFFF800  }
0xbf: {  	[hbm4b:s28+s2] =	stream.linear.scatter [tilespmem:s12], [sflag:$0x2], $0x800, $0x38;
	[tilespmem:$0x7400] =	vst v63  }
0xc0: {  	_ =	swait.ge [sflag:s17], $0x800  }
0xc1: {  	[sflag:s17] =	ssyncset.done $0x0  }
0xc2: {  	s29 =	sadd.s32 $0xFFFFFD00, s20;
	[sflag:s17] =	ssyncadd.s32 $0xFFFFF800  }
0xc3: {  	[hbm4b:s29+s2] =	stream.linear.scatter [tilespmem:s13], [sflag:$0x2], $0x800, $0x38;
	[tilespmem:$0x7400] =	vst v63  }
0xc4: {  	_ =	swait.ge [sflag:s17], $0x800  }
0xc5: {  	[sflag:s17] =	ssyncset.done $0x0  }
0xc6: {  	s30 =	sadd.s32 $0xFFFFFE00, s20;
	[sflag:s17] =	ssyncadd.s32 $0xFFFFF800  }
0xc7: {  	[hbm4b:s30+s2] =	stream.linear.scatter [tilespmem:s14], [sflag:$0x2], $0x800, $0x38;
	[tilespmem:$0x7400] =	vst v63  }
0xc8: {  	_ =	swait.ge [sflag:s17], $0x800  }
0xc9: {  	[sflag:s17] =	ssyncset.done $0x0  }
0xca: {  	s31 =	sadd.s32 $0xFFFFFF00, s20;
	[sflag:s17] =	ssyncadd.s32 $0xFFFFF800  }
0xcb: {  	[hbm4b:s31+s2] =	stream.linear.scatter [tilespmem:s15], [sflag:$0x2], $0x800, $0x38;
	[tilespmem:$0x7400] =	vst v63  }
0xcc: {  	_ =	swait.ge [sflag:s17], $0x800  }
0xcd: {  	[sflag:s17] =	ssyncset.done $0x0  }
0xce: {  	[sflag:s17] =	ssyncadd.s32 $0xFFFFF800  }
0xcf: {  	[hbm4b:s20+s2] =	stream.linear.scatter [tilespmem:s16], [sflag:$0x2], $0x800, $0x38;
	[tilespmem:$0x7400] =	vst v63  }
0xd0: {  	_ =	swait.ge [sflag:s18], $0x800  }
0xd1: {  	[sflag:s18] =	ssyncset.done $0x0  }
0xd2: {  	[sflag:s18] =	ssyncadd.s32 $0xFFFFF800  }
0xd3: {  	_ =	swait.ge [sflag:s18], $0x800  }
0xd4: {  	[sflag:s18] =	ssyncset.done $0x0  }
0xd5: {  	[sflag:s18] =	ssyncadd.s32 $0xFFFFF800  }
0xd6: {  	_ =	swait.ge [sflag:s18], $0x800  }
0xd7: {  	[sflag:s18] =	ssyncset.done $0x0  }
0xd8: {  	[sflag:s18] =	ssyncadd.s32 $0xFFFFF800  }
0xd9: {  	_ =	swait.ge [sflag:s18], $0x800  }
0xda: {  	[sflag:s18] =	ssyncset.done $0x0  }
0xdb: {  	[sflag:s18] =	ssyncadd.s32 $0xFFFFF800  }
0xdc: {  	_ =	swait.ge [sflag:s18], $0x800  }
0xdd: {  	[sflag:s18] =	ssyncset.done $0x0  }
0xde: {  	[sflag:s18] =	ssyncadd.s32 $0xFFFFF800  }
0xdf: {  	_ =	swait.ge [sflag:s18], $0x800  }
0xe0: {  	[sflag:s18] =	ssyncset.done $0x0  }
0xe1: {  	s19 =	sadd.s32 $0x1, s19;
	[sflag:s18] =	ssyncadd.s32 $0xFFFFF800  }
0xe2: {  	p0 =	sne.s32 s19, s5;
	_ =	swait.ge [sflag:s18], $0x800  }
.Ltmp1:
0xe3: {  	[sflag:s18] =	ssyncset.done $0x0;
	(pc) =	sbr.rel @p0 .LBB2_1-.Ltmp1, $4  }
0xe4: {  	[sflag:s18] =	ssyncadd.s32 $0xFFFFF800  }
0xe5: {  	_ =	swait.ge [sflag:s18], $0x800  }
0xe6: {  	[sflag:s18] =	ssyncset.done $0x0  }
0xe7: {  	[sflag:s18] =	ssyncadd.s32 $0xFFFFF800  }
0xe8: {  	_ =	sfence.sel $0x180000  }
0xe9: {  	[bflag:$0x0] =	sbarrier.arrive $0xFFFF  }
0xea: {  	p0 =	sne.s32 s0, $0x0;
	_ =	strace $0x90000047  }
0xeb: {  	s0 =	sadd.s32 @!p0 $0x100000, s1;
	[bflag:$0x2] =	sbarrier.arrive $0xFFFF  }
0xec: {  	[sflag:s0] =	ssyncadd.tile.s32 @!p0 $0x1;
	_ =	shalt  }
.Lfunc_end2:
_tile_overlayer_lowered:
.L_overlay_start_2:
0xed: {  	(tag) =	ssettag $0x2  }
0xee: {  	s0 =	rddreg [dreg:$0x0];
	s2 =	stileid.u32  }
0xef: {  	s1 =	rddreg [dreg:$0x1];
	p0 =	sne.s32 s2, $0x0  }
0xf0: {  	s3 =	rddreg [dreg:$0x2];
	[bflag:$0x3] =	sbarrier.arrive $0xFFFF;
	s2 =	simm.s32 @!p0 $0x1C03  }
0xf1: {  	[timem:s3], [sflag:s2] =	dma.local @!p0 [hbm:s0], s1  }
0xf2: {  	s0 =	simm.s32 @!p0 $0x3  }
0xf3: {  	_ =	swait.ge @!p0 [sflag:s0], s1  }
0xf4: {  	s1 =	ssub.s32 @!p0 $0x0, s1;
	[sflag:s0] =	ssyncset.done @!p0 $0x0  }
0xf5: {  	[sflag:s0] =	ssyncadd.s32 @!p0 s1  }
0xf6: {  	[bflag:$0x3] =	sbarrier.arrive $0xFFFF  }
0xf7: {  	_ =	shalt  }

</sc_bundles>
